<compile_context>
chip_gen: v7x
topology: tpu7x:2x2x1
jax: 0.10.2.dev20260603
libtpu: 0.0.44.dev20260713+nightly
codegen_flags: <defaults>
</compile_context>

<pallas_src>
import jax
import jax.numpy as jnp
from jax import lax
from jax.experimental import pallas as pl
from jax.experimental.pallas import tpu as pltpu
from jax.experimental.pallas import tpu_sc as plsc

NN = 10000
EE = 320000
DD = 128
GB = 16
NCORES = 2
NSUB = 16
NWORK = NCORES * NSUB
EPW = EE // NWORK
WIN = 128
NWIN = EPW // WIN
TAIL = EPW - NWIN * WIN
N3 = 2500
N3PAD = 2560

_mesh = plsc.VectorSubcoreMesh(core_axis_name="c", subcore_axis_name="s")

NWTOT = EE // WIN
NWTOT2 = 2560
NWPW = NWTOT2 // NWORK
NDEG = NN + 16


def _seg_sizes(total, chunk=WIN):
    out = []
    while total > 0:
        out.append(min(chunk, total))
        total -= out[-1]
    return out


def _row_split(n_pad):
    for nw in range(NSUB, 0, -1):
        if n_pad % nw == 0 and (n_pad // nw) % 8 == 0:
            return nw, n_pad // nw
    raise ValueError(n_pad)


def _deg_body(row2d_hbm, out_hbm, row_a, ones_v, acc_sh, sem):
    cid = lax.axis_index("c")
    sid = lax.axis_index("s")
    wid = sid * NCORES + cid
    w0 = wid * NWPW
    nwr, seg = _row_split(NN)
    rbase = sid * seg

    def fill(val):
        def body(j, _):
            ones_v[j, :] = jnp.full((16,), val, jnp.float32)
            return 0
        lax.fori_loop(0, WIN, body, 0)

    fill(0.0)
    zseg = NDEG // 4

    @pl.when(sid < 4)
    def _():
        off = 0
        for sz in _seg_sizes(zseg):
            pltpu.sync_copy(ones_v.at[pl.ds(0, sz)],
                            acc_sh.at[pl.ds(sid * zseg + off, sz)])
            off += sz
    fill(1.0)
    pltpu.sync_copy(row2d_hbm.at[pl.ds(w0, NWPW)], row_a)
    plsc.subcore_barrier()

    def win(w, _):
        pltpu.async_copy(ones_v, acc_sh.at[row_a.at[w]], sem, add=True)
        return 0
    lax.fori_loop(0, NWPW, win, 0)

    def drain(w, _):
        pltpu.make_async_copy(ones_v, acc_sh.at[row_a.at[w]], sem).wait()
        return 0
    lax.fori_loop(0, NWPW, drain, 0)

    plsc.subcore_barrier()

    @pl.when(sid < nwr)
    def _():
        pltpu.sync_copy(acc_sh.at[pl.ds(rbase, seg)],
                        out_hbm.at[cid, pl.ds(rbase, seg)])


_deg_call = pl.kernel(
    _deg_body,
    out_type=jax.ShapeDtypeStruct((NCORES, NN, 16), jnp.float32),
    mesh=_mesh,
    compiler_params=pltpu.CompilerParams(needs_layout_passes=False),
    scratch_types=[
        pltpu.VMEM((NWPW, WIN), jnp.int32),
        pltpu.VMEM((WIN, 16), jnp.float32),
        pltpu.VMEM_SHARED((NDEG, 16), jnp.float32),
        pltpu.SemaphoreType.DMA,
    ],
)


def _make_scatter(n_pad, shift):
    nwr, seg = _row_split(n_pad)
    nvr = DD // 16
    HW2 = WIN // 2

    def body(hp_hbm, row2d_hbm, col2d_hbm, ea2d_hbm, out_hbm,
             row_a, col_a, ea_a, idx2, b0, b1, acc_sh,
             gsem0, gsem1, ssem0, ssem1):
        cid = lax.axis_index("c")
        sid = lax.axis_index("s")
        wid = sid * NCORES + cid
        w0 = wid * NWPW
        nw = NWPW
        rbase = sid * seg
        bufs = (b0, b1)
        gsems = (gsem0, gsem1)
        ssems = (ssem0, ssem1)

        pltpu.sync_copy(row2d_hbm.at[pl.ds(w0, NWPW)], row_a)
        pltpu.sync_copy(col2d_hbm.at[pl.ds(w0, NWPW)], col_a)
        pltpu.sync_copy(ea2d_hbm.at[pl.ds(w0, NWPW)], ea_a)
        if shift:
            def shbody(w, _):
                for i in range(WIN // 16):
                    s = pl.ds(i * 16, 16)
                    row_a[w, s] = lax.shift_right_logical(row_a[w, s], shift)
                    col_a[w, s] = lax.shift_right_logical(col_a[w, s], shift)
                return 0
            lax.fori_loop(0, nw, shbody, 0)

        def zero(j, _):
            for v in range(nvr):
                b0[j, pl.ds(v * 16, 16)] = jnp.zeros((16,), jnp.float32)
            return 0
        lax.fori_loop(0, HW2, zero, 0)

        @pl.when(sid < nwr)
        def _():
            off = 0
            for sz in _seg_sizes(seg, chunk=HW2):
                pltpu.sync_copy(b0.at[pl.ds(0, sz)],
                                acc_sh.at[pl.ds(rbase + off, sz)])
                off += sz
        plsc.subcore_barrier()

        def scale(buf, w, h):
            iw = jnp.full((16,), w, jnp.int32)

            def sb(j, _):
                j0 = 2 * j
                spl0 = plsc.load_gather(
                    ea_a, [iw, jnp.full((16,), h * HW2 + j0, jnp.int32)])
                spl1 = plsc.load_gather(
                    ea_a, [iw, jnp.full((16,), h * HW2 + j0 + 1, jnp.int32)])
                for v in range(nvr):
                    s = pl.ds(v * 16, 16)
                    buf[j0, s] = buf[j0, s] * spl0
                for v in range(nvr):
                    s = pl.ds(v * 16, 16)
                    buf[j0 + 1, s] = buf[j0 + 1, s] * spl1
                return 0
            lax.fori_loop(0, HW2 // 2, sb, 0)

        def sfire(w, h, b):
            for i in range(HW2 // 16):
                s = pl.ds(i * 16, 16)
                idx2[b, s] = col_a[w, pl.ds(h * HW2 + i * 16, 16)]
            pltpu.async_copy(bufs[b], acc_sh.at[idx2.at[b]],
                             ssems[b], add=True)

        def swait(b):
            pltpu.make_async_copy(bufs[b], acc_sh.at[idx2.at[b]],
                                  ssems[b]).wait()

        def gstart(w, h, b):
            pltpu.async_copy(hp_hbm.at[row_a.at[w, pl.ds(h * HW2, HW2)]],
                             bufs[b], gsems[b])

        def gwait(w, h, b):
            pltpu.make_async_copy(hp_hbm.at[row_a.at[w, pl.ds(h * HW2, HW2)]],
                                  bufs[b], gsems[b]).wait()

        gstart(0, 0, 0)
        gstart(0, 1, 1)

        def pipe(i, _):
            gwait(i, 0, 0)
            scale(b0, i, 0)
            sfire(i, 0, 0)
            gwait(i, 1, 1)
            scale(b1, i, 1)
            sfire(i, 1, 1)
            swait(0)

            @pl.when(i + 1 < nw)
            def _():
                gstart(i + 1, 0, 0)
            swait(1)

            @pl.when(i + 1 < nw)
            def _():
                gstart(i + 1, 1, 1)
            return 0
        lax.fori_loop(0, nw, pipe, 0)

        plsc.subcore_barrier()

        @pl.when(sid < nwr)
        def _():
            pltpu.sync_copy(acc_sh.at[pl.ds(rbase, seg)],
                            out_hbm.at[cid, pl.ds(rbase, seg)])

    return pl.kernel(
        body,
        out_type=jax.ShapeDtypeStruct((NCORES, n_pad, DD), jnp.float32),
        mesh=_mesh,
        compiler_params=pltpu.CompilerParams(needs_layout_passes=False),
        scratch_types=[
            pltpu.VMEM((NWPW, WIN), jnp.int32),
            pltpu.VMEM((NWPW, WIN), jnp.int32),
            pltpu.VMEM((NWPW, WIN), jnp.float32),
            pltpu.VMEM((2, HW2), jnp.int32),
            pltpu.VMEM((HW2, DD), jnp.float32),
            pltpu.VMEM((HW2, DD), jnp.float32),
            pltpu.VMEM_SHARED((n_pad, DD), jnp.float32),
        ] + [pltpu.SemaphoreType.DMA] * 4,
    )


_scat1_call = _make_scatter(NN, 0)
_scat3_call = _make_scatter(N3PAD, 2)


def _lrelu(t):
    return jnp.where(t >= 0, t, 0.01 * t)


def _bn(t, g, b):
    mu = jnp.mean(t, axis=0, keepdims=True)
    var = jnp.mean((t - mu) * (t - mu), axis=0, keepdims=True)
    return (t - mu) * lax.rsqrt(var + 1e-5) * g + b


def _dot(a, b):
    return lax.dot_general(a, b, (((1,), (1,)), ((), ())),
                           preferred_element_type=jnp.float32)


def _dis_from(hist2):
    deg = hist2[:, 0:1] + hist2[:, 1:2] + 1.0
    return lax.rsqrt(deg)


def _k1_body(x_ref, hist_ref, w1_ref, b1_ref, g1_ref, be1_ref, w2_ref, b2_ref,
             hp_ref):
    dis = _dis_from(hist_ref[...])
    t = _dot(x_ref[...], w1_ref[...]) + b1_ref[...]
    t = _lrelu(_bn(t, g1_ref[...], be1_ref[...]))
    h = _dot(t, w2_ref[...]) + b2_ref[...]
    hp_ref[...] = h * dis


def _k2a_body(sa_ref, sb_ref, hp_ref, x_ref, hist_ref, h2_ref):
    dis = _dis_from(hist_ref[...])
    m = dis * (sa_ref[...] + sb_ref[...] + hp_ref[...])
    h2_ref[...] = _lrelu(m + x_ref[...])


def _k2b_body(a0_ref, a1_ref, x0_ref, x1_ref, out_ref):
    hx = jnp.maximum(a0_ref[...], a1_ref[...])
    ox = jnp.maximum(x0_ref[...], x1_ref[...])
    out_ref[...] = _lrelu(hx + ox)


def _k2c_body(b0_ref, b1_ref, w1_ref, b1b_ref, g1_ref, be1_ref, w2_ref,
              b2_ref, d3_ref, hp3_ref):
    hx3 = jnp.maximum(b0_ref[...], b1_ref[...])
    t = _dot(hx3, w1_ref[...]) + b1b_ref[...]
    t = _lrelu(_bn(t, g1_ref[...], be1_ref[...]))
    h3 = _dot(t, w2_ref[...]) + b2_ref[...]
    deg3 = jnp.sum(d3_ref[...], axis=1, keepdims=True) + 1.0
    hp3_ref[...] = h3 * lax.rsqrt(deg3)


def _k3_body(sa_ref, sb_ref, hp3_ref, d3_ref, b3v_ref, energy_ref,
             we_ref, bse_ref, ge_ref, bee_ref, wl1_ref, bl1_ref, gl_ref,
             bel_ref, wl2_ref, bl2_ref, out_ref):
    deg3 = jnp.sum(d3_ref[...], axis=1, keepdims=True) + 1.0
    dis3 = lax.rsqrt(deg3)
    xo = _lrelu(dis3 * (sa_ref[...] + sb_ref[...] + hp3_ref[...]))
    b3v = b3v_ref[...]
    rows = []
    for b in range(GB):
        m = jnp.where(b3v == b, xo, -jnp.inf)
        rows.append(jnp.max(m, axis=0, keepdims=True))
    xg = jnp.concatenate(rows, axis=0)
    e = _dot(energy_ref[...], we_ref[...]) + bse_ref[...]
    e = _lrelu(_bn(e, ge_ref[...], bee_ref[...]))
    wl1 = wl1_ref[...]
    z = _dot(xg, wl1[:, :DD]) + _dot(e, wl1[:, DD:]) + bl1_ref[...]
    z = _lrelu(_bn(z, gl_ref[...], bel_ref[...]))
    out_ref[...] = _dot(wl2_ref[...], z) + bl2_ref[...]


def _tc(body, out_shape, *args):
    return pl.pallas_call(
        body, out_shape=jax.ShapeDtypeStruct(out_shape, jnp.float32))(*args)


def kernel(x, edge_index, edge_attr, energy, batch, params):
    p = params
    row = edge_index[0].astype(jnp.int32)
    col = edge_index[1].astype(jnp.int32)
    ea = edge_attr.astype(jnp.float32)
    r2 = lambda v: v.reshape(1, -1)

    npadw = NWTOT2 - NWTOT
    spread = (jnp.arange(npadw * WIN, dtype=jnp.int32) % NN).reshape(npadw, WIN)
    row2 = jnp.concatenate([row.reshape(NWTOT, WIN), spread])
    col2 = jnp.concatenate([col.reshape(NWTOT, WIN), spread])
    ea2 = jnp.pad(ea.reshape(NWTOT, WIN), ((0, npadw), (0, 0)))
    rowd2 = jnp.concatenate([row.reshape(NWTOT, WIN), NN + spread % 16])

    deg_parts = _deg_call(rowd2)
    hist2 = jnp.stack([deg_parts[0, :, 0], deg_parts[1, :, 0]], axis=1)
    d3grp = jnp.concatenate(
        [deg_parts[0, :, 0].reshape(N3, 4), deg_parts[1, :, 0].reshape(N3, 4)],
        axis=1)

    hp = _tc(_k1_body, (NN, DD), x, hist2,
             p['W01'], r2(p['b01']), r2(p['g01']), r2(p['be01']),
             p['W02'], r2(p['b02']))

    sc1 = _scat1_call(hp, row2, col2, ea2)
    sA = sc1[0]
    sB = sc1[1]
    h2 = _tc(_k2a_body, (NN, DD), sA, sB, hp, x, hist2)
    hxo = _tc(_k2b_body, (NN // 2, DD),
              h2[0::2], h2[1::2], x[0::2], x[1::2])
    hp3 = _tc(_k2c_body, (N3, DD), hxo[0::2], hxo[1::2],
              p['W21'], r2(p['b21']), r2(p['g21']), r2(p['be21']),
              p['W22'], r2(p['b22']), d3grp)

    sc3 = _scat3_call(hp3, row2, col2, ea2)
    s3A = sc3[0, :N3]
    s3B = sc3[1, :N3]

    b3v = batch[3::4].astype(jnp.int32).reshape(N3, 1)
    out = _tc(_k3_body, (1, GB),
              s3A, s3B, hp3, d3grp, b3v, energy,
              p['We'], r2(p['bE']), r2(p['ge']), r2(p['bee']),
              p['Wl1'], r2(p['bl1']), r2(p['gl']), r2(p['bel']),
              p['Wl2'], jnp.broadcast_to(p['bl2'].reshape(1, 1), (1, GB)))
    return out.T

# --- scband reference (transcript-rebuilt; emitter-appended) ---
"""Pipeline reference for scband-net-66597762891900 (READ-ONLY COPY).

The authoritative reference and input builder live on the scoring server;
editing this copy changes nothing except your own understanding.
"""

import jax, jax.numpy as jnp
import numpy as np

N = 10000
E = 320000
D = 128
B = 16


def _init_params(key):
    ks = jax.random.split(key, 9)
    def lin(k, o, i):
        return jax.random.normal(k, (o, i), jnp.float32) * (2.0 / i) ** 0.5
    p = {}
    p['W01'] = lin(ks[0], 128, 128); p['b01'] = jnp.full((128,), 0.01, jnp.float32)
    p['g01'] = jnp.ones((128,), jnp.float32); p['be01'] = jnp.zeros((128,), jnp.float32)
    p['W02'] = lin(ks[1], 128, 128); p['b02'] = jnp.full((128,), 0.01, jnp.float32)
    p['W11'] = lin(ks[2], 128, 128); p['b11'] = jnp.full((128,), 0.01, jnp.float32)
    p['g11'] = jnp.ones((128,), jnp.float32); p['be11'] = jnp.zeros((128,), jnp.float32)
    p['W12'] = lin(ks[3], 128, 128); p['b12'] = jnp.full((128,), 0.01, jnp.float32)
    p['W21'] = lin(ks[4], 256, 128); p['b21'] = jnp.full((256,), 0.01, jnp.float32)
    p['g21'] = jnp.ones((256,), jnp.float32); p['be21'] = jnp.zeros((256,), jnp.float32)
    p['W22'] = lin(ks[5], 128, 256); p['b22'] = jnp.full((128,), 0.01, jnp.float32)
    p['We'] = lin(ks[6], 8, 21); p['bE'] = jnp.full((8,), 0.01, jnp.float32)
    p['ge'] = jnp.ones((8,), jnp.float32); p['bee'] = jnp.zeros((8,), jnp.float32)
    p['Wl1'] = lin(ks[7], 128, 136); p['bl1'] = jnp.full((128,), 0.01, jnp.float32)
    p['gl'] = jnp.ones((128,), jnp.float32); p['bel'] = jnp.zeros((128,), jnp.float32)
    p['Wl2'] = lin(ks[8], 1, 128); p['bl2'] = jnp.full((1,), 0.01, jnp.float32)
    return p


def setup_inputs(seed: int = 0):
    key = jax.random.key(seed)
    k1, k2, k3, k4, k5 = jax.random.split(key, 5)
    x = jax.random.normal(k1, (N, D), jnp.float32)
    edge_index = jax.random.randint(k2, (2, E), 0, N)
    edge_attr = jax.random.uniform(k3, (E,), jnp.float32)
    energy = jax.random.normal(k4, (B, 21), jnp.float32)
    batch = jnp.sort(jax.random.randint(k5, (N,), 0, B))
    params = _init_params(jax.random.fold_in(key, 7))
    return {'x': x, 'edge_index': edge_index, 'edge_attr': edge_attr,
            'energy': energy, 'batch': batch, 'params': params}


def _bn(x, g, b, eps=1e-5):
    mu = jnp.mean(x, axis=0)
    var = jnp.var(x, axis=0)
    return (x - mu) * jax.lax.rsqrt(var + eps) * g + b


def _lrelu(x):
    return jax.nn.leaky_relu(x, 0.01)


def _mpnn(x, edge_index, edge_attr, W1, b1, g1, be1, W2, b2):
    n = x.shape[0]
    loop = jnp.arange(n)
    row = jnp.concatenate([edge_index[0], loop])
    col = jnp.concatenate([edge_index[1], loop])
    ea = jnp.concatenate([edge_attr, jnp.ones((n,), x.dtype)])
    h = x @ W1.T + b1
    h = _bn(h, g1, be1)
    h = _lrelu(h)  # dropout is identity at inference
    h = h @ W2.T + b2
    deg = jax.ops.segment_sum(jnp.ones((row.shape[0],), x.dtype), row, num_segments=n)
    dis = deg ** -0.5
    norm = dis[row] * dis[col]
    msg = (norm * ea)[:, None] * h[row]
    return jax.ops.segment_sum(msg, col, num_segments=n)


def _forward(x, edge_attr, energy, p, edge_index, batch):
    n = x.shape[0]
    origin = x
    h = _mpnn(x, edge_index, edge_attr, p['W01'], p['b01'], p['g01'], p['be01'], p['W02'], p['b02'])
    h = h + origin
    cluster = jnp.arange(n) // 2  # deterministic stand-in for graclus matching
    h = _lrelu(h)
    n2 = n // 2
    hx = jax.ops.segment_max(h, cluster, num_segments=n2)
    ox = jax.ops.segment_max(origin, cluster, num_segments=n2)
    ei2 = cluster[edge_index]
    b2v = jax.ops.segment_max(batch, cluster, num_segments=n2)
    _unused = _mpnn(hx, ei2, edge_attr, p['W11'], p['b11'], p['g11'], p['be11'], p['W12'], p['b12'])  # result discarded, as in original code
    hx = hx + ox
    cluster2 = jnp.arange(n2) // 2
    hx = _lrelu(hx)
    n3 = n2 // 2
    hx3 = jax.ops.segment_max(hx, cluster2, num_segments=n3)
    ei3 = cluster2[ei2]
    b3v = jax.ops.segment_max(b2v, cluster2, num_segments=n3)
    xo = _mpnn(hx3, ei3, edge_attr, p['W21'], p['b21'], p['g21'], p['be21'], p['W22'], p['b22'])
    xo = _lrelu(xo)
    xg = jax.ops.segment_max(xo, b3v, num_segments=B)
    e = energy.reshape(B, 21)
    e = _lrelu(_bn(e @ p['We'].T + p['bE'], p['ge'], p['bee']))
    z = jnp.concatenate([xg, e], axis=1)
    z = z @ p['Wl1'].T + p['bl1']
    z = _bn(z, p['gl'], p['bel'])
    z = _lrelu(z)
    z = z @ p['Wl2'].T + p['bl2']
    return z


def reference(x, edge_index, edge_attr, energy, batch, params):
    return _forward(x, edge_attr, energy, params, edge_index, batch)

if __name__ == "__main__":
    import jax
    _d = setup_inputs()
    print(jax.jit(kernel)(*tuple(_d.values())))

</pallas_src>

<mosaic_0001>
#map = affine_map<(d0, d1) -> (0, 0)>
#map1 = affine_map<(d0, d1) -> (0, 0, 0)>
module attributes {stable_mosaic.version = 14 : i64} {
  func.func @body(%arg0: i32, %arg1: i32, %arg2: memref<10000x128xf32, #tpu.memory_space<hbm>>, %arg3: memref<2560x128xi32, #tpu.memory_space<hbm>>, %arg4: memref<2560x128xi32, #tpu.memory_space<hbm>>, %arg5: memref<2560x128xf32, #tpu.memory_space<hbm>>, %arg6: memref<2x10000x128xf32, #tpu.memory_space<hbm>>, %arg7: memref<80x128xi32, #tpu.memory_space<vmem>>, %arg8: memref<80x128xi32, #tpu.memory_space<vmem>>, %arg9: memref<80x128xf32, #tpu.memory_space<vmem>>, %arg10: memref<2x64xi32, #tpu.memory_space<vmem>>, %arg11: memref<64x128xf32, #tpu.memory_space<vmem>>, %arg12: memref<64x128xf32, #tpu.memory_space<vmem>>, %arg13: memref<10000x128xf32, #tpu.memory_space<vmem_shared>>, %arg14: memref<!tpu.dma_semaphore, #tpu.memory_space<semaphore_mem>>, %arg15: memref<!tpu.dma_semaphore, #tpu.memory_space<semaphore_mem>>, %arg16: memref<!tpu.dma_semaphore, #tpu.memory_space<semaphore_mem>>, %arg17: memref<!tpu.dma_semaphore, #tpu.memory_space<semaphore_mem>>) attributes {dimension_semantics = [#tpu.dimension_semantics<core_parallel>, #tpu.dimension_semantics<subcore_parallel>], iteration_bounds = array<i64: 2, 16>, scalar_prefetch = 0 : i64, scratch_operands = 11 : i64, tpu.core_type = #tpu.core_type<sc_vector_subcore>, window_params = [{transform_indices = #map}, {transform_indices = #map}, {transform_indices = #map}, {transform_indices = #map}, {transform_indices = #map1}]} {
    %mul3A = arith.constant 2 : i32
    %mul3A_0 = arith.muli %arg1, %mul3A : i32
    %add3A = arith.addi %mul3A_0, %arg0 : i32
    %mul3A_1 = arith.constant 80 : i32
    %mul3A_2 = arith.muli %add3A, %mul3A_1 : i32
    %mul3A_3 = arith.constant 1000 : i32
    %mul3A_4 = arith.muli %arg1, %mul3A_3 : i32
    "tpu.region"() ({
      %run_scoped3A = tpu.sem_alloc : memref<!tpu.dma_semaphore, #tpu.memory_space<semaphore_mem>>
      %dma_start3A_39 = arith.constant 0 : i32
      %dma_start3A_40 = tpu.memref_slice %arg3[%mul3A_2, %dma_start3A_39] : memref<2560x128xi32, #tpu.memory_space<hbm>> -> memref<80x128xi32, #tpu.memory_space<hbm>>
      %dma_start3A_41 = arith.constant 0 : i32
      %dma_start3A_42 = tpu.memref_slice %arg3[%mul3A_2, %dma_start3A_41] : memref<2560x128xi32, #tpu.memory_space<hbm>> -> memref<80x128xi32, #tpu.memory_space<hbm>>
      tpu.enqueue_dma source(%dma_start3A_42 : memref<80x128xi32, #tpu.memory_space<hbm>>) target(%arg7 : memref<80x128xi32, #tpu.memory_space<vmem>>) target_semaphore(%run_scoped3A : memref<!tpu.dma_semaphore, #tpu.memory_space<semaphore_mem>>)
      %dma_wait3A = arith.constant 0 : i32
      %dma_wait3A_43 = tpu.memref_slice %arg3[%mul3A_2, %dma_wait3A] : memref<2560x128xi32, #tpu.memory_space<hbm>> -> memref<80x128xi32, #tpu.memory_space<hbm>>
      %dma_wait3A_44 = arith.constant 0 : i32
      %dma_wait3A_45 = tpu.memref_slice %arg3[%mul3A_2, %dma_wait3A_44] : memref<2560x128xi32, #tpu.memory_space<hbm>> -> memref<80x128xi32, #tpu.memory_space<hbm>>
      tpu.wait_dma2 semaphore(%run_scoped3A : memref<!tpu.dma_semaphore, #tpu.memory_space<semaphore_mem>>) src(%dma_wait3A_45 : memref<80x128xi32, #tpu.memory_space<hbm>>) dst(%arg7 : memref<80x128xi32, #tpu.memory_space<vmem>>)
      tpu.yield
    }) : () -> ()
    "tpu.region"() ({
      %run_scoped3A = tpu.sem_alloc : memref<!tpu.dma_semaphore, #tpu.memory_space<semaphore_mem>>
      %dma_start3A_39 = arith.constant 0 : i32
      %dma_start3A_40 = tpu.memref_slice %arg4[%mul3A_2, %dma_start3A_39] : memref<2560x128xi32, #tpu.memory_space<hbm>> -> memref<80x128xi32, #tpu.memory_space<hbm>>
      %dma_start3A_41 = arith.constant 0 : i32
      %dma_start3A_42 = tpu.memref_slice %arg4[%mul3A_2, %dma_start3A_41] : memref<2560x128xi32, #tpu.memory_space<hbm>> -> memref<80x128xi32, #tpu.memory_space<hbm>>
      tpu.enqueue_dma source(%dma_start3A_42 : memref<80x128xi32, #tpu.memory_space<hbm>>) target(%arg8 : memref<80x128xi32, #tpu.memory_space<vmem>>) target_semaphore(%run_scoped3A : memref<!tpu.dma_semaphore, #tpu.memory_space<semaphore_mem>>)
      %dma_wait3A = arith.constant 0 : i32
      %dma_wait3A_43 = tpu.memref_slice %arg4[%mul3A_2, %dma_wait3A] : memref<2560x128xi32, #tpu.memory_space<hbm>> -> memref<80x128xi32, #tpu.memory_space<hbm>>
      %dma_wait3A_44 = arith.constant 0 : i32
      %dma_wait3A_45 = tpu.memref_slice %arg4[%mul3A_2, %dma_wait3A_44] : memref<2560x128xi32, #tpu.memory_space<hbm>> -> memref<80x128xi32, #tpu.memory_space<hbm>>
      tpu.wait_dma2 semaphore(%run_scoped3A : memref<!tpu.dma_semaphore, #tpu.memory_space<semaphore_mem>>) src(%dma_wait3A_45 : memref<80x128xi32, #tpu.memory_space<hbm>>) dst(%arg8 : memref<80x128xi32, #tpu.memory_space<vmem>>)
      tpu.yield
    }) : () -> ()
    "tpu.region"() ({
      %run_scoped3A = tpu.sem_alloc : memref<!tpu.dma_semaphore, #tpu.memory_space<semaphore_mem>>
      %dma_start3A_39 = arith.constant 0 : i32
      %dma_start3A_40 = tpu.memref_slice %arg5[%mul3A_2, %dma_start3A_39] : memref<2560x128xf32, #tpu.memory_space<hbm>> -> memref<80x128xf32, #tpu.memory_space<hbm>>
      %dma_start3A_41 = arith.constant 0 : i32
      %dma_start3A_42 = tpu.memref_slice %arg5[%mul3A_2, %dma_start3A_41] : memref<2560x128xf32, #tpu.memory_space<hbm>> -> memref<80x128xf32, #tpu.memory_space<hbm>>
      tpu.enqueue_dma source(%dma_start3A_42 : memref<80x128xf32, #tpu.memory_space<hbm>>) target(%arg9 : memref<80x128xf32, #tpu.memory_space<vmem>>) target_semaphore(%run_scoped3A : memref<!tpu.dma_semaphore, #tpu.memory_space<semaphore_mem>>)
      %dma_wait3A = arith.constant 0 : i32
      %dma_wait3A_43 = tpu.memref_slice %arg5[%mul3A_2, %dma_wait3A] : memref<2560x128xf32, #tpu.memory_space<hbm>> -> memref<80x128xf32, #tpu.memory_space<hbm>>
      %dma_wait3A_44 = arith.constant 0 : i32
      %dma_wait3A_45 = tpu.memref_slice %arg5[%mul3A_2, %dma_wait3A_44] : memref<2560x128xf32, #tpu.memory_space<hbm>> -> memref<80x128xf32, #tpu.memory_space<hbm>>
      tpu.wait_dma2 semaphore(%run_scoped3A : memref<!tpu.dma_semaphore, #tpu.memory_space<semaphore_mem>>) src(%dma_wait3A_45 : memref<80x128xf32, #tpu.memory_space<hbm>>) dst(%arg9 : memref<80x128xf32, #tpu.memory_space<vmem>>)
      tpu.yield
    }) : () -> ()
    %scan3A = arith.constant 0 : i32
    %scan3A_5 = arith.constant 0 : i32
    %scan3A_6 = arith.constant 64 : i32
    %scan3A_7 = arith.addi %scan3A_5, %scan3A_6 : i32
    %scan3A_8 = arith.constant 1 : i32
    %scan3A_9 = scf.for %scan3A_39 = %scan3A_5 to %scan3A_7 step %scan3A_8 iter_args(%scan3A_40 = %scan3A) -> (i32)  : i32 {
      %broadcast_in_dim3A = arith.constant 0.000000e+00 : f32
      %broadcast_in_dim3A_41 = vector.broadcast %broadcast_in_dim3A : f32 to vector<16xf32>
      %swap3A = arith.index_cast %scan3A_39 : i32 to index
      %swap3A_42 = arith.constant 0 : index
      %swap3A_43 = tpu.vector_load %arg11[%swap3A, %swap3A_42] {strides = array<i32>} : memref<64x128xf32, #tpu.memory_space<vmem>>, vector<16xf32>,
      tpu.vector_store %arg11[%swap3A, %swap3A_42], %broadcast_in_dim3A_41 {strides = array<i32>} : memref<64x128xf32, #tpu.memory_space<vmem>>, vector<16xf32>,
      %broadcast_in_dim3A_44 = arith.constant 0.000000e+00 : f32
      %broadcast_in_dim3A_45 = vector.broadcast %broadcast_in_dim3A_44 : f32 to vector<16xf32>
      %swap3A_46 = arith.index_cast %scan3A_39 : i32 to index
      %swap3A_47 = arith.constant 16 : index
      %swap3A_48 = tpu.vector_load %arg11[%swap3A_46, %swap3A_47] {strides = array<i32>} : memref<64x128xf32, #tpu.memory_space<vmem>>, vector<16xf32>,
      tpu.vector_store %arg11[%swap3A_46, %swap3A_47], %broadcast_in_dim3A_45 {strides = array<i32>} : memref<64x128xf32, #tpu.memory_space<vmem>>, vector<16xf32>,
      %broadcast_in_dim3A_49 = arith.constant 0.000000e+00 : f32
      %broadcast_in_dim3A_50 = vector.broadcast %broadcast_in_dim3A_49 : f32 to vector<16xf32>
      %swap3A_51 = arith.index_cast %scan3A_39 : i32 to index
      %swap3A_52 = arith.constant 32 : index
      %swap3A_53 = tpu.vector_load %arg11[%swap3A_51, %swap3A_52] {strides = array<i32>} : memref<64x128xf32, #tpu.memory_space<vmem>>, vector<16xf32>,
      tpu.vector_store %arg11[%swap3A_51, %swap3A_52], %broadcast_in_dim3A_50 {strides = array<i32>} : memref<64x128xf32, #tpu.memory_space<vmem>>, vector<16xf32>,
      %broadcast_in_dim3A_54 = arith.constant 0.000000e+00 : f32
      %broadcast_in_dim3A_55 = vector.broadcast %broadcast_in_dim3A_54 : f32 to vector<16xf32>
      %swap3A_56 = arith.index_cast %scan3A_39 : i32 to index
      %swap3A_57 = arith.constant 48 : index
      %swap3A_58 = tpu.vector_load %arg11[%swap3A_56, %swap3A_57] {strides = array<i32>} : memref<64x128xf32, #tpu.memory_space<vmem>>, vector<16xf32>,
      tpu.vector_store %arg11[%swap3A_56, %swap3A_57], %broadcast_in_dim3A_55 {strides = array<i32>} : memref<64x128xf32, #tpu.memory_space<vmem>>, vector<16xf32>,
      %broadcast_in_dim3A_59 = arith.constant 0.000000e+00 : f32
      %broadcast_in_dim3A_60 = vector.broadcast %broadcast_in_dim3A_59 : f32 to vector<16xf32>
      %swap3A_61 = arith.index_cast %scan3A_39 : i32 to index
      %swap3A_62 = arith.constant 64 : index
      %swap3A_63 = tpu.vector_load %arg11[%swap3A_61, %swap3A_62] {strides = array<i32>} : memref<64x128xf32, #tpu.memory_space<vmem>>, vector<16xf32>,
      tpu.vector_store %arg11[%swap3A_61, %swap3A_62], %broadcast_in_dim3A_60 {strides = array<i32>} : memref<64x128xf32, #tpu.memory_space<vmem>>, vector<16xf32>,
      %broadcast_in_dim3A_64 = arith.constant 0.000000e+00 : f32
      %broadcast_in_dim3A_65 = vector.broadcast %broadcast_in_dim3A_64 : f32 to vector<16xf32>
      %swap3A_66 = arith.index_cast %scan3A_39 : i32 to index
      %swap3A_67 = arith.constant 80 : index
      %swap3A_68 = tpu.vector_load %arg11[%swap3A_66, %swap3A_67] {strides = array<i32>} : memref<64x128xf32, #tpu.memory_space<vmem>>, vector<16xf32>,
      tpu.vector_store %arg11[%swap3A_66, %swap3A_67], %broadcast_in_dim3A_65 {strides = array<i32>} : memref<64x128xf32, #tpu.memory_space<vmem>>, vector<16xf32>,
      %broadcast_in_dim3A_69 = arith.constant 0.000000e+00 : f32
      %broadcast_in_dim3A_70 = vector.broadcast %broadcast_in_dim3A_69 : f32 to vector<16xf32>
      %swap3A_71 = arith.index_cast %scan3A_39 : i32 to index
      %swap3A_72 = arith.constant 96 : index
      %swap3A_73 = tpu.vector_load %arg11[%swap3A_71, %swap3A_72] {strides = array<i32>} : memref<64x128xf32, #tpu.memory_space<vmem>>, vector<16xf32>,
      tpu.vector_store %arg11[%swap3A_71, %swap3A_72], %broadcast_in_dim3A_70 {strides = array<i32>} : memref<64x128xf32, #tpu.memory_space<vmem>>, vector<16xf32>,
      %broadcast_in_dim3A_74 = arith.constant 0.000000e+00 : f32
      %broadcast_in_dim3A_75 = vector.broadcast %broadcast_in_dim3A_74 : f32 to vector<16xf32>
      %swap3A_76 = arith.index_cast %scan3A_39 : i32 to index
      %swap3A_77 = arith.constant 112 : index
      %swap3A_78 = tpu.vector_load %arg11[%swap3A_76, %swap3A_77] {strides = array<i32>} : memref<64x128xf32, #tpu.memory_space<vmem>>, vector<16xf32>,
      tpu.vector_store %arg11[%swap3A_76, %swap3A_77], %broadcast_in_dim3A_75 {strides = array<i32>} : memref<64x128xf32, #tpu.memory_space<vmem>>, vector<16xf32>,
      %scan3A_79 = arith.constant 0 : i32
      scf.yield %scan3A_79 : i32
    }
    %scan3A_10 = arith.constant 64 : i32
    %lt3A = arith.constant 10 : i32
    %lt3A_11 = arith.cmpi slt, %arg1, %lt3A : i32
    %convert_element_type3A = arith.extui %lt3A_11 : i1 to i32
    %cond3A = arith.constant 0 : i32
    %cond3A_12 = arith.cmpi ne, %convert_element_type3A, %cond3A : i32
    scf.if %cond3A_12 {
      %add3A_39 = arith.constant 0 : i32
      %add3A_40 = arith.addi %mul3A_4, %add3A_39 : i32
      "tpu.region"() ({
        %run_scoped3A = tpu.sem_alloc : memref<!tpu.dma_semaphore, #tpu.memory_space<semaphore_mem>>
        %dma_start3A_71 = arith.constant 0 : i32
        %dma_start3A_72 = arith.constant 0 : i32
        %dma_start3A_73 = tpu.memref_slice %arg11[%dma_start3A_71, %dma_start3A_72] : memref<64x128xf32, #tpu.memory_space<vmem>> -> memref<64x128xf32, #tpu.memory_space<vmem>>
        %dma_start3A_74 = arith.constant 0 : i32
        %dma_start3A_75 = tpu.memref_slice %arg13[%add3A_40, %dma_start3A_74] : memref<10000x128xf32, #tpu.memory_space<vmem_shared>> -> memref<64x128xf32, #tpu.memory_space<vmem_shared>>
        %dma_start3A_76 = arith.constant 0 : i32
        %dma_start3A_77 = tpu.memref_slice %arg13[%add3A_40, %dma_start3A_76] : memref<10000x128xf32, #tpu.memory_space<vmem_shared>> -> memref<64x128xf32, #tpu.memory_space<vmem_shared>>
        %dma_start3A_78 = arith.constant 0 : i32
        %dma_start3A_79 = arith.constant 0 : i32
        %dma_start3A_80 = tpu.memref_slice %arg11[%dma_start3A_78, %dma_start3A_79] : memref<64x128xf32, #tpu.memory_space<vmem>> -> memref<64x128xf32, #tpu.memory_space<vmem>>
        tpu.enqueue_dma source(%dma_start3A_80 : memref<64x128xf32, #tpu.memory_space<vmem>>) target(%dma_start3A_77 : memref<64x128xf32, #tpu.memory_space<vmem_shared>>) target_semaphore(%run_scoped3A : memref<!tpu.dma_semaphore, #tpu.memory_space<semaphore_mem>>)
        %dma_wait3A = arith.constant 0 : i32
        %dma_wait3A_81 = arith.constant 0 : i32
        %dma_wait3A_82 = tpu.memref_slice %arg11[%dma_wait3A, %dma_wait3A_81] : memref<64x128xf32, #tpu.memory_space<vmem>> -> memref<64x128xf32, #tpu.memory_space<vmem>>
        %dma_wait3A_83 = arith.constant 0 : i32
        %dma_wait3A_84 = tpu.memref_slice %arg13[%add3A_40, %dma_wait3A_83] : memref<10000x128xf32, #tpu.memory_space<vmem_shared>> -> memref<64x128xf32, #tpu.memory_space<vmem_shared>>
        %dma_wait3A_85 = arith.constant 0 : i32
        %dma_wait3A_86 = tpu.memref_slice %arg13[%add3A_40, %dma_wait3A_85] : memref<10000x128xf32, #tpu.memory_space<vmem_shared>> -> memref<64x128xf32, #tpu.memory_space<vmem_shared>>
        %dma_wait3A_87 = arith.constant 0 : i32
        %dma_wait3A_88 = arith.constant 0 : i32
        %dma_wait3A_89 = tpu.memref_slice %arg11[%dma_wait3A_87, %dma_wait3A_88] : memref<64x128xf32, #tpu.memory_space<vmem>> -> memref<64x128xf32, #tpu.memory_space<vmem>>
        tpu.wait_dma2 semaphore(%run_scoped3A : memref<!tpu.dma_semaphore, #tpu.memory_space<semaphore_mem>>) src(%dma_wait3A_89 : memref<64x128xf32, #tpu.memory_space<vmem>>) dst(%dma_wait3A_86 : memref<64x128xf32, #tpu.memory_space<vmem_shared>>)
        tpu.yield
      }) : () -> ()
      %add3A_41 = arith.constant 64 : i32
      %add3A_42 = arith.addi %mul3A_4, %add3A_41 : i32
      "tpu.region"() ({
        %run_scoped3A = tpu.sem_alloc : memref<!tpu.dma_semaphore, #tpu.memory_space<semaphore_mem>>
        %dma_start3A_71 = arith.constant 0 : i32
        %dma_start3A_72 = arith.constant 0 : i32
        %dma_start3A_73 = tpu.memref_slice %arg11[%dma_start3A_71, %dma_start3A_72] : memref<64x128xf32, #tpu.memory_space<vmem>> -> memref<64x128xf32, #tpu.memory_space<vmem>>
        %dma_start3A_74 = arith.constant 0 : i32
        %dma_start3A_75 = tpu.memref_slice %arg13[%add3A_42, %dma_start3A_74] : memref<10000x128xf32, #tpu.memory_space<vmem_shared>> -> memref<64x128xf32, #tpu.memory_space<vmem_shared>>
        %dma_start3A_76 = arith.constant 0 : i32
        %dma_start3A_77 = tpu.memref_slice %arg13[%add3A_42, %dma_start3A_76] : memref<10000x128xf32, #tpu.memory_space<vmem_shared>> -> memref<64x128xf32, #tpu.memory_space<vmem_shared>>
        %dma_start3A_78 = arith.constant 0 : i32
        %dma_start3A_79 = arith.constant 0 : i32
        %dma_start3A_80 = tpu.memref_slice %arg11[%dma_start3A_78, %dma_start3A_79] : memref<64x128xf32, #tpu.memory_space<vmem>> -> memref<64x128xf32, #tpu.memory_space<vmem>>
        tpu.enqueue_dma source(%dma_start3A_80 : memref<64x128xf32, #tpu.memory_space<vmem>>) target(%dma_start3A_77 : memref<64x128xf32, #tpu.memory_space<vmem_shared>>) target_semaphore(%run_scoped3A : memref<!tpu.dma_semaphore, #tpu.memory_space<semaphore_mem>>)
        %dma_wait3A = arith.constant 0 : i32
        %dma_wait3A_81 = arith.constant 0 : i32
        %dma_wait3A_82 = tpu.memref_slice %arg11[%dma_wait3A, %dma_wait3A_81] : memref<64x128xf32, #tpu.memory_space<vmem>> -> memref<64x128xf32, #tpu.memory_space<vmem>>
        %dma_wait3A_83 = arith.constant 0 : i32
        %dma_wait3A_84 = tpu.memref_slice %arg13[%add3A_42, %dma_wait3A_83] : memref<10000x128xf32, #tpu.memory_space<vmem_shared>> -> memref<64x128xf32, #tpu.memory_space<vmem_shared>>
        %dma_wait3A_85 = arith.constant 0 : i32
        %dma_wait3A_86 = tpu.memref_slice %arg13[%add3A_42, %dma_wait3A_85] : memref<10000x128xf32, #tpu.memory_space<vmem_shared>> -> memref<64x128xf32, #tpu.memory_space<vmem_shared>>
        %dma_wait3A_87 = arith.constant 0 : i32
        %dma_wait3A_88 = arith.constant 0 : i32
        %dma_wait3A_89 = tpu.memref_slice %arg11[%dma_wait3A_87, %dma_wait3A_88] : memref<64x128xf32, #tpu.memory_space<vmem>> -> memref<64x128xf32, #tpu.memory_space<vmem>>
        tpu.wait_dma2 semaphore(%run_scoped3A : memref<!tpu.dma_semaphore, #tpu.memory_space<semaphore_mem>>) src(%dma_wait3A_89 : memref<64x128xf32, #tpu.memory_space<vmem>>) dst(%dma_wait3A_86 : memref<64x128xf32, #tpu.memory_space<vmem_shared>>)
        tpu.yield
      }) : () -> ()
      %add3A_43 = arith.constant 128 : i32
      %add3A_44 = arith.addi %mul3A_4, %add3A_43 : i32
      "tpu.region"() ({
        %run_scoped3A = tpu.sem_alloc : memref<!tpu.dma_semaphore, #tpu.memory_space<semaphore_mem>>
        %dma_start3A_71 = arith.constant 0 : i32
        %dma_start3A_72 = arith.constant 0 : i32
        %dma_start3A_73 = tpu.memref_slice %arg11[%dma_start3A_71, %dma_start3A_72] : memref<64x128xf32, #tpu.memory_space<vmem>> -> memref<64x128xf32, #tpu.memory_space<vmem>>
        %dma_start3A_74 = arith.constant 0 : i32
        %dma_start3A_75 = tpu.memref_slice %arg13[%add3A_44, %dma_start3A_74] : memref<10000x128xf32, #tpu.memory_space<vmem_shared>> -> memref<64x128xf32, #tpu.memory_space<vmem_shared>>
        %dma_start3A_76 = arith.constant 0 : i32
        %dma_start3A_77 = tpu.memref_slice %arg13[%add3A_44, %dma_start3A_76] : memref<10000x128xf32, #tpu.memory_space<vmem_shared>> -> memref<64x128xf32, #tpu.memory_space<vmem_shared>>
        %dma_start3A_78 = arith.constant 0 : i32
        %dma_start3A_79 = arith.constant 0 : i32
        %dma_start3A_80 = tpu.memref_slice %arg11[%dma_start3A_78, %dma_start3A_79] : memref<64x128xf32, #tpu.memory_space<vmem>> -> memref<64x128xf32, #tpu.memory_space<vmem>>
        tpu.enqueue_dma source(%dma_start3A_80 : memref<64x128xf32, #tpu.memory_space<vmem>>) target(%dma_start3A_77 : memref<64x128xf32, #tpu.memory_space<vmem_shared>>) target_semaphore(%run_scoped3A : memref<!tpu.dma_semaphore, #tpu.memory_space<semaphore_mem>>)
        %dma_wait3A = arith.constant 0 : i32
        %dma_wait3A_81 = arith.constant 0 : i32
        %dma_wait3A_82 = tpu.memref_slice %arg11[%dma_wait3A, %dma_wait3A_81] : memref<64x128xf32, #tpu.memory_space<vmem>> -> memref<64x128xf32, #tpu.memory_space<vmem>>
        %dma_wait3A_83 = arith.constant 0 : i32
        %dma_wait3A_84 = tpu.memref_slice %arg13[%add3A_44, %dma_wait3A_83] : memref<10000x128xf32, #tpu.memory_space<vmem_shared>> -> memref<64x128xf32, #tpu.memory_space<vmem_shared>>
        %dma_wait3A_85 = arith.constant 0 : i32
        %dma_wait3A_86 = tpu.memref_slice %arg13[%add3A_44, %dma_wait3A_85] : memref<10000x128xf32, #tpu.memory_space<vmem_shared>> -> memref<64x128xf32, #tpu.memory_space<vmem_shared>>
        %dma_wait3A_87 = arith.constant 0 : i32
        %dma_wait3A_88 = arith.constant 0 : i32
        %dma_wait3A_89 = tpu.memref_slice %arg11[%dma_wait3A_87, %dma_wait3A_88] : memref<64x128xf32, #tpu.memory_space<vmem>> -> memref<64x128xf32, #tpu.memory_space<vmem>>
        tpu.wait_dma2 semaphore(%run_scoped3A : memref<!tpu.dma_semaphore, #tpu.memory_space<semaphore_mem>>) src(%dma_wait3A_89 : memref<64x128xf32, #tpu.memory_space<vmem>>) dst(%dma_wait3A_86 : memref<64x128xf32, #tpu.memory_space<vmem_shared>>)
        tpu.yield
      }) : () -> ()
      %add3A_45 = arith.constant 192 : i32
      %add3A_46 = arith.addi %mul3A_4, %add3A_45 : i32
      "tpu.region"() ({
        %run_scoped3A = tpu.sem_alloc : memref<!tpu.dma_semaphore, #tpu.memory_space<semaphore_mem>>
        %dma_start3A_71 = arith.constant 0 : i32
        %dma_start3A_72 = arith.constant 0 : i32
        %dma_start3A_73 = tpu.memref_slice %arg11[%dma_start3A_71, %dma_start3A_72] : memref<64x128xf32, #tpu.memory_space<vmem>> -> memref<64x128xf32, #tpu.memory_space<vmem>>
        %dma_start3A_74 = arith.constant 0 : i32
        %dma_start3A_75 = tpu.memref_slice %arg13[%add3A_46, %dma_start3A_74] : memref<10000x128xf32, #tpu.memory_space<vmem_shared>> -> memref<64x128xf32, #tpu.memory_space<vmem_shared>>
        %dma_start3A_76 = arith.constant 0 : i32
        %dma_start3A_77 = tpu.memref_slice %arg13[%add3A_46, %dma_start3A_76] : memref<10000x128xf32, #tpu.memory_space<vmem_shared>> -> memref<64x128xf32, #tpu.memory_space<vmem_shared>>
        %dma_start3A_78 = arith.constant 0 : i32
        %dma_start3A_79 = arith.constant 0 : i32
        %dma_start3A_80 = tpu.memref_slice %arg11[%dma_start3A_78, %dma_start3A_79] : memref<64x128xf32, #tpu.memory_space<vmem>> -> memref<64x128xf32, #tpu.memory_space<vmem>>
        tpu.enqueue_dma source(%dma_start3A_80 : memref<64x128xf32, #tpu.memory_space<vmem>>) target(%dma_start3A_77 : memref<64x128xf32, #tpu.memory_space<vmem_shared>>) target_semaphore(%run_scoped3A : memref<!tpu.dma_semaphore, #tpu.memory_space<semaphore_mem>>)
        %dma_wait3A = arith.constant 0 : i32
        %dma_wait3A_81 = arith.constant 0 : i32
        %dma_wait3A_82 = tpu.memref_slice %arg11[%dma_wait3A, %dma_wait3A_81] : memref<64x128xf32, #tpu.memory_space<vmem>> -> memref<64x128xf32, #tpu.memory_space<vmem>>
        %dma_wait3A_83 = arith.constant 0 : i32
        %dma_wait3A_84 = tpu.memref_slice %arg13[%add3A_46, %dma_wait3A_83] : memref<10000x128xf32, #tpu.memory_space<vmem_shared>> -> memref<64x128xf32, #tpu.memory_space<vmem_shared>>
        %dma_wait3A_85 = arith.constant 0 : i32
        %dma_wait3A_86 = tpu.memref_slice %arg13[%add3A_46, %dma_wait3A_85] : memref<10000x128xf32, #tpu.memory_space<vmem_shared>> -> memref<64x128xf32, #tpu.memory_space<vmem_shared>>
        %dma_wait3A_87 = arith.constant 0 : i32
        %dma_wait3A_88 = arith.constant 0 : i32
        %dma_wait3A_89 = tpu.memref_slice %arg11[%dma_wait3A_87, %dma_wait3A_88] : memref<64x128xf32, #tpu.memory_space<vmem>> -> memref<64x128xf32, #tpu.memory_space<vmem>>
        tpu.wait_dma2 semaphore(%run_scoped3A : memref<!tpu.dma_semaphore, #tpu.memory_space<semaphore_mem>>) src(%dma_wait3A_89 : memref<64x128xf32, #tpu.memory_space<vmem>>) dst(%dma_wait3A_86 : memref<64x128xf32, #tpu.memory_space<vmem_shared>>)
        tpu.yield
      }) : () -> ()
      %add3A_47 = arith.constant 256 : i32
      %add3A_48 = arith.addi %mul3A_4, %add3A_47 : i32
      "tpu.region"() ({
        %run_scoped3A = tpu.sem_alloc : memref<!tpu.dma_semaphore, #tpu.memory_space<semaphore_mem>>
        %dma_start3A_71 = arith.constant 0 : i32
        %dma_start3A_72 = arith.constant 0 : i32
        %dma_start3A_73 = tpu.memref_slice %arg11[%dma_start3A_71, %dma_start3A_72] : memref<64x128xf32, #tpu.memory_space<vmem>> -> memref<64x128xf32, #tpu.memory_space<vmem>>
        %dma_start3A_74 = arith.constant 0 : i32
        %dma_start3A_75 = tpu.memref_slice %arg13[%add3A_48, %dma_start3A_74] : memref<10000x128xf32, #tpu.memory_space<vmem_shared>> -> memref<64x128xf32, #tpu.memory_space<vmem_shared>>
        %dma_start3A_76 = arith.constant 0 : i32
        %dma_start3A_77 = tpu.memref_slice %arg13[%add3A_48, %dma_start3A_76] : memref<10000x128xf32, #tpu.memory_space<vmem_shared>> -> memref<64x128xf32, #tpu.memory_space<vmem_shared>>
        %dma_start3A_78 = arith.constant 0 : i32
        %dma_start3A_79 = arith.constant 0 : i32
        %dma_start3A_80 = tpu.memref_slice %arg11[%dma_start3A_78, %dma_start3A_79] : memref<64x128xf32, #tpu.memory_space<vmem>> -> memref<64x128xf32, #tpu.memory_space<vmem>>
        tpu.enqueue_dma source(%dma_start3A_80 : memref<64x128xf32, #tpu.memory_space<vmem>>) target(%dma_start3A_77 : memref<64x128xf32, #tpu.memory_space<vmem_shared>>) target_semaphore(%run_scoped3A : memref<!tpu.dma_semaphore, #tpu.memory_space<semaphore_mem>>)
        %dma_wait3A = arith.constant 0 : i32
        %dma_wait3A_81 = arith.constant 0 : i32
        %dma_wait3A_82 = tpu.memref_slice %arg11[%dma_wait3A, %dma_wait3A_81] : memref<64x128xf32, #tpu.memory_space<vmem>> -> memref<64x128xf32, #tpu.memory_space<vmem>>
        %dma_wait3A_83 = arith.constant 0 : i32
        %dma_wait3A_84 = tpu.memref_slice %arg13[%add3A_48, %dma_wait3A_83] : memref<10000x128xf32, #tpu.memory_space<vmem_shared>> -> memref<64x128xf32, #tpu.memory_space<vmem_shared>>
        %dma_wait3A_85 = arith.constant 0 : i32
        %dma_wait3A_86 = tpu.memref_slice %arg13[%add3A_48, %dma_wait3A_85] : memref<10000x128xf32, #tpu.memory_space<vmem_shared>> -> memref<64x128xf32, #tpu.memory_space<vmem_shared>>
        %dma_wait3A_87 = arith.constant 0 : i32
        %dma_wait3A_88 = arith.constant 0 : i32
        %dma_wait3A_89 = tpu.memref_slice %arg11[%dma_wait3A_87, %dma_wait3A_88] : memref<64x128xf32, #tpu.memory_space<vmem>> -> memref<64x128xf32, #tpu.memory_space<vmem>>
        tpu.wait_dma2 semaphore(%run_scoped3A : memref<!tpu.dma_semaphore, #tpu.memory_space<semaphore_mem>>) src(%dma_wait3A_89 : memref<64x128xf32, #tpu.memory_space<vmem>>) dst(%dma_wait3A_86 : memref<64x128xf32, #tpu.memory_space<vmem_shared>>)
        tpu.yield
      }) : () -> ()
      %add3A_49 = arith.constant 320 : i32
      %add3A_50 = arith.addi %mul3A_4, %add3A_49 : i32
      "tpu.region"() ({
        %run_scoped3A = tpu.sem_alloc : memref<!tpu.dma_semaphore, #tpu.memory_space<semaphore_mem>>
        %dma_start3A_71 = arith.constant 0 : i32
        %dma_start3A_72 = arith.constant 0 : i32
        %dma_start3A_73 = tpu.memref_slice %arg11[%dma_start3A_71, %dma_start3A_72] : memref<64x128xf32, #tpu.memory_space<vmem>> -> memref<64x128xf32, #tpu.memory_space<vmem>>
        %dma_start3A_74 = arith.constant 0 : i32
        %dma_start3A_75 = tpu.memref_slice %arg13[%add3A_50, %dma_start3A_74] : memref<10000x128xf32, #tpu.memory_space<vmem_shared>> -> memref<64x128xf32, #tpu.memory_space<vmem_shared>>
        %dma_start3A_76 = arith.constant 0 : i32
        %dma_start3A_77 = tpu.memref_slice %arg13[%add3A_50, %dma_start3A_76] : memref<10000x128xf32, #tpu.memory_space<vmem_shared>> -> memref<64x128xf32, #tpu.memory_space<vmem_shared>>
        %dma_start3A_78 = arith.constant 0 : i32
        %dma_start3A_79 = arith.constant 0 : i32
        %dma_start3A_80 = tpu.memref_slice %arg11[%dma_start3A_78, %dma_start3A_79] : memref<64x128xf32, #tpu.memory_space<vmem>> -> memref<64x128xf32, #tpu.memory_space<vmem>>
        tpu.enqueue_dma source(%dma_start3A_80 : memref<64x128xf32, #tpu.memory_space<vmem>>) target(%dma_start3A_77 : memref<64x128xf32, #tpu.memory_space<vmem_shared>>) target_semaphore(%run_scoped3A : memref<!tpu.dma_semaphore, #tpu.memory_space<semaphore_mem>>)
        %dma_wait3A = arith.constant 0 : i32
        %dma_wait3A_81 = arith.constant 0 : i32
        %dma_wait3A_82 = tpu.memref_slice %arg11[%dma_wait3A, %dma_wait3A_81] : memref<64x128xf32, #tpu.memory_space<vmem>> -> memref<64x128xf32, #tpu.memory_space<vmem>>
        %dma_wait3A_83 = arith.constant 0 : i32
        %dma_wait3A_84 = tpu.memref_slice %arg13[%add3A_50, %dma_wait3A_83] : memref<10000x128xf32, #tpu.memory_space<vmem_shared>> -> memref<64x128xf32, #tpu.memory_space<vmem_shared>>
        %dma_wait3A_85 = arith.constant 0 : i32
        %dma_wait3A_86 = tpu.memref_slice %arg13[%add3A_50, %dma_wait3A_85] : memref<10000x128xf32, #tpu.memory_space<vmem_shared>> -> memref<64x128xf32, #tpu.memory_space<vmem_shared>>
        %dma_wait3A_87 = arith.constant 0 : i32
        %dma_wait3A_88 = arith.constant 0 : i32
        %dma_wait3A_89 = tpu.memref_slice %arg11[%dma_wait3A_87, %dma_wait3A_88] : memref<64x128xf32, #tpu.memory_space<vmem>> -> memref<64x128xf32, #tpu.memory_space<vmem>>
        tpu.wait_dma2 semaphore(%run_scoped3A : memref<!tpu.dma_semaphore, #tpu.memory_space<semaphore_mem>>) src(%dma_wait3A_89 : memref<64x128xf32, #tpu.memory_space<vmem>>) dst(%dma_wait3A_86 : memref<64x128xf32, #tpu.memory_space<vmem_shared>>)
        tpu.yield
      }) : () -> ()
      %add3A_51 = arith.constant 384 : i32
      %add3A_52 = arith.addi %mul3A_4, %add3A_51 : i32
      "tpu.region"() ({
        %run_scoped3A = tpu.sem_alloc : memref<!tpu.dma_semaphore, #tpu.memory_space<semaphore_mem>>
        %dma_start3A_71 = arith.constant 0 : i32
        %dma_start3A_72 = arith.constant 0 : i32
        %dma_start3A_73 = tpu.memref_slice %arg11[%dma_start3A_71, %dma_start3A_72] : memref<64x128xf32, #tpu.memory_space<vmem>> -> memref<64x128xf32, #tpu.memory_space<vmem>>
        %dma_start3A_74 = arith.constant 0 : i32
        %dma_start3A_75 = tpu.memref_slice %arg13[%add3A_52, %dma_start3A_74] : memref<10000x128xf32, #tpu.memory_space<vmem_shared>> -> memref<64x128xf32, #tpu.memory_space<vmem_shared>>
        %dma_start3A_76 = arith.constant 0 : i32
        %dma_start3A_77 = tpu.memref_slice %arg13[%add3A_52, %dma_start3A_76] : memref<10000x128xf32, #tpu.memory_space<vmem_shared>> -> memref<64x128xf32, #tpu.memory_space<vmem_shared>>
        %dma_start3A_78 = arith.constant 0 : i32
        %dma_start3A_79 = arith.constant 0 : i32
        %dma_start3A_80 = tpu.memref_slice %arg11[%dma_start3A_78, %dma_start3A_79] : memref<64x128xf32, #tpu.memory_space<vmem>> -> memref<64x128xf32, #tpu.memory_space<vmem>>
        tpu.enqueue_dma source(%dma_start3A_80 : memref<64x128xf32, #tpu.memory_space<vmem>>) target(%dma_start3A_77 : memref<64x128xf32, #tpu.memory_space<vmem_shared>>) target_semaphore(%run_scoped3A : memref<!tpu.dma_semaphore, #tpu.memory_space<semaphore_mem>>)
        %dma_wait3A = arith.constant 0 : i32
        %dma_wait3A_81 = arith.constant 0 : i32
        %dma_wait3A_82 = tpu.memref_slice %arg11[%dma_wait3A, %dma_wait3A_81] : memref<64x128xf32, #tpu.memory_space<vmem>> -> memref<64x128xf32, #tpu.memory_space<vmem>>
        %dma_wait3A_83 = arith.constant 0 : i32
        %dma_wait3A_84 = tpu.memref_slice %arg13[%add3A_52, %dma_wait3A_83] : memref<10000x128xf32, #tpu.memory_space<vmem_shared>> -> memref<64x128xf32, #tpu.memory_space<vmem_shared>>
        %dma_wait3A_85 = arith.constant 0 : i32
        %dma_wait3A_86 = tpu.memref_slice %arg13[%add3A_52, %dma_wait3A_85] : memref<10000x128xf32, #tpu.memory_space<vmem_shared>> -> memref<64x128xf32, #tpu.memory_space<vmem_shared>>
        %dma_wait3A_87 = arith.constant 0 : i32
        %dma_wait3A_88 = arith.constant 0 : i32
        %dma_wait3A_89 = tpu.memref_slice %arg11[%dma_wait3A_87, %dma_wait3A_88] : memref<64x128xf32, #tpu.memory_space<vmem>> -> memref<64x128xf32, #tpu.memory_space<vmem>>
        tpu.wait_dma2 semaphore(%run_scoped3A : memref<!tpu.dma_semaphore, #tpu.memory_space<semaphore_mem>>) src(%dma_wait3A_89 : memref<64x128xf32, #tpu.memory_space<vmem>>) dst(%dma_wait3A_86 : memref<64x128xf32, #tpu.memory_space<vmem_shared>>)
        tpu.yield
      }) : () -> ()
      %add3A_53 = arith.constant 448 : i32
      %add3A_54 = arith.addi %mul3A_4, %add3A_53 : i32
      "tpu.region"() ({
        %run_scoped3A = tpu.sem_alloc : memref<!tpu.dma_semaphore, #tpu.memory_space<semaphore_mem>>
        %dma_start3A_71 = arith.constant 0 : i32
        %dma_start3A_72 = arith.constant 0 : i32
        %dma_start3A_73 = tpu.memref_slice %arg11[%dma_start3A_71, %dma_start3A_72] : memref<64x128xf32, #tpu.memory_space<vmem>> -> memref<64x128xf32, #tpu.memory_space<vmem>>
        %dma_start3A_74 = arith.constant 0 : i32
        %dma_start3A_75 = tpu.memref_slice %arg13[%add3A_54, %dma_start3A_74] : memref<10000x128xf32, #tpu.memory_space<vmem_shared>> -> memref<64x128xf32, #tpu.memory_space<vmem_shared>>
        %dma_start3A_76 = arith.constant 0 : i32
        %dma_start3A_77 = tpu.memref_slice %arg13[%add3A_54, %dma_start3A_76] : memref<10000x128xf32, #tpu.memory_space<vmem_shared>> -> memref<64x128xf32, #tpu.memory_space<vmem_shared>>
        %dma_start3A_78 = arith.constant 0 : i32
        %dma_start3A_79 = arith.constant 0 : i32
        %dma_start3A_80 = tpu.memref_slice %arg11[%dma_start3A_78, %dma_start3A_79] : memref<64x128xf32, #tpu.memory_space<vmem>> -> memref<64x128xf32, #tpu.memory_space<vmem>>
        tpu.enqueue_dma source(%dma_start3A_80 : memref<64x128xf32, #tpu.memory_space<vmem>>) target(%dma_start3A_77 : memref<64x128xf32, #tpu.memory_space<vmem_shared>>) target_semaphore(%run_scoped3A : memref<!tpu.dma_semaphore, #tpu.memory_space<semaphore_mem>>)
        %dma_wait3A = arith.constant 0 : i32
        %dma_wait3A_81 = arith.constant 0 : i32
        %dma_wait3A_82 = tpu.memref_slice %arg11[%dma_wait3A, %dma_wait3A_81] : memref<64x128xf32, #tpu.memory_space<vmem>> -> memref<64x128xf32, #tpu.memory_space<vmem>>
        %dma_wait3A_83 = arith.constant 0 : i32
        %dma_wait3A_84 = tpu.memref_slice %arg13[%add3A_54, %dma_wait3A_83] : memref<10000x128xf32, #tpu.memory_space<vmem_shared>> -> memref<64x128xf32, #tpu.memory_space<vmem_shared>>
        %dma_wait3A_85 = arith.constant 0 : i32
        %dma_wait3A_86 = tpu.memref_slice %arg13[%add3A_54, %dma_wait3A_85] : memref<10000x128xf32, #tpu.memory_space<vmem_shared>> -> memref<64x128xf32, #tpu.memory_space<vmem_shared>>
        %dma_wait3A_87 = arith.constant 0 : i32
        %dma_wait3A_88 = arith.constant 0 : i32
        %dma_wait3A_89 = tpu.memref_slice %arg11[%dma_wait3A_87, %dma_wait3A_88] : memref<64x128xf32, #tpu.memory_space<vmem>> -> memref<64x128xf32, #tpu.memory_space<vmem>>
        tpu.wait_dma2 semaphore(%run_scoped3A : memref<!tpu.dma_semaphore, #tpu.memory_space<semaphore_mem>>) src(%dma_wait3A_89 : memref<64x128xf32, #tpu.memory_space<vmem>>) dst(%dma_wait3A_86 : memref<64x128xf32, #tpu.memory_space<vmem_shared>>)
        tpu.yield
      }) : () -> ()
      %add3A_55 = arith.constant 512 : i32
      %add3A_56 = arith.addi %mul3A_4, %add3A_55 : i32
      "tpu.region"() ({
        %run_scoped3A = tpu.sem_alloc : memref<!tpu.dma_semaphore, #tpu.memory_space<semaphore_mem>>
        %dma_start3A_71 = arith.constant 0 : i32
        %dma_start3A_72 = arith.constant 0 : i32
        %dma_start3A_73 = tpu.memref_slice %arg11[%dma_start3A_71, %dma_start3A_72] : memref<64x128xf32, #tpu.memory_space<vmem>> -> memref<64x128xf32, #tpu.memory_space<vmem>>
        %dma_start3A_74 = arith.constant 0 : i32
        %dma_start3A_75 = tpu.memref_slice %arg13[%add3A_56, %dma_start3A_74] : memref<10000x128xf32, #tpu.memory_space<vmem_shared>> -> memref<64x128xf32, #tpu.memory_space<vmem_shared>>
        %dma_start3A_76 = arith.constant 0 : i32
        %dma_start3A_77 = tpu.memref_slice %arg13[%add3A_56, %dma_start3A_76] : memref<10000x128xf32, #tpu.memory_space<vmem_shared>> -> memref<64x128xf32, #tpu.memory_space<vmem_shared>>
        %dma_start3A_78 = arith.constant 0 : i32
        %dma_start3A_79 = arith.constant 0 : i32
        %dma_start3A_80 = tpu.memref_slice %arg11[%dma_start3A_78, %dma_start3A_79] : memref<64x128xf32, #tpu.memory_space<vmem>> -> memref<64x128xf32, #tpu.memory_space<vmem>>
        tpu.enqueue_dma source(%dma_start3A_80 : memref<64x128xf32, #tpu.memory_space<vmem>>) target(%dma_start3A_77 : memref<64x128xf32, #tpu.memory_space<vmem_shared>>) target_semaphore(%run_scoped3A : memref<!tpu.dma_semaphore, #tpu.memory_space<semaphore_mem>>)
        %dma_wait3A = arith.constant 0 : i32
        %dma_wait3A_81 = arith.constant 0 : i32
        %dma_wait3A_82 = tpu.memref_slice %arg11[%dma_wait3A, %dma_wait3A_81] : memref<64x128xf32, #tpu.memory_space<vmem>> -> memref<64x128xf32, #tpu.memory_space<vmem>>
        %dma_wait3A_83 = arith.constant 0 : i32
        %dma_wait3A_84 = tpu.memref_slice %arg13[%add3A_56, %dma_wait3A_83] : memref<10000x128xf32, #tpu.memory_space<vmem_shared>> -> memref<64x128xf32, #tpu.memory_space<vmem_shared>>
        %dma_wait3A_85 = arith.constant 0 : i32
        %dma_wait3A_86 = tpu.memref_slice %arg13[%add3A_56, %dma_wait3A_85] : memref<10000x128xf32, #tpu.memory_space<vmem_shared>> -> memref<64x128xf32, #tpu.memory_space<vmem_shared>>
        %dma_wait3A_87 = arith.constant 0 : i32
        %dma_wait3A_88 = arith.constant 0 : i32
        %dma_wait3A_89 = tpu.memref_slice %arg11[%dma_wait3A_87, %dma_wait3A_88] : memref<64x128xf32, #tpu.memory_space<vmem>> -> memref<64x128xf32, #tpu.memory_space<vmem>>
        tpu.wait_dma2 semaphore(%run_scoped3A : memref<!tpu.dma_semaphore, #tpu.memory_space<semaphore_mem>>) src(%dma_wait3A_89 : memref<64x128xf32, #tpu.memory_space<vmem>>) dst(%dma_wait3A_86 : memref<64x128xf32, #tpu.memory_space<vmem_shared>>)
        tpu.yield
      }) : () -> ()
      %add3A_57 = arith.constant 576 : i32
      %add3A_58 = arith.addi %mul3A_4, %add3A_57 : i32
      "tpu.region"() ({
        %run_scoped3A = tpu.sem_alloc : memref<!tpu.dma_semaphore, #tpu.memory_space<semaphore_mem>>
        %dma_start3A_71 = arith.constant 0 : i32
        %dma_start3A_72 = arith.constant 0 : i32
        %dma_start3A_73 = tpu.memref_slice %arg11[%dma_start3A_71, %dma_start3A_72] : memref<64x128xf32, #tpu.memory_space<vmem>> -> memref<64x128xf32, #tpu.memory_space<vmem>>
        %dma_start3A_74 = arith.constant 0 : i32
        %dma_start3A_75 = tpu.memref_slice %arg13[%add3A_58, %dma_start3A_74] : memref<10000x128xf32, #tpu.memory_space<vmem_shared>> -> memref<64x128xf32, #tpu.memory_space<vmem_shared>>
        %dma_start3A_76 = arith.constant 0 : i32
        %dma_start3A_77 = tpu.memref_slice %arg13[%add3A_58, %dma_start3A_76] : memref<10000x128xf32, #tpu.memory_space<vmem_shared>> -> memref<64x128xf32, #tpu.memory_space<vmem_shared>>
        %dma_start3A_78 = arith.constant 0 : i32
        %dma_start3A_79 = arith.constant 0 : i32
        %dma_start3A_80 = tpu.memref_slice %arg11[%dma_start3A_78, %dma_start3A_79] : memref<64x128xf32, #tpu.memory_space<vmem>> -> memref<64x128xf32, #tpu.memory_space<vmem>>
        tpu.enqueue_dma source(%dma_start3A_80 : memref<64x128xf32, #tpu.memory_space<vmem>>) target(%dma_start3A_77 : memref<64x128xf32, #tpu.memory_space<vmem_shared>>) target_semaphore(%run_scoped3A : memref<!tpu.dma_semaphore, #tpu.memory_space<semaphore_mem>>)
        %dma_wait3A = arith.constant 0 : i32
        %dma_wait3A_81 = arith.constant 0 : i32
        %dma_wait3A_82 = tpu.memref_slice %arg11[%dma_wait3A, %dma_wait3A_81] : memref<64x128xf32, #tpu.memory_space<vmem>> -> memref<64x128xf32, #tpu.memory_space<vmem>>
        %dma_wait3A_83 = arith.constant 0 : i32
        %dma_wait3A_84 = tpu.memref_slice %arg13[%add3A_58, %dma_wait3A_83] : memref<10000x128xf32, #tpu.memory_space<vmem_shared>> -> memref<64x128xf32, #tpu.memory_space<vmem_shared>>
        %dma_wait3A_85 = arith.constant 0 : i32
        %dma_wait3A_86 = tpu.memref_slice %arg13[%add3A_58, %dma_wait3A_85] : memref<10000x128xf32, #tpu.memory_space<vmem_shared>> -> memref<64x128xf32, #tpu.memory_space<vmem_shared>>
        %dma_wait3A_87 = arith.constant 0 : i32
        %dma_wait3A_88 = arith.constant 0 : i32
        %dma_wait3A_89 = tpu.memref_slice %arg11[%dma_wait3A_87, %dma_wait3A_88] : memref<64x128xf32, #tpu.memory_space<vmem>> -> memref<64x128xf32, #tpu.memory_space<vmem>>
        tpu.wait_dma2 semaphore(%run_scoped3A : memref<!tpu.dma_semaphore, #tpu.memory_space<semaphore_mem>>) src(%dma_wait3A_89 : memref<64x128xf32, #tpu.memory_space<vmem>>) dst(%dma_wait3A_86 : memref<64x128xf32, #tpu.memory_space<vmem_shared>>)
        tpu.yield
      }) : () -> ()
      %add3A_59 = arith.constant 640 : i32
      %add3A_60 = arith.addi %mul3A_4, %add3A_59 : i32
      "tpu.region"() ({
        %run_scoped3A = tpu.sem_alloc : memref<!tpu.dma_semaphore, #tpu.memory_space<semaphore_mem>>
        %dma_start3A_71 = arith.constant 0 : i32
        %dma_start3A_72 = arith.constant 0 : i32
        %dma_start3A_73 = tpu.memref_slice %arg11[%dma_start3A_71, %dma_start3A_72] : memref<64x128xf32, #tpu.memory_space<vmem>> -> memref<64x128xf32, #tpu.memory_space<vmem>>
        %dma_start3A_74 = arith.constant 0 : i32
        %dma_start3A_75 = tpu.memref_slice %arg13[%add3A_60, %dma_start3A_74] : memref<10000x128xf32, #tpu.memory_space<vmem_shared>> -> memref<64x128xf32, #tpu.memory_space<vmem_shared>>
        %dma_start3A_76 = arith.constant 0 : i32
        %dma_start3A_77 = tpu.memref_slice %arg13[%add3A_60, %dma_start3A_76] : memref<10000x128xf32, #tpu.memory_space<vmem_shared>> -> memref<64x128xf32, #tpu.memory_space<vmem_shared>>
        %dma_start3A_78 = arith.constant 0 : i32
        %dma_start3A_79 = arith.constant 0 : i32
        %dma_start3A_80 = tpu.memref_slice %arg11[%dma_start3A_78, %dma_start3A_79] : memref<64x128xf32, #tpu.memory_space<vmem>> -> memref<64x128xf32, #tpu.memory_space<vmem>>
        tpu.enqueue_dma source(%dma_start3A_80 : memref<64x128xf32, #tpu.memory_space<vmem>>) target(%dma_start3A_77 : memref<64x128xf32, #tpu.memory_space<vmem_shared>>) target_semaphore(%run_scoped3A : memref<!tpu.dma_semaphore, #tpu.memory_space<semaphore_mem>>)
        %dma_wait3A = arith.constant 0 : i32
        %dma_wait3A_81 = arith.constant 0 : i32
        %dma_wait3A_82 = tpu.memref_slice %arg11[%dma_wait3A, %dma_wait3A_81] : memref<64x128xf32, #tpu.memory_space<vmem>> -> memref<64x128xf32, #tpu.memory_space<vmem>>
        %dma_wait3A_83 = arith.constant 0 : i32
        %dma_wait3A_84 = tpu.memref_slice %arg13[%add3A_60, %dma_wait3A_83] : memref<10000x128xf32, #tpu.memory_space<vmem_shared>> -> memref<64x128xf32, #tpu.memory_space<vmem_shared>>
        %dma_wait3A_85 = arith.constant 0 : i32
        %dma_wait3A_86 = tpu.memref_slice %arg13[%add3A_60, %dma_wait3A_85] : memref<10000x128xf32, #tpu.memory_space<vmem_shared>> -> memref<64x128xf32, #tpu.memory_space<vmem_shared>>
        %dma_wait3A_87 = arith.constant 0 : i32
        %dma_wait3A_88 = arith.constant 0 : i32
        %dma_wait3A_89 = tpu.memref_slice %arg11[%dma_wait3A_87, %dma_wait3A_88] : memref<64x128xf32, #tpu.memory_space<vmem>> -> memref<64x128xf32, #tpu.memory_space<vmem>>
        tpu.wait_dma2 semaphore(%run_scoped3A : memref<!tpu.dma_semaphore, #tpu.memory_space<semaphore_mem>>) src(%dma_wait3A_89 : memref<64x128xf32, #tpu.memory_space<vmem>>) dst(%dma_wait3A_86 : memref<64x128xf32, #tpu.memory_space<vmem_shared>>)
        tpu.yield
      }) : () -> ()
      %add3A_61 = arith.constant 704 : i32
      %add3A_62 = arith.addi %mul3A_4, %add3A_61 : i32
      "tpu.region"() ({
        %run_scoped3A = tpu.sem_alloc : memref<!tpu.dma_semaphore, #tpu.memory_space<semaphore_mem>>
        %dma_start3A_71 = arith.constant 0 : i32
        %dma_start3A_72 = arith.constant 0 : i32
        %dma_start3A_73 = tpu.memref_slice %arg11[%dma_start3A_71, %dma_start3A_72] : memref<64x128xf32, #tpu.memory_space<vmem>> -> memref<64x128xf32, #tpu.memory_space<vmem>>
        %dma_start3A_74 = arith.constant 0 : i32
        %dma_start3A_75 = tpu.memref_slice %arg13[%add3A_62, %dma_start3A_74] : memref<10000x128xf32, #tpu.memory_space<vmem_shared>> -> memref<64x128xf32, #tpu.memory_space<vmem_shared>>
        %dma_start3A_76 = arith.constant 0 : i32
        %dma_start3A_77 = tpu.memref_slice %arg13[%add3A_62, %dma_start3A_76] : memref<10000x128xf32, #tpu.memory_space<vmem_shared>> -> memref<64x128xf32, #tpu.memory_space<vmem_shared>>
        %dma_start3A_78 = arith.constant 0 : i32
        %dma_start3A_79 = arith.constant 0 : i32
        %dma_start3A_80 = tpu.memref_slice %arg11[%dma_start3A_78, %dma_start3A_79] : memref<64x128xf32, #tpu.memory_space<vmem>> -> memref<64x128xf32, #tpu.memory_space<vmem>>
        tpu.enqueue_dma source(%dma_start3A_80 : memref<64x128xf32, #tpu.memory_space<vmem>>) target(%dma_start3A_77 : memref<64x128xf32, #tpu.memory_space<vmem_shared>>) target_semaphore(%run_scoped3A : memref<!tpu.dma_semaphore, #tpu.memory_space<semaphore_mem>>)
        %dma_wait3A = arith.constant 0 : i32
        %dma_wait3A_81 = arith.constant 0 : i32
        %dma_wait3A_82 = tpu.memref_slice %arg11[%dma_wait3A, %dma_wait3A_81] : memref<64x128xf32, #tpu.memory_space<vmem>> -> memref<64x128xf32, #tpu.memory_space<vmem>>
        %dma_wait3A_83 = arith.constant 0 : i32
        %dma_wait3A_84 = tpu.memref_slice %arg13[%add3A_62, %dma_wait3A_83] : memref<10000x128xf32, #tpu.memory_space<vmem_shared>> -> memref<64x128xf32, #tpu.memory_space<vmem_shared>>
        %dma_wait3A_85 = arith.constant 0 : i32
        %dma_wait3A_86 = tpu.memref_slice %arg13[%add3A_62, %dma_wait3A_85] : memref<10000x128xf32, #tpu.memory_space<vmem_shared>> -> memref<64x128xf32, #tpu.memory_space<vmem_shared>>
        %dma_wait3A_87 = arith.constant 0 : i32
        %dma_wait3A_88 = arith.constant 0 : i32
        %dma_wait3A_89 = tpu.memref_slice %arg11[%dma_wait3A_87, %dma_wait3A_88] : memref<64x128xf32, #tpu.memory_space<vmem>> -> memref<64x128xf32, #tpu.memory_space<vmem>>
        tpu.wait_dma2 semaphore(%run_scoped3A : memref<!tpu.dma_semaphore, #tpu.memory_space<semaphore_mem>>) src(%dma_wait3A_89 : memref<64x128xf32, #tpu.memory_space<vmem>>) dst(%dma_wait3A_86 : memref<64x128xf32, #tpu.memory_space<vmem_shared>>)
        tpu.yield
      }) : () -> ()
      %add3A_63 = arith.constant 768 : i32
      %add3A_64 = arith.addi %mul3A_4, %add3A_63 : i32
      "tpu.region"() ({
        %run_scoped3A = tpu.sem_alloc : memref<!tpu.dma_semaphore, #tpu.memory_space<semaphore_mem>>
        %dma_start3A_71 = arith.constant 0 : i32
        %dma_start3A_72 = arith.constant 0 : i32
        %dma_start3A_73 = tpu.memref_slice %arg11[%dma_start3A_71, %dma_start3A_72] : memref<64x128xf32, #tpu.memory_space<vmem>> -> memref<64x128xf32, #tpu.memory_space<vmem>>
        %dma_start3A_74 = arith.constant 0 : i32
        %dma_start3A_75 = tpu.memref_slice %arg13[%add3A_64, %dma_start3A_74] : memref<10000x128xf32, #tpu.memory_space<vmem_shared>> -> memref<64x128xf32, #tpu.memory_space<vmem_shared>>
        %dma_start3A_76 = arith.constant 0 : i32
        %dma_start3A_77 = tpu.memref_slice %arg13[%add3A_64, %dma_start3A_76] : memref<10000x128xf32, #tpu.memory_space<vmem_shared>> -> memref<64x128xf32, #tpu.memory_space<vmem_shared>>
        %dma_start3A_78 = arith.constant 0 : i32
        %dma_start3A_79 = arith.constant 0 : i32
        %dma_start3A_80 = tpu.memref_slice %arg11[%dma_start3A_78, %dma_start3A_79] : memref<64x128xf32, #tpu.memory_space<vmem>> -> memref<64x128xf32, #tpu.memory_space<vmem>>
        tpu.enqueue_dma source(%dma_start3A_80 : memref<64x128xf32, #tpu.memory_space<vmem>>) target(%dma_start3A_77 : memref<64x128xf32, #tpu.memory_space<vmem_shared>>) target_semaphore(%run_scoped3A : memref<!tpu.dma_semaphore, #tpu.memory_space<semaphore_mem>>)
        %dma_wait3A = arith.constant 0 : i32
        %dma_wait3A_81 = arith.constant 0 : i32
        %dma_wait3A_82 = tpu.memref_slice %arg11[%dma_wait3A, %dma_wait3A_81] : memref<64x128xf32, #tpu.memory_space<vmem>> -> memref<64x128xf32, #tpu.memory_space<vmem>>
        %dma_wait3A_83 = arith.constant 0 : i32
        %dma_wait3A_84 = tpu.memref_slice %arg13[%add3A_64, %dma_wait3A_83] : memref<10000x128xf32, #tpu.memory_space<vmem_shared>> -> memref<64x128xf32, #tpu.memory_space<vmem_shared>>
        %dma_wait3A_85 = arith.constant 0 : i32
        %dma_wait3A_86 = tpu.memref_slice %arg13[%add3A_64, %dma_wait3A_85] : memref<10000x128xf32, #tpu.memory_space<vmem_shared>> -> memref<64x128xf32, #tpu.memory_space<vmem_shared>>
        %dma_wait3A_87 = arith.constant 0 : i32
        %dma_wait3A_88 = arith.constant 0 : i32
        %dma_wait3A_89 = tpu.memref_slice %arg11[%dma_wait3A_87, %dma_wait3A_88] : memref<64x128xf32, #tpu.memory_space<vmem>> -> memref<64x128xf32, #tpu.memory_space<vmem>>
        tpu.wait_dma2 semaphore(%run_scoped3A : memref<!tpu.dma_semaphore, #tpu.memory_space<semaphore_mem>>) src(%dma_wait3A_89 : memref<64x128xf32, #tpu.memory_space<vmem>>) dst(%dma_wait3A_86 : memref<64x128xf32, #tpu.memory_space<vmem_shared>>)
        tpu.yield
      }) : () -> ()
      %add3A_65 = arith.constant 832 : i32
      %add3A_66 = arith.addi %mul3A_4, %add3A_65 : i32
      "tpu.region"() ({
        %run_scoped3A = tpu.sem_alloc : memref<!tpu.dma_semaphore, #tpu.memory_space<semaphore_mem>>
        %dma_start3A_71 = arith.constant 0 : i32
        %dma_start3A_72 = arith.constant 0 : i32
        %dma_start3A_73 = tpu.memref_slice %arg11[%dma_start3A_71, %dma_start3A_72] : memref<64x128xf32, #tpu.memory_space<vmem>> -> memref<64x128xf32, #tpu.memory_space<vmem>>
        %dma_start3A_74 = arith.constant 0 : i32
        %dma_start3A_75 = tpu.memref_slice %arg13[%add3A_66, %dma_start3A_74] : memref<10000x128xf32, #tpu.memory_space<vmem_shared>> -> memref<64x128xf32, #tpu.memory_space<vmem_shared>>
        %dma_start3A_76 = arith.constant 0 : i32
        %dma_start3A_77 = tpu.memref_slice %arg13[%add3A_66, %dma_start3A_76] : memref<10000x128xf32, #tpu.memory_space<vmem_shared>> -> memref<64x128xf32, #tpu.memory_space<vmem_shared>>
        %dma_start3A_78 = arith.constant 0 : i32
        %dma_start3A_79 = arith.constant 0 : i32
        %dma_start3A_80 = tpu.memref_slice %arg11[%dma_start3A_78, %dma_start3A_79] : memref<64x128xf32, #tpu.memory_space<vmem>> -> memref<64x128xf32, #tpu.memory_space<vmem>>
        tpu.enqueue_dma source(%dma_start3A_80 : memref<64x128xf32, #tpu.memory_space<vmem>>) target(%dma_start3A_77 : memref<64x128xf32, #tpu.memory_space<vmem_shared>>) target_semaphore(%run_scoped3A : memref<!tpu.dma_semaphore, #tpu.memory_space<semaphore_mem>>)
        %dma_wait3A = arith.constant 0 : i32
        %dma_wait3A_81 = arith.constant 0 : i32
        %dma_wait3A_82 = tpu.memref_slice %arg11[%dma_wait3A, %dma_wait3A_81] : memref<64x128xf32, #tpu.memory_space<vmem>> -> memref<64x128xf32, #tpu.memory_space<vmem>>
        %dma_wait3A_83 = arith.constant 0 : i32
        %dma_wait3A_84 = tpu.memref_slice %arg13[%add3A_66, %dma_wait3A_83] : memref<10000x128xf32, #tpu.memory_space<vmem_shared>> -> memref<64x128xf32, #tpu.memory_space<vmem_shared>>
        %dma_wait3A_85 = arith.constant 0 : i32
        %dma_wait3A_86 = tpu.memref_slice %arg13[%add3A_66, %dma_wait3A_85] : memref<10000x128xf32, #tpu.memory_space<vmem_shared>> -> memref<64x128xf32, #tpu.memory_space<vmem_shared>>
        %dma_wait3A_87 = arith.constant 0 : i32
        %dma_wait3A_88 = arith.constant 0 : i32
        %dma_wait3A_89 = tpu.memref_slice %arg11[%dma_wait3A_87, %dma_wait3A_88] : memref<64x128xf32, #tpu.memory_space<vmem>> -> memref<64x128xf32, #tpu.memory_space<vmem>>
        tpu.wait_dma2 semaphore(%run_scoped3A : memref<!tpu.dma_semaphore, #tpu.memory_space<semaphore_mem>>) src(%dma_wait3A_89 : memref<64x128xf32, #tpu.memory_space<vmem>>) dst(%dma_wait3A_86 : memref<64x128xf32, #tpu.memory_space<vmem_shared>>)
        tpu.yield
      }) : () -> ()
      %add3A_67 = arith.constant 896 : i32
      %add3A_68 = arith.addi %mul3A_4, %add3A_67 : i32
      "tpu.region"() ({
        %run_scoped3A = tpu.sem_alloc : memref<!tpu.dma_semaphore, #tpu.memory_space<semaphore_mem>>
        %dma_start3A_71 = arith.constant 0 : i32
        %dma_start3A_72 = arith.constant 0 : i32
        %dma_start3A_73 = tpu.memref_slice %arg11[%dma_start3A_71, %dma_start3A_72] : memref<64x128xf32, #tpu.memory_space<vmem>> -> memref<64x128xf32, #tpu.memory_space<vmem>>
        %dma_start3A_74 = arith.constant 0 : i32
        %dma_start3A_75 = tpu.memref_slice %arg13[%add3A_68, %dma_start3A_74] : memref<10000x128xf32, #tpu.memory_space<vmem_shared>> -> memref<64x128xf32, #tpu.memory_space<vmem_shared>>
        %dma_start3A_76 = arith.constant 0 : i32
        %dma_start3A_77 = tpu.memref_slice %arg13[%add3A_68, %dma_start3A_76] : memref<10000x128xf32, #tpu.memory_space<vmem_shared>> -> memref<64x128xf32, #tpu.memory_space<vmem_shared>>
        %dma_start3A_78 = arith.constant 0 : i32
        %dma_start3A_79 = arith.constant 0 : i32
        %dma_start3A_80 = tpu.memref_slice %arg11[%dma_start3A_78, %dma_start3A_79] : memref<64x128xf32, #tpu.memory_space<vmem>> -> memref<64x128xf32, #tpu.memory_space<vmem>>
        tpu.enqueue_dma source(%dma_start3A_80 : memref<64x128xf32, #tpu.memory_space<vmem>>) target(%dma_start3A_77 : memref<64x128xf32, #tpu.memory_space<vmem_shared>>) target_semaphore(%run_scoped3A : memref<!tpu.dma_semaphore, #tpu.memory_space<semaphore_mem>>)
        %dma_wait3A = arith.constant 0 : i32
        %dma_wait3A_81 = arith.constant 0 : i32
        %dma_wait3A_82 = tpu.memref_slice %arg11[%dma_wait3A, %dma_wait3A_81] : memref<64x128xf32, #tpu.memory_space<vmem>> -> memref<64x128xf32, #tpu.memory_space<vmem>>
        %dma_wait3A_83 = arith.constant 0 : i32
        %dma_wait3A_84 = tpu.memref_slice %arg13[%add3A_68, %dma_wait3A_83] : memref<10000x128xf32, #tpu.memory_space<vmem_shared>> -> memref<64x128xf32, #tpu.memory_space<vmem_shared>>
        %dma_wait3A_85 = arith.constant 0 : i32
        %dma_wait3A_86 = tpu.memref_slice %arg13[%add3A_68, %dma_wait3A_85] : memref<10000x128xf32, #tpu.memory_space<vmem_shared>> -> memref<64x128xf32, #tpu.memory_space<vmem_shared>>
        %dma_wait3A_87 = arith.constant 0 : i32
        %dma_wait3A_88 = arith.constant 0 : i32
        %dma_wait3A_89 = tpu.memref_slice %arg11[%dma_wait3A_87, %dma_wait3A_88] : memref<64x128xf32, #tpu.memory_space<vmem>> -> memref<64x128xf32, #tpu.memory_space<vmem>>
        tpu.wait_dma2 semaphore(%run_scoped3A : memref<!tpu.dma_semaphore, #tpu.memory_space<semaphore_mem>>) src(%dma_wait3A_89 : memref<64x128xf32, #tpu.memory_space<vmem>>) dst(%dma_wait3A_86 : memref<64x128xf32, #tpu.memory_space<vmem_shared>>)
        tpu.yield
      }) : () -> ()
      %add3A_69 = arith.constant 960 : i32
      %add3A_70 = arith.addi %mul3A_4, %add3A_69 : i32
      "tpu.region"() ({
        %run_scoped3A = tpu.sem_alloc : memref<!tpu.dma_semaphore, #tpu.memory_space<semaphore_mem>>
        %dma_start3A_71 = arith.constant 0 : i32
        %dma_start3A_72 = arith.constant 0 : i32
        %dma_start3A_73 = tpu.memref_slice %arg11[%dma_start3A_71, %dma_start3A_72] : memref<64x128xf32, #tpu.memory_space<vmem>> -> memref<40x128xf32, #tpu.memory_space<vmem>>
        %dma_start3A_74 = arith.constant 0 : i32
        %dma_start3A_75 = tpu.memref_slice %arg13[%add3A_70, %dma_start3A_74] : memref<10000x128xf32, #tpu.memory_space<vmem_shared>> -> memref<40x128xf32, #tpu.memory_space<vmem_shared>>
        %dma_start3A_76 = arith.constant 0 : i32
        %dma_start3A_77 = tpu.memref_slice %arg13[%add3A_70, %dma_start3A_76] : memref<10000x128xf32, #tpu.memory_space<vmem_shared>> -> memref<40x128xf32, #tpu.memory_space<vmem_shared>>
        %dma_start3A_78 = arith.constant 0 : i32
        %dma_start3A_79 = arith.constant 0 : i32
        %dma_start3A_80 = tpu.memref_slice %arg11[%dma_start3A_78, %dma_start3A_79] : memref<64x128xf32, #tpu.memory_space<vmem>> -> memref<40x128xf32, #tpu.memory_space<vmem>>
        tpu.enqueue_dma source(%dma_start3A_80 : memref<40x128xf32, #tpu.memory_space<vmem>>) target(%dma_start3A_77 : memref<40x128xf32, #tpu.memory_space<vmem_shared>>) target_semaphore(%run_scoped3A : memref<!tpu.dma_semaphore, #tpu.memory_space<semaphore_mem>>)
        %dma_wait3A = arith.constant 0 : i32
        %dma_wait3A_81 = arith.constant 0 : i32
        %dma_wait3A_82 = tpu.memref_slice %arg11[%dma_wait3A, %dma_wait3A_81] : memref<64x128xf32, #tpu.memory_space<vmem>> -> memref<40x128xf32, #tpu.memory_space<vmem>>
        %dma_wait3A_83 = arith.constant 0 : i32
        %dma_wait3A_84 = tpu.memref_slice %arg13[%add3A_70, %dma_wait3A_83] : memref<10000x128xf32, #tpu.memory_space<vmem_shared>> -> memref<40x128xf32, #tpu.memory_space<vmem_shared>>
        %dma_wait3A_85 = arith.constant 0 : i32
        %dma_wait3A_86 = tpu.memref_slice %arg13[%add3A_70, %dma_wait3A_85] : memref<10000x128xf32, #tpu.memory_space<vmem_shared>> -> memref<40x128xf32, #tpu.memory_space<vmem_shared>>
        %dma_wait3A_87 = arith.constant 0 : i32
        %dma_wait3A_88 = arith.constant 0 : i32
        %dma_wait3A_89 = tpu.memref_slice %arg11[%dma_wait3A_87, %dma_wait3A_88] : memref<64x128xf32, #tpu.memory_space<vmem>> -> memref<40x128xf32, #tpu.memory_space<vmem>>
        tpu.wait_dma2 semaphore(%run_scoped3A : memref<!tpu.dma_semaphore, #tpu.memory_space<semaphore_mem>>) src(%dma_wait3A_89 : memref<40x128xf32, #tpu.memory_space<vmem>>) dst(%dma_wait3A_86 : memref<40x128xf32, #tpu.memory_space<vmem_shared>>)
        tpu.yield
      }) : () -> ()
    } else {
    }
    %barrier3A = arith.constant 0 : index
    tpu.barrier barrier_id(%barrier3A)
    %dma_start3A = arith.constant 0 : i32
    %dma_start3A_13 = arith.constant 0 : i32
    %dma_start3A_14 = tpu.memref_slice %arg7[%dma_start3A, %dma_start3A_13] : memref<80x128xi32, #tpu.memory_space<vmem>> -> memref<1x64xi32, #tpu.memory_space<vmem>>
    %dma_start3A_15 = tpu.memref_squeeze %dma_start3A_14 : memref<1x64xi32, #tpu.memory_space<vmem>> -> memref<64xi32, #tpu.memory_space<vmem>>
    %dma_start3A_16 = arith.constant 0 : i32
    %dma_start3A_17 = arith.constant 0 : i32
    %dma_start3A_18 = tpu.memref_slice %arg2[%dma_start3A_16, %dma_start3A_17] : memref<10000x128xf32, #tpu.memory_space<hbm>> -> memref<10000x128xf32, #tpu.memory_space<hbm>>
    tpu.enqueue_indirect_dma source(%dma_start3A_18 : memref<10000x128xf32, #tpu.memory_space<hbm>>) target(%arg11 : memref<64x128xf32, #tpu.memory_space<vmem>>) offsets(%dma_start3A_15 : memref<64xi32, #tpu.memory_space<vmem>>) semaphore(%arg14 : memref<!tpu.dma_semaphore, #tpu.memory_space<semaphore_mem>>)
    %dma_start3A_19 = arith.constant 0 : i32
    %dma_start3A_20 = arith.constant 64 : i32
    %dma_start3A_21 = tpu.memref_slice %arg7[%dma_start3A_19, %dma_start3A_20] : memref<80x128xi32, #tpu.memory_space<vmem>> -> memref<1x64xi32, #tpu.memory_space<vmem>>
    %dma_start3A_22 = tpu.memref_squeeze %dma_start3A_21 : memref<1x64xi32, #tpu.memory_space<vmem>> -> memref<64xi32, #tpu.memory_space<vmem>>
    %dma_start3A_23 = arith.constant 0 : i32
    %dma_start3A_24 = arith.constant 0 : i32
    %dma_start3A_25 = tpu.memref_slice %arg2[%dma_start3A_23, %dma_start3A_24] : memref<10000x128xf32, #tpu.memory_space<hbm>> -> memref<10000x128xf32, #tpu.memory_space<hbm>>
    tpu.enqueue_indirect_dma source(%dma_start3A_25 : memref<10000x128xf32, #tpu.memory_space<hbm>>) target(%arg12 : memref<64x128xf32, #tpu.memory_space<vmem>>) offsets(%dma_start3A_22 : memref<64xi32, #tpu.memory_space<vmem>>) semaphore(%arg15 : memref<!tpu.dma_semaphore, #tpu.memory_space<semaphore_mem>>)
    %scan3A_26 = arith.constant 0 : i32
    %scan3A_27 = arith.constant 0 : i32
    %scan3A_28 = arith.constant 80 : i32
    %scan3A_29 = arith.addi %scan3A_27, %scan3A_28 : i32
    %scan3A_30 = arith.constant 1 : i32
    %scan3A_31 = scf.for %scan3A_39 = %scan3A_27 to %scan3A_29 step %scan3A_30 iter_args(%scan3A_40 = %scan3A_26) -> (i32)  : i32 {
      %dma_wait3A = arith.constant 0 : i32
      %dma_wait3A_41 = tpu.memref_slice %arg7[%scan3A_39, %dma_wait3A] : memref<80x128xi32, #tpu.memory_space<vmem>> -> memref<1x64xi32, #tpu.memory_space<vmem>>
      %dma_wait3A_42 = tpu.memref_squeeze %dma_wait3A_41 : memref<1x64xi32, #tpu.memory_space<vmem>> -> memref<64xi32, #tpu.memory_space<vmem>>
      %dma_wait3A_43 = arith.constant 0 : i32
      %dma_wait3A_44 = arith.constant 0 : i32
      %dma_wait3A_45 = tpu.memref_slice %arg2[%dma_wait3A_43, %dma_wait3A_44] : memref<10000x128xf32, #tpu.memory_space<hbm>> -> memref<10000x128xf32, #tpu.memory_space<hbm>>
      tpu.wait_indirect_dma semaphore(%arg14 : memref<!tpu.dma_semaphore, #tpu.memory_space<semaphore_mem>>) src(%dma_wait3A_45 : memref<10000x128xf32, #tpu.memory_space<hbm>>) dst(%arg11 : memref<64x128xf32, #tpu.memory_space<vmem>>)
      %broadcast_in_dim3A = vector.broadcast %scan3A_39 : i32 to vector<16xi32>
      %scan3A_46 = arith.constant 0 : i32
      %scan3A_47 = arith.constant 0 : i32
      %scan3A_48 = arith.constant 32 : i32
      %scan3A_49 = arith.addi %scan3A_47, %scan3A_48 : i32
      %scan3A_50 = arith.constant 1 : i32
      %scan3A_51 = scf.for %scan3A_164 = %scan3A_47 to %scan3A_49 step %scan3A_50 iter_args(%scan3A_165 = %scan3A_46) -> (i32)  : i32 {
        %mul3A_166 = arith.constant 2 : i32
        %mul3A_167 = arith.muli %mul3A_166, %scan3A_164 : i32
        %add3A_168 = arith.constant 0 : i32
        %add3A_169 = arith.addi %add3A_168, %mul3A_167 : i32
        %broadcast_in_dim3A_170 = vector.broadcast %add3A_169 : i32 to vector<16xi32>
        %gather3A = tpu.vector_load_idx %arg9[%broadcast_in_dim3A, %broadcast_in_dim3A_170] : memref<80x128xf32, #tpu.memory_space<vmem>>[vector<16xi32>, vector<16xi32>], vector<16xf32>,
        %add3A_171 = arith.constant 0 : i32
        %add3A_172 = arith.addi %add3A_171, %mul3A_167 : i32
        %add3A_173 = arith.constant 1 : i32
        %add3A_174 = arith.addi %add3A_172, %add3A_173 : i32
        %broadcast_in_dim3A_175 = vector.broadcast %add3A_174 : i32 to vector<16xi32>
        %gather3A_176 = tpu.vector_load_idx %arg9[%broadcast_in_dim3A, %broadcast_in_dim3A_175] : memref<80x128xf32, #tpu.memory_space<vmem>>[vector<16xi32>, vector<16xi32>], vector<16xf32>,
        %get3A_177 = arith.index_cast %mul3A_167 : i32 to index
        %get3A_178 = arith.constant 0 : index
        %get3A_179 = tpu.vector_load %arg11[%get3A_177, %get3A_178] {strides = array<i32>} : memref<64x128xf32, #tpu.memory_space<vmem>>, vector<16xf32>,
        %mul3A_180 = arith.mulf %get3A_179, %gather3A : vector<16xf32>
        %swap3A_181 = arith.index_cast %mul3A_167 : i32 to index
        %swap3A_182 = arith.constant 0 : index
        %swap3A_183 = tpu.vector_load %arg11[%swap3A_181, %swap3A_182] {strides = array<i32>} : memref<64x128xf32, #tpu.memory_space<vmem>>, vector<16xf32>,
        tpu.vector_store %arg11[%swap3A_181, %swap3A_182], %mul3A_180 {strides = array<i32>} : memref<64x128xf32, #tpu.memory_space<vmem>>, vector<16xf32>,
        %get3A_184 = arith.index_cast %mul3A_167 : i32 to index
        %get3A_185 = arith.constant 16 : index
        %get3A_186 = tpu.vector_load %arg11[%get3A_184, %get3A_185] {strides = array<i32>} : memref<64x128xf32, #tpu.memory_space<vmem>>, vector<16xf32>,
        %mul3A_187 = arith.mulf %get3A_186, %gather3A : vector<16xf32>
        %swap3A_188 = arith.index_cast %mul3A_167 : i32 to index
        %swap3A_189 = arith.constant 16 : index
        %swap3A_190 = tpu.vector_load %arg11[%swap3A_188, %swap3A_189] {strides = array<i32>} : memref<64x128xf32, #tpu.memory_space<vmem>>, vector<16xf32>,
        tpu.vector_store %arg11[%swap3A_188, %swap3A_189], %mul3A_187 {strides = array<i32>} : memref<64x128xf32, #tpu.memory_space<vmem>>, vector<16xf32>,
        %get3A_191 = arith.index_cast %mul3A_167 : i32 to index
        %get3A_192 = arith.constant 32 : index
        %get3A_193 = tpu.vector_load %arg11[%get3A_191, %get3A_192] {strides = array<i32>} : memref<64x128xf32, #tpu.memory_space<vmem>>, vector<16xf32>,
        %mul3A_194 = arith.mulf %get3A_193, %gather3A : vector<16xf32>
        %swap3A_195 = arith.index_cast %mul3A_167 : i32 to index
        %swap3A_196 = arith.constant 32 : index
        %swap3A_197 = tpu.vector_load %arg11[%swap3A_195, %swap3A_196] {strides = array<i32>} : memref<64x128xf32, #tpu.memory_space<vmem>>, vector<16xf32>,
        tpu.vector_store %arg11[%swap3A_195, %swap3A_196], %mul3A_194 {strides = array<i32>} : memref<64x128xf32, #tpu.memory_space<vmem>>, vector<16xf32>,
        %get3A_198 = arith.index_cast %mul3A_167 : i32 to index
        %get3A_199 = arith.constant 48 : index
        %get3A_200 = tpu.vector_load %arg11[%get3A_198, %get3A_199] {strides = array<i32>} : memref<64x128xf32, #tpu.memory_space<vmem>>, vector<16xf32>,
        %mul3A_201 = arith.mulf %get3A_200, %gather3A : vector<16xf32>
        %swap3A_202 = arith.index_cast %mul3A_167 : i32 to index
        %swap3A_203 = arith.constant 48 : index
        %swap3A_204 = tpu.vector_load %arg11[%swap3A_202, %swap3A_203] {strides = array<i32>} : memref<64x128xf32, #tpu.memory_space<vmem>>, vector<16xf32>,
        tpu.vector_store %arg11[%swap3A_202, %swap3A_203], %mul3A_201 {strides = array<i32>} : memref<64x128xf32, #tpu.memory_space<vmem>>, vector<16xf32>,
        %get3A_205 = arith.index_cast %mul3A_167 : i32 to index
        %get3A_206 = arith.constant 64 : index
        %get3A_207 = tpu.vector_load %arg11[%get3A_205, %get3A_206] {strides = array<i32>} : memref<64x128xf32, #tpu.memory_space<vmem>>, vector<16xf32>,
        %mul3A_208 = arith.mulf %get3A_207, %gather3A : vector<16xf32>
        %swap3A_209 = arith.index_cast %mul3A_167 : i32 to index
        %swap3A_210 = arith.constant 64 : index
        %swap3A_211 = tpu.vector_load %arg11[%swap3A_209, %swap3A_210] {strides = array<i32>} : memref<64x128xf32, #tpu.memory_space<vmem>>, vector<16xf32>,
        tpu.vector_store %arg11[%swap3A_209, %swap3A_210], %mul3A_208 {strides = array<i32>} : memref<64x128xf32, #tpu.memory_space<vmem>>, vector<16xf32>,
        %get3A_212 = arith.index_cast %mul3A_167 : i32 to index
        %get3A_213 = arith.constant 80 : index
        %get3A_214 = tpu.vector_load %arg11[%get3A_212, %get3A_213] {strides = array<i32>} : memref<64x128xf32, #tpu.memory_space<vmem>>, vector<16xf32>,
        %mul3A_215 = arith.mulf %get3A_214, %gather3A : vector<16xf32>
        %swap3A_216 = arith.index_cast %mul3A_167 : i32 to index
        %swap3A_217 = arith.constant 80 : index
        %swap3A_218 = tpu.vector_load %arg11[%swap3A_216, %swap3A_217] {strides = array<i32>} : memref<64x128xf32, #tpu.memory_space<vmem>>, vector<16xf32>,
        tpu.vector_store %arg11[%swap3A_216, %swap3A_217], %mul3A_215 {strides = array<i32>} : memref<64x128xf32, #tpu.memory_space<vmem>>, vector<16xf32>,
        %get3A_219 = arith.index_cast %mul3A_167 : i32 to index
        %get3A_220 = arith.constant 96 : index
        %get3A_221 = tpu.vector_load %arg11[%get3A_219, %get3A_220] {strides = array<i32>} : memref<64x128xf32, #tpu.memory_space<vmem>>, vector<16xf32>,
        %mul3A_222 = arith.mulf %get3A_221, %gather3A : vector<16xf32>
        %swap3A_223 = arith.index_cast %mul3A_167 : i32 to index
        %swap3A_224 = arith.constant 96 : index
        %swap3A_225 = tpu.vector_load %arg11[%swap3A_223, %swap3A_224] {strides = array<i32>} : memref<64x128xf32, #tpu.memory_space<vmem>>, vector<16xf32>,
        tpu.vector_store %arg11[%swap3A_223, %swap3A_224], %mul3A_222 {strides = array<i32>} : memref<64x128xf32, #tpu.memory_space<vmem>>, vector<16xf32>,
        %get3A_226 = arith.index_cast %mul3A_167 : i32 to index
        %get3A_227 = arith.constant 112 : index
        %get3A_228 = tpu.vector_load %arg11[%get3A_226, %get3A_227] {strides = array<i32>} : memref<64x128xf32, #tpu.memory_space<vmem>>, vector<16xf32>,
        %mul3A_229 = arith.mulf %get3A_228, %gather3A : vector<16xf32>
        %swap3A_230 = arith.index_cast %mul3A_167 : i32 to index
        %swap3A_231 = arith.constant 112 : index
        %swap3A_232 = tpu.vector_load %arg11[%swap3A_230, %swap3A_231] {strides = array<i32>} : memref<64x128xf32, #tpu.memory_space<vmem>>, vector<16xf32>,
        tpu.vector_store %arg11[%swap3A_230, %swap3A_231], %mul3A_229 {strides = array<i32>} : memref<64x128xf32, #tpu.memory_space<vmem>>, vector<16xf32>,
        %add3A_233 = arith.constant 1 : i32
        %add3A_234 = arith.addi %mul3A_167, %add3A_233 : i32
        %get3A_235 = arith.index_cast %add3A_234 : i32 to index
        %get3A_236 = arith.constant 0 : index
        %get3A_237 = tpu.vector_load %arg11[%get3A_235, %get3A_236] {strides = array<i32>} : memref<64x128xf32, #tpu.memory_space<vmem>>, vector<16xf32>,
        %mul3A_238 = arith.mulf %get3A_237, %gather3A_176 : vector<16xf32>
        %add3A_239 = arith.constant 1 : i32
        %add3A_240 = arith.addi %mul3A_167, %add3A_239 : i32
        %swap3A_241 = arith.index_cast %add3A_240 : i32 to index
        %swap3A_242 = arith.constant 0 : index
        %swap3A_243 = tpu.vector_load %arg11[%swap3A_241, %swap3A_242] {strides = array<i32>} : memref<64x128xf32, #tpu.memory_space<vmem>>, vector<16xf32>,
        tpu.vector_store %arg11[%swap3A_241, %swap3A_242], %mul3A_238 {strides = array<i32>} : memref<64x128xf32, #tpu.memory_space<vmem>>, vector<16xf32>,
        %add3A_244 = arith.constant 1 : i32
        %add3A_245 = arith.addi %mul3A_167, %add3A_244 : i32
        %get3A_246 = arith.index_cast %add3A_245 : i32 to index
        %get3A_247 = arith.constant 16 : index
        %get3A_248 = tpu.vector_load %arg11[%get3A_246, %get3A_247] {strides = array<i32>} : memref<64x128xf32, #tpu.memory_space<vmem>>, vector<16xf32>,
        %mul3A_249 = arith.mulf %get3A_248, %gather3A_176 : vector<16xf32>
        %add3A_250 = arith.constant 1 : i32
        %add3A_251 = arith.addi %mul3A_167, %add3A_250 : i32
        %swap3A_252 = arith.index_cast %add3A_251 : i32 to index
        %swap3A_253 = arith.constant 16 : index
        %swap3A_254 = tpu.vector_load %arg11[%swap3A_252, %swap3A_253] {strides = array<i32>} : memref<64x128xf32, #tpu.memory_space<vmem>>, vector<16xf32>,
        tpu.vector_store %arg11[%swap3A_252, %swap3A_253], %mul3A_249 {strides = array<i32>} : memref<64x128xf32, #tpu.memory_space<vmem>>, vector<16xf32>,
        %add3A_255 = arith.constant 1 : i32
        %add3A_256 = arith.addi %mul3A_167, %add3A_255 : i32
        %get3A_257 = arith.index_cast %add3A_256 : i32 to index
        %get3A_258 = arith.constant 32 : index
        %get3A_259 = tpu.vector_load %arg11[%get3A_257, %get3A_258] {strides = array<i32>} : memref<64x128xf32, #tpu.memory_space<vmem>>, vector<16xf32>,
        %mul3A_260 = arith.mulf %get3A_259, %gather3A_176 : vector<16xf32>
        %add3A_261 = arith.constant 1 : i32
        %add3A_262 = arith.addi %mul3A_167, %add3A_261 : i32
        %swap3A_263 = arith.index_cast %add3A_262 : i32 to index
        %swap3A_264 = arith.constant 32 : index
        %swap3A_265 = tpu.vector_load %arg11[%swap3A_263, %swap3A_264] {strides = array<i32>} : memref<64x128xf32, #tpu.memory_space<vmem>>, vector<16xf32>,
        tpu.vector_store %arg11[%swap3A_263, %swap3A_264], %mul3A_260 {strides = array<i32>} : memref<64x128xf32, #tpu.memory_space<vmem>>, vector<16xf32>,
        %add3A_266 = arith.constant 1 : i32
        %add3A_267 = arith.addi %mul3A_167, %add3A_266 : i32
        %get3A_268 = arith.index_cast %add3A_267 : i32 to index
        %get3A_269 = arith.constant 48 : index
        %get3A_270 = tpu.vector_load %arg11[%get3A_268, %get3A_269] {strides = array<i32>} : memref<64x128xf32, #tpu.memory_space<vmem>>, vector<16xf32>,
        %mul3A_271 = arith.mulf %get3A_270, %gather3A_176 : vector<16xf32>
        %add3A_272 = arith.constant 1 : i32
        %add3A_273 = arith.addi %mul3A_167, %add3A_272 : i32
        %swap3A_274 = arith.index_cast %add3A_273 : i32 to index
        %swap3A_275 = arith.constant 48 : index
        %swap3A_276 = tpu.vector_load %arg11[%swap3A_274, %swap3A_275] {strides = array<i32>} : memref<64x128xf32, #tpu.memory_space<vmem>>, vector<16xf32>,
        tpu.vector_store %arg11[%swap3A_274, %swap3A_275], %mul3A_271 {strides = array<i32>} : memref<64x128xf32, #tpu.memory_space<vmem>>, vector<16xf32>,
        %add3A_277 = arith.constant 1 : i32
        %add3A_278 = arith.addi %mul3A_167, %add3A_277 : i32
        %get3A_279 = arith.index_cast %add3A_278 : i32 to index
        %get3A_280 = arith.constant 64 : index
        %get3A_281 = tpu.vector_load %arg11[%get3A_279, %get3A_280] {strides = array<i32>} : memref<64x128xf32, #tpu.memory_space<vmem>>, vector<16xf32>,
        %mul3A_282 = arith.mulf %get3A_281, %gather3A_176 : vector<16xf32>
        %add3A_283 = arith.constant 1 : i32
        %add3A_284 = arith.addi %mul3A_167, %add3A_283 : i32
        %swap3A_285 = arith.index_cast %add3A_284 : i32 to index
        %swap3A_286 = arith.constant 64 : index
        %swap3A_287 = tpu.vector_load %arg11[%swap3A_285, %swap3A_286] {strides = array<i32>} : memref<64x128xf32, #tpu.memory_space<vmem>>, vector<16xf32>,
        tpu.vector_store %arg11[%swap3A_285, %swap3A_286], %mul3A_282 {strides = array<i32>} : memref<64x128xf32, #tpu.memory_space<vmem>>, vector<16xf32>,
        %add3A_288 = arith.constant 1 : i32
        %add3A_289 = arith.addi %mul3A_167, %add3A_288 : i32
        %get3A_290 = arith.index_cast %add3A_289 : i32 to index
        %get3A_291 = arith.constant 80 : index
        %get3A_292 = tpu.vector_load %arg11[%get3A_290, %get3A_291] {strides = array<i32>} : memref<64x128xf32, #tpu.memory_space<vmem>>, vector<16xf32>,
        %mul3A_293 = arith.mulf %get3A_292, %gather3A_176 : vector<16xf32>
        %add3A_294 = arith.constant 1 : i32
        %add3A_295 = arith.addi %mul3A_167, %add3A_294 : i32
        %swap3A_296 = arith.index_cast %add3A_295 : i32 to index
        %swap3A_297 = arith.constant 80 : index
        %swap3A_298 = tpu.vector_load %arg11[%swap3A_296, %swap3A_297] {strides = array<i32>} : memref<64x128xf32, #tpu.memory_space<vmem>>, vector<16xf32>,
        tpu.vector_store %arg11[%swap3A_296, %swap3A_297], %mul3A_293 {strides = array<i32>} : memref<64x128xf32, #tpu.memory_space<vmem>>, vector<16xf32>,
        %add3A_299 = arith.constant 1 : i32
        %add3A_300 = arith.addi %mul3A_167, %add3A_299 : i32
        %get3A_301 = arith.index_cast %add3A_300 : i32 to index
        %get3A_302 = arith.constant 96 : index
        %get3A_303 = tpu.vector_load %arg11[%get3A_301, %get3A_302] {strides = array<i32>} : memref<64x128xf32, #tpu.memory_space<vmem>>, vector<16xf32>,
        %mul3A_304 = arith.mulf %get3A_303, %gather3A_176 : vector<16xf32>
        %add3A_305 = arith.constant 1 : i32
        %add3A_306 = arith.addi %mul3A_167, %add3A_305 : i32
        %swap3A_307 = arith.index_cast %add3A_306 : i32 to index
        %swap3A_308 = arith.constant 96 : index
        %swap3A_309 = tpu.vector_load %arg11[%swap3A_307, %swap3A_308] {strides = array<i32>} : memref<64x128xf32, #tpu.memory_space<vmem>>, vector<16xf32>,
        tpu.vector_store %arg11[%swap3A_307, %swap3A_308], %mul3A_304 {strides = array<i32>} : memref<64x128xf32, #tpu.memory_space<vmem>>, vector<16xf32>,
        %add3A_310 = arith.constant 1 : i32
        %add3A_311 = arith.addi %mul3A_167, %add3A_310 : i32
        %get3A_312 = arith.index_cast %add3A_311 : i32 to index
        %get3A_313 = arith.constant 112 : index
        %get3A_314 = tpu.vector_load %arg11[%get3A_312, %get3A_313] {strides = array<i32>} : memref<64x128xf32, #tpu.memory_space<vmem>>, vector<16xf32>,
        %mul3A_315 = arith.mulf %get3A_314, %gather3A_176 : vector<16xf32>
        %add3A_316 = arith.constant 1 : i32
        %add3A_317 = arith.addi %mul3A_167, %add3A_316 : i32
        %swap3A_318 = arith.index_cast %add3A_317 : i32 to index
        %swap3A_319 = arith.constant 112 : index
        %swap3A_320 = tpu.vector_load %arg11[%swap3A_318, %swap3A_319] {strides = array<i32>} : memref<64x128xf32, #tpu.memory_space<vmem>>, vector<16xf32>,
        tpu.vector_store %arg11[%swap3A_318, %swap3A_319], %mul3A_315 {strides = array<i32>} : memref<64x128xf32, #tpu.memory_space<vmem>>, vector<16xf32>,
        %scan3A_321 = arith.constant 0 : i32
        scf.yield %scan3A_321 : i32
      }
      %scan3A_52 = arith.constant 32 : i32
      %get3A = arith.index_cast %scan3A_39 : i32 to index
      %get3A_53 = arith.constant 0 : index
      %get3A_54 = tpu.vector_load %arg8[%get3A, %get3A_53] {strides = array<i32>} : memref<80x128xi32, #tpu.memory_space<vmem>>, vector<16xi32>,
      %swap3A = arith.constant 0 : i32
      %swap3A_55 = arith.index_cast %swap3A : i32 to index
      %swap3A_56 = arith.constant 0 : index
      %swap3A_57 = tpu.vector_load %arg10[%swap3A_55, %swap3A_56] {strides = array<i32>} : memref<2x64xi32, #tpu.memory_space<vmem>>, vector<16xi32>,
      tpu.vector_store %arg10[%swap3A_55, %swap3A_56], %get3A_54 {strides = array<i32>} : memref<2x64xi32, #tpu.memory_space<vmem>>, vector<16xi32>,
      %get3A_58 = arith.index_cast %scan3A_39 : i32 to index
      %get3A_59 = arith.constant 16 : index
      %get3A_60 = tpu.vector_load %arg8[%get3A_58, %get3A_59] {strides = array<i32>} : memref<80x128xi32, #tpu.memory_space<vmem>>, vector<16xi32>,
      %swap3A_61 = arith.constant 0 : i32
      %swap3A_62 = arith.index_cast %swap3A_61 : i32 to index
      %swap3A_63 = arith.constant 16 : index
      %swap3A_64 = tpu.vector_load %arg10[%swap3A_62, %swap3A_63] {strides = array<i32>} : memref<2x64xi32, #tpu.memory_space<vmem>>, vector<16xi32>,
      tpu.vector_store %arg10[%swap3A_62, %swap3A_63], %get3A_60 {strides = array<i32>} : memref<2x64xi32, #tpu.memory_space<vmem>>, vector<16xi32>,
      %get3A_65 = arith.index_cast %scan3A_39 : i32 to index
      %get3A_66 = arith.constant 32 : index
      %get3A_67 = tpu.vector_load %arg8[%get3A_65, %get3A_66] {strides = array<i32>} : memref<80x128xi32, #tpu.memory_space<vmem>>, vector<16xi32>,
      %swap3A_68 = arith.constant 0 : i32
      %swap3A_69 = arith.index_cast %swap3A_68 : i32 to index
      %swap3A_70 = arith.constant 32 : index
      %swap3A_71 = tpu.vector_load %arg10[%swap3A_69, %swap3A_70] {strides = array<i32>} : memref<2x64xi32, #tpu.memory_space<vmem>>, vector<16xi32>,
      tpu.vector_store %arg10[%swap3A_69, %swap3A_70], %get3A_67 {strides = array<i32>} : memref<2x64xi32, #tpu.memory_space<vmem>>, vector<16xi32>,
      %get3A_72 = arith.index_cast %scan3A_39 : i32 to index
      %get3A_73 = arith.constant 48 : index
      %get3A_74 = tpu.vector_load %arg8[%get3A_72, %get3A_73] {strides = array<i32>} : memref<80x128xi32, #tpu.memory_space<vmem>>, vector<16xi32>,
      %swap3A_75 = arith.constant 0 : i32
      %swap3A_76 = arith.index_cast %swap3A_75 : i32 to index
      %swap3A_77 = arith.constant 48 : index
      %swap3A_78 = tpu.vector_load %arg10[%swap3A_76, %swap3A_77] {strides = array<i32>} : memref<2x64xi32, #tpu.memory_space<vmem>>, vector<16xi32>,
      tpu.vector_store %arg10[%swap3A_76, %swap3A_77], %get3A_74 {strides = array<i32>} : memref<2x64xi32, #tpu.memory_space<vmem>>, vector<16xi32>,
      %dma_start3A_79 = arith.constant 0 : i32
      %dma_start3A_80 = arith.constant 0 : i32
      %dma_start3A_81 = tpu.memref_slice %arg10[%dma_start3A_79, %dma_start3A_80] : memref<2x64xi32, #tpu.memory_space<vmem>> -> memref<1x64xi32, #tpu.memory_space<vmem>>
      %dma_start3A_82 = tpu.memref_squeeze %dma_start3A_81 : memref<1x64xi32, #tpu.memory_space<vmem>> -> memref<64xi32, #tpu.memory_space<vmem>>
      %dma_start3A_83 = arith.constant 0 : i32
      %dma_start3A_84 = arith.constant 0 : i32
      %dma_start3A_85 = tpu.memref_slice %arg13[%dma_start3A_83, %dma_start3A_84] : memref<10000x128xf32, #tpu.memory_space<vmem_shared>> -> memref<10000x128xf32, #tpu.memory_space<vmem_shared>>
      tpu.enqueue_indirect_dma source(%arg11 : memref<64x128xf32, #tpu.memory_space<vmem>>) target(%dma_start3A_85 : memref<10000x128xf32, #tpu.memory_space<vmem_shared>>) offsets(%dma_start3A_82 : memref<64xi32, #tpu.memory_space<vmem>>) semaphore(%arg16 : memref<!tpu.dma_semaphore, #tpu.memory_space<semaphore_mem>>) {add = true}
      %dma_wait3A_86 = arith.constant 64 : i32
      %dma_wait3A_87 = tpu.memref_slice %arg7[%scan3A_39, %dma_wait3A_86] : memref<80x128xi32, #tpu.memory_space<vmem>> -> memref<1x64xi32, #tpu.memory_space<vmem>>
      %dma_wait3A_88 = tpu.memref_squeeze %dma_wait3A_87 : memref<1x64xi32, #tpu.memory_space<vmem>> -> memref<64xi32, #tpu.memory_space<vmem>>
      %dma_wait3A_89 = arith.constant 0 : i32
      %dma_wait3A_90 = arith.constant 0 : i32
      %dma_wait3A_91 = tpu.memref_slice %arg2[%dma_wait3A_89, %dma_wait3A_90] : memref<10000x128xf32, #tpu.memory_space<hbm>> -> memref<10000x128xf32, #tpu.memory_space<hbm>>
      tpu.wait_indirect_dma semaphore(%arg15 : memref<!tpu.dma_semaphore, #tpu.memory_space<semaphore_mem>>) src(%dma_wait3A_91 : memref<10000x128xf32, #tpu.memory_space<hbm>>) dst(%arg12 : memref<64x128xf32, #tpu.memory_space<vmem>>)
      %broadcast_in_dim3A_92 = vector.broadcast %scan3A_39 : i32 to vector<16xi32>
      %scan3A_93 = arith.constant 0 : i32
      %scan3A_94 = arith.constant 0 : i32
      %scan3A_95 = arith.constant 32 : i32
      %scan3A_96 = arith.addi %scan3A_94, %scan3A_95 : i32
      %scan3A_97 = arith.constant 1 : i32
      %scan3A_98 = scf.for %scan3A_164 = %scan3A_94 to %scan3A_96 step %scan3A_97 iter_args(%scan3A_165 = %scan3A_93) -> (i32)  : i32 {
        %mul3A_166 = arith.constant 2 : i32
        %mul3A_167 = arith.muli %mul3A_166, %scan3A_164 : i32
        %add3A_168 = arith.constant 64 : i32
        %add3A_169 = arith.addi %add3A_168, %mul3A_167 : i32
        %broadcast_in_dim3A_170 = vector.broadcast %add3A_169 : i32 to vector<16xi32>
        %gather3A = tpu.vector_load_idx %arg9[%broadcast_in_dim3A_92, %broadcast_in_dim3A_170] : memref<80x128xf32, #tpu.memory_space<vmem>>[vector<16xi32>, vector<16xi32>], vector<16xf32>,
        %add3A_171 = arith.constant 64 : i32
        %add3A_172 = arith.addi %add3A_171, %mul3A_167 : i32
        %add3A_173 = arith.constant 1 : i32
        %add3A_174 = arith.addi %add3A_172, %add3A_173 : i32
        %broadcast_in_dim3A_175 = vector.broadcast %add3A_174 : i32 to vector<16xi32>
        %gather3A_176 = tpu.vector_load_idx %arg9[%broadcast_in_dim3A_92, %broadcast_in_dim3A_175] : memref<80x128xf32, #tpu.memory_space<vmem>>[vector<16xi32>, vector<16xi32>], vector<16xf32>,
        %get3A_177 = arith.index_cast %mul3A_167 : i32 to index
        %get3A_178 = arith.constant 0 : index
        %get3A_179 = tpu.vector_load %arg12[%get3A_177, %get3A_178] {strides = array<i32>} : memref<64x128xf32, #tpu.memory_space<vmem>>, vector<16xf32>,
        %mul3A_180 = arith.mulf %get3A_179, %gather3A : vector<16xf32>
        %swap3A_181 = arith.index_cast %mul3A_167 : i32 to index
        %swap3A_182 = arith.constant 0 : index
        %swap3A_183 = tpu.vector_load %arg12[%swap3A_181, %swap3A_182] {strides = array<i32>} : memref<64x128xf32, #tpu.memory_space<vmem>>, vector<16xf32>,
        tpu.vector_store %arg12[%swap3A_181, %swap3A_182], %mul3A_180 {strides = array<i32>} : memref<64x128xf32, #tpu.memory_space<vmem>>, vector<16xf32>,
        %get3A_184 = arith.index_cast %mul3A_167 : i32 to index
        %get3A_185 = arith.constant 16 : index
        %get3A_186 = tpu.vector_load %arg12[%get3A_184, %get3A_185] {strides = array<i32>} : memref<64x128xf32, #tpu.memory_space<vmem>>, vector<16xf32>,
        %mul3A_187 = arith.mulf %get3A_186, %gather3A : vector<16xf32>
        %swap3A_188 = arith.index_cast %mul3A_167 : i32 to index
        %swap3A_189 = arith.constant 16 : index
        %swap3A_190 = tpu.vector_load %arg12[%swap3A_188, %swap3A_189] {strides = array<i32>} : memref<64x128xf32, #tpu.memory_space<vmem>>, vector<16xf32>,
        tpu.vector_store %arg12[%swap3A_188, %swap3A_189], %mul3A_187 {strides = array<i32>} : memref<64x128xf32, #tpu.memory_space<vmem>>, vector<16xf32>,
        %get3A_191 = arith.index_cast %mul3A_167 : i32 to index
        %get3A_192 = arith.constant 32 : index
        %get3A_193 = tpu.vector_load %arg12[%get3A_191, %get3A_192] {strides = array<i32>} : memref<64x128xf32, #tpu.memory_space<vmem>>, vector<16xf32>,
        %mul3A_194 = arith.mulf %get3A_193, %gather3A : vector<16xf32>
        %swap3A_195 = arith.index_cast %mul3A_167 : i32 to index
        %swap3A_196 = arith.constant 32 : index
        %swap3A_197 = tpu.vector_load %arg12[%swap3A_195, %swap3A_196] {strides = array<i32>} : memref<64x128xf32, #tpu.memory_space<vmem>>, vector<16xf32>,
        tpu.vector_store %arg12[%swap3A_195, %swap3A_196], %mul3A_194 {strides = array<i32>} : memref<64x128xf32, #tpu.memory_space<vmem>>, vector<16xf32>,
        %get3A_198 = arith.index_cast %mul3A_167 : i32 to index
        %get3A_199 = arith.constant 48 : index
        %get3A_200 = tpu.vector_load %arg12[%get3A_198, %get3A_199] {strides = array<i32>} : memref<64x128xf32, #tpu.memory_space<vmem>>, vector<16xf32>,
        %mul3A_201 = arith.mulf %get3A_200, %gather3A : vector<16xf32>
        %swap3A_202 = arith.index_cast %mul3A_167 : i32 to index
        %swap3A_203 = arith.constant 48 : index
        %swap3A_204 = tpu.vector_load %arg12[%swap3A_202, %swap3A_203] {strides = array<i32>} : memref<64x128xf32, #tpu.memory_space<vmem>>, vector<16xf32>,
        tpu.vector_store %arg12[%swap3A_202, %swap3A_203], %mul3A_201 {strides = array<i32>} : memref<64x128xf32, #tpu.memory_space<vmem>>, vector<16xf32>,
        %get3A_205 = arith.index_cast %mul3A_167 : i32 to index
        %get3A_206 = arith.constant 64 : index
        %get3A_207 = tpu.vector_load %arg12[%get3A_205, %get3A_206] {strides = array<i32>} : memref<64x128xf32, #tpu.memory_space<vmem>>, vector<16xf32>,
        %mul3A_208 = arith.mulf %get3A_207, %gather3A : vector<16xf32>
        %swap3A_209 = arith.index_cast %mul3A_167 : i32 to index
        %swap3A_210 = arith.constant 64 : index
        %swap3A_211 = tpu.vector_load %arg12[%swap3A_209, %swap3A_210] {strides = array<i32>} : memref<64x128xf32, #tpu.memory_space<vmem>>, vector<16xf32>,
        tpu.vector_store %arg12[%swap3A_209, %swap3A_210], %mul3A_208 {strides = array<i32>} : memref<64x128xf32, #tpu.memory_space<vmem>>, vector<16xf32>,
        %get3A_212 = arith.index_cast %mul3A_167 : i32 to index
        %get3A_213 = arith.constant 80 : index
        %get3A_214 = tpu.vector_load %arg12[%get3A_212, %get3A_213] {strides = array<i32>} : memref<64x128xf32, #tpu.memory_space<vmem>>, vector<16xf32>,
        %mul3A_215 = arith.mulf %get3A_214, %gather3A : vector<16xf32>
        %swap3A_216 = arith.index_cast %mul3A_167 : i32 to index
        %swap3A_217 = arith.constant 80 : index
        %swap3A_218 = tpu.vector_load %arg12[%swap3A_216, %swap3A_217] {strides = array<i32>} : memref<64x128xf32, #tpu.memory_space<vmem>>, vector<16xf32>,
        tpu.vector_store %arg12[%swap3A_216, %swap3A_217], %mul3A_215 {strides = array<i32>} : memref<64x128xf32, #tpu.memory_space<vmem>>, vector<16xf32>,
        %get3A_219 = arith.index_cast %mul3A_167 : i32 to index
        %get3A_220 = arith.constant 96 : index
        %get3A_221 = tpu.vector_load %arg12[%get3A_219, %get3A_220] {strides = array<i32>} : memref<64x128xf32, #tpu.memory_space<vmem>>, vector<16xf32>,
        %mul3A_222 = arith.mulf %get3A_221, %gather3A : vector<16xf32>
        %swap3A_223 = arith.index_cast %mul3A_167 : i32 to index
        %swap3A_224 = arith.constant 96 : index
        %swap3A_225 = tpu.vector_load %arg12[%swap3A_223, %swap3A_224] {strides = array<i32>} : memref<64x128xf32, #tpu.memory_space<vmem>>, vector<16xf32>,
        tpu.vector_store %arg12[%swap3A_223, %swap3A_224], %mul3A_222 {strides = array<i32>} : memref<64x128xf32, #tpu.memory_space<vmem>>, vector<16xf32>,
        %get3A_226 = arith.index_cast %mul3A_167 : i32 to index
        %get3A_227 = arith.constant 112 : index
        %get3A_228 = tpu.vector_load %arg12[%get3A_226, %get3A_227] {strides = array<i32>} : memref<64x128xf32, #tpu.memory_space<vmem>>, vector<16xf32>,
        %mul3A_229 = arith.mulf %get3A_228, %gather3A : vector<16xf32>
        %swap3A_230 = arith.index_cast %mul3A_167 : i32 to index
        %swap3A_231 = arith.constant 112 : index
        %swap3A_232 = tpu.vector_load %arg12[%swap3A_230, %swap3A_231] {strides = array<i32>} : memref<64x128xf32, #tpu.memory_space<vmem>>, vector<16xf32>,
        tpu.vector_store %arg12[%swap3A_230, %swap3A_231], %mul3A_229 {strides = array<i32>} : memref<64x128xf32, #tpu.memory_space<vmem>>, vector<16xf32>,
        %add3A_233 = arith.constant 1 : i32
        %add3A_234 = arith.addi %mul3A_167, %add3A_233 : i32
        %get3A_235 = arith.index_cast %add3A_234 : i32 to index
        %get3A_236 = arith.constant 0 : index
        %get3A_237 = tpu.vector_load %arg12[%get3A_235, %get3A_236] {strides = array<i32>} : memref<64x128xf32, #tpu.memory_space<vmem>>, vector<16xf32>,
        %mul3A_238 = arith.mulf %get3A_237, %gather3A_176 : vector<16xf32>
        %add3A_239 = arith.constant 1 : i32
        %add3A_240 = arith.addi %mul3A_167, %add3A_239 : i32
        %swap3A_241 = arith.index_cast %add3A_240 : i32 to index
        %swap3A_242 = arith.constant 0 : index
        %swap3A_243 = tpu.vector_load %arg12[%swap3A_241, %swap3A_242] {strides = array<i32>} : memref<64x128xf32, #tpu.memory_space<vmem>>, vector<16xf32>,
        tpu.vector_store %arg12[%swap3A_241, %swap3A_242], %mul3A_238 {strides = array<i32>} : memref<64x128xf32, #tpu.memory_space<vmem>>, vector<16xf32>,
        %add3A_244 = arith.constant 1 : i32
        %add3A_245 = arith.addi %mul3A_167, %add3A_244 : i32
        %get3A_246 = arith.index_cast %add3A_245 : i32 to index
        %get3A_247 = arith.constant 16 : index
        %get3A_248 = tpu.vector_load %arg12[%get3A_246, %get3A_247] {strides = array<i32>} : memref<64x128xf32, #tpu.memory_space<vmem>>, vector<16xf32>,
        %mul3A_249 = arith.mulf %get3A_248, %gather3A_176 : vector<16xf32>
        %add3A_250 = arith.constant 1 : i32
        %add3A_251 = arith.addi %mul3A_167, %add3A_250 : i32
        %swap3A_252 = arith.index_cast %add3A_251 : i32 to index
        %swap3A_253 = arith.constant 16 : index
        %swap3A_254 = tpu.vector_load %arg12[%swap3A_252, %swap3A_253] {strides = array<i32>} : memref<64x128xf32, #tpu.memory_space<vmem>>, vector<16xf32>,
        tpu.vector_store %arg12[%swap3A_252, %swap3A_253], %mul3A_249 {strides = array<i32>} : memref<64x128xf32, #tpu.memory_space<vmem>>, vector<16xf32>,
        %add3A_255 = arith.constant 1 : i32
        %add3A_256 = arith.addi %mul3A_167, %add3A_255 : i32
        %get3A_257 = arith.index_cast %add3A_256 : i32 to index
        %get3A_258 = arith.constant 32 : index
        %get3A_259 = tpu.vector_load %arg12[%get3A_257, %get3A_258] {strides = array<i32>} : memref<64x128xf32, #tpu.memory_space<vmem>>, vector<16xf32>,
        %mul3A_260 = arith.mulf %get3A_259, %gather3A_176 : vector<16xf32>
        %add3A_261 = arith.constant 1 : i32
        %add3A_262 = arith.addi %mul3A_167, %add3A_261 : i32
        %swap3A_263 = arith.index_cast %add3A_262 : i32 to index
        %swap3A_264 = arith.constant 32 : index
        %swap3A_265 = tpu.vector_load %arg12[%swap3A_263, %swap3A_264] {strides = array<i32>} : memref<64x128xf32, #tpu.memory_space<vmem>>, vector<16xf32>,
        tpu.vector_store %arg12[%swap3A_263, %swap3A_264], %mul3A_260 {strides = array<i32>} : memref<64x128xf32, #tpu.memory_space<vmem>>, vector<16xf32>,
        %add3A_266 = arith.constant 1 : i32
        %add3A_267 = arith.addi %mul3A_167, %add3A_266 : i32
        %get3A_268 = arith.index_cast %add3A_267 : i32 to index
        %get3A_269 = arith.constant 48 : index
        %get3A_270 = tpu.vector_load %arg12[%get3A_268, %get3A_269] {strides = array<i32>} : memref<64x128xf32, #tpu.memory_space<vmem>>, vector<16xf32>,
        %mul3A_271 = arith.mulf %get3A_270, %gather3A_176 : vector<16xf32>
        %add3A_272 = arith.constant 1 : i32
        %add3A_273 = arith.addi %mul3A_167, %add3A_272 : i32
        %swap3A_274 = arith.index_cast %add3A_273 : i32 to index
        %swap3A_275 = arith.constant 48 : index
        %swap3A_276 = tpu.vector_load %arg12[%swap3A_274, %swap3A_275] {strides = array<i32>} : memref<64x128xf32, #tpu.memory_space<vmem>>, vector<16xf32>,
        tpu.vector_store %arg12[%swap3A_274, %swap3A_275], %mul3A_271 {strides = array<i32>} : memref<64x128xf32, #tpu.memory_space<vmem>>, vector<16xf32>,
        %add3A_277 = arith.constant 1 : i32
        %add3A_278 = arith.addi %mul3A_167, %add3A_277 : i32
        %get3A_279 = arith.index_cast %add3A_278 : i32 to index
        %get3A_280 = arith.constant 64 : index
        %get3A_281 = tpu.vector_load %arg12[%get3A_279, %get3A_280] {strides = array<i32>} : memref<64x128xf32, #tpu.memory_space<vmem>>, vector<16xf32>,
        %mul3A_282 = arith.mulf %get3A_281, %gather3A_176 : vector<16xf32>
        %add3A_283 = arith.constant 1 : i32
        %add3A_284 = arith.addi %mul3A_167, %add3A_283 : i32
        %swap3A_285 = arith.index_cast %add3A_284 : i32 to index
        %swap3A_286 = arith.constant 64 : index
        %swap3A_287 = tpu.vector_load %arg12[%swap3A_285, %swap3A_286] {strides = array<i32>} : memref<64x128xf32, #tpu.memory_space<vmem>>, vector<16xf32>,
        tpu.vector_store %arg12[%swap3A_285, %swap3A_286], %mul3A_282 {strides = array<i32>} : memref<64x128xf32, #tpu.memory_space<vmem>>, vector<16xf32>,
        %add3A_288 = arith.constant 1 : i32
        %add3A_289 = arith.addi %mul3A_167, %add3A_288 : i32
        %get3A_290 = arith.index_cast %add3A_289 : i32 to index
        %get3A_291 = arith.constant 80 : index
        %get3A_292 = tpu.vector_load %arg12[%get3A_290, %get3A_291] {strides = array<i32>} : memref<64x128xf32, #tpu.memory_space<vmem>>, vector<16xf32>,
        %mul3A_293 = arith.mulf %get3A_292, %gather3A_176 : vector<16xf32>
        %add3A_294 = arith.constant 1 : i32
        %add3A_295 = arith.addi %mul3A_167, %add3A_294 : i32
        %swap3A_296 = arith.index_cast %add3A_295 : i32 to index
        %swap3A_297 = arith.constant 80 : index
        %swap3A_298 = tpu.vector_load %arg12[%swap3A_296, %swap3A_297] {strides = array<i32>} : memref<64x128xf32, #tpu.memory_space<vmem>>, vector<16xf32>,
        tpu.vector_store %arg12[%swap3A_296, %swap3A_297], %mul3A_293 {strides = array<i32>} : memref<64x128xf32, #tpu.memory_space<vmem>>, vector<16xf32>,
        %add3A_299 = arith.constant 1 : i32
        %add3A_300 = arith.addi %mul3A_167, %add3A_299 : i32
        %get3A_301 = arith.index_cast %add3A_300 : i32 to index
        %get3A_302 = arith.constant 96 : index
        %get3A_303 = tpu.vector_load %arg12[%get3A_301, %get3A_302] {strides = array<i32>} : memref<64x128xf32, #tpu.memory_space<vmem>>, vector<16xf32>,
        %mul3A_304 = arith.mulf %get3A_303, %gather3A_176 : vector<16xf32>
        %add3A_305 = arith.constant 1 : i32
        %add3A_306 = arith.addi %mul3A_167, %add3A_305 : i32
        %swap3A_307 = arith.index_cast %add3A_306 : i32 to index
        %swap3A_308 = arith.constant 96 : index
        %swap3A_309 = tpu.vector_load %arg12[%swap3A_307, %swap3A_308] {strides = array<i32>} : memref<64x128xf32, #tpu.memory_space<vmem>>, vector<16xf32>,
        tpu.vector_store %arg12[%swap3A_307, %swap3A_308], %mul3A_304 {strides = array<i32>} : memref<64x128xf32, #tpu.memory_space<vmem>>, vector<16xf32>,
        %add3A_310 = arith.constant 1 : i32
        %add3A_311 = arith.addi %mul3A_167, %add3A_310 : i32
        %get3A_312 = arith.index_cast %add3A_311 : i32 to index
        %get3A_313 = arith.constant 112 : index
        %get3A_314 = tpu.vector_load %arg12[%get3A_312, %get3A_313] {strides = array<i32>} : memref<64x128xf32, #tpu.memory_space<vmem>>, vector<16xf32>,
        %mul3A_315 = arith.mulf %get3A_314, %gather3A_176 : vector<16xf32>
        %add3A_316 = arith.constant 1 : i32
        %add3A_317 = arith.addi %mul3A_167, %add3A_316 : i32
        %swap3A_318 = arith.index_cast %add3A_317 : i32 to index
        %swap3A_319 = arith.constant 112 : index
        %swap3A_320 = tpu.vector_load %arg12[%swap3A_318, %swap3A_319] {strides = array<i32>} : memref<64x128xf32, #tpu.memory_space<vmem>>, vector<16xf32>,
        tpu.vector_store %arg12[%swap3A_318, %swap3A_319], %mul3A_315 {strides = array<i32>} : memref<64x128xf32, #tpu.memory_space<vmem>>, vector<16xf32>,
        %scan3A_321 = arith.constant 0 : i32
        scf.yield %scan3A_321 : i32
      }
      %scan3A_99 = arith.constant 32 : i32
      %get3A_100 = arith.index_cast %scan3A_39 : i32 to index
      %get3A_101 = arith.constant 64 : index
      %get3A_102 = tpu.vector_load %arg8[%get3A_100, %get3A_101] {strides = array<i32>} : memref<80x128xi32, #tpu.memory_space<vmem>>, vector<16xi32>,
      %swap3A_103 = arith.constant 1 : i32
      %swap3A_104 = arith.index_cast %swap3A_103 : i32 to index
      %swap3A_105 = arith.constant 0 : index
      %swap3A_106 = tpu.vector_load %arg10[%swap3A_104, %swap3A_105] {strides = array<i32>} : memref<2x64xi32, #tpu.memory_space<vmem>>, vector<16xi32>,
      tpu.vector_store %arg10[%swap3A_104, %swap3A_105], %get3A_102 {strides = array<i32>} : memref<2x64xi32, #tpu.memory_space<vmem>>, vector<16xi32>,
      %get3A_107 = arith.index_cast %scan3A_39 : i32 to index
      %get3A_108 = arith.constant 80 : index
      %get3A_109 = tpu.vector_load %arg8[%get3A_107, %get3A_108] {strides = array<i32>} : memref<80x128xi32, #tpu.memory_space<vmem>>, vector<16xi32>,
      %swap3A_110 = arith.constant 1 : i32
      %swap3A_111 = arith.index_cast %swap3A_110 : i32 to index
      %swap3A_112 = arith.constant 16 : index
      %swap3A_113 = tpu.vector_load %arg10[%swap3A_111, %swap3A_112] {strides = array<i32>} : memref<2x64xi32, #tpu.memory_space<vmem>>, vector<16xi32>,
      tpu.vector_store %arg10[%swap3A_111, %swap3A_112], %get3A_109 {strides = array<i32>} : memref<2x64xi32, #tpu.memory_space<vmem>>, vector<16xi32>,
      %get3A_114 = arith.index_cast %scan3A_39 : i32 to index
      %get3A_115 = arith.constant 96 : index
      %get3A_116 = tpu.vector_load %arg8[%get3A_114, %get3A_115] {strides = array<i32>} : memref<80x128xi32, #tpu.memory_space<vmem>>, vector<16xi32>,
      %swap3A_117 = arith.constant 1 : i32
      %swap3A_118 = arith.index_cast %swap3A_117 : i32 to index
      %swap3A_119 = arith.constant 32 : index
      %swap3A_120 = tpu.vector_load %arg10[%swap3A_118, %swap3A_119] {strides = array<i32>} : memref<2x64xi32, #tpu.memory_space<vmem>>, vector<16xi32>,
      tpu.vector_store %arg10[%swap3A_118, %swap3A_119], %get3A_116 {strides = array<i32>} : memref<2x64xi32, #tpu.memory_space<vmem>>, vector<16xi32>,
      %get3A_121 = arith.index_cast %scan3A_39 : i32 to index
      %get3A_122 = arith.constant 112 : index
      %get3A_123 = tpu.vector_load %arg8[%get3A_121, %get3A_122] {strides = array<i32>} : memref<80x128xi32, #tpu.memory_space<vmem>>, vector<16xi32>,
      %swap3A_124 = arith.constant 1 : i32
      %swap3A_125 = arith.index_cast %swap3A_124 : i32 to index
      %swap3A_126 = arith.constant 48 : index
      %swap3A_127 = tpu.vector_load %arg10[%swap3A_125, %swap3A_126] {strides = array<i32>} : memref<2x64xi32, #tpu.memory_space<vmem>>, vector<16xi32>,
      tpu.vector_store %arg10[%swap3A_125, %swap3A_126], %get3A_123 {strides = array<i32>} : memref<2x64xi32, #tpu.memory_space<vmem>>, vector<16xi32>,
      %dma_start3A_128 = arith.constant 1 : i32
      %dma_start3A_129 = arith.constant 0 : i32
      %dma_start3A_130 = tpu.memref_slice %arg10[%dma_start3A_128, %dma_start3A_129] : memref<2x64xi32, #tpu.memory_space<vmem>> -> memref<1x64xi32, #tpu.memory_space<vmem>>
      %dma_start3A_131 = tpu.memref_squeeze %dma_start3A_130 : memref<1x64xi32, #tpu.memory_space<vmem>> -> memref<64xi32, #tpu.memory_space<vmem>>
      %dma_start3A_132 = arith.constant 0 : i32
      %dma_start3A_133 = arith.constant 0 : i32
      %dma_start3A_134 = tpu.memref_slice %arg13[%dma_start3A_132, %dma_start3A_133] : memref<10000x128xf32, #tpu.memory_space<vmem_shared>> -> memref<10000x128xf32, #tpu.memory_space<vmem_shared>>
      tpu.enqueue_indirect_dma source(%arg12 : memref<64x128xf32, #tpu.memory_space<vmem>>) target(%dma_start3A_134 : memref<10000x128xf32, #tpu.memory_space<vmem_shared>>) offsets(%dma_start3A_131 : memref<64xi32, #tpu.memory_space<vmem>>) semaphore(%arg17 : memref<!tpu.dma_semaphore, #tpu.memory_space<semaphore_mem>>) {add = true}
      %dma_wait3A_135 = arith.constant 0 : i32
      %dma_wait3A_136 = arith.constant 0 : i32
      %dma_wait3A_137 = tpu.memref_slice %arg10[%dma_wait3A_135, %dma_wait3A_136] : memref<2x64xi32, #tpu.memory_space<vmem>> -> memref<1x64xi32, #tpu.memory_space<vmem>>
      %dma_wait3A_138 = tpu.memref_squeeze %dma_wait3A_137 : memref<1x64xi32, #tpu.memory_space<vmem>> -> memref<64xi32, #tpu.memory_space<vmem>>
      %dma_wait3A_139 = arith.constant 0 : i32
      %dma_wait3A_140 = arith.constant 0 : i32
      %dma_wait3A_141 = tpu.memref_slice %arg13[%dma_wait3A_139, %dma_wait3A_140] : memref<10000x128xf32, #tpu.memory_space<vmem_shared>> -> memref<10000x128xf32, #tpu.memory_space<vmem_shared>>
      tpu.wait_indirect_dma semaphore(%arg16 : memref<!tpu.dma_semaphore, #tpu.memory_space<semaphore_mem>>) src(%arg11 : memref<64x128xf32, #tpu.memory_space<vmem>>) dst(%dma_wait3A_141 : memref<10000x128xf32, #tpu.memory_space<vmem_shared>>)
      %add3A_142 = arith.constant 1 : i32
      %add3A_143 = arith.addi %scan3A_39, %add3A_142 : i32
      %lt3A_144 = arith.constant 80 : i32
      %lt3A_145 = arith.cmpi slt, %add3A_143, %lt3A_144 : i32
      %convert_element_type3A_146 = arith.extui %lt3A_145 : i1 to i32
      %cond3A_147 = arith.constant 0 : i32
      %cond3A_148 = arith.cmpi ne, %convert_element_type3A_146, %cond3A_147 : i32
      scf.if %cond3A_148 {
        %add3A_164 = arith.constant 1 : i32
        %add3A_165 = arith.addi %scan3A_39, %add3A_164 : i32
        %dma_start3A_166 = arith.constant 0 : i32
        %dma_start3A_167 = tpu.memref_slice %arg7[%add3A_165, %dma_start3A_166] : memref<80x128xi32, #tpu.memory_space<vmem>> -> memref<1x64xi32, #tpu.memory_space<vmem>>
        %dma_start3A_168 = tpu.memref_squeeze %dma_start3A_167 : memref<1x64xi32, #tpu.memory_space<vmem>> -> memref<64xi32, #tpu.memory_space<vmem>>
        %dma_start3A_169 = arith.constant 0 : i32
        %dma_start3A_170 = arith.constant 0 : i32
        %dma_start3A_171 = tpu.memref_slice %arg2[%dma_start3A_169, %dma_start3A_170] : memref<10000x128xf32, #tpu.memory_space<hbm>> -> memref<10000x128xf32, #tpu.memory_space<hbm>>
        tpu.enqueue_indirect_dma source(%dma_start3A_171 : memref<10000x128xf32, #tpu.memory_space<hbm>>) target(%arg11 : memref<64x128xf32, #tpu.memory_space<vmem>>) offsets(%dma_start3A_168 : memref<64xi32, #tpu.memory_space<vmem>>) semaphore(%arg14 : memref<!tpu.dma_semaphore, #tpu.memory_space<semaphore_mem>>)
      } else {
      }
      %dma_wait3A_149 = arith.constant 1 : i32
      %dma_wait3A_150 = arith.constant 0 : i32
      %dma_wait3A_151 = tpu.memref_slice %arg10[%dma_wait3A_149, %dma_wait3A_150] : memref<2x64xi32, #tpu.memory_space<vmem>> -> memref<1x64xi32, #tpu.memory_space<vmem>>
      %dma_wait3A_152 = tpu.memref_squeeze %dma_wait3A_151 : memref<1x64xi32, #tpu.memory_space<vmem>> -> memref<64xi32, #tpu.memory_space<vmem>>
      %dma_wait3A_153 = arith.constant 0 : i32
      %dma_wait3A_154 = arith.constant 0 : i32
      %dma_wait3A_155 = tpu.memref_slice %arg13[%dma_wait3A_153, %dma_wait3A_154] : memref<10000x128xf32, #tpu.memory_space<vmem_shared>> -> memref<10000x128xf32, #tpu.memory_space<vmem_shared>>
      tpu.wait_indirect_dma semaphore(%arg17 : memref<!tpu.dma_semaphore, #tpu.memory_space<semaphore_mem>>) src(%arg12 : memref<64x128xf32, #tpu.memory_space<vmem>>) dst(%dma_wait3A_155 : memref<10000x128xf32, #tpu.memory_space<vmem_shared>>)
      %add3A_156 = arith.constant 1 : i32
      %add3A_157 = arith.addi %scan3A_39, %add3A_156 : i32
      %lt3A_158 = arith.constant 80 : i32
      %lt3A_159 = arith.cmpi slt, %add3A_157, %lt3A_158 : i32
      %convert_element_type3A_160 = arith.extui %lt3A_159 : i1 to i32
      %cond3A_161 = arith.constant 0 : i32
      %cond3A_162 = arith.cmpi ne, %convert_element_type3A_160, %cond3A_161 : i32
      scf.if %cond3A_162 {
        %add3A_164 = arith.constant 1 : i32
        %add3A_165 = arith.addi %scan3A_39, %add3A_164 : i32
        %dma_start3A_166 = arith.constant 64 : i32
        %dma_start3A_167 = tpu.memref_slice %arg7[%add3A_165, %dma_start3A_166] : memref<80x128xi32, #tpu.memory_space<vmem>> -> memref<1x64xi32, #tpu.memory_space<vmem>>
        %dma_start3A_168 = tpu.memref_squeeze %dma_start3A_167 : memref<1x64xi32, #tpu.memory_space<vmem>> -> memref<64xi32, #tpu.memory_space<vmem>>
        %dma_start3A_169 = arith.constant 0 : i32
        %dma_start3A_170 = arith.constant 0 : i32
        %dma_start3A_171 = tpu.memref_slice %arg2[%dma_start3A_169, %dma_start3A_170] : memref<10000x128xf32, #tpu.memory_space<hbm>> -> memref<10000x128xf32, #tpu.memory_space<hbm>>
        tpu.enqueue_indirect_dma source(%dma_start3A_171 : memref<10000x128xf32, #tpu.memory_space<hbm>>) target(%arg12 : memref<64x128xf32, #tpu.memory_space<vmem>>) offsets(%dma_start3A_168 : memref<64xi32, #tpu.memory_space<vmem>>) semaphore(%arg15 : memref<!tpu.dma_semaphore, #tpu.memory_space<semaphore_mem>>)
      } else {
      }
      %scan3A_163 = arith.constant 0 : i32
      scf.yield %scan3A_163 : i32
    }
    %scan3A_32 = arith.constant 80 : i32
    %barrier3A_33 = arith.constant 0 : index
    tpu.barrier barrier_id(%barrier3A_33)
    %lt3A_34 = arith.constant 10 : i32
    %lt3A_35 = arith.cmpi slt, %arg1, %lt3A_34 : i32
    %convert_element_type3A_36 = arith.extui %lt3A_35 : i1 to i32
    %cond3A_37 = arith.constant 0 : i32
    %cond3A_38 = arith.cmpi ne, %convert_element_type3A_36, %cond3A_37 : i32
    scf.if %cond3A_38 {
      "tpu.region"() ({
        %run_scoped3A = tpu.sem_alloc : memref<!tpu.dma_semaphore, #tpu.memory_space<semaphore_mem>>
        %dma_start3A_39 = arith.constant 0 : i32
        %dma_start3A_40 = tpu.memref_slice %arg6[%arg0, %mul3A_4, %dma_start3A_39] : memref<2x10000x128xf32, #tpu.memory_space<hbm>> -> memref<1x1000x128xf32, #tpu.memory_space<hbm>>
        %dma_start3A_41 = tpu.memref_squeeze %dma_start3A_40 : memref<1x1000x128xf32, #tpu.memory_space<hbm>> -> memref<1000x128xf32, #tpu.memory_space<hbm>>
        %dma_start3A_42 = arith.constant 0 : i32
        %dma_start3A_43 = tpu.memref_slice %arg13[%mul3A_4, %dma_start3A_42] : memref<10000x128xf32, #tpu.memory_space<vmem_shared>> -> memref<1000x128xf32, #tpu.memory_space<vmem_shared>>
        tpu.enqueue_dma source(%dma_start3A_43 : memref<1000x128xf32, #tpu.memory_space<vmem_shared>>) target(%dma_start3A_41 : memref<1000x128xf32, #tpu.memory_space<hbm>>) target_semaphore(%run_scoped3A : memref<!tpu.dma_semaphore, #tpu.memory_space<semaphore_mem>>)
        %dma_wait3A = arith.constant 0 : i32
        %dma_wait3A_44 = tpu.memref_slice %arg6[%arg0, %mul3A_4, %dma_wait3A] : memref<2x10000x128xf32, #tpu.memory_space<hbm>> -> memref<1x1000x128xf32, #tpu.memory_space<hbm>>
        %dma_wait3A_45 = tpu.memref_squeeze %dma_wait3A_44 : memref<1x1000x128xf32, #tpu.memory_space<hbm>> -> memref<1000x128xf32, #tpu.memory_space<hbm>>
        %dma_wait3A_46 = arith.constant 0 : i32
        %dma_wait3A_47 = tpu.memref_slice %arg13[%mul3A_4, %dma_wait3A_46] : memref<10000x128xf32, #tpu.memory_space<vmem_shared>> -> memref<1000x128xf32, #tpu.memory_space<vmem_shared>>
        tpu.wait_dma2 semaphore(%run_scoped3A : memref<!tpu.dma_semaphore, #tpu.memory_space<semaphore_mem>>) src(%dma_wait3A_47 : memref<1000x128xf32, #tpu.memory_space<vmem_shared>>) dst(%dma_wait3A_45 : memref<1000x128xf32, #tpu.memory_space<hbm>>)
        tpu.yield
      }) : () -> ()
    } else {
    }
    return
  }
}

#map = affine_map<(d0, d1) -> (0, 0)>
#map1 = affine_map<(d0, d1) -> (0, 0, 0)>
module attributes {stable_mosaic.version = 14 : i64} {
  func.func @_deg_body(%arg0: i32, %arg1: i32, %arg2: memref<2560x128xi32, #tpu.memory_space<hbm>>, %arg3: memref<2x10000x16xf32, #tpu.memory_space<hbm>>, %arg4: memref<80x128xi32, #tpu.memory_space<vmem>>, %arg5: memref<128x16xf32, #tpu.memory_space<vmem>>, %arg6: memref<10016x16xf32, #tpu.memory_space<vmem_shared>>, %arg7: memref<!tpu.dma_semaphore, #tpu.memory_space<semaphore_mem>>) attributes {dimension_semantics = [#tpu.dimension_semantics<core_parallel>, #tpu.dimension_semantics<subcore_parallel>], iteration_bounds = array<i64: 2, 16>, scalar_prefetch = 0 : i64, scratch_operands = 4 : i64, tpu.core_type = #tpu.core_type<sc_vector_subcore>, window_params = [{transform_indices = #map}, {transform_indices = #map1}]} {
    %mul3A = arith.constant 2 : i32
    %mul3A_0 = arith.muli %arg1, %mul3A : i32
    %add3A = arith.addi %mul3A_0, %arg0 : i32
    %mul3A_1 = arith.constant 80 : i32
    %mul3A_2 = arith.muli %add3A, %mul3A_1 : i32
    %mul3A_3 = arith.constant 1000 : i32
    %mul3A_4 = arith.muli %arg1, %mul3A_3 : i32
    %scan3A = arith.constant 0 : i32
    %scan3A_5 = arith.constant 0 : i32
    %scan3A_6 = arith.constant 128 : i32
    %scan3A_7 = arith.addi %scan3A_5, %scan3A_6 : i32
    %scan3A_8 = arith.constant 1 : i32
    %scan3A_9 = scf.for %scan3A_40 = %scan3A_5 to %scan3A_7 step %scan3A_8 iter_args(%scan3A_41 = %scan3A) -> (i32)  : i32 {
      %broadcast_in_dim3A = arith.constant 0.000000e+00 : f32
      %broadcast_in_dim3A_42 = vector.broadcast %broadcast_in_dim3A : f32 to vector<16xf32>
      %swap3A = arith.index_cast %scan3A_40 : i32 to index
      %swap3A_43 = arith.constant 0 : index
      %swap3A_44 = tpu.vector_load %arg5[%swap3A, %swap3A_43] {strides = array<i32>} : memref<128x16xf32, #tpu.memory_space<vmem>>, vector<16xf32>,
      tpu.vector_store %arg5[%swap3A, %swap3A_43], %broadcast_in_dim3A_42 {strides = array<i32>} : memref<128x16xf32, #tpu.memory_space<vmem>>, vector<16xf32>,
      %scan3A_45 = arith.constant 0 : i32
      scf.yield %scan3A_45 : i32
    }
    %scan3A_10 = arith.constant 128 : i32
    %lt3A = arith.constant 4 : i32
    %lt3A_11 = arith.cmpi slt, %arg1, %lt3A : i32
    %convert_element_type3A = arith.extui %lt3A_11 : i1 to i32
    %cond3A = arith.constant 0 : i32
    %cond3A_12 = arith.cmpi ne, %convert_element_type3A, %cond3A : i32
    scf.if %cond3A_12 {
      %mul3A_40 = arith.constant 2504 : i32
      %mul3A_41 = arith.muli %arg1, %mul3A_40 : i32
      %add3A_42 = arith.constant 0 : i32
      %add3A_43 = arith.addi %mul3A_41, %add3A_42 : i32
      "tpu.region"() ({
        %run_scoped3A = tpu.sem_alloc : memref<!tpu.dma_semaphore, #tpu.memory_space<semaphore_mem>>
        %dma_start3A = arith.constant 0 : i32
        %dma_start3A_120 = arith.constant 0 : i32
        %dma_start3A_121 = tpu.memref_slice %arg5[%dma_start3A, %dma_start3A_120] : memref<128x16xf32, #tpu.memory_space<vmem>> -> memref<128x16xf32, #tpu.memory_space<vmem>>
        %dma_start3A_122 = arith.constant 0 : i32
        %dma_start3A_123 = tpu.memref_slice %arg6[%add3A_43, %dma_start3A_122] : memref<10016x16xf32, #tpu.memory_space<vmem_shared>> -> memref<128x16xf32, #tpu.memory_space<vmem_shared>>
        %dma_start3A_124 = arith.constant 0 : i32
        %dma_start3A_125 = tpu.memref_slice %arg6[%add3A_43, %dma_start3A_124] : memref<10016x16xf32, #tpu.memory_space<vmem_shared>> -> memref<128x16xf32, #tpu.memory_space<vmem_shared>>
        %dma_start3A_126 = arith.constant 0 : i32
        %dma_start3A_127 = arith.constant 0 : i32
        %dma_start3A_128 = tpu.memref_slice %arg5[%dma_start3A_126, %dma_start3A_127] : memref<128x16xf32, #tpu.memory_space<vmem>> -> memref<128x16xf32, #tpu.memory_space<vmem>>
        tpu.enqueue_dma source(%dma_start3A_128 : memref<128x16xf32, #tpu.memory_space<vmem>>) target(%dma_start3A_125 : memref<128x16xf32, #tpu.memory_space<vmem_shared>>) target_semaphore(%run_scoped3A : memref<!tpu.dma_semaphore, #tpu.memory_space<semaphore_mem>>)
        %dma_wait3A = arith.constant 0 : i32
        %dma_wait3A_129 = arith.constant 0 : i32
        %dma_wait3A_130 = tpu.memref_slice %arg5[%dma_wait3A, %dma_wait3A_129] : memref<128x16xf32, #tpu.memory_space<vmem>> -> memref<128x16xf32, #tpu.memory_space<vmem>>
        %dma_wait3A_131 = arith.constant 0 : i32
        %dma_wait3A_132 = tpu.memref_slice %arg6[%add3A_43, %dma_wait3A_131] : memref<10016x16xf32, #tpu.memory_space<vmem_shared>> -> memref<128x16xf32, #tpu.memory_space<vmem_shared>>
        %dma_wait3A_133 = arith.constant 0 : i32
        %dma_wait3A_134 = tpu.memref_slice %arg6[%add3A_43, %dma_wait3A_133] : memref<10016x16xf32, #tpu.memory_space<vmem_shared>> -> memref<128x16xf32, #tpu.memory_space<vmem_shared>>
        %dma_wait3A_135 = arith.constant 0 : i32
        %dma_wait3A_136 = arith.constant 0 : i32
        %dma_wait3A_137 = tpu.memref_slice %arg5[%dma_wait3A_135, %dma_wait3A_136] : memref<128x16xf32, #tpu.memory_space<vmem>> -> memref<128x16xf32, #tpu.memory_space<vmem>>
        tpu.wait_dma2 semaphore(%run_scoped3A : memref<!tpu.dma_semaphore, #tpu.memory_space<semaphore_mem>>) src(%dma_wait3A_137 : memref<128x16xf32, #tpu.memory_space<vmem>>) dst(%dma_wait3A_134 : memref<128x16xf32, #tpu.memory_space<vmem_shared>>)
        tpu.yield
      }) : () -> ()
      %mul3A_44 = arith.constant 2504 : i32
      %mul3A_45 = arith.muli %arg1, %mul3A_44 : i32
      %add3A_46 = arith.constant 128 : i32
      %add3A_47 = arith.addi %mul3A_45, %add3A_46 : i32
      "tpu.region"() ({
        %run_scoped3A = tpu.sem_alloc : memref<!tpu.dma_semaphore, #tpu.memory_space<semaphore_mem>>
        %dma_start3A = arith.constant 0 : i32
        %dma_start3A_120 = arith.constant 0 : i32
        %dma_start3A_121 = tpu.memref_slice %arg5[%dma_start3A, %dma_start3A_120] : memref<128x16xf32, #tpu.memory_space<vmem>> -> memref<128x16xf32, #tpu.memory_space<vmem>>
        %dma_start3A_122 = arith.constant 0 : i32
        %dma_start3A_123 = tpu.memref_slice %arg6[%add3A_47, %dma_start3A_122] : memref<10016x16xf32, #tpu.memory_space<vmem_shared>> -> memref<128x16xf32, #tpu.memory_space<vmem_shared>>
        %dma_start3A_124 = arith.constant 0 : i32
        %dma_start3A_125 = tpu.memref_slice %arg6[%add3A_47, %dma_start3A_124] : memref<10016x16xf32, #tpu.memory_space<vmem_shared>> -> memref<128x16xf32, #tpu.memory_space<vmem_shared>>
        %dma_start3A_126 = arith.constant 0 : i32
        %dma_start3A_127 = arith.constant 0 : i32
        %dma_start3A_128 = tpu.memref_slice %arg5[%dma_start3A_126, %dma_start3A_127] : memref<128x16xf32, #tpu.memory_space<vmem>> -> memref<128x16xf32, #tpu.memory_space<vmem>>
        tpu.enqueue_dma source(%dma_start3A_128 : memref<128x16xf32, #tpu.memory_space<vmem>>) target(%dma_start3A_125 : memref<128x16xf32, #tpu.memory_space<vmem_shared>>) target_semaphore(%run_scoped3A : memref<!tpu.dma_semaphore, #tpu.memory_space<semaphore_mem>>)
        %dma_wait3A = arith.constant 0 : i32
        %dma_wait3A_129 = arith.constant 0 : i32
        %dma_wait3A_130 = tpu.memref_slice %arg5[%dma_wait3A, %dma_wait3A_129] : memref<128x16xf32, #tpu.memory_space<vmem>> -> memref<128x16xf32, #tpu.memory_space<vmem>>
        %dma_wait3A_131 = arith.constant 0 : i32
        %dma_wait3A_132 = tpu.memref_slice %arg6[%add3A_47, %dma_wait3A_131] : memref<10016x16xf32, #tpu.memory_space<vmem_shared>> -> memref<128x16xf32, #tpu.memory_space<vmem_shared>>
        %dma_wait3A_133 = arith.constant 0 : i32
        %dma_wait3A_134 = tpu.memref_slice %arg6[%add3A_47, %dma_wait3A_133] : memref<10016x16xf32, #tpu.memory_space<vmem_shared>> -> memref<128x16xf32, #tpu.memory_space<vmem_shared>>
        %dma_wait3A_135 = arith.constant 0 : i32
        %dma_wait3A_136 = arith.constant 0 : i32
        %dma_wait3A_137 = tpu.memref_slice %arg5[%dma_wait3A_135, %dma_wait3A_136] : memref<128x16xf32, #tpu.memory_space<vmem>> -> memref<128x16xf32, #tpu.memory_space<vmem>>
        tpu.wait_dma2 semaphore(%run_scoped3A : memref<!tpu.dma_semaphore, #tpu.memory_space<semaphore_mem>>) src(%dma_wait3A_137 : memref<128x16xf32, #tpu.memory_space<vmem>>) dst(%dma_wait3A_134 : memref<128x16xf32, #tpu.memory_space<vmem_shared>>)
        tpu.yield
      }) : () -> ()
      %mul3A_48 = arith.constant 2504 : i32
      %mul3A_49 = arith.muli %arg1, %mul3A_48 : i32
      %add3A_50 = arith.constant 256 : i32
      %add3A_51 = arith.addi %mul3A_49, %add3A_50 : i32
      "tpu.region"() ({
        %run_scoped3A = tpu.sem_alloc : memref<!tpu.dma_semaphore, #tpu.memory_space<semaphore_mem>>
        %dma_start3A = arith.constant 0 : i32
        %dma_start3A_120 = arith.constant 0 : i32
        %dma_start3A_121 = tpu.memref_slice %arg5[%dma_start3A, %dma_start3A_120] : memref<128x16xf32, #tpu.memory_space<vmem>> -> memref<128x16xf32, #tpu.memory_space<vmem>>
        %dma_start3A_122 = arith.constant 0 : i32
        %dma_start3A_123 = tpu.memref_slice %arg6[%add3A_51, %dma_start3A_122] : memref<10016x16xf32, #tpu.memory_space<vmem_shared>> -> memref<128x16xf32, #tpu.memory_space<vmem_shared>>
        %dma_start3A_124 = arith.constant 0 : i32
        %dma_start3A_125 = tpu.memref_slice %arg6[%add3A_51, %dma_start3A_124] : memref<10016x16xf32, #tpu.memory_space<vmem_shared>> -> memref<128x16xf32, #tpu.memory_space<vmem_shared>>
        %dma_start3A_126 = arith.constant 0 : i32
        %dma_start3A_127 = arith.constant 0 : i32
        %dma_start3A_128 = tpu.memref_slice %arg5[%dma_start3A_126, %dma_start3A_127] : memref<128x16xf32, #tpu.memory_space<vmem>> -> memref<128x16xf32, #tpu.memory_space<vmem>>
        tpu.enqueue_dma source(%dma_start3A_128 : memref<128x16xf32, #tpu.memory_space<vmem>>) target(%dma_start3A_125 : memref<128x16xf32, #tpu.memory_space<vmem_shared>>) target_semaphore(%run_scoped3A : memref<!tpu.dma_semaphore, #tpu.memory_space<semaphore_mem>>)
        %dma_wait3A = arith.constant 0 : i32
        %dma_wait3A_129 = arith.constant 0 : i32
        %dma_wait3A_130 = tpu.memref_slice %arg5[%dma_wait3A, %dma_wait3A_129] : memref<128x16xf32, #tpu.memory_space<vmem>> -> memref<128x16xf32, #tpu.memory_space<vmem>>
        %dma_wait3A_131 = arith.constant 0 : i32
        %dma_wait3A_132 = tpu.memref_slice %arg6[%add3A_51, %dma_wait3A_131] : memref<10016x16xf32, #tpu.memory_space<vmem_shared>> -> memref<128x16xf32, #tpu.memory_space<vmem_shared>>
        %dma_wait3A_133 = arith.constant 0 : i32
        %dma_wait3A_134 = tpu.memref_slice %arg6[%add3A_51, %dma_wait3A_133] : memref<10016x16xf32, #tpu.memory_space<vmem_shared>> -> memref<128x16xf32, #tpu.memory_space<vmem_shared>>
        %dma_wait3A_135 = arith.constant 0 : i32
        %dma_wait3A_136 = arith.constant 0 : i32
        %dma_wait3A_137 = tpu.memref_slice %arg5[%dma_wait3A_135, %dma_wait3A_136] : memref<128x16xf32, #tpu.memory_space<vmem>> -> memref<128x16xf32, #tpu.memory_space<vmem>>
        tpu.wait_dma2 semaphore(%run_scoped3A : memref<!tpu.dma_semaphore, #tpu.memory_space<semaphore_mem>>) src(%dma_wait3A_137 : memref<128x16xf32, #tpu.memory_space<vmem>>) dst(%dma_wait3A_134 : memref<128x16xf32, #tpu.memory_space<vmem_shared>>)
        tpu.yield
      }) : () -> ()
      %mul3A_52 = arith.constant 2504 : i32
      %mul3A_53 = arith.muli %arg1, %mul3A_52 : i32
      %add3A_54 = arith.constant 384 : i32
      %add3A_55 = arith.addi %mul3A_53, %add3A_54 : i32
      "tpu.region"() ({
        %run_scoped3A = tpu.sem_alloc : memref<!tpu.dma_semaphore, #tpu.memory_space<semaphore_mem>>
        %dma_start3A = arith.constant 0 : i32
        %dma_start3A_120 = arith.constant 0 : i32
        %dma_start3A_121 = tpu.memref_slice %arg5[%dma_start3A, %dma_start3A_120] : memref<128x16xf32, #tpu.memory_space<vmem>> -> memref<128x16xf32, #tpu.memory_space<vmem>>
        %dma_start3A_122 = arith.constant 0 : i32
        %dma_start3A_123 = tpu.memref_slice %arg6[%add3A_55, %dma_start3A_122] : memref<10016x16xf32, #tpu.memory_space<vmem_shared>> -> memref<128x16xf32, #tpu.memory_space<vmem_shared>>
        %dma_start3A_124 = arith.constant 0 : i32
        %dma_start3A_125 = tpu.memref_slice %arg6[%add3A_55, %dma_start3A_124] : memref<10016x16xf32, #tpu.memory_space<vmem_shared>> -> memref<128x16xf32, #tpu.memory_space<vmem_shared>>
        %dma_start3A_126 = arith.constant 0 : i32
        %dma_start3A_127 = arith.constant 0 : i32
        %dma_start3A_128 = tpu.memref_slice %arg5[%dma_start3A_126, %dma_start3A_127] : memref<128x16xf32, #tpu.memory_space<vmem>> -> memref<128x16xf32, #tpu.memory_space<vmem>>
        tpu.enqueue_dma source(%dma_start3A_128 : memref<128x16xf32, #tpu.memory_space<vmem>>) target(%dma_start3A_125 : memref<128x16xf32, #tpu.memory_space<vmem_shared>>) target_semaphore(%run_scoped3A : memref<!tpu.dma_semaphore, #tpu.memory_space<semaphore_mem>>)
        %dma_wait3A = arith.constant 0 : i32
        %dma_wait3A_129 = arith.constant 0 : i32
        %dma_wait3A_130 = tpu.memref_slice %arg5[%dma_wait3A, %dma_wait3A_129] : memref<128x16xf32, #tpu.memory_space<vmem>> -> memref<128x16xf32, #tpu.memory_space<vmem>>
        %dma_wait3A_131 = arith.constant 0 : i32
        %dma_wait3A_132 = tpu.memref_slice %arg6[%add3A_55, %dma_wait3A_131] : memref<10016x16xf32, #tpu.memory_space<vmem_shared>> -> memref<128x16xf32, #tpu.memory_space<vmem_shared>>
        %dma_wait3A_133 = arith.constant 0 : i32
        %dma_wait3A_134 = tpu.memref_slice %arg6[%add3A_55, %dma_wait3A_133] : memref<10016x16xf32, #tpu.memory_space<vmem_shared>> -> memref<128x16xf32, #tpu.memory_space<vmem_shared>>
        %dma_wait3A_135 = arith.constant 0 : i32
        %dma_wait3A_136 = arith.constant 0 : i32
        %dma_wait3A_137 = tpu.memref_slice %arg5[%dma_wait3A_135, %dma_wait3A_136] : memref<128x16xf32, #tpu.memory_space<vmem>> -> memref<128x16xf32, #tpu.memory_space<vmem>>
        tpu.wait_dma2 semaphore(%run_scoped3A : memref<!tpu.dma_semaphore, #tpu.memory_space<semaphore_mem>>) src(%dma_wait3A_137 : memref<128x16xf32, #tpu.memory_space<vmem>>) dst(%dma_wait3A_134 : memref<128x16xf32, #tpu.memory_space<vmem_shared>>)
        tpu.yield
      }) : () -> ()
      %mul3A_56 = arith.constant 2504 : i32
      %mul3A_57 = arith.muli %arg1, %mul3A_56 : i32
      %add3A_58 = arith.constant 512 : i32
      %add3A_59 = arith.addi %mul3A_57, %add3A_58 : i32
      "tpu.region"() ({
        %run_scoped3A = tpu.sem_alloc : memref<!tpu.dma_semaphore, #tpu.memory_space<semaphore_mem>>
        %dma_start3A = arith.constant 0 : i32
        %dma_start3A_120 = arith.constant 0 : i32
        %dma_start3A_121 = tpu.memref_slice %arg5[%dma_start3A, %dma_start3A_120] : memref<128x16xf32, #tpu.memory_space<vmem>> -> memref<128x16xf32, #tpu.memory_space<vmem>>
        %dma_start3A_122 = arith.constant 0 : i32
        %dma_start3A_123 = tpu.memref_slice %arg6[%add3A_59, %dma_start3A_122] : memref<10016x16xf32, #tpu.memory_space<vmem_shared>> -> memref<128x16xf32, #tpu.memory_space<vmem_shared>>
        %dma_start3A_124 = arith.constant 0 : i32
        %dma_start3A_125 = tpu.memref_slice %arg6[%add3A_59, %dma_start3A_124] : memref<10016x16xf32, #tpu.memory_space<vmem_shared>> -> memref<128x16xf32, #tpu.memory_space<vmem_shared>>
        %dma_start3A_126 = arith.constant 0 : i32
        %dma_start3A_127 = arith.constant 0 : i32
        %dma_start3A_128 = tpu.memref_slice %arg5[%dma_start3A_126, %dma_start3A_127] : memref<128x16xf32, #tpu.memory_space<vmem>> -> memref<128x16xf32, #tpu.memory_space<vmem>>
        tpu.enqueue_dma source(%dma_start3A_128 : memref<128x16xf32, #tpu.memory_space<vmem>>) target(%dma_start3A_125 : memref<128x16xf32, #tpu.memory_space<vmem_shared>>) target_semaphore(%run_scoped3A : memref<!tpu.dma_semaphore, #tpu.memory_space<semaphore_mem>>)
        %dma_wait3A = arith.constant 0 : i32
        %dma_wait3A_129 = arith.constant 0 : i32
        %dma_wait3A_130 = tpu.memref_slice %arg5[%dma_wait3A, %dma_wait3A_129] : memref<128x16xf32, #tpu.memory_space<vmem>> -> memref<128x16xf32, #tpu.memory_space<vmem>>
        %dma_wait3A_131 = arith.constant 0 : i32
        %dma_wait3A_132 = tpu.memref_slice %arg6[%add3A_59, %dma_wait3A_131] : memref<10016x16xf32, #tpu.memory_space<vmem_shared>> -> memref<128x16xf32, #tpu.memory_space<vmem_shared>>
        %dma_wait3A_133 = arith.constant 0 : i32
        %dma_wait3A_134 = tpu.memref_slice %arg6[%add3A_59, %dma_wait3A_133] : memref<10016x16xf32, #tpu.memory_space<vmem_shared>> -> memref<128x16xf32, #tpu.memory_space<vmem_shared>>
        %dma_wait3A_135 = arith.constant 0 : i32
        %dma_wait3A_136 = arith.constant 0 : i32
        %dma_wait3A_137 = tpu.memref_slice %arg5[%dma_wait3A_135, %dma_wait3A_136] : memref<128x16xf32, #tpu.memory_space<vmem>> -> memref<128x16xf32, #tpu.memory_space<vmem>>
        tpu.wait_dma2 semaphore(%run_scoped3A : memref<!tpu.dma_semaphore, #tpu.memory_space<semaphore_mem>>) src(%dma_wait3A_137 : memref<128x16xf32, #tpu.memory_space<vmem>>) dst(%dma_wait3A_134 : memref<128x16xf32, #tpu.memory_space<vmem_shared>>)
        tpu.yield
      }) : () -> ()
      %mul3A_60 = arith.constant 2504 : i32
      %mul3A_61 = arith.muli %arg1, %mul3A_60 : i32
      %add3A_62 = arith.constant 640 : i32
      %add3A_63 = arith.addi %mul3A_61, %add3A_62 : i32
      "tpu.region"() ({
        %run_scoped3A = tpu.sem_alloc : memref<!tpu.dma_semaphore, #tpu.memory_space<semaphore_mem>>
        %dma_start3A = arith.constant 0 : i32
        %dma_start3A_120 = arith.constant 0 : i32
        %dma_start3A_121 = tpu.memref_slice %arg5[%dma_start3A, %dma_start3A_120] : memref<128x16xf32, #tpu.memory_space<vmem>> -> memref<128x16xf32, #tpu.memory_space<vmem>>
        %dma_start3A_122 = arith.constant 0 : i32
        %dma_start3A_123 = tpu.memref_slice %arg6[%add3A_63, %dma_start3A_122] : memref<10016x16xf32, #tpu.memory_space<vmem_shared>> -> memref<128x16xf32, #tpu.memory_space<vmem_shared>>
        %dma_start3A_124 = arith.constant 0 : i32
        %dma_start3A_125 = tpu.memref_slice %arg6[%add3A_63, %dma_start3A_124] : memref<10016x16xf32, #tpu.memory_space<vmem_shared>> -> memref<128x16xf32, #tpu.memory_space<vmem_shared>>
        %dma_start3A_126 = arith.constant 0 : i32
        %dma_start3A_127 = arith.constant 0 : i32
        %dma_start3A_128 = tpu.memref_slice %arg5[%dma_start3A_126, %dma_start3A_127] : memref<128x16xf32, #tpu.memory_space<vmem>> -> memref<128x16xf32, #tpu.memory_space<vmem>>
        tpu.enqueue_dma source(%dma_start3A_128 : memref<128x16xf32, #tpu.memory_space<vmem>>) target(%dma_start3A_125 : memref<128x16xf32, #tpu.memory_space<vmem_shared>>) target_semaphore(%run_scoped3A : memref<!tpu.dma_semaphore, #tpu.memory_space<semaphore_mem>>)
        %dma_wait3A = arith.constant 0 : i32
        %dma_wait3A_129 = arith.constant 0 : i32
        %dma_wait3A_130 = tpu.memref_slice %arg5[%dma_wait3A, %dma_wait3A_129] : memref<128x16xf32, #tpu.memory_space<vmem>> -> memref<128x16xf32, #tpu.memory_space<vmem>>
        %dma_wait3A_131 = arith.constant 0 : i32
        %dma_wait3A_132 = tpu.memref_slice %arg6[%add3A_63, %dma_wait3A_131] : memref<10016x16xf32, #tpu.memory_space<vmem_shared>> -> memref<128x16xf32, #tpu.memory_space<vmem_shared>>
        %dma_wait3A_133 = arith.constant 0 : i32
        %dma_wait3A_134 = tpu.memref_slice %arg6[%add3A_63, %dma_wait3A_133] : memref<10016x16xf32, #tpu.memory_space<vmem_shared>> -> memref<128x16xf32, #tpu.memory_space<vmem_shared>>
        %dma_wait3A_135 = arith.constant 0 : i32
        %dma_wait3A_136 = arith.constant 0 : i32
        %dma_wait3A_137 = tpu.memref_slice %arg5[%dma_wait3A_135, %dma_wait3A_136] : memref<128x16xf32, #tpu.memory_space<vmem>> -> memref<128x16xf32, #tpu.memory_space<vmem>>
        tpu.wait_dma2 semaphore(%run_scoped3A : memref<!tpu.dma_semaphore, #tpu.memory_space<semaphore_mem>>) src(%dma_wait3A_137 : memref<128x16xf32, #tpu.memory_space<vmem>>) dst(%dma_wait3A_134 : memref<128x16xf32, #tpu.memory_space<vmem_shared>>)
        tpu.yield
      }) : () -> ()
      %mul3A_64 = arith.constant 2504 : i32
      %mul3A_65 = arith.muli %arg1, %mul3A_64 : i32
      %add3A_66 = arith.constant 768 : i32
      %add3A_67 = arith.addi %mul3A_65, %add3A_66 : i32
      "tpu.region"() ({
        %run_scoped3A = tpu.sem_alloc : memref<!tpu.dma_semaphore, #tpu.memory_space<semaphore_mem>>
        %dma_start3A = arith.constant 0 : i32
        %dma_start3A_120 = arith.constant 0 : i32
        %dma_start3A_121 = tpu.memref_slice %arg5[%dma_start3A, %dma_start3A_120] : memref<128x16xf32, #tpu.memory_space<vmem>> -> memref<128x16xf32, #tpu.memory_space<vmem>>
        %dma_start3A_122 = arith.constant 0 : i32
        %dma_start3A_123 = tpu.memref_slice %arg6[%add3A_67, %dma_start3A_122] : memref<10016x16xf32, #tpu.memory_space<vmem_shared>> -> memref<128x16xf32, #tpu.memory_space<vmem_shared>>
        %dma_start3A_124 = arith.constant 0 : i32
        %dma_start3A_125 = tpu.memref_slice %arg6[%add3A_67, %dma_start3A_124] : memref<10016x16xf32, #tpu.memory_space<vmem_shared>> -> memref<128x16xf32, #tpu.memory_space<vmem_shared>>
        %dma_start3A_126 = arith.constant 0 : i32
        %dma_start3A_127 = arith.constant 0 : i32
        %dma_start3A_128 = tpu.memref_slice %arg5[%dma_start3A_126, %dma_start3A_127] : memref<128x16xf32, #tpu.memory_space<vmem>> -> memref<128x16xf32, #tpu.memory_space<vmem>>
        tpu.enqueue_dma source(%dma_start3A_128 : memref<128x16xf32, #tpu.memory_space<vmem>>) target(%dma_start3A_125 : memref<128x16xf32, #tpu.memory_space<vmem_shared>>) target_semaphore(%run_scoped3A : memref<!tpu.dma_semaphore, #tpu.memory_space<semaphore_mem>>)
        %dma_wait3A = arith.constant 0 : i32
        %dma_wait3A_129 = arith.constant 0 : i32
        %dma_wait3A_130 = tpu.memref_slice %arg5[%dma_wait3A, %dma_wait3A_129] : memref<128x16xf32, #tpu.memory_space<vmem>> -> memref<128x16xf32, #tpu.memory_space<vmem>>
        %dma_wait3A_131 = arith.constant 0 : i32
        %dma_wait3A_132 = tpu.memref_slice %arg6[%add3A_67, %dma_wait3A_131] : memref<10016x16xf32, #tpu.memory_space<vmem_shared>> -> memref<128x16xf32, #tpu.memory_space<vmem_shared>>
        %dma_wait3A_133 = arith.constant 0 : i32
        %dma_wait3A_134 = tpu.memref_slice %arg6[%add3A_67, %dma_wait3A_133] : memref<10016x16xf32, #tpu.memory_space<vmem_shared>> -> memref<128x16xf32, #tpu.memory_space<vmem_shared>>
        %dma_wait3A_135 = arith.constant 0 : i32
        %dma_wait3A_136 = arith.constant 0 : i32
        %dma_wait3A_137 = tpu.memref_slice %arg5[%dma_wait3A_135, %dma_wait3A_136] : memref<128x16xf32, #tpu.memory_space<vmem>> -> memref<128x16xf32, #tpu.memory_space<vmem>>
        tpu.wait_dma2 semaphore(%run_scoped3A : memref<!tpu.dma_semaphore, #tpu.memory_space<semaphore_mem>>) src(%dma_wait3A_137 : memref<128x16xf32, #tpu.memory_space<vmem>>) dst(%dma_wait3A_134 : memref<128x16xf32, #tpu.memory_space<vmem_shared>>)
        tpu.yield
      }) : () -> ()
      %mul3A_68 = arith.constant 2504 : i32
      %mul3A_69 = arith.muli %arg1, %mul3A_68 : i32
      %add3A_70 = arith.constant 896 : i32
      %add3A_71 = arith.addi %mul3A_69, %add3A_70 : i32
      "tpu.region"() ({
        %run_scoped3A = tpu.sem_alloc : memref<!tpu.dma_semaphore, #tpu.memory_space<semaphore_mem>>
        %dma_start3A = arith.constant 0 : i32
        %dma_start3A_120 = arith.constant 0 : i32
        %dma_start3A_121 = tpu.memref_slice %arg5[%dma_start3A, %dma_start3A_120] : memref<128x16xf32, #tpu.memory_space<vmem>> -> memref<128x16xf32, #tpu.memory_space<vmem>>
        %dma_start3A_122 = arith.constant 0 : i32
        %dma_start3A_123 = tpu.memref_slice %arg6[%add3A_71, %dma_start3A_122] : memref<10016x16xf32, #tpu.memory_space<vmem_shared>> -> memref<128x16xf32, #tpu.memory_space<vmem_shared>>
        %dma_start3A_124 = arith.constant 0 : i32
        %dma_start3A_125 = tpu.memref_slice %arg6[%add3A_71, %dma_start3A_124] : memref<10016x16xf32, #tpu.memory_space<vmem_shared>> -> memref<128x16xf32, #tpu.memory_space<vmem_shared>>
        %dma_start3A_126 = arith.constant 0 : i32
        %dma_start3A_127 = arith.constant 0 : i32
        %dma_start3A_128 = tpu.memref_slice %arg5[%dma_start3A_126, %dma_start3A_127] : memref<128x16xf32, #tpu.memory_space<vmem>> -> memref<128x16xf32, #tpu.memory_space<vmem>>
        tpu.enqueue_dma source(%dma_start3A_128 : memref<128x16xf32, #tpu.memory_space<vmem>>) target(%dma_start3A_125 : memref<128x16xf32, #tpu.memory_space<vmem_shared>>) target_semaphore(%run_scoped3A : memref<!tpu.dma_semaphore, #tpu.memory_space<semaphore_mem>>)
        %dma_wait3A = arith.constant 0 : i32
        %dma_wait3A_129 = arith.constant 0 : i32
        %dma_wait3A_130 = tpu.memref_slice %arg5[%dma_wait3A, %dma_wait3A_129] : memref<128x16xf32, #tpu.memory_space<vmem>> -> memref<128x16xf32, #tpu.memory_space<vmem>>
        %dma_wait3A_131 = arith.constant 0 : i32
        %dma_wait3A_132 = tpu.memref_slice %arg6[%add3A_71, %dma_wait3A_131] : memref<10016x16xf32, #tpu.memory_space<vmem_shared>> -> memref<128x16xf32, #tpu.memory_space<vmem_shared>>
        %dma_wait3A_133 = arith.constant 0 : i32
        %dma_wait3A_134 = tpu.memref_slice %arg6[%add3A_71, %dma_wait3A_133] : memref<10016x16xf32, #tpu.memory_space<vmem_shared>> -> memref<128x16xf32, #tpu.memory_space<vmem_shared>>
        %dma_wait3A_135 = arith.constant 0 : i32
        %dma_wait3A_136 = arith.constant 0 : i32
        %dma_wait3A_137 = tpu.memref_slice %arg5[%dma_wait3A_135, %dma_wait3A_136] : memref<128x16xf32, #tpu.memory_space<vmem>> -> memref<128x16xf32, #tpu.memory_space<vmem>>
        tpu.wait_dma2 semaphore(%run_scoped3A : memref<!tpu.dma_semaphore, #tpu.memory_space<semaphore_mem>>) src(%dma_wait3A_137 : memref<128x16xf32, #tpu.memory_space<vmem>>) dst(%dma_wait3A_134 : memref<128x16xf32, #tpu.memory_space<vmem_shared>>)
        tpu.yield
      }) : () -> ()
      %mul3A_72 = arith.constant 2504 : i32
      %mul3A_73 = arith.muli %arg1, %mul3A_72 : i32
      %add3A_74 = arith.constant 1024 : i32
      %add3A_75 = arith.addi %mul3A_73, %add3A_74 : i32
      "tpu.region"() ({
        %run_scoped3A = tpu.sem_alloc : memref<!tpu.dma_semaphore, #tpu.memory_space<semaphore_mem>>
        %dma_start3A = arith.constant 0 : i32
        %dma_start3A_120 = arith.constant 0 : i32
        %dma_start3A_121 = tpu.memref_slice %arg5[%dma_start3A, %dma_start3A_120] : memref<128x16xf32, #tpu.memory_space<vmem>> -> memref<128x16xf32, #tpu.memory_space<vmem>>
        %dma_start3A_122 = arith.constant 0 : i32
        %dma_start3A_123 = tpu.memref_slice %arg6[%add3A_75, %dma_start3A_122] : memref<10016x16xf32, #tpu.memory_space<vmem_shared>> -> memref<128x16xf32, #tpu.memory_space<vmem_shared>>
        %dma_start3A_124 = arith.constant 0 : i32
        %dma_start3A_125 = tpu.memref_slice %arg6[%add3A_75, %dma_start3A_124] : memref<10016x16xf32, #tpu.memory_space<vmem_shared>> -> memref<128x16xf32, #tpu.memory_space<vmem_shared>>
        %dma_start3A_126 = arith.constant 0 : i32
        %dma_start3A_127 = arith.constant 0 : i32
        %dma_start3A_128 = tpu.memref_slice %arg5[%dma_start3A_126, %dma_start3A_127] : memref<128x16xf32, #tpu.memory_space<vmem>> -> memref<128x16xf32, #tpu.memory_space<vmem>>
        tpu.enqueue_dma source(%dma_start3A_128 : memref<128x16xf32, #tpu.memory_space<vmem>>) target(%dma_start3A_125 : memref<128x16xf32, #tpu.memory_space<vmem_shared>>) target_semaphore(%run_scoped3A : memref<!tpu.dma_semaphore, #tpu.memory_space<semaphore_mem>>)
        %dma_wait3A = arith.constant 0 : i32
        %dma_wait3A_129 = arith.constant 0 : i32
        %dma_wait3A_130 = tpu.memref_slice %arg5[%dma_wait3A, %dma_wait3A_129] : memref<128x16xf32, #tpu.memory_space<vmem>> -> memref<128x16xf32, #tpu.memory_space<vmem>>
        %dma_wait3A_131 = arith.constant 0 : i32
        %dma_wait3A_132 = tpu.memref_slice %arg6[%add3A_75, %dma_wait3A_131] : memref<10016x16xf32, #tpu.memory_space<vmem_shared>> -> memref<128x16xf32, #tpu.memory_space<vmem_shared>>
        %dma_wait3A_133 = arith.constant 0 : i32
        %dma_wait3A_134 = tpu.memref_slice %arg6[%add3A_75, %dma_wait3A_133] : memref<10016x16xf32, #tpu.memory_space<vmem_shared>> -> memref<128x16xf32, #tpu.memory_space<vmem_shared>>
        %dma_wait3A_135 = arith.constant 0 : i32
        %dma_wait3A_136 = arith.constant 0 : i32
        %dma_wait3A_137 = tpu.memref_slice %arg5[%dma_wait3A_135, %dma_wait3A_136] : memref<128x16xf32, #tpu.memory_space<vmem>> -> memref<128x16xf32, #tpu.memory_space<vmem>>
        tpu.wait_dma2 semaphore(%run_scoped3A : memref<!tpu.dma_semaphore, #tpu.memory_space<semaphore_mem>>) src(%dma_wait3A_137 : memref<128x16xf32, #tpu.memory_space<vmem>>) dst(%dma_wait3A_134 : memref<128x16xf32, #tpu.memory_space<vmem_shared>>)
        tpu.yield
      }) : () -> ()
      %mul3A_76 = arith.constant 2504 : i32
      %mul3A_77 = arith.muli %arg1, %mul3A_76 : i32
      %add3A_78 = arith.constant 1152 : i32
      %add3A_79 = arith.addi %mul3A_77, %add3A_78 : i32
      "tpu.region"() ({
        %run_scoped3A = tpu.sem_alloc : memref<!tpu.dma_semaphore, #tpu.memory_space<semaphore_mem>>
        %dma_start3A = arith.constant 0 : i32
        %dma_start3A_120 = arith.constant 0 : i32
        %dma_start3A_121 = tpu.memref_slice %arg5[%dma_start3A, %dma_start3A_120] : memref<128x16xf32, #tpu.memory_space<vmem>> -> memref<128x16xf32, #tpu.memory_space<vmem>>
        %dma_start3A_122 = arith.constant 0 : i32
        %dma_start3A_123 = tpu.memref_slice %arg6[%add3A_79, %dma_start3A_122] : memref<10016x16xf32, #tpu.memory_space<vmem_shared>> -> memref<128x16xf32, #tpu.memory_space<vmem_shared>>
        %dma_start3A_124 = arith.constant 0 : i32
        %dma_start3A_125 = tpu.memref_slice %arg6[%add3A_79, %dma_start3A_124] : memref<10016x16xf32, #tpu.memory_space<vmem_shared>> -> memref<128x16xf32, #tpu.memory_space<vmem_shared>>
        %dma_start3A_126 = arith.constant 0 : i32
        %dma_start3A_127 = arith.constant 0 : i32
        %dma_start3A_128 = tpu.memref_slice %arg5[%dma_start3A_126, %dma_start3A_127] : memref<128x16xf32, #tpu.memory_space<vmem>> -> memref<128x16xf32, #tpu.memory_space<vmem>>
        tpu.enqueue_dma source(%dma_start3A_128 : memref<128x16xf32, #tpu.memory_space<vmem>>) target(%dma_start3A_125 : memref<128x16xf32, #tpu.memory_space<vmem_shared>>) target_semaphore(%run_scoped3A : memref<!tpu.dma_semaphore, #tpu.memory_space<semaphore_mem>>)
        %dma_wait3A = arith.constant 0 : i32
        %dma_wait3A_129 = arith.constant 0 : i32
        %dma_wait3A_130 = tpu.memref_slice %arg5[%dma_wait3A, %dma_wait3A_129] : memref<128x16xf32, #tpu.memory_space<vmem>> -> memref<128x16xf32, #tpu.memory_space<vmem>>
        %dma_wait3A_131 = arith.constant 0 : i32
        %dma_wait3A_132 = tpu.memref_slice %arg6[%add3A_79, %dma_wait3A_131] : memref<10016x16xf32, #tpu.memory_space<vmem_shared>> -> memref<128x16xf32, #tpu.memory_space<vmem_shared>>
        %dma_wait3A_133 = arith.constant 0 : i32
        %dma_wait3A_134 = tpu.memref_slice %arg6[%add3A_79, %dma_wait3A_133] : memref<10016x16xf32, #tpu.memory_space<vmem_shared>> -> memref<128x16xf32, #tpu.memory_space<vmem_shared>>
        %dma_wait3A_135 = arith.constant 0 : i32
        %dma_wait3A_136 = arith.constant 0 : i32
        %dma_wait3A_137 = tpu.memref_slice %arg5[%dma_wait3A_135, %dma_wait3A_136] : memref<128x16xf32, #tpu.memory_space<vmem>> -> memref<128x16xf32, #tpu.memory_space<vmem>>
        tpu.wait_dma2 semaphore(%run_scoped3A : memref<!tpu.dma_semaphore, #tpu.memory_space<semaphore_mem>>) src(%dma_wait3A_137 : memref<128x16xf32, #tpu.memory_space<vmem>>) dst(%dma_wait3A_134 : memref<128x16xf32, #tpu.memory_space<vmem_shared>>)
        tpu.yield
      }) : () -> ()
      %mul3A_80 = arith.constant 2504 : i32
      %mul3A_81 = arith.muli %arg1, %mul3A_80 : i32
      %add3A_82 = arith.constant 1280 : i32
      %add3A_83 = arith.addi %mul3A_81, %add3A_82 : i32
      "tpu.region"() ({
        %run_scoped3A = tpu.sem_alloc : memref<!tpu.dma_semaphore, #tpu.memory_space<semaphore_mem>>
        %dma_start3A = arith.constant 0 : i32
        %dma_start3A_120 = arith.constant 0 : i32
        %dma_start3A_121 = tpu.memref_slice %arg5[%dma_start3A, %dma_start3A_120] : memref<128x16xf32, #tpu.memory_space<vmem>> -> memref<128x16xf32, #tpu.memory_space<vmem>>
        %dma_start3A_122 = arith.constant 0 : i32
        %dma_start3A_123 = tpu.memref_slice %arg6[%add3A_83, %dma_start3A_122] : memref<10016x16xf32, #tpu.memory_space<vmem_shared>> -> memref<128x16xf32, #tpu.memory_space<vmem_shared>>
        %dma_start3A_124 = arith.constant 0 : i32
        %dma_start3A_125 = tpu.memref_slice %arg6[%add3A_83, %dma_start3A_124] : memref<10016x16xf32, #tpu.memory_space<vmem_shared>> -> memref<128x16xf32, #tpu.memory_space<vmem_shared>>
        %dma_start3A_126 = arith.constant 0 : i32
        %dma_start3A_127 = arith.constant 0 : i32
        %dma_start3A_128 = tpu.memref_slice %arg5[%dma_start3A_126, %dma_start3A_127] : memref<128x16xf32, #tpu.memory_space<vmem>> -> memref<128x16xf32, #tpu.memory_space<vmem>>
        tpu.enqueue_dma source(%dma_start3A_128 : memref<128x16xf32, #tpu.memory_space<vmem>>) target(%dma_start3A_125 : memref<128x16xf32, #tpu.memory_space<vmem_shared>>) target_semaphore(%run_scoped3A : memref<!tpu.dma_semaphore, #tpu.memory_space<semaphore_mem>>)
        %dma_wait3A = arith.constant 0 : i32
        %dma_wait3A_129 = arith.constant 0 : i32
        %dma_wait3A_130 = tpu.memref_slice %arg5[%dma_wait3A, %dma_wait3A_129] : memref<128x16xf32, #tpu.memory_space<vmem>> -> memref<128x16xf32, #tpu.memory_space<vmem>>
        %dma_wait3A_131 = arith.constant 0 : i32
        %dma_wait3A_132 = tpu.memref_slice %arg6[%add3A_83, %dma_wait3A_131] : memref<10016x16xf32, #tpu.memory_space<vmem_shared>> -> memref<128x16xf32, #tpu.memory_space<vmem_shared>>
        %dma_wait3A_133 = arith.constant 0 : i32
        %dma_wait3A_134 = tpu.memref_slice %arg6[%add3A_83, %dma_wait3A_133] : memref<10016x16xf32, #tpu.memory_space<vmem_shared>> -> memref<128x16xf32, #tpu.memory_space<vmem_shared>>
        %dma_wait3A_135 = arith.constant 0 : i32
        %dma_wait3A_136 = arith.constant 0 : i32
        %dma_wait3A_137 = tpu.memref_slice %arg5[%dma_wait3A_135, %dma_wait3A_136] : memref<128x16xf32, #tpu.memory_space<vmem>> -> memref<128x16xf32, #tpu.memory_space<vmem>>
        tpu.wait_dma2 semaphore(%run_scoped3A : memref<!tpu.dma_semaphore, #tpu.memory_space<semaphore_mem>>) src(%dma_wait3A_137 : memref<128x16xf32, #tpu.memory_space<vmem>>) dst(%dma_wait3A_134 : memref<128x16xf32, #tpu.memory_space<vmem_shared>>)
        tpu.yield
      }) : () -> ()
      %mul3A_84 = arith.constant 2504 : i32
      %mul3A_85 = arith.muli %arg1, %mul3A_84 : i32
      %add3A_86 = arith.constant 1408 : i32
      %add3A_87 = arith.addi %mul3A_85, %add3A_86 : i32
      "tpu.region"() ({
        %run_scoped3A = tpu.sem_alloc : memref<!tpu.dma_semaphore, #tpu.memory_space<semaphore_mem>>
        %dma_start3A = arith.constant 0 : i32
        %dma_start3A_120 = arith.constant 0 : i32
        %dma_start3A_121 = tpu.memref_slice %arg5[%dma_start3A, %dma_start3A_120] : memref<128x16xf32, #tpu.memory_space<vmem>> -> memref<128x16xf32, #tpu.memory_space<vmem>>
        %dma_start3A_122 = arith.constant 0 : i32
        %dma_start3A_123 = tpu.memref_slice %arg6[%add3A_87, %dma_start3A_122] : memref<10016x16xf32, #tpu.memory_space<vmem_shared>> -> memref<128x16xf32, #tpu.memory_space<vmem_shared>>
        %dma_start3A_124 = arith.constant 0 : i32
        %dma_start3A_125 = tpu.memref_slice %arg6[%add3A_87, %dma_start3A_124] : memref<10016x16xf32, #tpu.memory_space<vmem_shared>> -> memref<128x16xf32, #tpu.memory_space<vmem_shared>>
        %dma_start3A_126 = arith.constant 0 : i32
        %dma_start3A_127 = arith.constant 0 : i32
        %dma_start3A_128 = tpu.memref_slice %arg5[%dma_start3A_126, %dma_start3A_127] : memref<128x16xf32, #tpu.memory_space<vmem>> -> memref<128x16xf32, #tpu.memory_space<vmem>>
        tpu.enqueue_dma source(%dma_start3A_128 : memref<128x16xf32, #tpu.memory_space<vmem>>) target(%dma_start3A_125 : memref<128x16xf32, #tpu.memory_space<vmem_shared>>) target_semaphore(%run_scoped3A : memref<!tpu.dma_semaphore, #tpu.memory_space<semaphore_mem>>)
        %dma_wait3A = arith.constant 0 : i32
        %dma_wait3A_129 = arith.constant 0 : i32
        %dma_wait3A_130 = tpu.memref_slice %arg5[%dma_wait3A, %dma_wait3A_129] : memref<128x16xf32, #tpu.memory_space<vmem>> -> memref<128x16xf32, #tpu.memory_space<vmem>>
        %dma_wait3A_131 = arith.constant 0 : i32
        %dma_wait3A_132 = tpu.memref_slice %arg6[%add3A_87, %dma_wait3A_131] : memref<10016x16xf32, #tpu.memory_space<vmem_shared>> -> memref<128x16xf32, #tpu.memory_space<vmem_shared>>
        %dma_wait3A_133 = arith.constant 0 : i32
        %dma_wait3A_134 = tpu.memref_slice %arg6[%add3A_87, %dma_wait3A_133] : memref<10016x16xf32, #tpu.memory_space<vmem_shared>> -> memref<128x16xf32, #tpu.memory_space<vmem_shared>>
        %dma_wait3A_135 = arith.constant 0 : i32
        %dma_wait3A_136 = arith.constant 0 : i32
        %dma_wait3A_137 = tpu.memref_slice %arg5[%dma_wait3A_135, %dma_wait3A_136] : memref<128x16xf32, #tpu.memory_space<vmem>> -> memref<128x16xf32, #tpu.memory_space<vmem>>
        tpu.wait_dma2 semaphore(%run_scoped3A : memref<!tpu.dma_semaphore, #tpu.memory_space<semaphore_mem>>) src(%dma_wait3A_137 : memref<128x16xf32, #tpu.memory_space<vmem>>) dst(%dma_wait3A_134 : memref<128x16xf32, #tpu.memory_space<vmem_shared>>)
        tpu.yield
      }) : () -> ()
      %mul3A_88 = arith.constant 2504 : i32
      %mul3A_89 = arith.muli %arg1, %mul3A_88 : i32
      %add3A_90 = arith.constant 1536 : i32
      %add3A_91 = arith.addi %mul3A_89, %add3A_90 : i32
      "tpu.region"() ({
        %run_scoped3A = tpu.sem_alloc : memref<!tpu.dma_semaphore, #tpu.memory_space<semaphore_mem>>
        %dma_start3A = arith.constant 0 : i32
        %dma_start3A_120 = arith.constant 0 : i32
        %dma_start3A_121 = tpu.memref_slice %arg5[%dma_start3A, %dma_start3A_120] : memref<128x16xf32, #tpu.memory_space<vmem>> -> memref<128x16xf32, #tpu.memory_space<vmem>>
        %dma_start3A_122 = arith.constant 0 : i32
        %dma_start3A_123 = tpu.memref_slice %arg6[%add3A_91, %dma_start3A_122] : memref<10016x16xf32, #tpu.memory_space<vmem_shared>> -> memref<128x16xf32, #tpu.memory_space<vmem_shared>>
        %dma_start3A_124 = arith.constant 0 : i32
        %dma_start3A_125 = tpu.memref_slice %arg6[%add3A_91, %dma_start3A_124] : memref<10016x16xf32, #tpu.memory_space<vmem_shared>> -> memref<128x16xf32, #tpu.memory_space<vmem_shared>>
        %dma_start3A_126 = arith.constant 0 : i32
        %dma_start3A_127 = arith.constant 0 : i32
        %dma_start3A_128 = tpu.memref_slice %arg5[%dma_start3A_126, %dma_start3A_127] : memref<128x16xf32, #tpu.memory_space<vmem>> -> memref<128x16xf32, #tpu.memory_space<vmem>>
        tpu.enqueue_dma source(%dma_start3A_128 : memref<128x16xf32, #tpu.memory_space<vmem>>) target(%dma_start3A_125 : memref<128x16xf32, #tpu.memory_space<vmem_shared>>) target_semaphore(%run_scoped3A : memref<!tpu.dma_semaphore, #tpu.memory_space<semaphore_mem>>)
        %dma_wait3A = arith.constant 0 : i32
        %dma_wait3A_129 = arith.constant 0 : i32
        %dma_wait3A_130 = tpu.memref_slice %arg5[%dma_wait3A, %dma_wait3A_129] : memref<128x16xf32, #tpu.memory_space<vmem>> -> memref<128x16xf32, #tpu.memory_space<vmem>>
        %dma_wait3A_131 = arith.constant 0 : i32
        %dma_wait3A_132 = tpu.memref_slice %arg6[%add3A_91, %dma_wait3A_131] : memref<10016x16xf32, #tpu.memory_space<vmem_shared>> -> memref<128x16xf32, #tpu.memory_space<vmem_shared>>
        %dma_wait3A_133 = arith.constant 0 : i32
        %dma_wait3A_134 = tpu.memref_slice %arg6[%add3A_91, %dma_wait3A_133] : memref<10016x16xf32, #tpu.memory_space<vmem_shared>> -> memref<128x16xf32, #tpu.memory_space<vmem_shared>>
        %dma_wait3A_135 = arith.constant 0 : i32
        %dma_wait3A_136 = arith.constant 0 : i32
        %dma_wait3A_137 = tpu.memref_slice %arg5[%dma_wait3A_135, %dma_wait3A_136] : memref<128x16xf32, #tpu.memory_space<vmem>> -> memref<128x16xf32, #tpu.memory_space<vmem>>
        tpu.wait_dma2 semaphore(%run_scoped3A : memref<!tpu.dma_semaphore, #tpu.memory_space<semaphore_mem>>) src(%dma_wait3A_137 : memref<128x16xf32, #tpu.memory_space<vmem>>) dst(%dma_wait3A_134 : memref<128x16xf32, #tpu.memory_space<vmem_shared>>)
        tpu.yield
      }) : () -> ()
      %mul3A_92 = arith.constant 2504 : i32
      %mul3A_93 = arith.muli %arg1, %mul3A_92 : i32
      %add3A_94 = arith.constant 1664 : i32
      %add3A_95 = arith.addi %mul3A_93, %add3A_94 : i32
      "tpu.region"() ({
        %run_scoped3A = tpu.sem_alloc : memref<!tpu.dma_semaphore, #tpu.memory_space<semaphore_mem>>
        %dma_start3A = arith.constant 0 : i32
        %dma_start3A_120 = arith.constant 0 : i32
        %dma_start3A_121 = tpu.memref_slice %arg5[%dma_start3A, %dma_start3A_120] : memref<128x16xf32, #tpu.memory_space<vmem>> -> memref<128x16xf32, #tpu.memory_space<vmem>>
        %dma_start3A_122 = arith.constant 0 : i32
        %dma_start3A_123 = tpu.memref_slice %arg6[%add3A_95, %dma_start3A_122] : memref<10016x16xf32, #tpu.memory_space<vmem_shared>> -> memref<128x16xf32, #tpu.memory_space<vmem_shared>>
        %dma_start3A_124 = arith.constant 0 : i32
        %dma_start3A_125 = tpu.memref_slice %arg6[%add3A_95, %dma_start3A_124] : memref<10016x16xf32, #tpu.memory_space<vmem_shared>> -> memref<128x16xf32, #tpu.memory_space<vmem_shared>>
        %dma_start3A_126 = arith.constant 0 : i32
        %dma_start3A_127 = arith.constant 0 : i32
        %dma_start3A_128 = tpu.memref_slice %arg5[%dma_start3A_126, %dma_start3A_127] : memref<128x16xf32, #tpu.memory_space<vmem>> -> memref<128x16xf32, #tpu.memory_space<vmem>>
        tpu.enqueue_dma source(%dma_start3A_128 : memref<128x16xf32, #tpu.memory_space<vmem>>) target(%dma_start3A_125 : memref<128x16xf32, #tpu.memory_space<vmem_shared>>) target_semaphore(%run_scoped3A : memref<!tpu.dma_semaphore, #tpu.memory_space<semaphore_mem>>)
        %dma_wait3A = arith.constant 0 : i32
        %dma_wait3A_129 = arith.constant 0 : i32
        %dma_wait3A_130 = tpu.memref_slice %arg5[%dma_wait3A, %dma_wait3A_129] : memref<128x16xf32, #tpu.memory_space<vmem>> -> memref<128x16xf32, #tpu.memory_space<vmem>>
        %dma_wait3A_131 = arith.constant 0 : i32
        %dma_wait3A_132 = tpu.memref_slice %arg6[%add3A_95, %dma_wait3A_131] : memref<10016x16xf32, #tpu.memory_space<vmem_shared>> -> memref<128x16xf32, #tpu.memory_space<vmem_shared>>
        %dma_wait3A_133 = arith.constant 0 : i32
        %dma_wait3A_134 = tpu.memref_slice %arg6[%add3A_95, %dma_wait3A_133] : memref<10016x16xf32, #tpu.memory_space<vmem_shared>> -> memref<128x16xf32, #tpu.memory_space<vmem_shared>>
        %dma_wait3A_135 = arith.constant 0 : i32
        %dma_wait3A_136 = arith.constant 0 : i32
        %dma_wait3A_137 = tpu.memref_slice %arg5[%dma_wait3A_135, %dma_wait3A_136] : memref<128x16xf32, #tpu.memory_space<vmem>> -> memref<128x16xf32, #tpu.memory_space<vmem>>
        tpu.wait_dma2 semaphore(%run_scoped3A : memref<!tpu.dma_semaphore, #tpu.memory_space<semaphore_mem>>) src(%dma_wait3A_137 : memref<128x16xf32, #tpu.memory_space<vmem>>) dst(%dma_wait3A_134 : memref<128x16xf32, #tpu.memory_space<vmem_shared>>)
        tpu.yield
      }) : () -> ()
      %mul3A_96 = arith.constant 2504 : i32
      %mul3A_97 = arith.muli %arg1, %mul3A_96 : i32
      %add3A_98 = arith.constant 1792 : i32
      %add3A_99 = arith.addi %mul3A_97, %add3A_98 : i32
      "tpu.region"() ({
        %run_scoped3A = tpu.sem_alloc : memref<!tpu.dma_semaphore, #tpu.memory_space<semaphore_mem>>
        %dma_start3A = arith.constant 0 : i32
        %dma_start3A_120 = arith.constant 0 : i32
        %dma_start3A_121 = tpu.memref_slice %arg5[%dma_start3A, %dma_start3A_120] : memref<128x16xf32, #tpu.memory_space<vmem>> -> memref<128x16xf32, #tpu.memory_space<vmem>>
        %dma_start3A_122 = arith.constant 0 : i32
        %dma_start3A_123 = tpu.memref_slice %arg6[%add3A_99, %dma_start3A_122] : memref<10016x16xf32, #tpu.memory_space<vmem_shared>> -> memref<128x16xf32, #tpu.memory_space<vmem_shared>>
        %dma_start3A_124 = arith.constant 0 : i32
        %dma_start3A_125 = tpu.memref_slice %arg6[%add3A_99, %dma_start3A_124] : memref<10016x16xf32, #tpu.memory_space<vmem_shared>> -> memref<128x16xf32, #tpu.memory_space<vmem_shared>>
        %dma_start3A_126 = arith.constant 0 : i32
        %dma_start3A_127 = arith.constant 0 : i32
        %dma_start3A_128 = tpu.memref_slice %arg5[%dma_start3A_126, %dma_start3A_127] : memref<128x16xf32, #tpu.memory_space<vmem>> -> memref<128x16xf32, #tpu.memory_space<vmem>>
        tpu.enqueue_dma source(%dma_start3A_128 : memref<128x16xf32, #tpu.memory_space<vmem>>) target(%dma_start3A_125 : memref<128x16xf32, #tpu.memory_space<vmem_shared>>) target_semaphore(%run_scoped3A : memref<!tpu.dma_semaphore, #tpu.memory_space<semaphore_mem>>)
        %dma_wait3A = arith.constant 0 : i32
        %dma_wait3A_129 = arith.constant 0 : i32
        %dma_wait3A_130 = tpu.memref_slice %arg5[%dma_wait3A, %dma_wait3A_129] : memref<128x16xf32, #tpu.memory_space<vmem>> -> memref<128x16xf32, #tpu.memory_space<vmem>>
        %dma_wait3A_131 = arith.constant 0 : i32
        %dma_wait3A_132 = tpu.memref_slice %arg6[%add3A_99, %dma_wait3A_131] : memref<10016x16xf32, #tpu.memory_space<vmem_shared>> -> memref<128x16xf32, #tpu.memory_space<vmem_shared>>
        %dma_wait3A_133 = arith.constant 0 : i32
        %dma_wait3A_134 = tpu.memref_slice %arg6[%add3A_99, %dma_wait3A_133] : memref<10016x16xf32, #tpu.memory_space<vmem_shared>> -> memref<128x16xf32, #tpu.memory_space<vmem_shared>>
        %dma_wait3A_135 = arith.constant 0 : i32
        %dma_wait3A_136 = arith.constant 0 : i32
        %dma_wait3A_137 = tpu.memref_slice %arg5[%dma_wait3A_135, %dma_wait3A_136] : memref<128x16xf32, #tpu.memory_space<vmem>> -> memref<128x16xf32, #tpu.memory_space<vmem>>
        tpu.wait_dma2 semaphore(%run_scoped3A : memref<!tpu.dma_semaphore, #tpu.memory_space<semaphore_mem>>) src(%dma_wait3A_137 : memref<128x16xf32, #tpu.memory_space<vmem>>) dst(%dma_wait3A_134 : memref<128x16xf32, #tpu.memory_space<vmem_shared>>)
        tpu.yield
      }) : () -> ()
      %mul3A_100 = arith.constant 2504 : i32
      %mul3A_101 = arith.muli %arg1, %mul3A_100 : i32
      %add3A_102 = arith.constant 1920 : i32
      %add3A_103 = arith.addi %mul3A_101, %add3A_102 : i32
      "tpu.region"() ({
        %run_scoped3A = tpu.sem_alloc : memref<!tpu.dma_semaphore, #tpu.memory_space<semaphore_mem>>
        %dma_start3A = arith.constant 0 : i32
        %dma_start3A_120 = arith.constant 0 : i32
        %dma_start3A_121 = tpu.memref_slice %arg5[%dma_start3A, %dma_start3A_120] : memref<128x16xf32, #tpu.memory_space<vmem>> -> memref<128x16xf32, #tpu.memory_space<vmem>>
        %dma_start3A_122 = arith.constant 0 : i32
        %dma_start3A_123 = tpu.memref_slice %arg6[%add3A_103, %dma_start3A_122] : memref<10016x16xf32, #tpu.memory_space<vmem_shared>> -> memref<128x16xf32, #tpu.memory_space<vmem_shared>>
        %dma_start3A_124 = arith.constant 0 : i32
        %dma_start3A_125 = tpu.memref_slice %arg6[%add3A_103, %dma_start3A_124] : memref<10016x16xf32, #tpu.memory_space<vmem_shared>> -> memref<128x16xf32, #tpu.memory_space<vmem_shared>>
        %dma_start3A_126 = arith.constant 0 : i32
        %dma_start3A_127 = arith.constant 0 : i32
        %dma_start3A_128 = tpu.memref_slice %arg5[%dma_start3A_126, %dma_start3A_127] : memref<128x16xf32, #tpu.memory_space<vmem>> -> memref<128x16xf32, #tpu.memory_space<vmem>>
        tpu.enqueue_dma source(%dma_start3A_128 : memref<128x16xf32, #tpu.memory_space<vmem>>) target(%dma_start3A_125 : memref<128x16xf32, #tpu.memory_space<vmem_shared>>) target_semaphore(%run_scoped3A : memref<!tpu.dma_semaphore, #tpu.memory_space<semaphore_mem>>)
        %dma_wait3A = arith.constant 0 : i32
        %dma_wait3A_129 = arith.constant 0 : i32
        %dma_wait3A_130 = tpu.memref_slice %arg5[%dma_wait3A, %dma_wait3A_129] : memref<128x16xf32, #tpu.memory_space<vmem>> -> memref<128x16xf32, #tpu.memory_space<vmem>>
        %dma_wait3A_131 = arith.constant 0 : i32
        %dma_wait3A_132 = tpu.memref_slice %arg6[%add3A_103, %dma_wait3A_131] : memref<10016x16xf32, #tpu.memory_space<vmem_shared>> -> memref<128x16xf32, #tpu.memory_space<vmem_shared>>
        %dma_wait3A_133 = arith.constant 0 : i32
        %dma_wait3A_134 = tpu.memref_slice %arg6[%add3A_103, %dma_wait3A_133] : memref<10016x16xf32, #tpu.memory_space<vmem_shared>> -> memref<128x16xf32, #tpu.memory_space<vmem_shared>>
        %dma_wait3A_135 = arith.constant 0 : i32
        %dma_wait3A_136 = arith.constant 0 : i32
        %dma_wait3A_137 = tpu.memref_slice %arg5[%dma_wait3A_135, %dma_wait3A_136] : memref<128x16xf32, #tpu.memory_space<vmem>> -> memref<128x16xf32, #tpu.memory_space<vmem>>
        tpu.wait_dma2 semaphore(%run_scoped3A : memref<!tpu.dma_semaphore, #tpu.memory_space<semaphore_mem>>) src(%dma_wait3A_137 : memref<128x16xf32, #tpu.memory_space<vmem>>) dst(%dma_wait3A_134 : memref<128x16xf32, #tpu.memory_space<vmem_shared>>)
        tpu.yield
      }) : () -> ()
      %mul3A_104 = arith.constant 2504 : i32
      %mul3A_105 = arith.muli %arg1, %mul3A_104 : i32
      %add3A_106 = arith.constant 2048 : i32
      %add3A_107 = arith.addi %mul3A_105, %add3A_106 : i32
      "tpu.region"() ({
        %run_scoped3A = tpu.sem_alloc : memref<!tpu.dma_semaphore, #tpu.memory_space<semaphore_mem>>
        %dma_start3A = arith.constant 0 : i32
        %dma_start3A_120 = arith.constant 0 : i32
        %dma_start3A_121 = tpu.memref_slice %arg5[%dma_start3A, %dma_start3A_120] : memref<128x16xf32, #tpu.memory_space<vmem>> -> memref<128x16xf32, #tpu.memory_space<vmem>>
        %dma_start3A_122 = arith.constant 0 : i32
        %dma_start3A_123 = tpu.memref_slice %arg6[%add3A_107, %dma_start3A_122] : memref<10016x16xf32, #tpu.memory_space<vmem_shared>> -> memref<128x16xf32, #tpu.memory_space<vmem_shared>>
        %dma_start3A_124 = arith.constant 0 : i32
        %dma_start3A_125 = tpu.memref_slice %arg6[%add3A_107, %dma_start3A_124] : memref<10016x16xf32, #tpu.memory_space<vmem_shared>> -> memref<128x16xf32, #tpu.memory_space<vmem_shared>>
        %dma_start3A_126 = arith.constant 0 : i32
        %dma_start3A_127 = arith.constant 0 : i32
        %dma_start3A_128 = tpu.memref_slice %arg5[%dma_start3A_126, %dma_start3A_127] : memref<128x16xf32, #tpu.memory_space<vmem>> -> memref<128x16xf32, #tpu.memory_space<vmem>>
        tpu.enqueue_dma source(%dma_start3A_128 : memref<128x16xf32, #tpu.memory_space<vmem>>) target(%dma_start3A_125 : memref<128x16xf32, #tpu.memory_space<vmem_shared>>) target_semaphore(%run_scoped3A : memref<!tpu.dma_semaphore, #tpu.memory_space<semaphore_mem>>)
        %dma_wait3A = arith.constant 0 : i32
        %dma_wait3A_129 = arith.constant 0 : i32
        %dma_wait3A_130 = tpu.memref_slice %arg5[%dma_wait3A, %dma_wait3A_129] : memref<128x16xf32, #tpu.memory_space<vmem>> -> memref<128x16xf32, #tpu.memory_space<vmem>>
        %dma_wait3A_131 = arith.constant 0 : i32
        %dma_wait3A_132 = tpu.memref_slice %arg6[%add3A_107, %dma_wait3A_131] : memref<10016x16xf32, #tpu.memory_space<vmem_shared>> -> memref<128x16xf32, #tpu.memory_space<vmem_shared>>
        %dma_wait3A_133 = arith.constant 0 : i32
        %dma_wait3A_134 = tpu.memref_slice %arg6[%add3A_107, %dma_wait3A_133] : memref<10016x16xf32, #tpu.memory_space<vmem_shared>> -> memref<128x16xf32, #tpu.memory_space<vmem_shared>>
        %dma_wait3A_135 = arith.constant 0 : i32
        %dma_wait3A_136 = arith.constant 0 : i32
        %dma_wait3A_137 = tpu.memref_slice %arg5[%dma_wait3A_135, %dma_wait3A_136] : memref<128x16xf32, #tpu.memory_space<vmem>> -> memref<128x16xf32, #tpu.memory_space<vmem>>
        tpu.wait_dma2 semaphore(%run_scoped3A : memref<!tpu.dma_semaphore, #tpu.memory_space<semaphore_mem>>) src(%dma_wait3A_137 : memref<128x16xf32, #tpu.memory_space<vmem>>) dst(%dma_wait3A_134 : memref<128x16xf32, #tpu.memory_space<vmem_shared>>)
        tpu.yield
      }) : () -> ()
      %mul3A_108 = arith.constant 2504 : i32
      %mul3A_109 = arith.muli %arg1, %mul3A_108 : i32
      %add3A_110 = arith.constant 2176 : i32
      %add3A_111 = arith.addi %mul3A_109, %add3A_110 : i32
      "tpu.region"() ({
        %run_scoped3A = tpu.sem_alloc : memref<!tpu.dma_semaphore, #tpu.memory_space<semaphore_mem>>
        %dma_start3A = arith.constant 0 : i32
        %dma_start3A_120 = arith.constant 0 : i32
        %dma_start3A_121 = tpu.memref_slice %arg5[%dma_start3A, %dma_start3A_120] : memref<128x16xf32, #tpu.memory_space<vmem>> -> memref<128x16xf32, #tpu.memory_space<vmem>>
        %dma_start3A_122 = arith.constant 0 : i32
        %dma_start3A_123 = tpu.memref_slice %arg6[%add3A_111, %dma_start3A_122] : memref<10016x16xf32, #tpu.memory_space<vmem_shared>> -> memref<128x16xf32, #tpu.memory_space<vmem_shared>>
        %dma_start3A_124 = arith.constant 0 : i32
        %dma_start3A_125 = tpu.memref_slice %arg6[%add3A_111, %dma_start3A_124] : memref<10016x16xf32, #tpu.memory_space<vmem_shared>> -> memref<128x16xf32, #tpu.memory_space<vmem_shared>>
        %dma_start3A_126 = arith.constant 0 : i32
        %dma_start3A_127 = arith.constant 0 : i32
        %dma_start3A_128 = tpu.memref_slice %arg5[%dma_start3A_126, %dma_start3A_127] : memref<128x16xf32, #tpu.memory_space<vmem>> -> memref<128x16xf32, #tpu.memory_space<vmem>>
        tpu.enqueue_dma source(%dma_start3A_128 : memref<128x16xf32, #tpu.memory_space<vmem>>) target(%dma_start3A_125 : memref<128x16xf32, #tpu.memory_space<vmem_shared>>) target_semaphore(%run_scoped3A : memref<!tpu.dma_semaphore, #tpu.memory_space<semaphore_mem>>)
        %dma_wait3A = arith.constant 0 : i32
        %dma_wait3A_129 = arith.constant 0 : i32
        %dma_wait3A_130 = tpu.memref_slice %arg5[%dma_wait3A, %dma_wait3A_129] : memref<128x16xf32, #tpu.memory_space<vmem>> -> memref<128x16xf32, #tpu.memory_space<vmem>>
        %dma_wait3A_131 = arith.constant 0 : i32
        %dma_wait3A_132 = tpu.memref_slice %arg6[%add3A_111, %dma_wait3A_131] : memref<10016x16xf32, #tpu.memory_space<vmem_shared>> -> memref<128x16xf32, #tpu.memory_space<vmem_shared>>
        %dma_wait3A_133 = arith.constant 0 : i32
        %dma_wait3A_134 = tpu.memref_slice %arg6[%add3A_111, %dma_wait3A_133] : memref<10016x16xf32, #tpu.memory_space<vmem_shared>> -> memref<128x16xf32, #tpu.memory_space<vmem_shared>>
        %dma_wait3A_135 = arith.constant 0 : i32
        %dma_wait3A_136 = arith.constant 0 : i32
        %dma_wait3A_137 = tpu.memref_slice %arg5[%dma_wait3A_135, %dma_wait3A_136] : memref<128x16xf32, #tpu.memory_space<vmem>> -> memref<128x16xf32, #tpu.memory_space<vmem>>
        tpu.wait_dma2 semaphore(%run_scoped3A : memref<!tpu.dma_semaphore, #tpu.memory_space<semaphore_mem>>) src(%dma_wait3A_137 : memref<128x16xf32, #tpu.memory_space<vmem>>) dst(%dma_wait3A_134 : memref<128x16xf32, #tpu.memory_space<vmem_shared>>)
        tpu.yield
      }) : () -> ()
      %mul3A_112 = arith.constant 2504 : i32
      %mul3A_113 = arith.muli %arg1, %mul3A_112 : i32
      %add3A_114 = arith.constant 2304 : i32
      %add3A_115 = arith.addi %mul3A_113, %add3A_114 : i32
      "tpu.region"() ({
        %run_scoped3A = tpu.sem_alloc : memref<!tpu.dma_semaphore, #tpu.memory_space<semaphore_mem>>
        %dma_start3A = arith.constant 0 : i32
        %dma_start3A_120 = arith.constant 0 : i32
        %dma_start3A_121 = tpu.memref_slice %arg5[%dma_start3A, %dma_start3A_120] : memref<128x16xf32, #tpu.memory_space<vmem>> -> memref<128x16xf32, #tpu.memory_space<vmem>>
        %dma_start3A_122 = arith.constant 0 : i32
        %dma_start3A_123 = tpu.memref_slice %arg6[%add3A_115, %dma_start3A_122] : memref<10016x16xf32, #tpu.memory_space<vmem_shared>> -> memref<128x16xf32, #tpu.memory_space<vmem_shared>>
        %dma_start3A_124 = arith.constant 0 : i32
        %dma_start3A_125 = tpu.memref_slice %arg6[%add3A_115, %dma_start3A_124] : memref<10016x16xf32, #tpu.memory_space<vmem_shared>> -> memref<128x16xf32, #tpu.memory_space<vmem_shared>>
        %dma_start3A_126 = arith.constant 0 : i32
        %dma_start3A_127 = arith.constant 0 : i32
        %dma_start3A_128 = tpu.memref_slice %arg5[%dma_start3A_126, %dma_start3A_127] : memref<128x16xf32, #tpu.memory_space<vmem>> -> memref<128x16xf32, #tpu.memory_space<vmem>>
        tpu.enqueue_dma source(%dma_start3A_128 : memref<128x16xf32, #tpu.memory_space<vmem>>) target(%dma_start3A_125 : memref<128x16xf32, #tpu.memory_space<vmem_shared>>) target_semaphore(%run_scoped3A : memref<!tpu.dma_semaphore, #tpu.memory_space<semaphore_mem>>)
        %dma_wait3A = arith.constant 0 : i32
        %dma_wait3A_129 = arith.constant 0 : i32
        %dma_wait3A_130 = tpu.memref_slice %arg5[%dma_wait3A, %dma_wait3A_129] : memref<128x16xf32, #tpu.memory_space<vmem>> -> memref<128x16xf32, #tpu.memory_space<vmem>>
        %dma_wait3A_131 = arith.constant 0 : i32
        %dma_wait3A_132 = tpu.memref_slice %arg6[%add3A_115, %dma_wait3A_131] : memref<10016x16xf32, #tpu.memory_space<vmem_shared>> -> memref<128x16xf32, #tpu.memory_space<vmem_shared>>
        %dma_wait3A_133 = arith.constant 0 : i32
        %dma_wait3A_134 = tpu.memref_slice %arg6[%add3A_115, %dma_wait3A_133] : memref<10016x16xf32, #tpu.memory_space<vmem_shared>> -> memref<128x16xf32, #tpu.memory_space<vmem_shared>>
        %dma_wait3A_135 = arith.constant 0 : i32
        %dma_wait3A_136 = arith.constant 0 : i32
        %dma_wait3A_137 = tpu.memref_slice %arg5[%dma_wait3A_135, %dma_wait3A_136] : memref<128x16xf32, #tpu.memory_space<vmem>> -> memref<128x16xf32, #tpu.memory_space<vmem>>
        tpu.wait_dma2 semaphore(%run_scoped3A : memref<!tpu.dma_semaphore, #tpu.memory_space<semaphore_mem>>) src(%dma_wait3A_137 : memref<128x16xf32, #tpu.memory_space<vmem>>) dst(%dma_wait3A_134 : memref<128x16xf32, #tpu.memory_space<vmem_shared>>)
        tpu.yield
      }) : () -> ()
      %mul3A_116 = arith.constant 2504 : i32
      %mul3A_117 = arith.muli %arg1, %mul3A_116 : i32
      %add3A_118 = arith.constant 2432 : i32
      %add3A_119 = arith.addi %mul3A_117, %add3A_118 : i32
      "tpu.region"() ({
        %run_scoped3A = tpu.sem_alloc : memref<!tpu.dma_semaphore, #tpu.memory_space<semaphore_mem>>
        %dma_start3A = arith.constant 0 : i32
        %dma_start3A_120 = arith.constant 0 : i32
        %dma_start3A_121 = tpu.memref_slice %arg5[%dma_start3A, %dma_start3A_120] : memref<128x16xf32, #tpu.memory_space<vmem>> -> memref<72x16xf32, #tpu.memory_space<vmem>>
        %dma_start3A_122 = arith.constant 0 : i32
        %dma_start3A_123 = tpu.memref_slice %arg6[%add3A_119, %dma_start3A_122] : memref<10016x16xf32, #tpu.memory_space<vmem_shared>> -> memref<72x16xf32, #tpu.memory_space<vmem_shared>>
        %dma_start3A_124 = arith.constant 0 : i32
        %dma_start3A_125 = tpu.memref_slice %arg6[%add3A_119, %dma_start3A_124] : memref<10016x16xf32, #tpu.memory_space<vmem_shared>> -> memref<72x16xf32, #tpu.memory_space<vmem_shared>>
        %dma_start3A_126 = arith.constant 0 : i32
        %dma_start3A_127 = arith.constant 0 : i32
        %dma_start3A_128 = tpu.memref_slice %arg5[%dma_start3A_126, %dma_start3A_127] : memref<128x16xf32, #tpu.memory_space<vmem>> -> memref<72x16xf32, #tpu.memory_space<vmem>>
        tpu.enqueue_dma source(%dma_start3A_128 : memref<72x16xf32, #tpu.memory_space<vmem>>) target(%dma_start3A_125 : memref<72x16xf32, #tpu.memory_space<vmem_shared>>) target_semaphore(%run_scoped3A : memref<!tpu.dma_semaphore, #tpu.memory_space<semaphore_mem>>)
        %dma_wait3A = arith.constant 0 : i32
        %dma_wait3A_129 = arith.constant 0 : i32
        %dma_wait3A_130 = tpu.memref_slice %arg5[%dma_wait3A, %dma_wait3A_129] : memref<128x16xf32, #tpu.memory_space<vmem>> -> memref<72x16xf32, #tpu.memory_space<vmem>>
        %dma_wait3A_131 = arith.constant 0 : i32
        %dma_wait3A_132 = tpu.memref_slice %arg6[%add3A_119, %dma_wait3A_131] : memref<10016x16xf32, #tpu.memory_space<vmem_shared>> -> memref<72x16xf32, #tpu.memory_space<vmem_shared>>
        %dma_wait3A_133 = arith.constant 0 : i32
        %dma_wait3A_134 = tpu.memref_slice %arg6[%add3A_119, %dma_wait3A_133] : memref<10016x16xf32, #tpu.memory_space<vmem_shared>> -> memref<72x16xf32, #tpu.memory_space<vmem_shared>>
        %dma_wait3A_135 = arith.constant 0 : i32
        %dma_wait3A_136 = arith.constant 0 : i32
        %dma_wait3A_137 = tpu.memref_slice %arg5[%dma_wait3A_135, %dma_wait3A_136] : memref<128x16xf32, #tpu.memory_space<vmem>> -> memref<72x16xf32, #tpu.memory_space<vmem>>
        tpu.wait_dma2 semaphore(%run_scoped3A : memref<!tpu.dma_semaphore, #tpu.memory_space<semaphore_mem>>) src(%dma_wait3A_137 : memref<72x16xf32, #tpu.memory_space<vmem>>) dst(%dma_wait3A_134 : memref<72x16xf32, #tpu.memory_space<vmem_shared>>)
        tpu.yield
      }) : () -> ()
    } else {
    }
    %scan3A_13 = arith.constant 0 : i32
    %scan3A_14 = arith.constant 0 : i32
    %scan3A_15 = arith.constant 128 : i32
    %scan3A_16 = arith.addi %scan3A_14, %scan3A_15 : i32
    %scan3A_17 = arith.constant 1 : i32
    %scan3A_18 = scf.for %scan3A_40 = %scan3A_14 to %scan3A_16 step %scan3A_17 iter_args(%scan3A_41 = %scan3A_13) -> (i32)  : i32 {
      %broadcast_in_dim3A = arith.constant 1.000000e+00 : f32
      %broadcast_in_dim3A_42 = vector.broadcast %broadcast_in_dim3A : f32 to vector<16xf32>
      %swap3A = arith.index_cast %scan3A_40 : i32 to index
      %swap3A_43 = arith.constant 0 : index
      %swap3A_44 = tpu.vector_load %arg5[%swap3A, %swap3A_43] {strides = array<i32>} : memref<128x16xf32, #tpu.memory_space<vmem>>, vector<16xf32>,
      tpu.vector_store %arg5[%swap3A, %swap3A_43], %broadcast_in_dim3A_42 {strides = array<i32>} : memref<128x16xf32, #tpu.memory_space<vmem>>, vector<16xf32>,
      %scan3A_45 = arith.constant 0 : i32
      scf.yield %scan3A_45 : i32
    }
    %scan3A_19 = arith.constant 128 : i32
    "tpu.region"() ({
      %run_scoped3A = tpu.sem_alloc : memref<!tpu.dma_semaphore, #tpu.memory_space<semaphore_mem>>
      %dma_start3A = arith.constant 0 : i32
      %dma_start3A_40 = tpu.memref_slice %arg2[%mul3A_2, %dma_start3A] : memref<2560x128xi32, #tpu.memory_space<hbm>> -> memref<80x128xi32, #tpu.memory_space<hbm>>
      %dma_start3A_41 = arith.constant 0 : i32
      %dma_start3A_42 = tpu.memref_slice %arg2[%mul3A_2, %dma_start3A_41] : memref<2560x128xi32, #tpu.memory_space<hbm>> -> memref<80x128xi32, #tpu.memory_space<hbm>>
      tpu.enqueue_dma source(%dma_start3A_42 : memref<80x128xi32, #tpu.memory_space<hbm>>) target(%arg4 : memref<80x128xi32, #tpu.memory_space<vmem>>) target_semaphore(%run_scoped3A : memref<!tpu.dma_semaphore, #tpu.memory_space<semaphore_mem>>)
      %dma_wait3A = arith.constant 0 : i32
      %dma_wait3A_43 = tpu.memref_slice %arg2[%mul3A_2, %dma_wait3A] : memref<2560x128xi32, #tpu.memory_space<hbm>> -> memref<80x128xi32, #tpu.memory_space<hbm>>
      %dma_wait3A_44 = arith.constant 0 : i32
      %dma_wait3A_45 = tpu.memref_slice %arg2[%mul3A_2, %dma_wait3A_44] : memref<2560x128xi32, #tpu.memory_space<hbm>> -> memref<80x128xi32, #tpu.memory_space<hbm>>
      tpu.wait_dma2 semaphore(%run_scoped3A : memref<!tpu.dma_semaphore, #tpu.memory_space<semaphore_mem>>) src(%dma_wait3A_45 : memref<80x128xi32, #tpu.memory_space<hbm>>) dst(%arg4 : memref<80x128xi32, #tpu.memory_space<vmem>>)
      tpu.yield
    }) : () -> ()
    %barrier3A = arith.constant 0 : index
    tpu.barrier barrier_id(%barrier3A)
    %scan3A_20 = arith.constant 0 : i32
    %scan3A_21 = arith.constant 0 : i32
    %scan3A_22 = arith.constant 80 : i32
    %scan3A_23 = arith.addi %scan3A_21, %scan3A_22 : i32
    %scan3A_24 = arith.constant 1 : i32
    %scan3A_25 = scf.for %scan3A_40 = %scan3A_21 to %scan3A_23 step %scan3A_24 iter_args(%scan3A_41 = %scan3A_20) -> (i32)  : i32 {
      %dma_start3A = arith.constant 0 : i32
      %dma_start3A_42 = tpu.memref_slice %arg4[%scan3A_40, %dma_start3A] : memref<80x128xi32, #tpu.memory_space<vmem>> -> memref<1x128xi32, #tpu.memory_space<vmem>>
      %dma_start3A_43 = tpu.memref_squeeze %dma_start3A_42 : memref<1x128xi32, #tpu.memory_space<vmem>> -> memref<128xi32, #tpu.memory_space<vmem>>
      %dma_start3A_44 = arith.constant 0 : i32
      %dma_start3A_45 = arith.constant 0 : i32
      %dma_start3A_46 = tpu.memref_slice %arg6[%dma_start3A_44, %dma_start3A_45] : memref<10016x16xf32, #tpu.memory_space<vmem_shared>> -> memref<10016x16xf32, #tpu.memory_space<vmem_shared>>
      tpu.enqueue_indirect_dma source(%arg5 : memref<128x16xf32, #tpu.memory_space<vmem>>) target(%dma_start3A_46 : memref<10016x16xf32, #tpu.memory_space<vmem_shared>>) offsets(%dma_start3A_43 : memref<128xi32, #tpu.memory_space<vmem>>) semaphore(%arg7 : memref<!tpu.dma_semaphore, #tpu.memory_space<semaphore_mem>>) {add = true}
      %scan3A_47 = arith.constant 0 : i32
      scf.yield %scan3A_47 : i32
    }
    %scan3A_26 = arith.constant 80 : i32
    %scan3A_27 = arith.constant 0 : i32
    %scan3A_28 = arith.constant 0 : i32
    %scan3A_29 = arith.constant 80 : i32
    %scan3A_30 = arith.addi %scan3A_28, %scan3A_29 : i32
    %scan3A_31 = arith.constant 1 : i32
    %scan3A_32 = scf.for %scan3A_40 = %scan3A_28 to %scan3A_30 step %scan3A_31 iter_args(%scan3A_41 = %scan3A_27) -> (i32)  : i32 {
      %dma_wait3A = arith.constant 0 : i32
      %dma_wait3A_42 = tpu.memref_slice %arg4[%scan3A_40, %dma_wait3A] : memref<80x128xi32, #tpu.memory_space<vmem>> -> memref<1x128xi32, #tpu.memory_space<vmem>>
      %dma_wait3A_43 = tpu.memref_squeeze %dma_wait3A_42 : memref<1x128xi32, #tpu.memory_space<vmem>> -> memref<128xi32, #tpu.memory_space<vmem>>
      %dma_wait3A_44 = arith.constant 0 : i32
      %dma_wait3A_45 = arith.constant 0 : i32
      %dma_wait3A_46 = tpu.memref_slice %arg6[%dma_wait3A_44, %dma_wait3A_45] : memref<10016x16xf32, #tpu.memory_space<vmem_shared>> -> memref<10016x16xf32, #tpu.memory_space<vmem_shared>>
      tpu.wait_indirect_dma semaphore(%arg7 : memref<!tpu.dma_semaphore, #tpu.memory_space<semaphore_mem>>) src(%arg5 : memref<128x16xf32, #tpu.memory_space<vmem>>) dst(%dma_wait3A_46 : memref<10016x16xf32, #tpu.memory_space<vmem_shared>>)
      %scan3A_47 = arith.constant 0 : i32
      scf.yield %scan3A_47 : i32
    }
    %scan3A_33 = arith.constant 80 : i32
    %barrier3A_34 = arith.constant 0 : index
    tpu.barrier barrier_id(%barrier3A_34)
    %lt3A_35 = arith.constant 10 : i32
    %lt3A_36 = arith.cmpi slt, %arg1, %lt3A_35 : i32
    %convert_element_type3A_37 = arith.extui %lt3A_36 : i1 to i32
    %cond3A_38 = arith.constant 0 : i32
    %cond3A_39 = arith.cmpi ne, %convert_element_type3A_37, %cond3A_38 : i32
    scf.if %cond3A_39 {
      "tpu.region"() ({
        %run_scoped3A = tpu.sem_alloc : memref<!tpu.dma_semaphore, #tpu.memory_space<semaphore_mem>>
        %dma_start3A = arith.constant 0 : i32
        %dma_start3A_40 = tpu.memref_slice %arg3[%arg0, %mul3A_4, %dma_start3A] : memref<2x10000x16xf32, #tpu.memory_space<hbm>> -> memref<1x1000x16xf32, #tpu.memory_space<hbm>>
        %dma_start3A_41 = tpu.memref_squeeze %dma_start3A_40 : memref<1x1000x16xf32, #tpu.memory_space<hbm>> -> memref<1000x16xf32, #tpu.memory_space<hbm>>
        %dma_start3A_42 = arith.constant 0 : i32
        %dma_start3A_43 = tpu.memref_slice %arg6[%mul3A_4, %dma_start3A_42] : memref<10016x16xf32, #tpu.memory_space<vmem_shared>> -> memref<1000x16xf32, #tpu.memory_space<vmem_shared>>
        tpu.enqueue_dma source(%dma_start3A_43 : memref<1000x16xf32, #tpu.memory_space<vmem_shared>>) target(%dma_start3A_41 : memref<1000x16xf32, #tpu.memory_space<hbm>>) target_semaphore(%run_scoped3A : memref<!tpu.dma_semaphore, #tpu.memory_space<semaphore_mem>>)
        %dma_wait3A = arith.constant 0 : i32
        %dma_wait3A_44 = tpu.memref_slice %arg3[%arg0, %mul3A_4, %dma_wait3A] : memref<2x10000x16xf32, #tpu.memory_space<hbm>> -> memref<1x1000x16xf32, #tpu.memory_space<hbm>>
        %dma_wait3A_45 = tpu.memref_squeeze %dma_wait3A_44 : memref<1x1000x16xf32, #tpu.memory_space<hbm>> -> memref<1000x16xf32, #tpu.memory_space<hbm>>
        %dma_wait3A_46 = arith.constant 0 : i32
        %dma_wait3A_47 = tpu.memref_slice %arg6[%mul3A_4, %dma_wait3A_46] : memref<10016x16xf32, #tpu.memory_space<vmem_shared>> -> memref<1000x16xf32, #tpu.memory_space<vmem_shared>>
        tpu.wait_dma2 semaphore(%run_scoped3A : memref<!tpu.dma_semaphore, #tpu.memory_space<semaphore_mem>>) src(%dma_wait3A_47 : memref<1000x16xf32, #tpu.memory_space<vmem_shared>>) dst(%dma_wait3A_45 : memref<1000x16xf32, #tpu.memory_space<hbm>>)
        tpu.yield
      }) : () -> ()
    } else {
    }
    return
  }
}

#map = affine_map<(d0, d1) -> (0, 0)>
#map1 = affine_map<(d0, d1) -> (0, 0, 0)>
module attributes {stable_mosaic.version = 14 : i64} {
  func.func @body(%arg0: i32, %arg1: i32, %arg2: memref<2500x128xf32, #tpu.memory_space<hbm>>, %arg3: memref<2560x128xi32, #tpu.memory_space<hbm>>, %arg4: memref<2560x128xi32, #tpu.memory_space<hbm>>, %arg5: memref<2560x128xf32, #tpu.memory_space<hbm>>, %arg6: memref<2x2560x128xf32, #tpu.memory_space<hbm>>, %arg7: memref<80x128xi32, #tpu.memory_space<vmem>>, %arg8: memref<80x128xi32, #tpu.memory_space<vmem>>, %arg9: memref<80x128xf32, #tpu.memory_space<vmem>>, %arg10: memref<2x64xi32, #tpu.memory_space<vmem>>, %arg11: memref<64x128xf32, #tpu.memory_space<vmem>>, %arg12: memref<64x128xf32, #tpu.memory_space<vmem>>, %arg13: memref<2560x128xf32, #tpu.memory_space<vmem_shared>>, %arg14: memref<!tpu.dma_semaphore, #tpu.memory_space<semaphore_mem>>, %arg15: memref<!tpu.dma_semaphore, #tpu.memory_space<semaphore_mem>>, %arg16: memref<!tpu.dma_semaphore, #tpu.memory_space<semaphore_mem>>, %arg17: memref<!tpu.dma_semaphore, #tpu.memory_space<semaphore_mem>>) attributes {dimension_semantics = [#tpu.dimension_semantics<core_parallel>, #tpu.dimension_semantics<subcore_parallel>], iteration_bounds = array<i64: 2, 16>, scalar_prefetch = 0 : i64, scratch_operands = 11 : i64, tpu.core_type = #tpu.core_type<sc_vector_subcore>, window_params = [{transform_indices = #map}, {transform_indices = #map}, {transform_indices = #map}, {transform_indices = #map}, {transform_indices = #map1}]} {
    %mul3A = arith.constant 2 : i32
    %mul3A_0 = arith.muli %arg1, %mul3A : i32
    %add3A = arith.addi %mul3A_0, %arg0 : i32
    %mul3A_1 = arith.constant 80 : i32
    %mul3A_2 = arith.muli %add3A, %mul3A_1 : i32
    %mul3A_3 = arith.constant 160 : i32
    %mul3A_4 = arith.muli %arg1, %mul3A_3 : i32
    "tpu.region"() ({
      %run_scoped3A = tpu.sem_alloc : memref<!tpu.dma_semaphore, #tpu.memory_space<semaphore_mem>>
      %dma_start3A_46 = arith.constant 0 : i32
      %dma_start3A_47 = tpu.memref_slice %arg3[%mul3A_2, %dma_start3A_46] : memref<2560x128xi32, #tpu.memory_space<hbm>> -> memref<80x128xi32, #tpu.memory_space<hbm>>
      %dma_start3A_48 = arith.constant 0 : i32
      %dma_start3A_49 = tpu.memref_slice %arg3[%mul3A_2, %dma_start3A_48] : memref<2560x128xi32, #tpu.memory_space<hbm>> -> memref<80x128xi32, #tpu.memory_space<hbm>>
      tpu.enqueue_dma source(%dma_start3A_49 : memref<80x128xi32, #tpu.memory_space<hbm>>) target(%arg7 : memref<80x128xi32, #tpu.memory_space<vmem>>) target_semaphore(%run_scoped3A : memref<!tpu.dma_semaphore, #tpu.memory_space<semaphore_mem>>)
      %dma_wait3A = arith.constant 0 : i32
      %dma_wait3A_50 = tpu.memref_slice %arg3[%mul3A_2, %dma_wait3A] : memref<2560x128xi32, #tpu.memory_space<hbm>> -> memref<80x128xi32, #tpu.memory_space<hbm>>
      %dma_wait3A_51 = arith.constant 0 : i32
      %dma_wait3A_52 = tpu.memref_slice %arg3[%mul3A_2, %dma_wait3A_51] : memref<2560x128xi32, #tpu.memory_space<hbm>> -> memref<80x128xi32, #tpu.memory_space<hbm>>
      tpu.wait_dma2 semaphore(%run_scoped3A : memref<!tpu.dma_semaphore, #tpu.memory_space<semaphore_mem>>) src(%dma_wait3A_52 : memref<80x128xi32, #tpu.memory_space<hbm>>) dst(%arg7 : memref<80x128xi32, #tpu.memory_space<vmem>>)
      tpu.yield
    }) : () -> ()
    "tpu.region"() ({
      %run_scoped3A = tpu.sem_alloc : memref<!tpu.dma_semaphore, #tpu.memory_space<semaphore_mem>>
      %dma_start3A_46 = arith.constant 0 : i32
      %dma_start3A_47 = tpu.memref_slice %arg4[%mul3A_2, %dma_start3A_46] : memref<2560x128xi32, #tpu.memory_space<hbm>> -> memref<80x128xi32, #tpu.memory_space<hbm>>
      %dma_start3A_48 = arith.constant 0 : i32
      %dma_start3A_49 = tpu.memref_slice %arg4[%mul3A_2, %dma_start3A_48] : memref<2560x128xi32, #tpu.memory_space<hbm>> -> memref<80x128xi32, #tpu.memory_space<hbm>>
      tpu.enqueue_dma source(%dma_start3A_49 : memref<80x128xi32, #tpu.memory_space<hbm>>) target(%arg8 : memref<80x128xi32, #tpu.memory_space<vmem>>) target_semaphore(%run_scoped3A : memref<!tpu.dma_semaphore, #tpu.memory_space<semaphore_mem>>)
      %dma_wait3A = arith.constant 0 : i32
      %dma_wait3A_50 = tpu.memref_slice %arg4[%mul3A_2, %dma_wait3A] : memref<2560x128xi32, #tpu.memory_space<hbm>> -> memref<80x128xi32, #tpu.memory_space<hbm>>
      %dma_wait3A_51 = arith.constant 0 : i32
      %dma_wait3A_52 = tpu.memref_slice %arg4[%mul3A_2, %dma_wait3A_51] : memref<2560x128xi32, #tpu.memory_space<hbm>> -> memref<80x128xi32, #tpu.memory_space<hbm>>
      tpu.wait_dma2 semaphore(%run_scoped3A : memref<!tpu.dma_semaphore, #tpu.memory_space<semaphore_mem>>) src(%dma_wait3A_52 : memref<80x128xi32, #tpu.memory_space<hbm>>) dst(%arg8 : memref<80x128xi32, #tpu.memory_space<vmem>>)
      tpu.yield
    }) : () -> ()
    "tpu.region"() ({
      %run_scoped3A = tpu.sem_alloc : memref<!tpu.dma_semaphore, #tpu.memory_space<semaphore_mem>>
      %dma_start3A_46 = arith.constant 0 : i32
      %dma_start3A_47 = tpu.memref_slice %arg5[%mul3A_2, %dma_start3A_46] : memref<2560x128xf32, #tpu.memory_space<hbm>> -> memref<80x128xf32, #tpu.memory_space<hbm>>
      %dma_start3A_48 = arith.constant 0 : i32
      %dma_start3A_49 = tpu.memref_slice %arg5[%mul3A_2, %dma_start3A_48] : memref<2560x128xf32, #tpu.memory_space<hbm>> -> memref<80x128xf32, #tpu.memory_space<hbm>>
      tpu.enqueue_dma source(%dma_start3A_49 : memref<80x128xf32, #tpu.memory_space<hbm>>) target(%arg9 : memref<80x128xf32, #tpu.memory_space<vmem>>) target_semaphore(%run_scoped3A : memref<!tpu.dma_semaphore, #tpu.memory_space<semaphore_mem>>)
      %dma_wait3A = arith.constant 0 : i32
      %dma_wait3A_50 = tpu.memref_slice %arg5[%mul3A_2, %dma_wait3A] : memref<2560x128xf32, #tpu.memory_space<hbm>> -> memref<80x128xf32, #tpu.memory_space<hbm>>
      %dma_wait3A_51 = arith.constant 0 : i32
      %dma_wait3A_52 = tpu.memref_slice %arg5[%mul3A_2, %dma_wait3A_51] : memref<2560x128xf32, #tpu.memory_space<hbm>> -> memref<80x128xf32, #tpu.memory_space<hbm>>
      tpu.wait_dma2 semaphore(%run_scoped3A : memref<!tpu.dma_semaphore, #tpu.memory_space<semaphore_mem>>) src(%dma_wait3A_52 : memref<80x128xf32, #tpu.memory_space<hbm>>) dst(%arg9 : memref<80x128xf32, #tpu.memory_space<vmem>>)
      tpu.yield
    }) : () -> ()
    %scan3A = arith.constant 0 : i32
    %scan3A_5 = arith.constant 0 : i32
    %scan3A_6 = arith.constant 80 : i32
    %scan3A_7 = arith.addi %scan3A_5, %scan3A_6 : i32
    %scan3A_8 = arith.constant 1 : i32
    %scan3A_9 = scf.for %scan3A_46 = %scan3A_5 to %scan3A_7 step %scan3A_8 iter_args(%scan3A_47 = %scan3A) -> (i32)  : i32 {
      %get3A = arith.index_cast %scan3A_46 : i32 to index
      %get3A_48 = arith.constant 0 : index
      %get3A_49 = tpu.vector_load %arg7[%get3A, %get3A_48] {strides = array<i32>} : memref<80x128xi32, #tpu.memory_space<vmem>>, vector<16xi32>,
      %shift_right_logical3A = arith.constant 2 : i32
      %shift_right_logical3A_50 = vector.broadcast %shift_right_logical3A : i32 to vector<16xi32>
      %shift_right_logical3A_51 = arith.shrui %get3A_49, %shift_right_logical3A_50 : vector<16xi32>
      %swap3A = arith.index_cast %scan3A_46 : i32 to index
      %swap3A_52 = arith.constant 0 : index
      %swap3A_53 = tpu.vector_load %arg7[%swap3A, %swap3A_52] {strides = array<i32>} : memref<80x128xi32, #tpu.memory_space<vmem>>, vector<16xi32>,
      tpu.vector_store %arg7[%swap3A, %swap3A_52], %shift_right_logical3A_51 {strides = array<i32>} : memref<80x128xi32, #tpu.memory_space<vmem>>, vector<16xi32>,
      %get3A_54 = arith.index_cast %scan3A_46 : i32 to index
      %get3A_55 = arith.constant 0 : index
      %get3A_56 = tpu.vector_load %arg8[%get3A_54, %get3A_55] {strides = array<i32>} : memref<80x128xi32, #tpu.memory_space<vmem>>, vector<16xi32>,
      %shift_right_logical3A_57 = arith.constant 2 : i32
      %shift_right_logical3A_58 = vector.broadcast %shift_right_logical3A_57 : i32 to vector<16xi32>
      %shift_right_logical3A_59 = arith.shrui %get3A_56, %shift_right_logical3A_58 : vector<16xi32>
      %swap3A_60 = arith.index_cast %scan3A_46 : i32 to index
      %swap3A_61 = arith.constant 0 : index
      %swap3A_62 = tpu.vector_load %arg8[%swap3A_60, %swap3A_61] {strides = array<i32>} : memref<80x128xi32, #tpu.memory_space<vmem>>, vector<16xi32>,
      tpu.vector_store %arg8[%swap3A_60, %swap3A_61], %shift_right_logical3A_59 {strides = array<i32>} : memref<80x128xi32, #tpu.memory_space<vmem>>, vector<16xi32>,
      %get3A_63 = arith.index_cast %scan3A_46 : i32 to index
      %get3A_64 = arith.constant 16 : index
      %get3A_65 = tpu.vector_load %arg7[%get3A_63, %get3A_64] {strides = array<i32>} : memref<80x128xi32, #tpu.memory_space<vmem>>, vector<16xi32>,
      %shift_right_logical3A_66 = arith.constant 2 : i32
      %shift_right_logical3A_67 = vector.broadcast %shift_right_logical3A_66 : i32 to vector<16xi32>
      %shift_right_logical3A_68 = arith.shrui %get3A_65, %shift_right_logical3A_67 : vector<16xi32>
      %swap3A_69 = arith.index_cast %scan3A_46 : i32 to index
      %swap3A_70 = arith.constant 16 : index
      %swap3A_71 = tpu.vector_load %arg7[%swap3A_69, %swap3A_70] {strides = array<i32>} : memref<80x128xi32, #tpu.memory_space<vmem>>, vector<16xi32>,
      tpu.vector_store %arg7[%swap3A_69, %swap3A_70], %shift_right_logical3A_68 {strides = array<i32>} : memref<80x128xi32, #tpu.memory_space<vmem>>, vector<16xi32>,
      %get3A_72 = arith.index_cast %scan3A_46 : i32 to index
      %get3A_73 = arith.constant 16 : index
      %get3A_74 = tpu.vector_load %arg8[%get3A_72, %get3A_73] {strides = array<i32>} : memref<80x128xi32, #tpu.memory_space<vmem>>, vector<16xi32>,
      %shift_right_logical3A_75 = arith.constant 2 : i32
      %shift_right_logical3A_76 = vector.broadcast %shift_right_logical3A_75 : i32 to vector<16xi32>
      %shift_right_logical3A_77 = arith.shrui %get3A_74, %shift_right_logical3A_76 : vector<16xi32>
      %swap3A_78 = arith.index_cast %scan3A_46 : i32 to index
      %swap3A_79 = arith.constant 16 : index
      %swap3A_80 = tpu.vector_load %arg8[%swap3A_78, %swap3A_79] {strides = array<i32>} : memref<80x128xi32, #tpu.memory_space<vmem>>, vector<16xi32>,
      tpu.vector_store %arg8[%swap3A_78, %swap3A_79], %shift_right_logical3A_77 {strides = array<i32>} : memref<80x128xi32, #tpu.memory_space<vmem>>, vector<16xi32>,
      %get3A_81 = arith.index_cast %scan3A_46 : i32 to index
      %get3A_82 = arith.constant 32 : index
      %get3A_83 = tpu.vector_load %arg7[%get3A_81, %get3A_82] {strides = array<i32>} : memref<80x128xi32, #tpu.memory_space<vmem>>, vector<16xi32>,
      %shift_right_logical3A_84 = arith.constant 2 : i32
      %shift_right_logical3A_85 = vector.broadcast %shift_right_logical3A_84 : i32 to vector<16xi32>
      %shift_right_logical3A_86 = arith.shrui %get3A_83, %shift_right_logical3A_85 : vector<16xi32>
      %swap3A_87 = arith.index_cast %scan3A_46 : i32 to index
      %swap3A_88 = arith.constant 32 : index
      %swap3A_89 = tpu.vector_load %arg7[%swap3A_87, %swap3A_88] {strides = array<i32>} : memref<80x128xi32, #tpu.memory_space<vmem>>, vector<16xi32>,
      tpu.vector_store %arg7[%swap3A_87, %swap3A_88], %shift_right_logical3A_86 {strides = array<i32>} : memref<80x128xi32, #tpu.memory_space<vmem>>, vector<16xi32>,
      %get3A_90 = arith.index_cast %scan3A_46 : i32 to index
      %get3A_91 = arith.constant 32 : index
      %get3A_92 = tpu.vector_load %arg8[%get3A_90, %get3A_91] {strides = array<i32>} : memref<80x128xi32, #tpu.memory_space<vmem>>, vector<16xi32>,
      %shift_right_logical3A_93 = arith.constant 2 : i32
      %shift_right_logical3A_94 = vector.broadcast %shift_right_logical3A_93 : i32 to vector<16xi32>
      %shift_right_logical3A_95 = arith.shrui %get3A_92, %shift_right_logical3A_94 : vector<16xi32>
      %swap3A_96 = arith.index_cast %scan3A_46 : i32 to index
      %swap3A_97 = arith.constant 32 : index
      %swap3A_98 = tpu.vector_load %arg8[%swap3A_96, %swap3A_97] {strides = array<i32>} : memref<80x128xi32, #tpu.memory_space<vmem>>, vector<16xi32>,
      tpu.vector_store %arg8[%swap3A_96, %swap3A_97], %shift_right_logical3A_95 {strides = array<i32>} : memref<80x128xi32, #tpu.memory_space<vmem>>, vector<16xi32>,
      %get3A_99 = arith.index_cast %scan3A_46 : i32 to index
      %get3A_100 = arith.constant 48 : index
      %get3A_101 = tpu.vector_load %arg7[%get3A_99, %get3A_100] {strides = array<i32>} : memref<80x128xi32, #tpu.memory_space<vmem>>, vector<16xi32>,
      %shift_right_logical3A_102 = arith.constant 2 : i32
      %shift_right_logical3A_103 = vector.broadcast %shift_right_logical3A_102 : i32 to vector<16xi32>
      %shift_right_logical3A_104 = arith.shrui %get3A_101, %shift_right_logical3A_103 : vector<16xi32>
      %swap3A_105 = arith.index_cast %scan3A_46 : i32 to index
      %swap3A_106 = arith.constant 48 : index
      %swap3A_107 = tpu.vector_load %arg7[%swap3A_105, %swap3A_106] {strides = array<i32>} : memref<80x128xi32, #tpu.memory_space<vmem>>, vector<16xi32>,
      tpu.vector_store %arg7[%swap3A_105, %swap3A_106], %shift_right_logical3A_104 {strides = array<i32>} : memref<80x128xi32, #tpu.memory_space<vmem>>, vector<16xi32>,
      %get3A_108 = arith.index_cast %scan3A_46 : i32 to index
      %get3A_109 = arith.constant 48 : index
      %get3A_110 = tpu.vector_load %arg8[%get3A_108, %get3A_109] {strides = array<i32>} : memref<80x128xi32, #tpu.memory_space<vmem>>, vector<16xi32>,
      %shift_right_logical3A_111 = arith.constant 2 : i32
      %shift_right_logical3A_112 = vector.broadcast %shift_right_logical3A_111 : i32 to vector<16xi32>
      %shift_right_logical3A_113 = arith.shrui %get3A_110, %shift_right_logical3A_112 : vector<16xi32>
      %swap3A_114 = arith.index_cast %scan3A_46 : i32 to index
      %swap3A_115 = arith.constant 48 : index
      %swap3A_116 = tpu.vector_load %arg8[%swap3A_114, %swap3A_115] {strides = array<i32>} : memref<80x128xi32, #tpu.memory_space<vmem>>, vector<16xi32>,
      tpu.vector_store %arg8[%swap3A_114, %swap3A_115], %shift_right_logical3A_113 {strides = array<i32>} : memref<80x128xi32, #tpu.memory_space<vmem>>, vector<16xi32>,
      %get3A_117 = arith.index_cast %scan3A_46 : i32 to index
      %get3A_118 = arith.constant 64 : index
      %get3A_119 = tpu.vector_load %arg7[%get3A_117, %get3A_118] {strides = array<i32>} : memref<80x128xi32, #tpu.memory_space<vmem>>, vector<16xi32>,
      %shift_right_logical3A_120 = arith.constant 2 : i32
      %shift_right_logical3A_121 = vector.broadcast %shift_right_logical3A_120 : i32 to vector<16xi32>
      %shift_right_logical3A_122 = arith.shrui %get3A_119, %shift_right_logical3A_121 : vector<16xi32>
      %swap3A_123 = arith.index_cast %scan3A_46 : i32 to index
      %swap3A_124 = arith.constant 64 : index
      %swap3A_125 = tpu.vector_load %arg7[%swap3A_123, %swap3A_124] {strides = array<i32>} : memref<80x128xi32, #tpu.memory_space<vmem>>, vector<16xi32>,
      tpu.vector_store %arg7[%swap3A_123, %swap3A_124], %shift_right_logical3A_122 {strides = array<i32>} : memref<80x128xi32, #tpu.memory_space<vmem>>, vector<16xi32>,
      %get3A_126 = arith.index_cast %scan3A_46 : i32 to index
      %get3A_127 = arith.constant 64 : index
      %get3A_128 = tpu.vector_load %arg8[%get3A_126, %get3A_127] {strides = array<i32>} : memref<80x128xi32, #tpu.memory_space<vmem>>, vector<16xi32>,
      %shift_right_logical3A_129 = arith.constant 2 : i32
      %shift_right_logical3A_130 = vector.broadcast %shift_right_logical3A_129 : i32 to vector<16xi32>
      %shift_right_logical3A_131 = arith.shrui %get3A_128, %shift_right_logical3A_130 : vector<16xi32>
      %swap3A_132 = arith.index_cast %scan3A_46 : i32 to index
      %swap3A_133 = arith.constant 64 : index
      %swap3A_134 = tpu.vector_load %arg8[%swap3A_132, %swap3A_133] {strides = array<i32>} : memref<80x128xi32, #tpu.memory_space<vmem>>, vector<16xi32>,
      tpu.vector_store %arg8[%swap3A_132, %swap3A_133], %shift_right_logical3A_131 {strides = array<i32>} : memref<80x128xi32, #tpu.memory_space<vmem>>, vector<16xi32>,
      %get3A_135 = arith.index_cast %scan3A_46 : i32 to index
      %get3A_136 = arith.constant 80 : index
      %get3A_137 = tpu.vector_load %arg7[%get3A_135, %get3A_136] {strides = array<i32>} : memref<80x128xi32, #tpu.memory_space<vmem>>, vector<16xi32>,
      %shift_right_logical3A_138 = arith.constant 2 : i32
      %shift_right_logical3A_139 = vector.broadcast %shift_right_logical3A_138 : i32 to vector<16xi32>
      %shift_right_logical3A_140 = arith.shrui %get3A_137, %shift_right_logical3A_139 : vector<16xi32>
      %swap3A_141 = arith.index_cast %scan3A_46 : i32 to index
      %swap3A_142 = arith.constant 80 : index
      %swap3A_143 = tpu.vector_load %arg7[%swap3A_141, %swap3A_142] {strides = array<i32>} : memref<80x128xi32, #tpu.memory_space<vmem>>, vector<16xi32>,
      tpu.vector_store %arg7[%swap3A_141, %swap3A_142], %shift_right_logical3A_140 {strides = array<i32>} : memref<80x128xi32, #tpu.memory_space<vmem>>, vector<16xi32>,
      %get3A_144 = arith.index_cast %scan3A_46 : i32 to index
      %get3A_145 = arith.constant 80 : index
      %get3A_146 = tpu.vector_load %arg8[%get3A_144, %get3A_145] {strides = array<i32>} : memref<80x128xi32, #tpu.memory_space<vmem>>, vector<16xi32>,
      %shift_right_logical3A_147 = arith.constant 2 : i32
      %shift_right_logical3A_148 = vector.broadcast %shift_right_logical3A_147 : i32 to vector<16xi32>
      %shift_right_logical3A_149 = arith.shrui %get3A_146, %shift_right_logical3A_148 : vector<16xi32>
      %swap3A_150 = arith.index_cast %scan3A_46 : i32 to index
      %swap3A_151 = arith.constant 80 : index
      %swap3A_152 = tpu.vector_load %arg8[%swap3A_150, %swap3A_151] {strides = array<i32>} : memref<80x128xi32, #tpu.memory_space<vmem>>, vector<16xi32>,
      tpu.vector_store %arg8[%swap3A_150, %swap3A_151], %shift_right_logical3A_149 {strides = array<i32>} : memref<80x128xi32, #tpu.memory_space<vmem>>, vector<16xi32>,
      %get3A_153 = arith.index_cast %scan3A_46 : i32 to index
      %get3A_154 = arith.constant 96 : index
      %get3A_155 = tpu.vector_load %arg7[%get3A_153, %get3A_154] {strides = array<i32>} : memref<80x128xi32, #tpu.memory_space<vmem>>, vector<16xi32>,
      %shift_right_logical3A_156 = arith.constant 2 : i32
      %shift_right_logical3A_157 = vector.broadcast %shift_right_logical3A_156 : i32 to vector<16xi32>
      %shift_right_logical3A_158 = arith.shrui %get3A_155, %shift_right_logical3A_157 : vector<16xi32>
      %swap3A_159 = arith.index_cast %scan3A_46 : i32 to index
      %swap3A_160 = arith.constant 96 : index
      %swap3A_161 = tpu.vector_load %arg7[%swap3A_159, %swap3A_160] {strides = array<i32>} : memref<80x128xi32, #tpu.memory_space<vmem>>, vector<16xi32>,
      tpu.vector_store %arg7[%swap3A_159, %swap3A_160], %shift_right_logical3A_158 {strides = array<i32>} : memref<80x128xi32, #tpu.memory_space<vmem>>, vector<16xi32>,
      %get3A_162 = arith.index_cast %scan3A_46 : i32 to index
      %get3A_163 = arith.constant 96 : index
      %get3A_164 = tpu.vector_load %arg8[%get3A_162, %get3A_163] {strides = array<i32>} : memref<80x128xi32, #tpu.memory_space<vmem>>, vector<16xi32>,
      %shift_right_logical3A_165 = arith.constant 2 : i32
      %shift_right_logical3A_166 = vector.broadcast %shift_right_logical3A_165 : i32 to vector<16xi32>
      %shift_right_logical3A_167 = arith.shrui %get3A_164, %shift_right_logical3A_166 : vector<16xi32>
      %swap3A_168 = arith.index_cast %scan3A_46 : i32 to index
      %swap3A_169 = arith.constant 96 : index
      %swap3A_170 = tpu.vector_load %arg8[%swap3A_168, %swap3A_169] {strides = array<i32>} : memref<80x128xi32, #tpu.memory_space<vmem>>, vector<16xi32>,
      tpu.vector_store %arg8[%swap3A_168, %swap3A_169], %shift_right_logical3A_167 {strides = array<i32>} : memref<80x128xi32, #tpu.memory_space<vmem>>, vector<16xi32>,
      %get3A_171 = arith.index_cast %scan3A_46 : i32 to index
      %get3A_172 = arith.constant 112 : index
      %get3A_173 = tpu.vector_load %arg7[%get3A_171, %get3A_172] {strides = array<i32>} : memref<80x128xi32, #tpu.memory_space<vmem>>, vector<16xi32>,
      %shift_right_logical3A_174 = arith.constant 2 : i32
      %shift_right_logical3A_175 = vector.broadcast %shift_right_logical3A_174 : i32 to vector<16xi32>
      %shift_right_logical3A_176 = arith.shrui %get3A_173, %shift_right_logical3A_175 : vector<16xi32>
      %swap3A_177 = arith.index_cast %scan3A_46 : i32 to index
      %swap3A_178 = arith.constant 112 : index
      %swap3A_179 = tpu.vector_load %arg7[%swap3A_177, %swap3A_178] {strides = array<i32>} : memref<80x128xi32, #tpu.memory_space<vmem>>, vector<16xi32>,
      tpu.vector_store %arg7[%swap3A_177, %swap3A_178], %shift_right_logical3A_176 {strides = array<i32>} : memref<80x128xi32, #tpu.memory_space<vmem>>, vector<16xi32>,
      %get3A_180 = arith.index_cast %scan3A_46 : i32 to index
      %get3A_181 = arith.constant 112 : index
      %get3A_182 = tpu.vector_load %arg8[%get3A_180, %get3A_181] {strides = array<i32>} : memref<80x128xi32, #tpu.memory_space<vmem>>, vector<16xi32>,
      %shift_right_logical3A_183 = arith.constant 2 : i32
      %shift_right_logical3A_184 = vector.broadcast %shift_right_logical3A_183 : i32 to vector<16xi32>
      %shift_right_logical3A_185 = arith.shrui %get3A_182, %shift_right_logical3A_184 : vector<16xi32>
      %swap3A_186 = arith.index_cast %scan3A_46 : i32 to index
      %swap3A_187 = arith.constant 112 : index
      %swap3A_188 = tpu.vector_load %arg8[%swap3A_186, %swap3A_187] {strides = array<i32>} : memref<80x128xi32, #tpu.memory_space<vmem>>, vector<16xi32>,
      tpu.vector_store %arg8[%swap3A_186, %swap3A_187], %shift_right_logical3A_185 {strides = array<i32>} : memref<80x128xi32, #tpu.memory_space<vmem>>, vector<16xi32>,
      %scan3A_189 = arith.constant 0 : i32
      scf.yield %scan3A_189 : i32
    }
    %scan3A_10 = arith.constant 80 : i32
    %scan3A_11 = arith.constant 0 : i32
    %scan3A_12 = arith.constant 0 : i32
    %scan3A_13 = arith.constant 64 : i32
    %scan3A_14 = arith.addi %scan3A_12, %scan3A_13 : i32
    %scan3A_15 = arith.constant 1 : i32
    %scan3A_16 = scf.for %scan3A_46 = %scan3A_12 to %scan3A_14 step %scan3A_15 iter_args(%scan3A_47 = %scan3A_11) -> (i32)  : i32 {
      %broadcast_in_dim3A = arith.constant 0.000000e+00 : f32
      %broadcast_in_dim3A_48 = vector.broadcast %broadcast_in_dim3A : f32 to vector<16xf32>
      %swap3A = arith.index_cast %scan3A_46 : i32 to index
      %swap3A_49 = arith.constant 0 : index
      %swap3A_50 = tpu.vector_load %arg11[%swap3A, %swap3A_49] {strides = array<i32>} : memref<64x128xf32, #tpu.memory_space<vmem>>, vector<16xf32>,
      tpu.vector_store %arg11[%swap3A, %swap3A_49], %broadcast_in_dim3A_48 {strides = array<i32>} : memref<64x128xf32, #tpu.memory_space<vmem>>, vector<16xf32>,
      %broadcast_in_dim3A_51 = arith.constant 0.000000e+00 : f32
      %broadcast_in_dim3A_52 = vector.broadcast %broadcast_in_dim3A_51 : f32 to vector<16xf32>
      %swap3A_53 = arith.index_cast %scan3A_46 : i32 to index
      %swap3A_54 = arith.constant 16 : index
      %swap3A_55 = tpu.vector_load %arg11[%swap3A_53, %swap3A_54] {strides = array<i32>} : memref<64x128xf32, #tpu.memory_space<vmem>>, vector<16xf32>,
      tpu.vector_store %arg11[%swap3A_53, %swap3A_54], %broadcast_in_dim3A_52 {strides = array<i32>} : memref<64x128xf32, #tpu.memory_space<vmem>>, vector<16xf32>,
      %broadcast_in_dim3A_56 = arith.constant 0.000000e+00 : f32
      %broadcast_in_dim3A_57 = vector.broadcast %broadcast_in_dim3A_56 : f32 to vector<16xf32>
      %swap3A_58 = arith.index_cast %scan3A_46 : i32 to index
      %swap3A_59 = arith.constant 32 : index
      %swap3A_60 = tpu.vector_load %arg11[%swap3A_58, %swap3A_59] {strides = array<i32>} : memref<64x128xf32, #tpu.memory_space<vmem>>, vector<16xf32>,
      tpu.vector_store %arg11[%swap3A_58, %swap3A_59], %broadcast_in_dim3A_57 {strides = array<i32>} : memref<64x128xf32, #tpu.memory_space<vmem>>, vector<16xf32>,
      %broadcast_in_dim3A_61 = arith.constant 0.000000e+00 : f32
      %broadcast_in_dim3A_62 = vector.broadcast %broadcast_in_dim3A_61 : f32 to vector<16xf32>
      %swap3A_63 = arith.index_cast %scan3A_46 : i32 to index
      %swap3A_64 = arith.constant 48 : index
      %swap3A_65 = tpu.vector_load %arg11[%swap3A_63, %swap3A_64] {strides = array<i32>} : memref<64x128xf32, #tpu.memory_space<vmem>>, vector<16xf32>,
      tpu.vector_store %arg11[%swap3A_63, %swap3A_64], %broadcast_in_dim3A_62 {strides = array<i32>} : memref<64x128xf32, #tpu.memory_space<vmem>>, vector<16xf32>,
      %broadcast_in_dim3A_66 = arith.constant 0.000000e+00 : f32
      %broadcast_in_dim3A_67 = vector.broadcast %broadcast_in_dim3A_66 : f32 to vector<16xf32>
      %swap3A_68 = arith.index_cast %scan3A_46 : i32 to index
      %swap3A_69 = arith.constant 64 : index
      %swap3A_70 = tpu.vector_load %arg11[%swap3A_68, %swap3A_69] {strides = array<i32>} : memref<64x128xf32, #tpu.memory_space<vmem>>, vector<16xf32>,
      tpu.vector_store %arg11[%swap3A_68, %swap3A_69], %broadcast_in_dim3A_67 {strides = array<i32>} : memref<64x128xf32, #tpu.memory_space<vmem>>, vector<16xf32>,
      %broadcast_in_dim3A_71 = arith.constant 0.000000e+00 : f32
      %broadcast_in_dim3A_72 = vector.broadcast %broadcast_in_dim3A_71 : f32 to vector<16xf32>
      %swap3A_73 = arith.index_cast %scan3A_46 : i32 to index
      %swap3A_74 = arith.constant 80 : index
      %swap3A_75 = tpu.vector_load %arg11[%swap3A_73, %swap3A_74] {strides = array<i32>} : memref<64x128xf32, #tpu.memory_space<vmem>>, vector<16xf32>,
      tpu.vector_store %arg11[%swap3A_73, %swap3A_74], %broadcast_in_dim3A_72 {strides = array<i32>} : memref<64x128xf32, #tpu.memory_space<vmem>>, vector<16xf32>,
      %broadcast_in_dim3A_76 = arith.constant 0.000000e+00 : f32
      %broadcast_in_dim3A_77 = vector.broadcast %broadcast_in_dim3A_76 : f32 to vector<16xf32>
      %swap3A_78 = arith.index_cast %scan3A_46 : i32 to index
      %swap3A_79 = arith.constant 96 : index
      %swap3A_80 = tpu.vector_load %arg11[%swap3A_78, %swap3A_79] {strides = array<i32>} : memref<64x128xf32, #tpu.memory_space<vmem>>, vector<16xf32>,
      tpu.vector_store %arg11[%swap3A_78, %swap3A_79], %broadcast_in_dim3A_77 {strides = array<i32>} : memref<64x128xf32, #tpu.memory_space<vmem>>, vector<16xf32>,
      %broadcast_in_dim3A_81 = arith.constant 0.000000e+00 : f32
      %broadcast_in_dim3A_82 = vector.broadcast %broadcast_in_dim3A_81 : f32 to vector<16xf32>
      %swap3A_83 = arith.index_cast %scan3A_46 : i32 to index
      %swap3A_84 = arith.constant 112 : index
      %swap3A_85 = tpu.vector_load %arg11[%swap3A_83, %swap3A_84] {strides = array<i32>} : memref<64x128xf32, #tpu.memory_space<vmem>>, vector<16xf32>,
      tpu.vector_store %arg11[%swap3A_83, %swap3A_84], %broadcast_in_dim3A_82 {strides = array<i32>} : memref<64x128xf32, #tpu.memory_space<vmem>>, vector<16xf32>,
      %scan3A_86 = arith.constant 0 : i32
      scf.yield %scan3A_86 : i32
    }
    %scan3A_17 = arith.constant 64 : i32
    %lt3A = arith.constant 16 : i32
    %lt3A_18 = arith.cmpi slt, %arg1, %lt3A : i32
    %convert_element_type3A = arith.extui %lt3A_18 : i1 to i32
    %cond3A = arith.constant 0 : i32
    %cond3A_19 = arith.cmpi ne, %convert_element_type3A, %cond3A : i32
    scf.if %cond3A_19 {
      %add3A_46 = arith.constant 0 : i32
      %add3A_47 = arith.addi %mul3A_4, %add3A_46 : i32
      "tpu.region"() ({
        %run_scoped3A = tpu.sem_alloc : memref<!tpu.dma_semaphore, #tpu.memory_space<semaphore_mem>>
        %dma_start3A_52 = arith.constant 0 : i32
        %dma_start3A_53 = arith.constant 0 : i32
        %dma_start3A_54 = tpu.memref_slice %arg11[%dma_start3A_52, %dma_start3A_53] : memref<64x128xf32, #tpu.memory_space<vmem>> -> memref<64x128xf32, #tpu.memory_space<vmem>>
        %dma_start3A_55 = arith.constant 0 : i32
        %dma_start3A_56 = tpu.memref_slice %arg13[%add3A_47, %dma_start3A_55] : memref<2560x128xf32, #tpu.memory_space<vmem_shared>> -> memref<64x128xf32, #tpu.memory_space<vmem_shared>>
        %dma_start3A_57 = arith.constant 0 : i32
        %dma_start3A_58 = tpu.memref_slice %arg13[%add3A_47, %dma_start3A_57] : memref<2560x128xf32, #tpu.memory_space<vmem_shared>> -> memref<64x128xf32, #tpu.memory_space<vmem_shared>>
        %dma_start3A_59 = arith.constant 0 : i32
        %dma_start3A_60 = arith.constant 0 : i32
        %dma_start3A_61 = tpu.memref_slice %arg11[%dma_start3A_59, %dma_start3A_60] : memref<64x128xf32, #tpu.memory_space<vmem>> -> memref<64x128xf32, #tpu.memory_space<vmem>>
        tpu.enqueue_dma source(%dma_start3A_61 : memref<64x128xf32, #tpu.memory_space<vmem>>) target(%dma_start3A_58 : memref<64x128xf32, #tpu.memory_space<vmem_shared>>) target_semaphore(%run_scoped3A : memref<!tpu.dma_semaphore, #tpu.memory_space<semaphore_mem>>)
        %dma_wait3A = arith.constant 0 : i32
        %dma_wait3A_62 = arith.constant 0 : i32
        %dma_wait3A_63 = tpu.memref_slice %arg11[%dma_wait3A, %dma_wait3A_62] : memref<64x128xf32, #tpu.memory_space<vmem>> -> memref<64x128xf32, #tpu.memory_space<vmem>>
        %dma_wait3A_64 = arith.constant 0 : i32
        %dma_wait3A_65 = tpu.memref_slice %arg13[%add3A_47, %dma_wait3A_64] : memref<2560x128xf32, #tpu.memory_space<vmem_shared>> -> memref<64x128xf32, #tpu.memory_space<vmem_shared>>
        %dma_wait3A_66 = arith.constant 0 : i32
        %dma_wait3A_67 = tpu.memref_slice %arg13[%add3A_47, %dma_wait3A_66] : memref<2560x128xf32, #tpu.memory_space<vmem_shared>> -> memref<64x128xf32, #tpu.memory_space<vmem_shared>>
        %dma_wait3A_68 = arith.constant 0 : i32
        %dma_wait3A_69 = arith.constant 0 : i32
        %dma_wait3A_70 = tpu.memref_slice %arg11[%dma_wait3A_68, %dma_wait3A_69] : memref<64x128xf32, #tpu.memory_space<vmem>> -> memref<64x128xf32, #tpu.memory_space<vmem>>
        tpu.wait_dma2 semaphore(%run_scoped3A : memref<!tpu.dma_semaphore, #tpu.memory_space<semaphore_mem>>) src(%dma_wait3A_70 : memref<64x128xf32, #tpu.memory_space<vmem>>) dst(%dma_wait3A_67 : memref<64x128xf32, #tpu.memory_space<vmem_shared>>)
        tpu.yield
      }) : () -> ()
      %add3A_48 = arith.constant 64 : i32
      %add3A_49 = arith.addi %mul3A_4, %add3A_48 : i32
      "tpu.region"() ({
        %run_scoped3A = tpu.sem_alloc : memref<!tpu.dma_semaphore, #tpu.memory_space<semaphore_mem>>
        %dma_start3A_52 = arith.constant 0 : i32
        %dma_start3A_53 = arith.constant 0 : i32
        %dma_start3A_54 = tpu.memref_slice %arg11[%dma_start3A_52, %dma_start3A_53] : memref<64x128xf32, #tpu.memory_space<vmem>> -> memref<64x128xf32, #tpu.memory_space<vmem>>
        %dma_start3A_55 = arith.constant 0 : i32
        %dma_start3A_56 = tpu.memref_slice %arg13[%add3A_49, %dma_start3A_55] : memref<2560x128xf32, #tpu.memory_space<vmem_shared>> -> memref<64x128xf32, #tpu.memory_space<vmem_shared>>
        %dma_start3A_57 = arith.constant 0 : i32
        %dma_start3A_58 = tpu.memref_slice %arg13[%add3A_49, %dma_start3A_57] : memref<2560x128xf32, #tpu.memory_space<vmem_shared>> -> memref<64x128xf32, #tpu.memory_space<vmem_shared>>
        %dma_start3A_59 = arith.constant 0 : i32
        %dma_start3A_60 = arith.constant 0 : i32
        %dma_start3A_61 = tpu.memref_slice %arg11[%dma_start3A_59, %dma_start3A_60] : memref<64x128xf32, #tpu.memory_space<vmem>> -> memref<64x128xf32, #tpu.memory_space<vmem>>
        tpu.enqueue_dma source(%dma_start3A_61 : memref<64x128xf32, #tpu.memory_space<vmem>>) target(%dma_start3A_58 : memref<64x128xf32, #tpu.memory_space<vmem_shared>>) target_semaphore(%run_scoped3A : memref<!tpu.dma_semaphore, #tpu.memory_space<semaphore_mem>>)
        %dma_wait3A = arith.constant 0 : i32
        %dma_wait3A_62 = arith.constant 0 : i32
        %dma_wait3A_63 = tpu.memref_slice %arg11[%dma_wait3A, %dma_wait3A_62] : memref<64x128xf32, #tpu.memory_space<vmem>> -> memref<64x128xf32, #tpu.memory_space<vmem>>
        %dma_wait3A_64 = arith.constant 0 : i32
        %dma_wait3A_65 = tpu.memref_slice %arg13[%add3A_49, %dma_wait3A_64] : memref<2560x128xf32, #tpu.memory_space<vmem_shared>> -> memref<64x128xf32, #tpu.memory_space<vmem_shared>>
        %dma_wait3A_66 = arith.constant 0 : i32
        %dma_wait3A_67 = tpu.memref_slice %arg13[%add3A_49, %dma_wait3A_66] : memref<2560x128xf32, #tpu.memory_space<vmem_shared>> -> memref<64x128xf32, #tpu.memory_space<vmem_shared>>
        %dma_wait3A_68 = arith.constant 0 : i32
        %dma_wait3A_69 = arith.constant 0 : i32
        %dma_wait3A_70 = tpu.memref_slice %arg11[%dma_wait3A_68, %dma_wait3A_69] : memref<64x128xf32, #tpu.memory_space<vmem>> -> memref<64x128xf32, #tpu.memory_space<vmem>>
        tpu.wait_dma2 semaphore(%run_scoped3A : memref<!tpu.dma_semaphore, #tpu.memory_space<semaphore_mem>>) src(%dma_wait3A_70 : memref<64x128xf32, #tpu.memory_space<vmem>>) dst(%dma_wait3A_67 : memref<64x128xf32, #tpu.memory_space<vmem_shared>>)
        tpu.yield
      }) : () -> ()
      %add3A_50 = arith.constant 128 : i32
      %add3A_51 = arith.addi %mul3A_4, %add3A_50 : i32
      "tpu.region"() ({
        %run_scoped3A = tpu.sem_alloc : memref<!tpu.dma_semaphore, #tpu.memory_space<semaphore_mem>>
        %dma_start3A_52 = arith.constant 0 : i32
        %dma_start3A_53 = arith.constant 0 : i32
        %dma_start3A_54 = tpu.memref_slice %arg11[%dma_start3A_52, %dma_start3A_53] : memref<64x128xf32, #tpu.memory_space<vmem>> -> memref<32x128xf32, #tpu.memory_space<vmem>>
        %dma_start3A_55 = arith.constant 0 : i32
        %dma_start3A_56 = tpu.memref_slice %arg13[%add3A_51, %dma_start3A_55] : memref<2560x128xf32, #tpu.memory_space<vmem_shared>> -> memref<32x128xf32, #tpu.memory_space<vmem_shared>>
        %dma_start3A_57 = arith.constant 0 : i32
        %dma_start3A_58 = tpu.memref_slice %arg13[%add3A_51, %dma_start3A_57] : memref<2560x128xf32, #tpu.memory_space<vmem_shared>> -> memref<32x128xf32, #tpu.memory_space<vmem_shared>>
        %dma_start3A_59 = arith.constant 0 : i32
        %dma_start3A_60 = arith.constant 0 : i32
        %dma_start3A_61 = tpu.memref_slice %arg11[%dma_start3A_59, %dma_start3A_60] : memref<64x128xf32, #tpu.memory_space<vmem>> -> memref<32x128xf32, #tpu.memory_space<vmem>>
        tpu.enqueue_dma source(%dma_start3A_61 : memref<32x128xf32, #tpu.memory_space<vmem>>) target(%dma_start3A_58 : memref<32x128xf32, #tpu.memory_space<vmem_shared>>) target_semaphore(%run_scoped3A : memref<!tpu.dma_semaphore, #tpu.memory_space<semaphore_mem>>)
        %dma_wait3A = arith.constant 0 : i32
        %dma_wait3A_62 = arith.constant 0 : i32
        %dma_wait3A_63 = tpu.memref_slice %arg11[%dma_wait3A, %dma_wait3A_62] : memref<64x128xf32, #tpu.memory_space<vmem>> -> memref<32x128xf32, #tpu.memory_space<vmem>>
        %dma_wait3A_64 = arith.constant 0 : i32
        %dma_wait3A_65 = tpu.memref_slice %arg13[%add3A_51, %dma_wait3A_64] : memref<2560x128xf32, #tpu.memory_space<vmem_shared>> -> memref<32x128xf32, #tpu.memory_space<vmem_shared>>
        %dma_wait3A_66 = arith.constant 0 : i32
        %dma_wait3A_67 = tpu.memref_slice %arg13[%add3A_51, %dma_wait3A_66] : memref<2560x128xf32, #tpu.memory_space<vmem_shared>> -> memref<32x128xf32, #tpu.memory_space<vmem_shared>>
        %dma_wait3A_68 = arith.constant 0 : i32
        %dma_wait3A_69 = arith.constant 0 : i32
        %dma_wait3A_70 = tpu.memref_slice %arg11[%dma_wait3A_68, %dma_wait3A_69] : memref<64x128xf32, #tpu.memory_space<vmem>> -> memref<32x128xf32, #tpu.memory_space<vmem>>
        tpu.wait_dma2 semaphore(%run_scoped3A : memref<!tpu.dma_semaphore, #tpu.memory_space<semaphore_mem>>) src(%dma_wait3A_70 : memref<32x128xf32, #tpu.memory_space<vmem>>) dst(%dma_wait3A_67 : memref<32x128xf32, #tpu.memory_space<vmem_shared>>)
        tpu.yield
      }) : () -> ()
    } else {
    }
    %barrier3A = arith.constant 0 : index
    tpu.barrier barrier_id(%barrier3A)
    %dma_start3A = arith.constant 0 : i32
    %dma_start3A_20 = arith.constant 0 : i32
    %dma_start3A_21 = tpu.memref_slice %arg7[%dma_start3A, %dma_start3A_20] : memref<80x128xi32, #tpu.memory_space<vmem>> -> memref<1x64xi32, #tpu.memory_space<vmem>>
    %dma_start3A_22 = tpu.memref_squeeze %dma_start3A_21 : memref<1x64xi32, #tpu.memory_space<vmem>> -> memref<64xi32, #tpu.memory_space<vmem>>
    %dma_start3A_23 = arith.constant 0 : i32
    %dma_start3A_24 = arith.constant 0 : i32
    %dma_start3A_25 = tpu.memref_slice %arg2[%dma_start3A_23, %dma_start3A_24] : memref<2500x128xf32, #tpu.memory_space<hbm>> -> memref<2500x128xf32, #tpu.memory_space<hbm>>
    tpu.enqueue_indirect_dma source(%dma_start3A_25 : memref<2500x128xf32, #tpu.memory_space<hbm>>) target(%arg11 : memref<64x128xf32, #tpu.memory_space<vmem>>) offsets(%dma_start3A_22 : memref<64xi32, #tpu.memory_space<vmem>>) semaphore(%arg14 : memref<!tpu.dma_semaphore, #tpu.memory_space<semaphore_mem>>)
    %dma_start3A_26 = arith.constant 0 : i32
    %dma_start3A_27 = arith.constant 64 : i32
    %dma_start3A_28 = tpu.memref_slice %arg7[%dma_start3A_26, %dma_start3A_27] : memref<80x128xi32, #tpu.memory_space<vmem>> -> memref<1x64xi32, #tpu.memory_space<vmem>>
    %dma_start3A_29 = tpu.memref_squeeze %dma_start3A_28 : memref<1x64xi32, #tpu.memory_space<vmem>> -> memref<64xi32, #tpu.memory_space<vmem>>
    %dma_start3A_30 = arith.constant 0 : i32
    %dma_start3A_31 = arith.constant 0 : i32
    %dma_start3A_32 = tpu.memref_slice %arg2[%dma_start3A_30, %dma_start3A_31] : memref<2500x128xf32, #tpu.memory_space<hbm>> -> memref<2500x128xf32, #tpu.memory_space<hbm>>
    tpu.enqueue_indirect_dma source(%dma_start3A_32 : memref<2500x128xf32, #tpu.memory_space<hbm>>) target(%arg12 : memref<64x128xf32, #tpu.memory_space<vmem>>) offsets(%dma_start3A_29 : memref<64xi32, #tpu.memory_space<vmem>>) semaphore(%arg15 : memref<!tpu.dma_semaphore, #tpu.memory_space<semaphore_mem>>)
    %scan3A_33 = arith.constant 0 : i32
    %scan3A_34 = arith.constant 0 : i32
    %scan3A_35 = arith.constant 80 : i32
    %scan3A_36 = arith.addi %scan3A_34, %scan3A_35 : i32
    %scan3A_37 = arith.constant 1 : i32
    %scan3A_38 = scf.for %scan3A_46 = %scan3A_34 to %scan3A_36 step %scan3A_37 iter_args(%scan3A_47 = %scan3A_33) -> (i32)  : i32 {
      %dma_wait3A = arith.constant 0 : i32
      %dma_wait3A_48 = tpu.memref_slice %arg7[%scan3A_46, %dma_wait3A] : memref<80x128xi32, #tpu.memory_space<vmem>> -> memref<1x64xi32, #tpu.memory_space<vmem>>
      %dma_wait3A_49 = tpu.memref_squeeze %dma_wait3A_48 : memref<1x64xi32, #tpu.memory_space<vmem>> -> memref<64xi32, #tpu.memory_space<vmem>>
      %dma_wait3A_50 = arith.constant 0 : i32
      %dma_wait3A_51 = arith.constant 0 : i32
      %dma_wait3A_52 = tpu.memref_slice %arg2[%dma_wait3A_50, %dma_wait3A_51] : memref<2500x128xf32, #tpu.memory_space<hbm>> -> memref<2500x128xf32, #tpu.memory_space<hbm>>
      tpu.wait_indirect_dma semaphore(%arg14 : memref<!tpu.dma_semaphore, #tpu.memory_space<semaphore_mem>>) src(%dma_wait3A_52 : memref<2500x128xf32, #tpu.memory_space<hbm>>) dst(%arg11 : memref<64x128xf32, #tpu.memory_space<vmem>>)
      %broadcast_in_dim3A = vector.broadcast %scan3A_46 : i32 to vector<16xi32>
      %scan3A_53 = arith.constant 0 : i32
      %scan3A_54 = arith.constant 0 : i32
      %scan3A_55 = arith.constant 32 : i32
      %scan3A_56 = arith.addi %scan3A_54, %scan3A_55 : i32
      %scan3A_57 = arith.constant 1 : i32
      %scan3A_58 = scf.for %scan3A_171 = %scan3A_54 to %scan3A_56 step %scan3A_57 iter_args(%scan3A_172 = %scan3A_53) -> (i32)  : i32 {
        %mul3A_173 = arith.constant 2 : i32
        %mul3A_174 = arith.muli %mul3A_173, %scan3A_171 : i32
        %add3A_175 = arith.constant 0 : i32
        %add3A_176 = arith.addi %add3A_175, %mul3A_174 : i32
        %broadcast_in_dim3A_177 = vector.broadcast %add3A_176 : i32 to vector<16xi32>
        %gather3A = tpu.vector_load_idx %arg9[%broadcast_in_dim3A, %broadcast_in_dim3A_177] : memref<80x128xf32, #tpu.memory_space<vmem>>[vector<16xi32>, vector<16xi32>], vector<16xf32>,
        %add3A_178 = arith.constant 0 : i32
        %add3A_179 = arith.addi %add3A_178, %mul3A_174 : i32
        %add3A_180 = arith.constant 1 : i32
        %add3A_181 = arith.addi %add3A_179, %add3A_180 : i32
        %broadcast_in_dim3A_182 = vector.broadcast %add3A_181 : i32 to vector<16xi32>
        %gather3A_183 = tpu.vector_load_idx %arg9[%broadcast_in_dim3A, %broadcast_in_dim3A_182] : memref<80x128xf32, #tpu.memory_space<vmem>>[vector<16xi32>, vector<16xi32>], vector<16xf32>,
        %get3A_184 = arith.index_cast %mul3A_174 : i32 to index
        %get3A_185 = arith.constant 0 : index
        %get3A_186 = tpu.vector_load %arg11[%get3A_184, %get3A_185] {strides = array<i32>} : memref<64x128xf32, #tpu.memory_space<vmem>>, vector<16xf32>,
        %mul3A_187 = arith.mulf %get3A_186, %gather3A : vector<16xf32>
        %swap3A_188 = arith.index_cast %mul3A_174 : i32 to index
        %swap3A_189 = arith.constant 0 : index
        %swap3A_190 = tpu.vector_load %arg11[%swap3A_188, %swap3A_189] {strides = array<i32>} : memref<64x128xf32, #tpu.memory_space<vmem>>, vector<16xf32>,
        tpu.vector_store %arg11[%swap3A_188, %swap3A_189], %mul3A_187 {strides = array<i32>} : memref<64x128xf32, #tpu.memory_space<vmem>>, vector<16xf32>,
        %get3A_191 = arith.index_cast %mul3A_174 : i32 to index
        %get3A_192 = arith.constant 16 : index
        %get3A_193 = tpu.vector_load %arg11[%get3A_191, %get3A_192] {strides = array<i32>} : memref<64x128xf32, #tpu.memory_space<vmem>>, vector<16xf32>,
        %mul3A_194 = arith.mulf %get3A_193, %gather3A : vector<16xf32>
        %swap3A_195 = arith.index_cast %mul3A_174 : i32 to index
        %swap3A_196 = arith.constant 16 : index
        %swap3A_197 = tpu.vector_load %arg11[%swap3A_195, %swap3A_196] {strides = array<i32>} : memref<64x128xf32, #tpu.memory_space<vmem>>, vector<16xf32>,
        tpu.vector_store %arg11[%swap3A_195, %swap3A_196], %mul3A_194 {strides = array<i32>} : memref<64x128xf32, #tpu.memory_space<vmem>>, vector<16xf32>,
        %get3A_198 = arith.index_cast %mul3A_174 : i32 to index
        %get3A_199 = arith.constant 32 : index
        %get3A_200 = tpu.vector_load %arg11[%get3A_198, %get3A_199] {strides = array<i32>} : memref<64x128xf32, #tpu.memory_space<vmem>>, vector<16xf32>,
        %mul3A_201 = arith.mulf %get3A_200, %gather3A : vector<16xf32>
        %swap3A_202 = arith.index_cast %mul3A_174 : i32 to index
        %swap3A_203 = arith.constant 32 : index
        %swap3A_204 = tpu.vector_load %arg11[%swap3A_202, %swap3A_203] {strides = array<i32>} : memref<64x128xf32, #tpu.memory_space<vmem>>, vector<16xf32>,
        tpu.vector_store %arg11[%swap3A_202, %swap3A_203], %mul3A_201 {strides = array<i32>} : memref<64x128xf32, #tpu.memory_space<vmem>>, vector<16xf32>,
        %get3A_205 = arith.index_cast %mul3A_174 : i32 to index
        %get3A_206 = arith.constant 48 : index
        %get3A_207 = tpu.vector_load %arg11[%get3A_205, %get3A_206] {strides = array<i32>} : memref<64x128xf32, #tpu.memory_space<vmem>>, vector<16xf32>,
        %mul3A_208 = arith.mulf %get3A_207, %gather3A : vector<16xf32>
        %swap3A_209 = arith.index_cast %mul3A_174 : i32 to index
        %swap3A_210 = arith.constant 48 : index
        %swap3A_211 = tpu.vector_load %arg11[%swap3A_209, %swap3A_210] {strides = array<i32>} : memref<64x128xf32, #tpu.memory_space<vmem>>, vector<16xf32>,
        tpu.vector_store %arg11[%swap3A_209, %swap3A_210], %mul3A_208 {strides = array<i32>} : memref<64x128xf32, #tpu.memory_space<vmem>>, vector<16xf32>,
        %get3A_212 = arith.index_cast %mul3A_174 : i32 to index
        %get3A_213 = arith.constant 64 : index
        %get3A_214 = tpu.vector_load %arg11[%get3A_212, %get3A_213] {strides = array<i32>} : memref<64x128xf32, #tpu.memory_space<vmem>>, vector<16xf32>,
        %mul3A_215 = arith.mulf %get3A_214, %gather3A : vector<16xf32>
        %swap3A_216 = arith.index_cast %mul3A_174 : i32 to index
        %swap3A_217 = arith.constant 64 : index
        %swap3A_218 = tpu.vector_load %arg11[%swap3A_216, %swap3A_217] {strides = array<i32>} : memref<64x128xf32, #tpu.memory_space<vmem>>, vector<16xf32>,
        tpu.vector_store %arg11[%swap3A_216, %swap3A_217], %mul3A_215 {strides = array<i32>} : memref<64x128xf32, #tpu.memory_space<vmem>>, vector<16xf32>,
        %get3A_219 = arith.index_cast %mul3A_174 : i32 to index
        %get3A_220 = arith.constant 80 : index
        %get3A_221 = tpu.vector_load %arg11[%get3A_219, %get3A_220] {strides = array<i32>} : memref<64x128xf32, #tpu.memory_space<vmem>>, vector<16xf32>,
        %mul3A_222 = arith.mulf %get3A_221, %gather3A : vector<16xf32>
        %swap3A_223 = arith.index_cast %mul3A_174 : i32 to index
        %swap3A_224 = arith.constant 80 : index
        %swap3A_225 = tpu.vector_load %arg11[%swap3A_223, %swap3A_224] {strides = array<i32>} : memref<64x128xf32, #tpu.memory_space<vmem>>, vector<16xf32>,
        tpu.vector_store %arg11[%swap3A_223, %swap3A_224], %mul3A_222 {strides = array<i32>} : memref<64x128xf32, #tpu.memory_space<vmem>>, vector<16xf32>,
        %get3A_226 = arith.index_cast %mul3A_174 : i32 to index
        %get3A_227 = arith.constant 96 : index
        %get3A_228 = tpu.vector_load %arg11[%get3A_226, %get3A_227] {strides = array<i32>} : memref<64x128xf32, #tpu.memory_space<vmem>>, vector<16xf32>,
        %mul3A_229 = arith.mulf %get3A_228, %gather3A : vector<16xf32>
        %swap3A_230 = arith.index_cast %mul3A_174 : i32 to index
        %swap3A_231 = arith.constant 96 : index
        %swap3A_232 = tpu.vector_load %arg11[%swap3A_230, %swap3A_231] {strides = array<i32>} : memref<64x128xf32, #tpu.memory_space<vmem>>, vector<16xf32>,
        tpu.vector_store %arg11[%swap3A_230, %swap3A_231], %mul3A_229 {strides = array<i32>} : memref<64x128xf32, #tpu.memory_space<vmem>>, vector<16xf32>,
        %get3A_233 = arith.index_cast %mul3A_174 : i32 to index
        %get3A_234 = arith.constant 112 : index
        %get3A_235 = tpu.vector_load %arg11[%get3A_233, %get3A_234] {strides = array<i32>} : memref<64x128xf32, #tpu.memory_space<vmem>>, vector<16xf32>,
        %mul3A_236 = arith.mulf %get3A_235, %gather3A : vector<16xf32>
        %swap3A_237 = arith.index_cast %mul3A_174 : i32 to index
        %swap3A_238 = arith.constant 112 : index
        %swap3A_239 = tpu.vector_load %arg11[%swap3A_237, %swap3A_238] {strides = array<i32>} : memref<64x128xf32, #tpu.memory_space<vmem>>, vector<16xf32>,
        tpu.vector_store %arg11[%swap3A_237, %swap3A_238], %mul3A_236 {strides = array<i32>} : memref<64x128xf32, #tpu.memory_space<vmem>>, vector<16xf32>,
        %add3A_240 = arith.constant 1 : i32
        %add3A_241 = arith.addi %mul3A_174, %add3A_240 : i32
        %get3A_242 = arith.index_cast %add3A_241 : i32 to index
        %get3A_243 = arith.constant 0 : index
        %get3A_244 = tpu.vector_load %arg11[%get3A_242, %get3A_243] {strides = array<i32>} : memref<64x128xf32, #tpu.memory_space<vmem>>, vector<16xf32>,
        %mul3A_245 = arith.mulf %get3A_244, %gather3A_183 : vector<16xf32>
        %add3A_246 = arith.constant 1 : i32
        %add3A_247 = arith.addi %mul3A_174, %add3A_246 : i32
        %swap3A_248 = arith.index_cast %add3A_247 : i32 to index
        %swap3A_249 = arith.constant 0 : index
        %swap3A_250 = tpu.vector_load %arg11[%swap3A_248, %swap3A_249] {strides = array<i32>} : memref<64x128xf32, #tpu.memory_space<vmem>>, vector<16xf32>,
        tpu.vector_store %arg11[%swap3A_248, %swap3A_249], %mul3A_245 {strides = array<i32>} : memref<64x128xf32, #tpu.memory_space<vmem>>, vector<16xf32>,
        %add3A_251 = arith.constant 1 : i32
        %add3A_252 = arith.addi %mul3A_174, %add3A_251 : i32
        %get3A_253 = arith.index_cast %add3A_252 : i32 to index
        %get3A_254 = arith.constant 16 : index
        %get3A_255 = tpu.vector_load %arg11[%get3A_253, %get3A_254] {strides = array<i32>} : memref<64x128xf32, #tpu.memory_space<vmem>>, vector<16xf32>,
        %mul3A_256 = arith.mulf %get3A_255, %gather3A_183 : vector<16xf32>
        %add3A_257 = arith.constant 1 : i32
        %add3A_258 = arith.addi %mul3A_174, %add3A_257 : i32
        %swap3A_259 = arith.index_cast %add3A_258 : i32 to index
        %swap3A_260 = arith.constant 16 : index
        %swap3A_261 = tpu.vector_load %arg11[%swap3A_259, %swap3A_260] {strides = array<i32>} : memref<64x128xf32, #tpu.memory_space<vmem>>, vector<16xf32>,
        tpu.vector_store %arg11[%swap3A_259, %swap3A_260], %mul3A_256 {strides = array<i32>} : memref<64x128xf32, #tpu.memory_space<vmem>>, vector<16xf32>,
        %add3A_262 = arith.constant 1 : i32
        %add3A_263 = arith.addi %mul3A_174, %add3A_262 : i32
        %get3A_264 = arith.index_cast %add3A_263 : i32 to index
        %get3A_265 = arith.constant 32 : index
        %get3A_266 = tpu.vector_load %arg11[%get3A_264, %get3A_265] {strides = array<i32>} : memref<64x128xf32, #tpu.memory_space<vmem>>, vector<16xf32>,
        %mul3A_267 = arith.mulf %get3A_266, %gather3A_183 : vector<16xf32>
        %add3A_268 = arith.constant 1 : i32
        %add3A_269 = arith.addi %mul3A_174, %add3A_268 : i32
        %swap3A_270 = arith.index_cast %add3A_269 : i32 to index
        %swap3A_271 = arith.constant 32 : index
        %swap3A_272 = tpu.vector_load %arg11[%swap3A_270, %swap3A_271] {strides = array<i32>} : memref<64x128xf32, #tpu.memory_space<vmem>>, vector<16xf32>,
        tpu.vector_store %arg11[%swap3A_270, %swap3A_271], %mul3A_267 {strides = array<i32>} : memref<64x128xf32, #tpu.memory_space<vmem>>, vector<16xf32>,
        %add3A_273 = arith.constant 1 : i32
        %add3A_274 = arith.addi %mul3A_174, %add3A_273 : i32
        %get3A_275 = arith.index_cast %add3A_274 : i32 to index
        %get3A_276 = arith.constant 48 : index
        %get3A_277 = tpu.vector_load %arg11[%get3A_275, %get3A_276] {strides = array<i32>} : memref<64x128xf32, #tpu.memory_space<vmem>>, vector<16xf32>,
        %mul3A_278 = arith.mulf %get3A_277, %gather3A_183 : vector<16xf32>
        %add3A_279 = arith.constant 1 : i32
        %add3A_280 = arith.addi %mul3A_174, %add3A_279 : i32
        %swap3A_281 = arith.index_cast %add3A_280 : i32 to index
        %swap3A_282 = arith.constant 48 : index
        %swap3A_283 = tpu.vector_load %arg11[%swap3A_281, %swap3A_282] {strides = array<i32>} : memref<64x128xf32, #tpu.memory_space<vmem>>, vector<16xf32>,
        tpu.vector_store %arg11[%swap3A_281, %swap3A_282], %mul3A_278 {strides = array<i32>} : memref<64x128xf32, #tpu.memory_space<vmem>>, vector<16xf32>,
        %add3A_284 = arith.constant 1 : i32
        %add3A_285 = arith.addi %mul3A_174, %add3A_284 : i32
        %get3A_286 = arith.index_cast %add3A_285 : i32 to index
        %get3A_287 = arith.constant 64 : index
        %get3A_288 = tpu.vector_load %arg11[%get3A_286, %get3A_287] {strides = array<i32>} : memref<64x128xf32, #tpu.memory_space<vmem>>, vector<16xf32>,
        %mul3A_289 = arith.mulf %get3A_288, %gather3A_183 : vector<16xf32>
        %add3A_290 = arith.constant 1 : i32
        %add3A_291 = arith.addi %mul3A_174, %add3A_290 : i32
        %swap3A_292 = arith.index_cast %add3A_291 : i32 to index
        %swap3A_293 = arith.constant 64 : index
        %swap3A_294 = tpu.vector_load %arg11[%swap3A_292, %swap3A_293] {strides = array<i32>} : memref<64x128xf32, #tpu.memory_space<vmem>>, vector<16xf32>,
        tpu.vector_store %arg11[%swap3A_292, %swap3A_293], %mul3A_289 {strides = array<i32>} : memref<64x128xf32, #tpu.memory_space<vmem>>, vector<16xf32>,
        %add3A_295 = arith.constant 1 : i32
        %add3A_296 = arith.addi %mul3A_174, %add3A_295 : i32
        %get3A_297 = arith.index_cast %add3A_296 : i32 to index
        %get3A_298 = arith.constant 80 : index
        %get3A_299 = tpu.vector_load %arg11[%get3A_297, %get3A_298] {strides = array<i32>} : memref<64x128xf32, #tpu.memory_space<vmem>>, vector<16xf32>,
        %mul3A_300 = arith.mulf %get3A_299, %gather3A_183 : vector<16xf32>
        %add3A_301 = arith.constant 1 : i32
        %add3A_302 = arith.addi %mul3A_174, %add3A_301 : i32
        %swap3A_303 = arith.index_cast %add3A_302 : i32 to index
        %swap3A_304 = arith.constant 80 : index
        %swap3A_305 = tpu.vector_load %arg11[%swap3A_303, %swap3A_304] {strides = array<i32>} : memref<64x128xf32, #tpu.memory_space<vmem>>, vector<16xf32>,
        tpu.vector_store %arg11[%swap3A_303, %swap3A_304], %mul3A_300 {strides = array<i32>} : memref<64x128xf32, #tpu.memory_space<vmem>>, vector<16xf32>,
        %add3A_306 = arith.constant 1 : i32
        %add3A_307 = arith.addi %mul3A_174, %add3A_306 : i32
        %get3A_308 = arith.index_cast %add3A_307 : i32 to index
        %get3A_309 = arith.constant 96 : index
        %get3A_310 = tpu.vector_load %arg11[%get3A_308, %get3A_309] {strides = array<i32>} : memref<64x128xf32, #tpu.memory_space<vmem>>, vector<16xf32>,
        %mul3A_311 = arith.mulf %get3A_310, %gather3A_183 : vector<16xf32>
        %add3A_312 = arith.constant 1 : i32
        %add3A_313 = arith.addi %mul3A_174, %add3A_312 : i32
        %swap3A_314 = arith.index_cast %add3A_313 : i32 to index
        %swap3A_315 = arith.constant 96 : index
        %swap3A_316 = tpu.vector_load %arg11[%swap3A_314, %swap3A_315] {strides = array<i32>} : memref<64x128xf32, #tpu.memory_space<vmem>>, vector<16xf32>,
        tpu.vector_store %arg11[%swap3A_314, %swap3A_315], %mul3A_311 {strides = array<i32>} : memref<64x128xf32, #tpu.memory_space<vmem>>, vector<16xf32>,
        %add3A_317 = arith.constant 1 : i32
        %add3A_318 = arith.addi %mul3A_174, %add3A_317 : i32
        %get3A_319 = arith.index_cast %add3A_318 : i32 to index
        %get3A_320 = arith.constant 112 : index
        %get3A_321 = tpu.vector_load %arg11[%get3A_319, %get3A_320] {strides = array<i32>} : memref<64x128xf32, #tpu.memory_space<vmem>>, vector<16xf32>,
        %mul3A_322 = arith.mulf %get3A_321, %gather3A_183 : vector<16xf32>
        %add3A_323 = arith.constant 1 : i32
        %add3A_324 = arith.addi %mul3A_174, %add3A_323 : i32
        %swap3A_325 = arith.index_cast %add3A_324 : i32 to index
        %swap3A_326 = arith.constant 112 : index
        %swap3A_327 = tpu.vector_load %arg11[%swap3A_325, %swap3A_326] {strides = array<i32>} : memref<64x128xf32, #tpu.memory_space<vmem>>, vector<16xf32>,
        tpu.vector_store %arg11[%swap3A_325, %swap3A_326], %mul3A_322 {strides = array<i32>} : memref<64x128xf32, #tpu.memory_space<vmem>>, vector<16xf32>,
        %scan3A_328 = arith.constant 0 : i32
        scf.yield %scan3A_328 : i32
      }
      %scan3A_59 = arith.constant 32 : i32
      %get3A = arith.index_cast %scan3A_46 : i32 to index
      %get3A_60 = arith.constant 0 : index
      %get3A_61 = tpu.vector_load %arg8[%get3A, %get3A_60] {strides = array<i32>} : memref<80x128xi32, #tpu.memory_space<vmem>>, vector<16xi32>,
      %swap3A = arith.constant 0 : i32
      %swap3A_62 = arith.index_cast %swap3A : i32 to index
      %swap3A_63 = arith.constant 0 : index
      %swap3A_64 = tpu.vector_load %arg10[%swap3A_62, %swap3A_63] {strides = array<i32>} : memref<2x64xi32, #tpu.memory_space<vmem>>, vector<16xi32>,
      tpu.vector_store %arg10[%swap3A_62, %swap3A_63], %get3A_61 {strides = array<i32>} : memref<2x64xi32, #tpu.memory_space<vmem>>, vector<16xi32>,
      %get3A_65 = arith.index_cast %scan3A_46 : i32 to index
      %get3A_66 = arith.constant 16 : index
      %get3A_67 = tpu.vector_load %arg8[%get3A_65, %get3A_66] {strides = array<i32>} : memref<80x128xi32, #tpu.memory_space<vmem>>, vector<16xi32>,
      %swap3A_68 = arith.constant 0 : i32
      %swap3A_69 = arith.index_cast %swap3A_68 : i32 to index
      %swap3A_70 = arith.constant 16 : index
      %swap3A_71 = tpu.vector_load %arg10[%swap3A_69, %swap3A_70] {strides = array<i32>} : memref<2x64xi32, #tpu.memory_space<vmem>>, vector<16xi32>,
      tpu.vector_store %arg10[%swap3A_69, %swap3A_70], %get3A_67 {strides = array<i32>} : memref<2x64xi32, #tpu.memory_space<vmem>>, vector<16xi32>,
      %get3A_72 = arith.index_cast %scan3A_46 : i32 to index
      %get3A_73 = arith.constant 32 : index
      %get3A_74 = tpu.vector_load %arg8[%get3A_72, %get3A_73] {strides = array<i32>} : memref<80x128xi32, #tpu.memory_space<vmem>>, vector<16xi32>,
      %swap3A_75 = arith.constant 0 : i32
      %swap3A_76 = arith.index_cast %swap3A_75 : i32 to index
      %swap3A_77 = arith.constant 32 : index
      %swap3A_78 = tpu.vector_load %arg10[%swap3A_76, %swap3A_77] {strides = array<i32>} : memref<2x64xi32, #tpu.memory_space<vmem>>, vector<16xi32>,
      tpu.vector_store %arg10[%swap3A_76, %swap3A_77], %get3A_74 {strides = array<i32>} : memref<2x64xi32, #tpu.memory_space<vmem>>, vector<16xi32>,
      %get3A_79 = arith.index_cast %scan3A_46 : i32 to index
      %get3A_80 = arith.constant 48 : index
      %get3A_81 = tpu.vector_load %arg8[%get3A_79, %get3A_80] {strides = array<i32>} : memref<80x128xi32, #tpu.memory_space<vmem>>, vector<16xi32>,
      %swap3A_82 = arith.constant 0 : i32
      %swap3A_83 = arith.index_cast %swap3A_82 : i32 to index
      %swap3A_84 = arith.constant 48 : index
      %swap3A_85 = tpu.vector_load %arg10[%swap3A_83, %swap3A_84] {strides = array<i32>} : memref<2x64xi32, #tpu.memory_space<vmem>>, vector<16xi32>,
      tpu.vector_store %arg10[%swap3A_83, %swap3A_84], %get3A_81 {strides = array<i32>} : memref<2x64xi32, #tpu.memory_space<vmem>>, vector<16xi32>,
      %dma_start3A_86 = arith.constant 0 : i32
      %dma_start3A_87 = arith.constant 0 : i32
      %dma_start3A_88 = tpu.memref_slice %arg10[%dma_start3A_86, %dma_start3A_87] : memref<2x64xi32, #tpu.memory_space<vmem>> -> memref<1x64xi32, #tpu.memory_space<vmem>>
      %dma_start3A_89 = tpu.memref_squeeze %dma_start3A_88 : memref<1x64xi32, #tpu.memory_space<vmem>> -> memref<64xi32, #tpu.memory_space<vmem>>
      %dma_start3A_90 = arith.constant 0 : i32
      %dma_start3A_91 = arith.constant 0 : i32
      %dma_start3A_92 = tpu.memref_slice %arg13[%dma_start3A_90, %dma_start3A_91] : memref<2560x128xf32, #tpu.memory_space<vmem_shared>> -> memref<2560x128xf32, #tpu.memory_space<vmem_shared>>
      tpu.enqueue_indirect_dma source(%arg11 : memref<64x128xf32, #tpu.memory_space<vmem>>) target(%dma_start3A_92 : memref<2560x128xf32, #tpu.memory_space<vmem_shared>>) offsets(%dma_start3A_89 : memref<64xi32, #tpu.memory_space<vmem>>) semaphore(%arg16 : memref<!tpu.dma_semaphore, #tpu.memory_space<semaphore_mem>>) {add = true}
      %dma_wait3A_93 = arith.constant 64 : i32
      %dma_wait3A_94 = tpu.memref_slice %arg7[%scan3A_46, %dma_wait3A_93] : memref<80x128xi32, #tpu.memory_space<vmem>> -> memref<1x64xi32, #tpu.memory_space<vmem>>
      %dma_wait3A_95 = tpu.memref_squeeze %dma_wait3A_94 : memref<1x64xi32, #tpu.memory_space<vmem>> -> memref<64xi32, #tpu.memory_space<vmem>>
      %dma_wait3A_96 = arith.constant 0 : i32
      %dma_wait3A_97 = arith.constant 0 : i32
      %dma_wait3A_98 = tpu.memref_slice %arg2[%dma_wait3A_96, %dma_wait3A_97] : memref<2500x128xf32, #tpu.memory_space<hbm>> -> memref<2500x128xf32, #tpu.memory_space<hbm>>
      tpu.wait_indirect_dma semaphore(%arg15 : memref<!tpu.dma_semaphore, #tpu.memory_space<semaphore_mem>>) src(%dma_wait3A_98 : memref<2500x128xf32, #tpu.memory_space<hbm>>) dst(%arg12 : memref<64x128xf32, #tpu.memory_space<vmem>>)
      %broadcast_in_dim3A_99 = vector.broadcast %scan3A_46 : i32 to vector<16xi32>
      %scan3A_100 = arith.constant 0 : i32
      %scan3A_101 = arith.constant 0 : i32
      %scan3A_102 = arith.constant 32 : i32
      %scan3A_103 = arith.addi %scan3A_101, %scan3A_102 : i32
      %scan3A_104 = arith.constant 1 : i32
      %scan3A_105 = scf.for %scan3A_171 = %scan3A_101 to %scan3A_103 step %scan3A_104 iter_args(%scan3A_172 = %scan3A_100) -> (i32)  : i32 {
        %mul3A_173 = arith.constant 2 : i32
        %mul3A_174 = arith.muli %mul3A_173, %scan3A_171 : i32
        %add3A_175 = arith.constant 64 : i32
        %add3A_176 = arith.addi %add3A_175, %mul3A_174 : i32
        %broadcast_in_dim3A_177 = vector.broadcast %add3A_176 : i32 to vector<16xi32>
        %gather3A = tpu.vector_load_idx %arg9[%broadcast_in_dim3A_99, %broadcast_in_dim3A_177] : memref<80x128xf32, #tpu.memory_space<vmem>>[vector<16xi32>, vector<16xi32>], vector<16xf32>,
        %add3A_178 = arith.constant 64 : i32
        %add3A_179 = arith.addi %add3A_178, %mul3A_174 : i32
        %add3A_180 = arith.constant 1 : i32
        %add3A_181 = arith.addi %add3A_179, %add3A_180 : i32
        %broadcast_in_dim3A_182 = vector.broadcast %add3A_181 : i32 to vector<16xi32>
        %gather3A_183 = tpu.vector_load_idx %arg9[%broadcast_in_dim3A_99, %broadcast_in_dim3A_182] : memref<80x128xf32, #tpu.memory_space<vmem>>[vector<16xi32>, vector<16xi32>], vector<16xf32>,
        %get3A_184 = arith.index_cast %mul3A_174 : i32 to index
        %get3A_185 = arith.constant 0 : index
        %get3A_186 = tpu.vector_load %arg12[%get3A_184, %get3A_185] {strides = array<i32>} : memref<64x128xf32, #tpu.memory_space<vmem>>, vector<16xf32>,
        %mul3A_187 = arith.mulf %get3A_186, %gather3A : vector<16xf32>
        %swap3A_188 = arith.index_cast %mul3A_174 : i32 to index
        %swap3A_189 = arith.constant 0 : index
        %swap3A_190 = tpu.vector_load %arg12[%swap3A_188, %swap3A_189] {strides = array<i32>} : memref<64x128xf32, #tpu.memory_space<vmem>>, vector<16xf32>,
        tpu.vector_store %arg12[%swap3A_188, %swap3A_189], %mul3A_187 {strides = array<i32>} : memref<64x128xf32, #tpu.memory_space<vmem>>, vector<16xf32>,
        %get3A_191 = arith.index_cast %mul3A_174 : i32 to index
        %get3A_192 = arith.constant 16 : index
        %get3A_193 = tpu.vector_load %arg12[%get3A_191, %get3A_192] {strides = array<i32>} : memref<64x128xf32, #tpu.memory_space<vmem>>, vector<16xf32>,
        %mul3A_194 = arith.mulf %get3A_193, %gather3A : vector<16xf32>
        %swap3A_195 = arith.index_cast %mul3A_174 : i32 to index
        %swap3A_196 = arith.constant 16 : index
        %swap3A_197 = tpu.vector_load %arg12[%swap3A_195, %swap3A_196] {strides = array<i32>} : memref<64x128xf32, #tpu.memory_space<vmem>>, vector<16xf32>,
        tpu.vector_store %arg12[%swap3A_195, %swap3A_196], %mul3A_194 {strides = array<i32>} : memref<64x128xf32, #tpu.memory_space<vmem>>, vector<16xf32>,
        %get3A_198 = arith.index_cast %mul3A_174 : i32 to index
        %get3A_199 = arith.constant 32 : index
        %get3A_200 = tpu.vector_load %arg12[%get3A_198, %get3A_199] {strides = array<i32>} : memref<64x128xf32, #tpu.memory_space<vmem>>, vector<16xf32>,
        %mul3A_201 = arith.mulf %get3A_200, %gather3A : vector<16xf32>
        %swap3A_202 = arith.index_cast %mul3A_174 : i32 to index
        %swap3A_203 = arith.constant 32 : index
        %swap3A_204 = tpu.vector_load %arg12[%swap3A_202, %swap3A_203] {strides = array<i32>} : memref<64x128xf32, #tpu.memory_space<vmem>>, vector<16xf32>,
        tpu.vector_store %arg12[%swap3A_202, %swap3A_203], %mul3A_201 {strides = array<i32>} : memref<64x128xf32, #tpu.memory_space<vmem>>, vector<16xf32>,
        %get3A_205 = arith.index_cast %mul3A_174 : i32 to index
        %get3A_206 = arith.constant 48 : index
        %get3A_207 = tpu.vector_load %arg12[%get3A_205, %get3A_206] {strides = array<i32>} : memref<64x128xf32, #tpu.memory_space<vmem>>, vector<16xf32>,
        %mul3A_208 = arith.mulf %get3A_207, %gather3A : vector<16xf32>
        %swap3A_209 = arith.index_cast %mul3A_174 : i32 to index
        %swap3A_210 = arith.constant 48 : index
        %swap3A_211 = tpu.vector_load %arg12[%swap3A_209, %swap3A_210] {strides = array<i32>} : memref<64x128xf32, #tpu.memory_space<vmem>>, vector<16xf32>,
        tpu.vector_store %arg12[%swap3A_209, %swap3A_210], %mul3A_208 {strides = array<i32>} : memref<64x128xf32, #tpu.memory_space<vmem>>, vector<16xf32>,
        %get3A_212 = arith.index_cast %mul3A_174 : i32 to index
        %get3A_213 = arith.constant 64 : index
        %get3A_214 = tpu.vector_load %arg12[%get3A_212, %get3A_213] {strides = array<i32>} : memref<64x128xf32, #tpu.memory_space<vmem>>, vector<16xf32>,
        %mul3A_215 = arith.mulf %get3A_214, %gather3A : vector<16xf32>
        %swap3A_216 = arith.index_cast %mul3A_174 : i32 to index
        %swap3A_217 = arith.constant 64 : index
        %swap3A_218 = tpu.vector_load %arg12[%swap3A_216, %swap3A_217] {strides = array<i32>} : memref<64x128xf32, #tpu.memory_space<vmem>>, vector<16xf32>,
        tpu.vector_store %arg12[%swap3A_216, %swap3A_217], %mul3A_215 {strides = array<i32>} : memref<64x128xf32, #tpu.memory_space<vmem>>, vector<16xf32>,
        %get3A_219 = arith.index_cast %mul3A_174 : i32 to index
        %get3A_220 = arith.constant 80 : index
        %get3A_221 = tpu.vector_load %arg12[%get3A_219, %get3A_220] {strides = array<i32>} : memref<64x128xf32, #tpu.memory_space<vmem>>, vector<16xf32>,
        %mul3A_222 = arith.mulf %get3A_221, %gather3A : vector<16xf32>
        %swap3A_223 = arith.index_cast %mul3A_174 : i32 to index
        %swap3A_224 = arith.constant 80 : index
        %swap3A_225 = tpu.vector_load %arg12[%swap3A_223, %swap3A_224] {strides = array<i32>} : memref<64x128xf32, #tpu.memory_space<vmem>>, vector<16xf32>,
        tpu.vector_store %arg12[%swap3A_223, %swap3A_224], %mul3A_222 {strides = array<i32>} : memref<64x128xf32, #tpu.memory_space<vmem>>, vector<16xf32>,
        %get3A_226 = arith.index_cast %mul3A_174 : i32 to index
        %get3A_227 = arith.constant 96 : index
        %get3A_228 = tpu.vector_load %arg12[%get3A_226, %get3A_227] {strides = array<i32>} : memref<64x128xf32, #tpu.memory_space<vmem>>, vector<16xf32>,
        %mul3A_229 = arith.mulf %get3A_228, %gather3A : vector<16xf32>
        %swap3A_230 = arith.index_cast %mul3A_174 : i32 to index
        %swap3A_231 = arith.constant 96 : index
        %swap3A_232 = tpu.vector_load %arg12[%swap3A_230, %swap3A_231] {strides = array<i32>} : memref<64x128xf32, #tpu.memory_space<vmem>>, vector<16xf32>,
        tpu.vector_store %arg12[%swap3A_230, %swap3A_231], %mul3A_229 {strides = array<i32>} : memref<64x128xf32, #tpu.memory_space<vmem>>, vector<16xf32>,
        %get3A_233 = arith.index_cast %mul3A_174 : i32 to index
        %get3A_234 = arith.constant 112 : index
        %get3A_235 = tpu.vector_load %arg12[%get3A_233, %get3A_234] {strides = array<i32>} : memref<64x128xf32, #tpu.memory_space<vmem>>, vector<16xf32>,
        %mul3A_236 = arith.mulf %get3A_235, %gather3A : vector<16xf32>
        %swap3A_237 = arith.index_cast %mul3A_174 : i32 to index
        %swap3A_238 = arith.constant 112 : index
        %swap3A_239 = tpu.vector_load %arg12[%swap3A_237, %swap3A_238] {strides = array<i32>} : memref<64x128xf32, #tpu.memory_space<vmem>>, vector<16xf32>,
        tpu.vector_store %arg12[%swap3A_237, %swap3A_238], %mul3A_236 {strides = array<i32>} : memref<64x128xf32, #tpu.memory_space<vmem>>, vector<16xf32>,
        %add3A_240 = arith.constant 1 : i32
        %add3A_241 = arith.addi %mul3A_174, %add3A_240 : i32
        %get3A_242 = arith.index_cast %add3A_241 : i32 to index
        %get3A_243 = arith.constant 0 : index
        %get3A_244 = tpu.vector_load %arg12[%get3A_242, %get3A_243] {strides = array<i32>} : memref<64x128xf32, #tpu.memory_space<vmem>>, vector<16xf32>,
        %mul3A_245 = arith.mulf %get3A_244, %gather3A_183 : vector<16xf32>
        %add3A_246 = arith.constant 1 : i32
        %add3A_247 = arith.addi %mul3A_174, %add3A_246 : i32
        %swap3A_248 = arith.index_cast %add3A_247 : i32 to index
        %swap3A_249 = arith.constant 0 : index
        %swap3A_250 = tpu.vector_load %arg12[%swap3A_248, %swap3A_249] {strides = array<i32>} : memref<64x128xf32, #tpu.memory_space<vmem>>, vector<16xf32>,
        tpu.vector_store %arg12[%swap3A_248, %swap3A_249], %mul3A_245 {strides = array<i32>} : memref<64x128xf32, #tpu.memory_space<vmem>>, vector<16xf32>,
        %add3A_251 = arith.constant 1 : i32
        %add3A_252 = arith.addi %mul3A_174, %add3A_251 : i32
        %get3A_253 = arith.index_cast %add3A_252 : i32 to index
        %get3A_254 = arith.constant 16 : index
        %get3A_255 = tpu.vector_load %arg12[%get3A_253, %get3A_254] {strides = array<i32>} : memref<64x128xf32, #tpu.memory_space<vmem>>, vector<16xf32>,
        %mul3A_256 = arith.mulf %get3A_255, %gather3A_183 : vector<16xf32>
        %add3A_257 = arith.constant 1 : i32
        %add3A_258 = arith.addi %mul3A_174, %add3A_257 : i32
        %swap3A_259 = arith.index_cast %add3A_258 : i32 to index
        %swap3A_260 = arith.constant 16 : index
        %swap3A_261 = tpu.vector_load %arg12[%swap3A_259, %swap3A_260] {strides = array<i32>} : memref<64x128xf32, #tpu.memory_space<vmem>>, vector<16xf32>,
        tpu.vector_store %arg12[%swap3A_259, %swap3A_260], %mul3A_256 {strides = array<i32>} : memref<64x128xf32, #tpu.memory_space<vmem>>, vector<16xf32>,
        %add3A_262 = arith.constant 1 : i32
        %add3A_263 = arith.addi %mul3A_174, %add3A_262 : i32
        %get3A_264 = arith.index_cast %add3A_263 : i32 to index
        %get3A_265 = arith.constant 32 : index
        %get3A_266 = tpu.vector_load %arg12[%get3A_264, %get3A_265] {strides = array<i32>} : memref<64x128xf32, #tpu.memory_space<vmem>>, vector<16xf32>,
        %mul3A_267 = arith.mulf %get3A_266, %gather3A_183 : vector<16xf32>
        %add3A_268 = arith.constant 1 : i32
        %add3A_269 = arith.addi %mul3A_174, %add3A_268 : i32
        %swap3A_270 = arith.index_cast %add3A_269 : i32 to index
        %swap3A_271 = arith.constant 32 : index
        %swap3A_272 = tpu.vector_load %arg12[%swap3A_270, %swap3A_271] {strides = array<i32>} : memref<64x128xf32, #tpu.memory_space<vmem>>, vector<16xf32>,
        tpu.vector_store %arg12[%swap3A_270, %swap3A_271], %mul3A_267 {strides = array<i32>} : memref<64x128xf32, #tpu.memory_space<vmem>>, vector<16xf32>,
        %add3A_273 = arith.constant 1 : i32
        %add3A_274 = arith.addi %mul3A_174, %add3A_273 : i32
        %get3A_275 = arith.index_cast %add3A_274 : i32 to index
        %get3A_276 = arith.constant 48 : index
        %get3A_277 = tpu.vector_load %arg12[%get3A_275, %get3A_276] {strides = array<i32>} : memref<64x128xf32, #tpu.memory_space<vmem>>, vector<16xf32>,
        %mul3A_278 = arith.mulf %get3A_277, %gather3A_183 : vector<16xf32>
        %add3A_279 = arith.constant 1 : i32
        %add3A_280 = arith.addi %mul3A_174, %add3A_279 : i32
        %swap3A_281 = arith.index_cast %add3A_280 : i32 to index
        %swap3A_282 = arith.constant 48 : index
        %swap3A_283 = tpu.vector_load %arg12[%swap3A_281, %swap3A_282] {strides = array<i32>} : memref<64x128xf32, #tpu.memory_space<vmem>>, vector<16xf32>,
        tpu.vector_store %arg12[%swap3A_281, %swap3A_282], %mul3A_278 {strides = array<i32>} : memref<64x128xf32, #tpu.memory_space<vmem>>, vector<16xf32>,
        %add3A_284 = arith.constant 1 : i32
        %add3A_285 = arith.addi %mul3A_174, %add3A_284 : i32
        %get3A_286 = arith.index_cast %add3A_285 : i32 to index
        %get3A_287 = arith.constant 64 : index
        %get3A_288 = tpu.vector_load %arg12[%get3A_286, %get3A_287] {strides = array<i32>} : memref<64x128xf32, #tpu.memory_space<vmem>>, vector<16xf32>,
        %mul3A_289 = arith.mulf %get3A_288, %gather3A_183 : vector<16xf32>
        %add3A_290 = arith.constant 1 : i32
        %add3A_291 = arith.addi %mul3A_174, %add3A_290 : i32
        %swap3A_292 = arith.index_cast %add3A_291 : i32 to index
        %swap3A_293 = arith.constant 64 : index
        %swap3A_294 = tpu.vector_load %arg12[%swap3A_292, %swap3A_293] {strides = array<i32>} : memref<64x128xf32, #tpu.memory_space<vmem>>, vector<16xf32>,
        tpu.vector_store %arg12[%swap3A_292, %swap3A_293], %mul3A_289 {strides = array<i32>} : memref<64x128xf32, #tpu.memory_space<vmem>>, vector<16xf32>,
        %add3A_295 = arith.constant 1 : i32
        %add3A_296 = arith.addi %mul3A_174, %add3A_295 : i32
        %get3A_297 = arith.index_cast %add3A_296 : i32 to index
        %get3A_298 = arith.constant 80 : index
        %get3A_299 = tpu.vector_load %arg12[%get3A_297, %get3A_298] {strides = array<i32>} : memref<64x128xf32, #tpu.memory_space<vmem>>, vector<16xf32>,
        %mul3A_300 = arith.mulf %get3A_299, %gather3A_183 : vector<16xf32>
        %add3A_301 = arith.constant 1 : i32
        %add3A_302 = arith.addi %mul3A_174, %add3A_301 : i32
        %swap3A_303 = arith.index_cast %add3A_302 : i32 to index
        %swap3A_304 = arith.constant 80 : index
        %swap3A_305 = tpu.vector_load %arg12[%swap3A_303, %swap3A_304] {strides = array<i32>} : memref<64x128xf32, #tpu.memory_space<vmem>>, vector<16xf32>,
        tpu.vector_store %arg12[%swap3A_303, %swap3A_304], %mul3A_300 {strides = array<i32>} : memref<64x128xf32, #tpu.memory_space<vmem>>, vector<16xf32>,
        %add3A_306 = arith.constant 1 : i32
        %add3A_307 = arith.addi %mul3A_174, %add3A_306 : i32
        %get3A_308 = arith.index_cast %add3A_307 : i32 to index
        %get3A_309 = arith.constant 96 : index
        %get3A_310 = tpu.vector_load %arg12[%get3A_308, %get3A_309] {strides = array<i32>} : memref<64x128xf32, #tpu.memory_space<vmem>>, vector<16xf32>,
        %mul3A_311 = arith.mulf %get3A_310, %gather3A_183 : vector<16xf32>
        %add3A_312 = arith.constant 1 : i32
        %add3A_313 = arith.addi %mul3A_174, %add3A_312 : i32
        %swap3A_314 = arith.index_cast %add3A_313 : i32 to index
        %swap3A_315 = arith.constant 96 : index
        %swap3A_316 = tpu.vector_load %arg12[%swap3A_314, %swap3A_315] {strides = array<i32>} : memref<64x128xf32, #tpu.memory_space<vmem>>, vector<16xf32>,
        tpu.vector_store %arg12[%swap3A_314, %swap3A_315], %mul3A_311 {strides = array<i32>} : memref<64x128xf32, #tpu.memory_space<vmem>>, vector<16xf32>,
        %add3A_317 = arith.constant 1 : i32
        %add3A_318 = arith.addi %mul3A_174, %add3A_317 : i32
        %get3A_319 = arith.index_cast %add3A_318 : i32 to index
        %get3A_320 = arith.constant 112 : index
        %get3A_321 = tpu.vector_load %arg12[%get3A_319, %get3A_320] {strides = array<i32>} : memref<64x128xf32, #tpu.memory_space<vmem>>, vector<16xf32>,
        %mul3A_322 = arith.mulf %get3A_321, %gather3A_183 : vector<16xf32>
        %add3A_323 = arith.constant 1 : i32
        %add3A_324 = arith.addi %mul3A_174, %add3A_323 : i32
        %swap3A_325 = arith.index_cast %add3A_324 : i32 to index
        %swap3A_326 = arith.constant 112 : index
        %swap3A_327 = tpu.vector_load %arg12[%swap3A_325, %swap3A_326] {strides = array<i32>} : memref<64x128xf32, #tpu.memory_space<vmem>>, vector<16xf32>,
        tpu.vector_store %arg12[%swap3A_325, %swap3A_326], %mul3A_322 {strides = array<i32>} : memref<64x128xf32, #tpu.memory_space<vmem>>, vector<16xf32>,
        %scan3A_328 = arith.constant 0 : i32
        scf.yield %scan3A_328 : i32
      }
      %scan3A_106 = arith.constant 32 : i32
      %get3A_107 = arith.index_cast %scan3A_46 : i32 to index
      %get3A_108 = arith.constant 64 : index
      %get3A_109 = tpu.vector_load %arg8[%get3A_107, %get3A_108] {strides = array<i32>} : memref<80x128xi32, #tpu.memory_space<vmem>>, vector<16xi32>,
      %swap3A_110 = arith.constant 1 : i32
      %swap3A_111 = arith.index_cast %swap3A_110 : i32 to index
      %swap3A_112 = arith.constant 0 : index
      %swap3A_113 = tpu.vector_load %arg10[%swap3A_111, %swap3A_112] {strides = array<i32>} : memref<2x64xi32, #tpu.memory_space<vmem>>, vector<16xi32>,
      tpu.vector_store %arg10[%swap3A_111, %swap3A_112], %get3A_109 {strides = array<i32>} : memref<2x64xi32, #tpu.memory_space<vmem>>, vector<16xi32>,
      %get3A_114 = arith.index_cast %scan3A_46 : i32 to index
      %get3A_115 = arith.constant 80 : index
      %get3A_116 = tpu.vector_load %arg8[%get3A_114, %get3A_115] {strides = array<i32>} : memref<80x128xi32, #tpu.memory_space<vmem>>, vector<16xi32>,
      %swap3A_117 = arith.constant 1 : i32
      %swap3A_118 = arith.index_cast %swap3A_117 : i32 to index
      %swap3A_119 = arith.constant 16 : index
      %swap3A_120 = tpu.vector_load %arg10[%swap3A_118, %swap3A_119] {strides = array<i32>} : memref<2x64xi32, #tpu.memory_space<vmem>>, vector<16xi32>,
      tpu.vector_store %arg10[%swap3A_118, %swap3A_119], %get3A_116 {strides = array<i32>} : memref<2x64xi32, #tpu.memory_space<vmem>>, vector<16xi32>,
      %get3A_121 = arith.index_cast %scan3A_46 : i32 to index
      %get3A_122 = arith.constant 96 : index
      %get3A_123 = tpu.vector_load %arg8[%get3A_121, %get3A_122] {strides = array<i32>} : memref<80x128xi32, #tpu.memory_space<vmem>>, vector<16xi32>,
      %swap3A_124 = arith.constant 1 : i32
      %swap3A_125 = arith.index_cast %swap3A_124 : i32 to index
      %swap3A_126 = arith.constant 32 : index
      %swap3A_127 = tpu.vector_load %arg10[%swap3A_125, %swap3A_126] {strides = array<i32>} : memref<2x64xi32, #tpu.memory_space<vmem>>, vector<16xi32>,
      tpu.vector_store %arg10[%swap3A_125, %swap3A_126], %get3A_123 {strides = array<i32>} : memref<2x64xi32, #tpu.memory_space<vmem>>, vector<16xi32>,
      %get3A_128 = arith.index_cast %scan3A_46 : i32 to index
      %get3A_129 = arith.constant 112 : index
      %get3A_130 = tpu.vector_load %arg8[%get3A_128, %get3A_129] {strides = array<i32>} : memref<80x128xi32, #tpu.memory_space<vmem>>, vector<16xi32>,
      %swap3A_131 = arith.constant 1 : i32
      %swap3A_132 = arith.index_cast %swap3A_131 : i32 to index
      %swap3A_133 = arith.constant 48 : index
      %swap3A_134 = tpu.vector_load %arg10[%swap3A_132, %swap3A_133] {strides = array<i32>} : memref<2x64xi32, #tpu.memory_space<vmem>>, vector<16xi32>,
      tpu.vector_store %arg10[%swap3A_132, %swap3A_133], %get3A_130 {strides = array<i32>} : memref<2x64xi32, #tpu.memory_space<vmem>>, vector<16xi32>,
      %dma_start3A_135 = arith.constant 1 : i32
      %dma_start3A_136 = arith.constant 0 : i32
      %dma_start3A_137 = tpu.memref_slice %arg10[%dma_start3A_135, %dma_start3A_136] : memref<2x64xi32, #tpu.memory_space<vmem>> -> memref<1x64xi32, #tpu.memory_space<vmem>>
      %dma_start3A_138 = tpu.memref_squeeze %dma_start3A_137 : memref<1x64xi32, #tpu.memory_space<vmem>> -> memref<64xi32, #tpu.memory_space<vmem>>
      %dma_start3A_139 = arith.constant 0 : i32
      %dma_start3A_140 = arith.constant 0 : i32
      %dma_start3A_141 = tpu.memref_slice %arg13[%dma_start3A_139, %dma_start3A_140] : memref<2560x128xf32, #tpu.memory_space<vmem_shared>> -> memref<2560x128xf32, #tpu.memory_space<vmem_shared>>
      tpu.enqueue_indirect_dma source(%arg12 : memref<64x128xf32, #tpu.memory_space<vmem>>) target(%dma_start3A_141 : memref<2560x128xf32, #tpu.memory_space<vmem_shared>>) offsets(%dma_start3A_138 : memref<64xi32, #tpu.memory_space<vmem>>) semaphore(%arg17 : memref<!tpu.dma_semaphore, #tpu.memory_space<semaphore_mem>>) {add = true}
      %dma_wait3A_142 = arith.constant 0 : i32
      %dma_wait3A_143 = arith.constant 0 : i32
      %dma_wait3A_144 = tpu.memref_slice %arg10[%dma_wait3A_142, %dma_wait3A_143] : memref<2x64xi32, #tpu.memory_space<vmem>> -> memref<1x64xi32, #tpu.memory_space<vmem>>
      %dma_wait3A_145 = tpu.memref_squeeze %dma_wait3A_144 : memref<1x64xi32, #tpu.memory_space<vmem>> -> memref<64xi32, #tpu.memory_space<vmem>>
      %dma_wait3A_146 = arith.constant 0 : i32
      %dma_wait3A_147 = arith.constant 0 : i32
      %dma_wait3A_148 = tpu.memref_slice %arg13[%dma_wait3A_146, %dma_wait3A_147] : memref<2560x128xf32, #tpu.memory_space<vmem_shared>> -> memref<2560x128xf32, #tpu.memory_space<vmem_shared>>
      tpu.wait_indirect_dma semaphore(%arg16 : memref<!tpu.dma_semaphore, #tpu.memory_space<semaphore_mem>>) src(%arg11 : memref<64x128xf32, #tpu.memory_space<vmem>>) dst(%dma_wait3A_148 : memref<2560x128xf32, #tpu.memory_space<vmem_shared>>)
      %add3A_149 = arith.constant 1 : i32
      %add3A_150 = arith.addi %scan3A_46, %add3A_149 : i32
      %lt3A_151 = arith.constant 80 : i32
      %lt3A_152 = arith.cmpi slt, %add3A_150, %lt3A_151 : i32
      %convert_element_type3A_153 = arith.extui %lt3A_152 : i1 to i32
      %cond3A_154 = arith.constant 0 : i32
      %cond3A_155 = arith.cmpi ne, %convert_element_type3A_153, %cond3A_154 : i32
      scf.if %cond3A_155 {
        %add3A_171 = arith.constant 1 : i32
        %add3A_172 = arith.addi %scan3A_46, %add3A_171 : i32
        %dma_start3A_173 = arith.constant 0 : i32
        %dma_start3A_174 = tpu.memref_slice %arg7[%add3A_172, %dma_start3A_173] : memref<80x128xi32, #tpu.memory_space<vmem>> -> memref<1x64xi32, #tpu.memory_space<vmem>>
        %dma_start3A_175 = tpu.memref_squeeze %dma_start3A_174 : memref<1x64xi32, #tpu.memory_space<vmem>> -> memref<64xi32, #tpu.memory_space<vmem>>
        %dma_start3A_176 = arith.constant 0 : i32
        %dma_start3A_177 = arith.constant 0 : i32
        %dma_start3A_178 = tpu.memref_slice %arg2[%dma_start3A_176, %dma_start3A_177] : memref<2500x128xf32, #tpu.memory_space<hbm>> -> memref<2500x128xf32, #tpu.memory_space<hbm>>
        tpu.enqueue_indirect_dma source(%dma_start3A_178 : memref<2500x128xf32, #tpu.memory_space<hbm>>) target(%arg11 : memref<64x128xf32, #tpu.memory_space<vmem>>) offsets(%dma_start3A_175 : memref<64xi32, #tpu.memory_space<vmem>>) semaphore(%arg14 : memref<!tpu.dma_semaphore, #tpu.memory_space<semaphore_mem>>)
      } else {
      }
      %dma_wait3A_156 = arith.constant 1 : i32
      %dma_wait3A_157 = arith.constant 0 : i32
      %dma_wait3A_158 = tpu.memref_slice %arg10[%dma_wait3A_156, %dma_wait3A_157] : memref<2x64xi32, #tpu.memory_space<vmem>> -> memref<1x64xi32, #tpu.memory_space<vmem>>
      %dma_wait3A_159 = tpu.memref_squeeze %dma_wait3A_158 : memref<1x64xi32, #tpu.memory_space<vmem>> -> memref<64xi32, #tpu.memory_space<vmem>>
      %dma_wait3A_160 = arith.constant 0 : i32
      %dma_wait3A_161 = arith.constant 0 : i32
      %dma_wait3A_162 = tpu.memref_slice %arg13[%dma_wait3A_160, %dma_wait3A_161] : memref<2560x128xf32, #tpu.memory_space<vmem_shared>> -> memref<2560x128xf32, #tpu.memory_space<vmem_shared>>
      tpu.wait_indirect_dma semaphore(%arg17 : memref<!tpu.dma_semaphore, #tpu.memory_space<semaphore_mem>>) src(%arg12 : memref<64x128xf32, #tpu.memory_space<vmem>>) dst(%dma_wait3A_162 : memref<2560x128xf32, #tpu.memory_space<vmem_shared>>)
      %add3A_163 = arith.constant 1 : i32
      %add3A_164 = arith.addi %scan3A_46, %add3A_163 : i32
      %lt3A_165 = arith.constant 80 : i32
      %lt3A_166 = arith.cmpi slt, %add3A_164, %lt3A_165 : i32
      %convert_element_type3A_167 = arith.extui %lt3A_166 : i1 to i32
      %cond3A_168 = arith.constant 0 : i32
      %cond3A_169 = arith.cmpi ne, %convert_element_type3A_167, %cond3A_168 : i32
      scf.if %cond3A_169 {
        %add3A_171 = arith.constant 1 : i32
        %add3A_172 = arith.addi %scan3A_46, %add3A_171 : i32
        %dma_start3A_173 = arith.constant 64 : i32
        %dma_start3A_174 = tpu.memref_slice %arg7[%add3A_172, %dma_start3A_173] : memref<80x128xi32, #tpu.memory_space<vmem>> -> memref<1x64xi32, #tpu.memory_space<vmem>>
        %dma_start3A_175 = tpu.memref_squeeze %dma_start3A_174 : memref<1x64xi32, #tpu.memory_space<vmem>> -> memref<64xi32, #tpu.memory_space<vmem>>
        %dma_start3A_176 = arith.constant 0 : i32
        %dma_start3A_177 = arith.constant 0 : i32
        %dma_start3A_178 = tpu.memref_slice %arg2[%dma_start3A_176, %dma_start3A_177] : memref<2500x128xf32, #tpu.memory_space<hbm>> -> memref<2500x128xf32, #tpu.memory_space<hbm>>
        tpu.enqueue_indirect_dma source(%dma_start3A_178 : memref<2500x128xf32, #tpu.memory_space<hbm>>) target(%arg12 : memref<64x128xf32, #tpu.memory_space<vmem>>) offsets(%dma_start3A_175 : memref<64xi32, #tpu.memory_space<vmem>>) semaphore(%arg15 : memref<!tpu.dma_semaphore, #tpu.memory_space<semaphore_mem>>)
      } else {
      }
      %scan3A_170 = arith.constant 0 : i32
      scf.yield %scan3A_170 : i32
    }
    %scan3A_39 = arith.constant 80 : i32
    %barrier3A_40 = arith.constant 0 : index
    tpu.barrier barrier_id(%barrier3A_40)
    %lt3A_41 = arith.constant 16 : i32
    %lt3A_42 = arith.cmpi slt, %arg1, %lt3A_41 : i32
    %convert_element_type3A_43 = arith.extui %lt3A_42 : i1 to i32
    %cond3A_44 = arith.constant 0 : i32
    %cond3A_45 = arith.cmpi ne, %convert_element_type3A_43, %cond3A_44 : i32
    scf.if %cond3A_45 {
      "tpu.region"() ({
        %run_scoped3A = tpu.sem_alloc : memref<!tpu.dma_semaphore, #tpu.memory_space<semaphore_mem>>
        %dma_start3A_46 = arith.constant 0 : i32
        %dma_start3A_47 = tpu.memref_slice %arg6[%arg0, %mul3A_4, %dma_start3A_46] : memref<2x2560x128xf32, #tpu.memory_space<hbm>> -> memref<1x160x128xf32, #tpu.memory_space<hbm>>
        %dma_start3A_48 = tpu.memref_squeeze %dma_start3A_47 : memref<1x160x128xf32, #tpu.memory_space<hbm>> -> memref<160x128xf32, #tpu.memory_space<hbm>>
        %dma_start3A_49 = arith.constant 0 : i32
        %dma_start3A_50 = tpu.memref_slice %arg13[%mul3A_4, %dma_start3A_49] : memref<2560x128xf32, #tpu.memory_space<vmem_shared>> -> memref<160x128xf32, #tpu.memory_space<vmem_shared>>
        tpu.enqueue_dma source(%dma_start3A_50 : memref<160x128xf32, #tpu.memory_space<vmem_shared>>) target(%dma_start3A_48 : memref<160x128xf32, #tpu.memory_space<hbm>>) target_semaphore(%run_scoped3A : memref<!tpu.dma_semaphore, #tpu.memory_space<semaphore_mem>>)
        %dma_wait3A = arith.constant 0 : i32
        %dma_wait3A_51 = tpu.memref_slice %arg6[%arg0, %mul3A_4, %dma_wait3A] : memref<2x2560x128xf32, #tpu.memory_space<hbm>> -> memref<1x160x128xf32, #tpu.memory_space<hbm>>
        %dma_wait3A_52 = tpu.memref_squeeze %dma_wait3A_51 : memref<1x160x128xf32, #tpu.memory_space<hbm>> -> memref<160x128xf32, #tpu.memory_space<hbm>>
        %dma_wait3A_53 = arith.constant 0 : i32
        %dma_wait3A_54 = tpu.memref_slice %arg13[%mul3A_4, %dma_wait3A_53] : memref<2560x128xf32, #tpu.memory_space<vmem_shared>> -> memref<160x128xf32, #tpu.memory_space<vmem_shared>>
        tpu.wait_dma2 semaphore(%run_scoped3A : memref<!tpu.dma_semaphore, #tpu.memory_space<semaphore_mem>>) src(%dma_wait3A_54 : memref<160x128xf32, #tpu.memory_space<vmem_shared>>) dst(%dma_wait3A_52 : memref<160x128xf32, #tpu.memory_space<hbm>>)
        tpu.yield
      }) : () -> ()
    } else {
    }
    return
  }
}

module attributes {stable_mosaic.version = 14 : i64} {
  func.func @_k1_body(%arg0: memref<10000x128xf32, #tpu.memory_space<vmem>>, %arg1: memref<10000x2xf32, #tpu.memory_space<vmem>>, %arg2: memref<128x128xf32, #tpu.memory_space<vmem>>, %arg3: memref<1x128xf32, #tpu.memory_space<vmem>>, %arg4: memref<1x128xf32, #tpu.memory_space<vmem>>, %arg5: memref<1x128xf32, #tpu.memory_space<vmem>>, %arg6: memref<128x128xf32, #tpu.memory_space<vmem>>, %arg7: memref<1x128xf32, #tpu.memory_space<vmem>>, %arg8: memref<10000x128xf32, #tpu.memory_space<vmem>>) attributes {dimension_semantics = [], scalar_prefetch = 0 : i64, scratch_operands = 0 : i64, tpu.core_type = #tpu.core_type<tc>} {
    %get3A = arith.constant 0 : index
    %get3A_0 = arith.constant 0 : index
    %get3A_1 = vector.load %arg1[%get3A, %get3A_0] : memref<10000x2xf32, #tpu.memory_space<vmem>>, vector<10000x2xf32>
    %slice3A = vector.extract_strided_slice %get3A_1 {offsets = [0, 0], sizes = [10000, 1], strides = [1, 1]} : vector<10000x2xf32> to vector<10000x1xf32>
    %slice3A_2 = vector.extract_strided_slice %get3A_1 {offsets = [0, 1], sizes = [10000, 1], strides = [1, 1]} : vector<10000x2xf32> to vector<10000x1xf32>
    %add3A = arith.addf %slice3A, %slice3A_2 : vector<10000x1xf32>
    %add3A_3 = arith.constant 1.000000e+00 : f32
    %add3A_4 = vector.broadcast %add3A_3 : f32 to vector<10000x1xf32>
    %add3A_5 = arith.addf %add3A, %add3A_4 : vector<10000x1xf32>
    %rsqrt3A = math.rsqrt %add3A_5 : vector<10000x1xf32>
    %get3A_6 = arith.constant 0 : index
    %get3A_7 = arith.constant 0 : index
    %get3A_8 = vector.load %arg0[%get3A_6, %get3A_7] : memref<10000x128xf32, #tpu.memory_space<vmem>>, vector<10000x128xf32>
    %get3A_9 = arith.constant 0 : index
    %get3A_10 = arith.constant 0 : index
    %get3A_11 = vector.load %arg2[%get3A_9, %get3A_10] : memref<128x128xf32, #tpu.memory_space<vmem>>, vector<128x128xf32>
    %dot_general3A = arith.constant dense<0.000000e+00> : vector<10000x128xf32>
    %dot_general3A_12 = tpu.matmul %get3A_8, %get3A_11, %dot_general3A {dimension_numbers = #tpu.dot_dimension_numbers<[1], [1], [0], [0], [0, 0, 1, 0], [], []>, transpose_lhs_hint = false} : vector<10000x128xf32>, vector<128x128xf32>, vector<10000x128xf32> -> vector<10000x128xf32>
    %get3A_13 = arith.constant 0 : index
    %get3A_14 = arith.constant 0 : index
    %get3A_15 = vector.load %arg3[%get3A_13, %get3A_14] : memref<1x128xf32, #tpu.memory_space<vmem>>, vector<1x128xf32>
    %add3A_16 = vector.broadcast %get3A_15 : vector<1x128xf32> to vector<10000x128xf32>
    %add3A_17 = arith.addf %dot_general3A_12, %add3A_16 : vector<10000x128xf32>
    %get3A_18 = arith.constant 0 : index
    %get3A_19 = arith.constant 0 : index
    %get3A_20 = vector.load %arg4[%get3A_18, %get3A_19] : memref<1x128xf32, #tpu.memory_space<vmem>>, vector<1x128xf32>
    %get3A_21 = arith.constant 0 : index
    %get3A_22 = arith.constant 0 : index
    %get3A_23 = vector.load %arg5[%get3A_21, %get3A_22] : memref<1x128xf32, #tpu.memory_space<vmem>>, vector<1x128xf32>
    %reduce_sum3A = arith.constant dense<0.000000e+00> : vector<128xf32>
    %reduce_sum3A_24 = vector.multi_reduction <add>, %add3A_17, %reduce_sum3A [0] : vector<10000x128xf32> to vector<128xf32>
    %div3A = arith.constant 1.000000e+04 : f32
    %div3A_25 = vector.broadcast %div3A : f32 to vector<128xf32>
    %div3A_26 = arith.divf %reduce_sum3A_24, %div3A_25 : vector<128xf32>
    %jit3A = arith.constant 0 : i32
    %reduce_sum3A_27 = arith.constant dense<0.000000e+00> : vector<128xf32>
    %reduce_sum3A_28 = vector.multi_reduction <add>, %add3A_17, %reduce_sum3A_27 [0] : vector<10000x128xf32> to vector<128xf32>
    %broadcast_in_dim3A = vector.shape_cast %reduce_sum3A_28 : vector<128xf32> to vector<1x128xf32>
    %div3A_29 = arith.constant 1.000000e+04 : f32
    %div3A_30 = vector.broadcast %div3A_29 : f32 to vector<1x128xf32>
    %div3A_31 = arith.divf %broadcast_in_dim3A, %div3A_30 : vector<1x128xf32>
    %sub3A = vector.broadcast %div3A_31 : vector<1x128xf32> to vector<10000x128xf32>
    %sub3A_32 = arith.subf %add3A_17, %sub3A : vector<10000x128xf32>
    %square3A = arith.mulf %sub3A_32, %sub3A_32 : vector<10000x128xf32>
    %convert_element_type3A = arith.sitofp %jit3A : i32 to f32
    %sub3A_33 = arith.constant 1.000000e+04 : f32
    %sub3A_34 = arith.subf %sub3A_33, %convert_element_type3A : f32
    %reduce_sum3A_35 = arith.constant dense<0.000000e+00> : vector<128xf32>
    %reduce_sum3A_36 = vector.multi_reduction <add>, %square3A, %reduce_sum3A_35 [0] : vector<10000x128xf32> to vector<128xf32>
    %div3A_37 = vector.broadcast %sub3A_34 : f32 to vector<128xf32>
    %div3A_38 = arith.divf %reduce_sum3A_36, %div3A_37 : vector<128xf32>
    %gt3A = arith.constant 0.000000e+00 : f32
    %gt3A_39 = arith.cmpf ogt, %sub3A_34, %gt3A : f32
    %jit3A_40 = arith.constant 0x7FC00000 : f32
    %broadcast_in_dim3A_41 = vector.broadcast %jit3A_40 : f32 to vector<128xf32>
    %select_n3A = arith.select %gt3A_39, %div3A_38, %broadcast_in_dim3A_41 : vector<128xf32>
    %broadcast_in_dim3A_42 = vector.shape_cast %div3A_26 : vector<128xf32> to vector<1x128xf32>
    %sub3A_43 = vector.broadcast %broadcast_in_dim3A_42 : vector<1x128xf32> to vector<10000x128xf32>
    %sub3A_44 = arith.subf %add3A_17, %sub3A_43 : vector<10000x128xf32>
    %add3A_45 = arith.constant 9.99999974E-6 : f32
    %add3A_46 = vector.broadcast %add3A_45 : f32 to vector<128xf32>
    %add3A_47 = arith.addf %select_n3A, %add3A_46 : vector<128xf32>
    %rsqrt3A_48 = math.rsqrt %add3A_47 : vector<128xf32>
    %broadcast_in_dim3A_49 = vector.shape_cast %rsqrt3A_48 : vector<128xf32> to vector<1x128xf32>
    %mul3A = vector.broadcast %broadcast_in_dim3A_49 : vector<1x128xf32> to vector<10000x128xf32>
    %mul3A_50 = arith.mulf %sub3A_44, %mul3A : vector<10000x128xf32>
    %mul3A_51 = vector.broadcast %get3A_20 : vector<1x128xf32> to vector<10000x128xf32>
    %mul3A_52 = arith.mulf %mul3A_50, %mul3A_51 : vector<10000x128xf32>
    %add3A_53 = vector.broadcast %get3A_23 : vector<1x128xf32> to vector<10000x128xf32>
    %add3A_54 = arith.addf %mul3A_52, %add3A_53 : vector<10000x128xf32>
    %jit3A_55 = arith.constant 0.00999999977 : f32
    %ge3A = arith.constant 0.000000e+00 : f32
    %ge3A_56 = vector.broadcast %ge3A : f32 to vector<10000x128xf32>
    %ge3A_57 = arith.cmpf oge, %add3A_54, %ge3A_56 : vector<10000x128xf32>
    %mul3A_58 = vector.broadcast %jit3A_55 : f32 to vector<10000x128xf32>
    %mul3A_59 = arith.mulf %mul3A_58, %add3A_54 : vector<10000x128xf32>
    %select_n3A_60 = arith.select %ge3A_57, %add3A_54, %mul3A_59 : vector<10000x128xi1>, vector<10000x128xf32>
    %get3A_61 = arith.constant 0 : index
    %get3A_62 = arith.constant 0 : index
    %get3A_63 = vector.load %arg6[%get3A_61, %get3A_62] : memref<128x128xf32, #tpu.memory_space<vmem>>, vector<128x128xf32>
    %dot_general3A_64 = arith.constant dense<0.000000e+00> : vector<10000x128xf32>
    %dot_general3A_65 = tpu.matmul %select_n3A_60, %get3A_63, %dot_general3A_64 {dimension_numbers = #tpu.dot_dimension_numbers<[1], [1], [0], [0], [0, 0, 1, 0], [], []>, transpose_lhs_hint = false} : vector<10000x128xf32>, vector<128x128xf32>, vector<10000x128xf32> -> vector<10000x128xf32>
    %get3A_66 = arith.constant 0 : index
    %get3A_67 = arith.constant 0 : index
    %get3A_68 = vector.load %arg7[%get3A_66, %get3A_67] : memref<1x128xf32, #tpu.memory_space<vmem>>, vector<1x128xf32>
    %add3A_69 = vector.broadcast %get3A_68 : vector<1x128xf32> to vector<10000x128xf32>
    %add3A_70 = arith.addf %dot_general3A_65, %add3A_69 : vector<10000x128xf32>
    %mul3A_71 = vector.broadcast %rsqrt3A : vector<10000x1xf32> to vector<10000x128xf32>
    %mul3A_72 = arith.mulf %add3A_70, %mul3A_71 : vector<10000x128xf32>
    %swap3A = arith.constant 0 : index
    %swap3A_73 = arith.constant 0 : index
    %swap3A_74 = vector.load %arg8[%swap3A, %swap3A_73] : memref<10000x128xf32, #tpu.memory_space<vmem>>, vector<10000x128xf32>
    tpu.vector_store %arg8[%swap3A, %swap3A_73], %mul3A_72 {strides = array<i32>} : memref<10000x128xf32, #tpu.memory_space<vmem>>, vector<10000x128xf32>,
    return
  }
}

module attributes {stable_mosaic.version = 14 : i64} {
  func.func @_k2a_body(%arg0: memref<10000x128xf32, #tpu.memory_space<vmem>>, %arg1: memref<10000x128xf32, #tpu.memory_space<vmem>>, %arg2: memref<10000x128xf32, #tpu.memory_space<vmem>>, %arg3: memref<10000x128xf32, #tpu.memory_space<vmem>>, %arg4: memref<10000x2xf32, #tpu.memory_space<vmem>>, %arg5: memref<10000x128xf32, #tpu.memory_space<vmem>>) attributes {dimension_semantics = [], scalar_prefetch = 0 : i64, scratch_operands = 0 : i64, tpu.core_type = #tpu.core_type<tc>} {
    %get3A = arith.constant 0 : index
    %get3A_0 = arith.constant 0 : index
    %get3A_1 = vector.load %arg4[%get3A, %get3A_0] : memref<10000x2xf32, #tpu.memory_space<vmem>>, vector<10000x2xf32>
    %slice3A = vector.extract_strided_slice %get3A_1 {offsets = [0, 0], sizes = [10000, 1], strides = [1, 1]} : vector<10000x2xf32> to vector<10000x1xf32>
    %slice3A_2 = vector.extract_strided_slice %get3A_1 {offsets = [0, 1], sizes = [10000, 1], strides = [1, 1]} : vector<10000x2xf32> to vector<10000x1xf32>
    %add3A = arith.addf %slice3A, %slice3A_2 : vector<10000x1xf32>
    %add3A_3 = arith.constant 1.000000e+00 : f32
    %add3A_4 = vector.broadcast %add3A_3 : f32 to vector<10000x1xf32>
    %add3A_5 = arith.addf %add3A, %add3A_4 : vector<10000x1xf32>
    %rsqrt3A = math.rsqrt %add3A_5 : vector<10000x1xf32>
    %get3A_6 = arith.constant 0 : index
    %get3A_7 = arith.constant 0 : index
    %get3A_8 = vector.load %arg0[%get3A_6, %get3A_7] : memref<10000x128xf32, #tpu.memory_space<vmem>>, vector<10000x128xf32>
    %get3A_9 = arith.constant 0 : index
    %get3A_10 = arith.constant 0 : index
    %get3A_11 = vector.load %arg1[%get3A_9, %get3A_10] : memref<10000x128xf32, #tpu.memory_space<vmem>>, vector<10000x128xf32>
    %add3A_12 = arith.addf %get3A_8, %get3A_11 : vector<10000x128xf32>
    %get3A_13 = arith.constant 0 : index
    %get3A_14 = arith.constant 0 : index
    %get3A_15 = vector.load %arg2[%get3A_13, %get3A_14] : memref<10000x128xf32, #tpu.memory_space<vmem>>, vector<10000x128xf32>
    %add3A_16 = arith.addf %add3A_12, %get3A_15 : vector<10000x128xf32>
    %mul3A = vector.broadcast %rsqrt3A : vector<10000x1xf32> to vector<10000x128xf32>
    %mul3A_17 = arith.mulf %mul3A, %add3A_16 : vector<10000x128xf32>
    %get3A_18 = arith.constant 0 : index
    %get3A_19 = arith.constant 0 : index
    %get3A_20 = vector.load %arg3[%get3A_18, %get3A_19] : memref<10000x128xf32, #tpu.memory_space<vmem>>, vector<10000x128xf32>
    %add3A_21 = arith.addf %mul3A_17, %get3A_20 : vector<10000x128xf32>
    %jit3A = arith.constant 0.00999999977 : f32
    %ge3A = arith.constant 0.000000e+00 : f32
    %ge3A_22 = vector.broadcast %ge3A : f32 to vector<10000x128xf32>
    %ge3A_23 = arith.cmpf oge, %add3A_21, %ge3A_22 : vector<10000x128xf32>
    %mul3A_24 = vector.broadcast %jit3A : f32 to vector<10000x128xf32>
    %mul3A_25 = arith.mulf %mul3A_24, %add3A_21 : vector<10000x128xf32>
    %select_n3A = arith.select %ge3A_23, %add3A_21, %mul3A_25 : vector<10000x128xi1>, vector<10000x128xf32>
    %swap3A = arith.constant 0 : index
    %swap3A_26 = arith.constant 0 : index
    %swap3A_27 = vector.load %arg5[%swap3A, %swap3A_26] : memref<10000x128xf32, #tpu.memory_space<vmem>>, vector<10000x128xf32>
    tpu.vector_store %arg5[%swap3A, %swap3A_26], %select_n3A {strides = array<i32>} : memref<10000x128xf32, #tpu.memory_space<vmem>>, vector<10000x128xf32>,
    return
  }
}

module attributes {stable_mosaic.version = 14 : i64} {
  func.func @_k2b_body(%arg0: memref<5000x128xf32, #tpu.memory_space<vmem>>, %arg1: memref<5000x128xf32, #tpu.memory_space<vmem>>, %arg2: memref<5000x128xf32, #tpu.memory_space<vmem>>, %arg3: memref<5000x128xf32, #tpu.memory_space<vmem>>, %arg4: memref<5000x128xf32, #tpu.memory_space<vmem>>) attributes {dimension_semantics = [], scalar_prefetch = 0 : i64, scratch_operands = 0 : i64, tpu.core_type = #tpu.core_type<tc>} {
    %get3A = arith.constant 0 : index
    %get3A_0 = arith.constant 0 : index
    %get3A_1 = vector.load %arg0[%get3A, %get3A_0] : memref<5000x128xf32, #tpu.memory_space<vmem>>, vector<5000x128xf32>
    %get3A_2 = arith.constant 0 : index
    %get3A_3 = arith.constant 0 : index
    %get3A_4 = vector.load %arg1[%get3A_2, %get3A_3] : memref<5000x128xf32, #tpu.memory_space<vmem>>, vector<5000x128xf32>
    %max3A = arith.maximumf %get3A_1, %get3A_4 : vector<5000x128xf32>
    %get3A_5 = arith.constant 0 : index
    %get3A_6 = arith.constant 0 : index
    %get3A_7 = vector.load %arg2[%get3A_5, %get3A_6] : memref<5000x128xf32, #tpu.memory_space<vmem>>, vector<5000x128xf32>
    %get3A_8 = arith.constant 0 : index
    %get3A_9 = arith.constant 0 : index
    %get3A_10 = vector.load %arg3[%get3A_8, %get3A_9] : memref<5000x128xf32, #tpu.memory_space<vmem>>, vector<5000x128xf32>
    %max3A_11 = arith.maximumf %get3A_7, %get3A_10 : vector<5000x128xf32>
    %add3A = arith.addf %max3A, %max3A_11 : vector<5000x128xf32>
    %jit3A = arith.constant 0.00999999977 : f32
    %ge3A = arith.constant 0.000000e+00 : f32
    %ge3A_12 = vector.broadcast %ge3A : f32 to vector<5000x128xf32>
    %ge3A_13 = arith.cmpf oge, %add3A, %ge3A_12 : vector<5000x128xf32>
    %mul3A = vector.broadcast %jit3A : f32 to vector<5000x128xf32>
    %mul3A_14 = arith.mulf %mul3A, %add3A : vector<5000x128xf32>
    %select_n3A = arith.select %ge3A_13, %add3A, %mul3A_14 : vector<5000x128xi1>, vector<5000x128xf32>
    %swap3A = arith.constant 0 : index
    %swap3A_15 = arith.constant 0 : index
    %swap3A_16 = vector.load %arg4[%swap3A, %swap3A_15] : memref<5000x128xf32, #tpu.memory_space<vmem>>, vector<5000x128xf32>
    tpu.vector_store %arg4[%swap3A, %swap3A_15], %select_n3A {strides = array<i32>} : memref<5000x128xf32, #tpu.memory_space<vmem>>, vector<5000x128xf32>,
    return
  }
}

module attributes {stable_mosaic.version = 14 : i64} {
  func.func @_k2c_body(%arg0: memref<2500x128xf32, #tpu.memory_space<vmem>>, %arg1: memref<2500x128xf32, #tpu.memory_space<vmem>>, %arg2: memref<256x128xf32, #tpu.memory_space<vmem>>, %arg3: memref<1x256xf32, #tpu.memory_space<vmem>>, %arg4: memref<1x256xf32, #tpu.memory_space<vmem>>, %arg5: memref<1x256xf32, #tpu.memory_space<vmem>>, %arg6: memref<128x256xf32, #tpu.memory_space<vmem>>, %arg7: memref<1x128xf32, #tpu.memory_space<vmem>>, %arg8: memref<2500x8xf32, #tpu.memory_space<vmem>>, %arg9: memref<2500x128xf32, #tpu.memory_space<vmem>>) attributes {dimension_semantics = [], scalar_prefetch = 0 : i64, scratch_operands = 0 : i64, tpu.core_type = #tpu.core_type<tc>} {
    %get3A = arith.constant 0 : index
    %get3A_0 = arith.constant 0 : index
    %get3A_1 = vector.load %arg0[%get3A, %get3A_0] : memref<2500x128xf32, #tpu.memory_space<vmem>>, vector<2500x128xf32>
    %get3A_2 = arith.constant 0 : index
    %get3A_3 = arith.constant 0 : index
    %get3A_4 = vector.load %arg1[%get3A_2, %get3A_3] : memref<2500x128xf32, #tpu.memory_space<vmem>>, vector<2500x128xf32>
    %max3A = arith.maximumf %get3A_1, %get3A_4 : vector<2500x128xf32>
    %get3A_5 = arith.constant 0 : index
    %get3A_6 = arith.constant 0 : index
    %get3A_7 = vector.load %arg2[%get3A_5, %get3A_6] : memref<256x128xf32, #tpu.memory_space<vmem>>, vector<256x128xf32>
    %dot_general3A = arith.constant dense<0.000000e+00> : vector<2500x256xf32>
    %dot_general3A_8 = tpu.matmul %max3A, %get3A_7, %dot_general3A {dimension_numbers = #tpu.dot_dimension_numbers<[1], [1], [0], [0], [0, 0, 1, 0], [], []>, transpose_lhs_hint = false} : vector<2500x128xf32>, vector<256x128xf32>, vector<2500x256xf32> -> vector<2500x256xf32>
    %get3A_9 = arith.constant 0 : index
    %get3A_10 = arith.constant 0 : index
    %get3A_11 = vector.load %arg3[%get3A_9, %get3A_10] : memref<1x256xf32, #tpu.memory_space<vmem>>, vector<1x256xf32>
    %add3A = vector.broadcast %get3A_11 : vector<1x256xf32> to vector<2500x256xf32>
    %add3A_12 = arith.addf %dot_general3A_8, %add3A : vector<2500x256xf32>
    %get3A_13 = arith.constant 0 : index
    %get3A_14 = arith.constant 0 : index
    %get3A_15 = vector.load %arg4[%get3A_13, %get3A_14] : memref<1x256xf32, #tpu.memory_space<vmem>>, vector<1x256xf32>
    %get3A_16 = arith.constant 0 : index
    %get3A_17 = arith.constant 0 : index
    %get3A_18 = vector.load %arg5[%get3A_16, %get3A_17] : memref<1x256xf32, #tpu.memory_space<vmem>>, vector<1x256xf32>
    %reduce_sum3A = arith.constant dense<0.000000e+00> : vector<256xf32>
    %reduce_sum3A_19 = vector.multi_reduction <add>, %add3A_12, %reduce_sum3A [0] : vector<2500x256xf32> to vector<256xf32>
    %div3A = arith.constant 2.500000e+03 : f32
    %div3A_20 = vector.broadcast %div3A : f32 to vector<256xf32>
    %div3A_21 = arith.divf %reduce_sum3A_19, %div3A_20 : vector<256xf32>
    %jit3A = arith.constant 0 : i32
    %reduce_sum3A_22 = arith.constant dense<0.000000e+00> : vector<256xf32>
    %reduce_sum3A_23 = vector.multi_reduction <add>, %add3A_12, %reduce_sum3A_22 [0] : vector<2500x256xf32> to vector<256xf32>
    %broadcast_in_dim3A = vector.shape_cast %reduce_sum3A_23 : vector<256xf32> to vector<1x256xf32>
    %div3A_24 = arith.constant 2.500000e+03 : f32
    %div3A_25 = vector.broadcast %div3A_24 : f32 to vector<1x256xf32>
    %div3A_26 = arith.divf %broadcast_in_dim3A, %div3A_25 : vector<1x256xf32>
    %sub3A = vector.broadcast %div3A_26 : vector<1x256xf32> to vector<2500x256xf32>
    %sub3A_27 = arith.subf %add3A_12, %sub3A : vector<2500x256xf32>
    %square3A = arith.mulf %sub3A_27, %sub3A_27 : vector<2500x256xf32>
    %convert_element_type3A = arith.sitofp %jit3A : i32 to f32
    %sub3A_28 = arith.constant 2.500000e+03 : f32
    %sub3A_29 = arith.subf %sub3A_28, %convert_element_type3A : f32
    %reduce_sum3A_30 = arith.constant dense<0.000000e+00> : vector<256xf32>
    %reduce_sum3A_31 = vector.multi_reduction <add>, %square3A, %reduce_sum3A_30 [0] : vector<2500x256xf32> to vector<256xf32>
    %div3A_32 = vector.broadcast %sub3A_29 : f32 to vector<256xf32>
    %div3A_33 = arith.divf %reduce_sum3A_31, %div3A_32 : vector<256xf32>
    %gt3A = arith.constant 0.000000e+00 : f32
    %gt3A_34 = arith.cmpf ogt, %sub3A_29, %gt3A : f32
    %jit3A_35 = arith.constant 0x7FC00000 : f32
    %broadcast_in_dim3A_36 = vector.broadcast %jit3A_35 : f32 to vector<256xf32>
    %select_n3A = arith.select %gt3A_34, %div3A_33, %broadcast_in_dim3A_36 : vector<256xf32>
    %broadcast_in_dim3A_37 = vector.shape_cast %div3A_21 : vector<256xf32> to vector<1x256xf32>
    %sub3A_38 = vector.broadcast %broadcast_in_dim3A_37 : vector<1x256xf32> to vector<2500x256xf32>
    %sub3A_39 = arith.subf %add3A_12, %sub3A_38 : vector<2500x256xf32>
    %add3A_40 = arith.constant 9.99999974E-6 : f32
    %add3A_41 = vector.broadcast %add3A_40 : f32 to vector<256xf32>
    %add3A_42 = arith.addf %select_n3A, %add3A_41 : vector<256xf32>
    %rsqrt3A = math.rsqrt %add3A_42 : vector<256xf32>
    %broadcast_in_dim3A_43 = vector.shape_cast %rsqrt3A : vector<256xf32> to vector<1x256xf32>
    %mul3A = vector.broadcast %broadcast_in_dim3A_43 : vector<1x256xf32> to vector<2500x256xf32>
    %mul3A_44 = arith.mulf %sub3A_39, %mul3A : vector<2500x256xf32>
    %mul3A_45 = vector.broadcast %get3A_15 : vector<1x256xf32> to vector<2500x256xf32>
    %mul3A_46 = arith.mulf %mul3A_44, %mul3A_45 : vector<2500x256xf32>
    %add3A_47 = vector.broadcast %get3A_18 : vector<1x256xf32> to vector<2500x256xf32>
    %add3A_48 = arith.addf %mul3A_46, %add3A_47 : vector<2500x256xf32>
    %jit3A_49 = arith.constant 0.00999999977 : f32
    %ge3A = arith.constant 0.000000e+00 : f32
    %ge3A_50 = vector.broadcast %ge3A : f32 to vector<2500x256xf32>
    %ge3A_51 = arith.cmpf oge, %add3A_48, %ge3A_50 : vector<2500x256xf32>
    %mul3A_52 = vector.broadcast %jit3A_49 : f32 to vector<2500x256xf32>
    %mul3A_53 = arith.mulf %mul3A_52, %add3A_48 : vector<2500x256xf32>
    %select_n3A_54 = arith.select %ge3A_51, %add3A_48, %mul3A_53 : vector<2500x256xi1>, vector<2500x256xf32>
    %get3A_55 = arith.constant 0 : index
    %get3A_56 = arith.constant 0 : index
    %get3A_57 = vector.load %arg6[%get3A_55, %get3A_56] : memref<128x256xf32, #tpu.memory_space<vmem>>, vector<128x256xf32>
    %dot_general3A_58 = arith.constant dense<0.000000e+00> : vector<2500x128xf32>
    %dot_general3A_59 = tpu.matmul %select_n3A_54, %get3A_57, %dot_general3A_58 {dimension_numbers = #tpu.dot_dimension_numbers<[1], [1], [0], [0], [0, 0, 1, 0], [], []>, transpose_lhs_hint = false} : vector<2500x256xf32>, vector<128x256xf32>, vector<2500x128xf32> -> vector<2500x128xf32>
    %get3A_60 = arith.constant 0 : index
    %get3A_61 = arith.constant 0 : index
    %get3A_62 = vector.load %arg7[%get3A_60, %get3A_61] : memref<1x128xf32, #tpu.memory_space<vmem>>, vector<1x128xf32>
    %add3A_63 = vector.broadcast %get3A_62 : vector<1x128xf32> to vector<2500x128xf32>
    %add3A_64 = arith.addf %dot_general3A_59, %add3A_63 : vector<2500x128xf32>
    %get3A_65 = arith.constant 0 : index
    %get3A_66 = arith.constant 0 : index
    %get3A_67 = vector.load %arg8[%get3A_65, %get3A_66] : memref<2500x8xf32, #tpu.memory_space<vmem>>, vector<2500x8xf32>
    %reduce_sum3A_68 = arith.constant dense<0.000000e+00> : vector<2500xf32>
    %reduce_sum3A_69 = vector.multi_reduction <add>, %get3A_67, %reduce_sum3A_68 [1] : vector<2500x8xf32> to vector<2500xf32>
    %broadcast_in_dim3A_70 = vector.shape_cast %reduce_sum3A_69 : vector<2500xf32> to vector<2500x1xf32>
    %add3A_71 = arith.constant 1.000000e+00 : f32
    %add3A_72 = vector.broadcast %add3A_71 : f32 to vector<2500x1xf32>
    %add3A_73 = arith.addf %broadcast_in_dim3A_70, %add3A_72 : vector<2500x1xf32>
    %rsqrt3A_74 = math.rsqrt %add3A_73 : vector<2500x1xf32>
    %mul3A_75 = vector.broadcast %rsqrt3A_74 : vector<2500x1xf32> to vector<2500x128xf32>
    %mul3A_76 = arith.mulf %add3A_64, %mul3A_75 : vector<2500x128xf32>
    %swap3A = arith.constant 0 : index
    %swap3A_77 = arith.constant 0 : index
    %swap3A_78 = vector.load %arg9[%swap3A, %swap3A_77] : memref<2500x128xf32, #tpu.memory_space<vmem>>, vector<2500x128xf32>
    tpu.vector_store %arg9[%swap3A, %swap3A_77], %mul3A_76 {strides = array<i32>} : memref<2500x128xf32, #tpu.memory_space<vmem>>, vector<2500x128xf32>,
    return
  }
}

module attributes {stable_mosaic.version = 14 : i64} {
  func.func @_k3_body(%arg0: memref<2500x128xf32, #tpu.memory_space<vmem>>, %arg1: memref<2500x128xf32, #tpu.memory_space<vmem>>, %arg2: memref<2500x128xf32, #tpu.memory_space<vmem>>, %arg3: memref<2500x8xf32, #tpu.memory_space<vmem>>, %arg4: memref<2500x1xi32, #tpu.memory_space<vmem>>, %arg5: memref<16x21xf32, #tpu.memory_space<vmem>>, %arg6: memref<8x21xf32, #tpu.memory_space<vmem>>, %arg7: memref<1x8xf32, #tpu.memory_space<vmem>>, %arg8: memref<1x8xf32, #tpu.memory_space<vmem>>, %arg9: memref<1x8xf32, #tpu.memory_space<vmem>>, %arg10: memref<128x136xf32, #tpu.memory_space<vmem>>, %arg11: memref<1x128xf32, #tpu.memory_space<vmem>>, %arg12: memref<1x128xf32, #tpu.memory_space<vmem>>, %arg13: memref<1x128xf32, #tpu.memory_space<vmem>>, %arg14: memref<1x128xf32, #tpu.memory_space<vmem>>, %arg15: memref<1x16xf32, #tpu.memory_space<vmem>>, %arg16: memref<1x16xf32, #tpu.memory_space<vmem>>) attributes {dimension_semantics = [], scalar_prefetch = 0 : i64, scratch_operands = 0 : i64, tpu.core_type = #tpu.core_type<tc>} {
    %get3A = arith.constant 0 : index
    %get3A_0 = arith.constant 0 : index
    %get3A_1 = vector.load %arg3[%get3A, %get3A_0] : memref<2500x8xf32, #tpu.memory_space<vmem>>, vector<2500x8xf32>
    %reduce_sum3A = arith.constant dense<0.000000e+00> : vector<2500xf32>
    %reduce_sum3A_2 = vector.multi_reduction <add>, %get3A_1, %reduce_sum3A [1] : vector<2500x8xf32> to vector<2500xf32>
    %broadcast_in_dim3A = vector.shape_cast %reduce_sum3A_2 : vector<2500xf32> to vector<2500x1xf32>
    %add3A = arith.constant 1.000000e+00 : f32
    %add3A_3 = vector.broadcast %add3A : f32 to vector<2500x1xf32>
    %add3A_4 = arith.addf %broadcast_in_dim3A, %add3A_3 : vector<2500x1xf32>
    %rsqrt3A = math.rsqrt %add3A_4 : vector<2500x1xf32>
    %get3A_5 = arith.constant 0 : index
    %get3A_6 = arith.constant 0 : index
    %get3A_7 = vector.load %arg0[%get3A_5, %get3A_6] : memref<2500x128xf32, #tpu.memory_space<vmem>>, vector<2500x128xf32>
    %get3A_8 = arith.constant 0 : index
    %get3A_9 = arith.constant 0 : index
    %get3A_10 = vector.load %arg1[%get3A_8, %get3A_9] : memref<2500x128xf32, #tpu.memory_space<vmem>>, vector<2500x128xf32>
    %add3A_11 = arith.addf %get3A_7, %get3A_10 : vector<2500x128xf32>
    %get3A_12 = arith.constant 0 : index
    %get3A_13 = arith.constant 0 : index
    %get3A_14 = vector.load %arg2[%get3A_12, %get3A_13] : memref<2500x128xf32, #tpu.memory_space<vmem>>, vector<2500x128xf32>
    %add3A_15 = arith.addf %add3A_11, %get3A_14 : vector<2500x128xf32>
    %mul3A = vector.broadcast %rsqrt3A : vector<2500x1xf32> to vector<2500x128xf32>
    %mul3A_16 = arith.mulf %mul3A, %add3A_15 : vector<2500x128xf32>
    %jit3A = arith.constant 0.00999999977 : f32
    %ge3A = arith.constant 0.000000e+00 : f32
    %ge3A_17 = vector.broadcast %ge3A : f32 to vector<2500x128xf32>
    %ge3A_18 = arith.cmpf oge, %mul3A_16, %ge3A_17 : vector<2500x128xf32>
    %mul3A_19 = vector.broadcast %jit3A : f32 to vector<2500x128xf32>
    %mul3A_20 = arith.mulf %mul3A_19, %mul3A_16 : vector<2500x128xf32>
    %select_n3A = arith.select %ge3A_18, %mul3A_16, %mul3A_20 : vector<2500x128xi1>, vector<2500x128xf32>
    %get3A_21 = arith.constant 0 : index
    %get3A_22 = arith.constant 0 : index
    %get3A_23 = vector.load %arg4[%get3A_21, %get3A_22] : memref<2500x1xi32, #tpu.memory_space<vmem>>, vector<2500x1xi32>
    %eq3A = arith.constant 0 : i32
    %eq3A_24 = vector.broadcast %eq3A : i32 to vector<2500x1xi32>
    %eq3A_25 = arith.cmpi eq, %get3A_23, %eq3A_24 : vector<2500x1xi32>
    %jit3A_26 = arith.constant 0xFF800000 : f32
    %broadcast_in_dim3A_27 = vector.shape_cast %eq3A_25 : vector<2500x1xi1> to vector<2500x1xi1>
    %broadcast_in_dim3A_28 = vector.broadcast %broadcast_in_dim3A_27 : vector<2500x1xi1> to vector<2500x128xi1>
    %broadcast_in_dim3A_29 = vector.broadcast %jit3A_26 : f32 to vector<2500x128xf32>
    %select_n3A_30 = arith.select %broadcast_in_dim3A_28, %select_n3A, %broadcast_in_dim3A_29 : vector<2500x128xi1>, vector<2500x128xf32>
    %reduce_max3A = arith.constant dense<0xFF800000> : vector<128xf32>
    %reduce_max3A_31 = vector.multi_reduction <maximumf>, %select_n3A_30, %reduce_max3A [0] : vector<2500x128xf32> to vector<128xf32>
    %broadcast_in_dim3A_32 = vector.shape_cast %reduce_max3A_31 : vector<128xf32> to vector<1x128xf32>
    %eq3A_33 = arith.constant 1 : i32
    %eq3A_34 = vector.broadcast %eq3A_33 : i32 to vector<2500x1xi32>
    %eq3A_35 = arith.cmpi eq, %get3A_23, %eq3A_34 : vector<2500x1xi32>
    %jit3A_36 = arith.constant 0xFF800000 : f32
    %broadcast_in_dim3A_37 = vector.shape_cast %eq3A_35 : vector<2500x1xi1> to vector<2500x1xi1>
    %broadcast_in_dim3A_38 = vector.broadcast %broadcast_in_dim3A_37 : vector<2500x1xi1> to vector<2500x128xi1>
    %broadcast_in_dim3A_39 = vector.broadcast %jit3A_36 : f32 to vector<2500x128xf32>
    %select_n3A_40 = arith.select %broadcast_in_dim3A_38, %select_n3A, %broadcast_in_dim3A_39 : vector<2500x128xi1>, vector<2500x128xf32>
    %reduce_max3A_41 = arith.constant dense<0xFF800000> : vector<128xf32>
    %reduce_max3A_42 = vector.multi_reduction <maximumf>, %select_n3A_40, %reduce_max3A_41 [0] : vector<2500x128xf32> to vector<128xf32>
    %broadcast_in_dim3A_43 = vector.shape_cast %reduce_max3A_42 : vector<128xf32> to vector<1x128xf32>
    %eq3A_44 = arith.constant 2 : i32
    %eq3A_45 = vector.broadcast %eq3A_44 : i32 to vector<2500x1xi32>
    %eq3A_46 = arith.cmpi eq, %get3A_23, %eq3A_45 : vector<2500x1xi32>
    %jit3A_47 = arith.constant 0xFF800000 : f32
    %broadcast_in_dim3A_48 = vector.shape_cast %eq3A_46 : vector<2500x1xi1> to vector<2500x1xi1>
    %broadcast_in_dim3A_49 = vector.broadcast %broadcast_in_dim3A_48 : vector<2500x1xi1> to vector<2500x128xi1>
    %broadcast_in_dim3A_50 = vector.broadcast %jit3A_47 : f32 to vector<2500x128xf32>
    %select_n3A_51 = arith.select %broadcast_in_dim3A_49, %select_n3A, %broadcast_in_dim3A_50 : vector<2500x128xi1>, vector<2500x128xf32>
    %reduce_max3A_52 = arith.constant dense<0xFF800000> : vector<128xf32>
    %reduce_max3A_53 = vector.multi_reduction <maximumf>, %select_n3A_51, %reduce_max3A_52 [0] : vector<2500x128xf32> to vector<128xf32>
    %broadcast_in_dim3A_54 = vector.shape_cast %reduce_max3A_53 : vector<128xf32> to vector<1x128xf32>
    %eq3A_55 = arith.constant 3 : i32
    %eq3A_56 = vector.broadcast %eq3A_55 : i32 to vector<2500x1xi32>
    %eq3A_57 = arith.cmpi eq, %get3A_23, %eq3A_56 : vector<2500x1xi32>
    %jit3A_58 = arith.constant 0xFF800000 : f32
    %broadcast_in_dim3A_59 = vector.shape_cast %eq3A_57 : vector<2500x1xi1> to vector<2500x1xi1>
    %broadcast_in_dim3A_60 = vector.broadcast %broadcast_in_dim3A_59 : vector<2500x1xi1> to vector<2500x128xi1>
    %broadcast_in_dim3A_61 = vector.broadcast %jit3A_58 : f32 to vector<2500x128xf32>
    %select_n3A_62 = arith.select %broadcast_in_dim3A_60, %select_n3A, %broadcast_in_dim3A_61 : vector<2500x128xi1>, vector<2500x128xf32>
    %reduce_max3A_63 = arith.constant dense<0xFF800000> : vector<128xf32>
    %reduce_max3A_64 = vector.multi_reduction <maximumf>, %select_n3A_62, %reduce_max3A_63 [0] : vector<2500x128xf32> to vector<128xf32>
    %broadcast_in_dim3A_65 = vector.shape_cast %reduce_max3A_64 : vector<128xf32> to vector<1x128xf32>
    %eq3A_66 = arith.constant 4 : i32
    %eq3A_67 = vector.broadcast %eq3A_66 : i32 to vector<2500x1xi32>
    %eq3A_68 = arith.cmpi eq, %get3A_23, %eq3A_67 : vector<2500x1xi32>
    %jit3A_69 = arith.constant 0xFF800000 : f32
    %broadcast_in_dim3A_70 = vector.shape_cast %eq3A_68 : vector<2500x1xi1> to vector<2500x1xi1>
    %broadcast_in_dim3A_71 = vector.broadcast %broadcast_in_dim3A_70 : vector<2500x1xi1> to vector<2500x128xi1>
    %broadcast_in_dim3A_72 = vector.broadcast %jit3A_69 : f32 to vector<2500x128xf32>
    %select_n3A_73 = arith.select %broadcast_in_dim3A_71, %select_n3A, %broadcast_in_dim3A_72 : vector<2500x128xi1>, vector<2500x128xf32>
    %reduce_max3A_74 = arith.constant dense<0xFF800000> : vector<128xf32>
    %reduce_max3A_75 = vector.multi_reduction <maximumf>, %select_n3A_73, %reduce_max3A_74 [0] : vector<2500x128xf32> to vector<128xf32>
    %broadcast_in_dim3A_76 = vector.shape_cast %reduce_max3A_75 : vector<128xf32> to vector<1x128xf32>
    %eq3A_77 = arith.constant 5 : i32
    %eq3A_78 = vector.broadcast %eq3A_77 : i32 to vector<2500x1xi32>
    %eq3A_79 = arith.cmpi eq, %get3A_23, %eq3A_78 : vector<2500x1xi32>
    %jit3A_80 = arith.constant 0xFF800000 : f32
    %broadcast_in_dim3A_81 = vector.shape_cast %eq3A_79 : vector<2500x1xi1> to vector<2500x1xi1>
    %broadcast_in_dim3A_82 = vector.broadcast %broadcast_in_dim3A_81 : vector<2500x1xi1> to vector<2500x128xi1>
    %broadcast_in_dim3A_83 = vector.broadcast %jit3A_80 : f32 to vector<2500x128xf32>
    %select_n3A_84 = arith.select %broadcast_in_dim3A_82, %select_n3A, %broadcast_in_dim3A_83 : vector<2500x128xi1>, vector<2500x128xf32>
    %reduce_max3A_85 = arith.constant dense<0xFF800000> : vector<128xf32>
    %reduce_max3A_86 = vector.multi_reduction <maximumf>, %select_n3A_84, %reduce_max3A_85 [0] : vector<2500x128xf32> to vector<128xf32>
    %broadcast_in_dim3A_87 = vector.shape_cast %reduce_max3A_86 : vector<128xf32> to vector<1x128xf32>
    %eq3A_88 = arith.constant 6 : i32
    %eq3A_89 = vector.broadcast %eq3A_88 : i32 to vector<2500x1xi32>
    %eq3A_90 = arith.cmpi eq, %get3A_23, %eq3A_89 : vector<2500x1xi32>
    %jit3A_91 = arith.constant 0xFF800000 : f32
    %broadcast_in_dim3A_92 = vector.shape_cast %eq3A_90 : vector<2500x1xi1> to vector<2500x1xi1>
    %broadcast_in_dim3A_93 = vector.broadcast %broadcast_in_dim3A_92 : vector<2500x1xi1> to vector<2500x128xi1>
    %broadcast_in_dim3A_94 = vector.broadcast %jit3A_91 : f32 to vector<2500x128xf32>
    %select_n3A_95 = arith.select %broadcast_in_dim3A_93, %select_n3A, %broadcast_in_dim3A_94 : vector<2500x128xi1>, vector<2500x128xf32>
    %reduce_max3A_96 = arith.constant dense<0xFF800000> : vector<128xf32>
    %reduce_max3A_97 = vector.multi_reduction <maximumf>, %select_n3A_95, %reduce_max3A_96 [0] : vector<2500x128xf32> to vector<128xf32>
    %broadcast_in_dim3A_98 = vector.shape_cast %reduce_max3A_97 : vector<128xf32> to vector<1x128xf32>
    %eq3A_99 = arith.constant 7 : i32
    %eq3A_100 = vector.broadcast %eq3A_99 : i32 to vector<2500x1xi32>
    %eq3A_101 = arith.cmpi eq, %get3A_23, %eq3A_100 : vector<2500x1xi32>
    %jit3A_102 = arith.constant 0xFF800000 : f32
    %broadcast_in_dim3A_103 = vector.shape_cast %eq3A_101 : vector<2500x1xi1> to vector<2500x1xi1>
    %broadcast_in_dim3A_104 = vector.broadcast %broadcast_in_dim3A_103 : vector<2500x1xi1> to vector<2500x128xi1>
    %broadcast_in_dim3A_105 = vector.broadcast %jit3A_102 : f32 to vector<2500x128xf32>
    %select_n3A_106 = arith.select %broadcast_in_dim3A_104, %select_n3A, %broadcast_in_dim3A_105 : vector<2500x128xi1>, vector<2500x128xf32>
    %reduce_max3A_107 = arith.constant dense<0xFF800000> : vector<128xf32>
    %reduce_max3A_108 = vector.multi_reduction <maximumf>, %select_n3A_106, %reduce_max3A_107 [0] : vector<2500x128xf32> to vector<128xf32>
    %broadcast_in_dim3A_109 = vector.shape_cast %reduce_max3A_108 : vector<128xf32> to vector<1x128xf32>
    %eq3A_110 = arith.constant 8 : i32
    %eq3A_111 = vector.broadcast %eq3A_110 : i32 to vector<2500x1xi32>
    %eq3A_112 = arith.cmpi eq, %get3A_23, %eq3A_111 : vector<2500x1xi32>
    %jit3A_113 = arith.constant 0xFF800000 : f32
    %broadcast_in_dim3A_114 = vector.shape_cast %eq3A_112 : vector<2500x1xi1> to vector<2500x1xi1>
    %broadcast_in_dim3A_115 = vector.broadcast %broadcast_in_dim3A_114 : vector<2500x1xi1> to vector<2500x128xi1>
    %broadcast_in_dim3A_116 = vector.broadcast %jit3A_113 : f32 to vector<2500x128xf32>
    %select_n3A_117 = arith.select %broadcast_in_dim3A_115, %select_n3A, %broadcast_in_dim3A_116 : vector<2500x128xi1>, vector<2500x128xf32>
    %reduce_max3A_118 = arith.constant dense<0xFF800000> : vector<128xf32>
    %reduce_max3A_119 = vector.multi_reduction <maximumf>, %select_n3A_117, %reduce_max3A_118 [0] : vector<2500x128xf32> to vector<128xf32>
    %broadcast_in_dim3A_120 = vector.shape_cast %reduce_max3A_119 : vector<128xf32> to vector<1x128xf32>
    %eq3A_121 = arith.constant 9 : i32
    %eq3A_122 = vector.broadcast %eq3A_121 : i32 to vector<2500x1xi32>
    %eq3A_123 = arith.cmpi eq, %get3A_23, %eq3A_122 : vector<2500x1xi32>
    %jit3A_124 = arith.constant 0xFF800000 : f32
    %broadcast_in_dim3A_125 = vector.shape_cast %eq3A_123 : vector<2500x1xi1> to vector<2500x1xi1>
    %broadcast_in_dim3A_126 = vector.broadcast %broadcast_in_dim3A_125 : vector<2500x1xi1> to vector<2500x128xi1>
    %broadcast_in_dim3A_127 = vector.broadcast %jit3A_124 : f32 to vector<2500x128xf32>
    %select_n3A_128 = arith.select %broadcast_in_dim3A_126, %select_n3A, %broadcast_in_dim3A_127 : vector<2500x128xi1>, vector<2500x128xf32>
    %reduce_max3A_129 = arith.constant dense<0xFF800000> : vector<128xf32>
    %reduce_max3A_130 = vector.multi_reduction <maximumf>, %select_n3A_128, %reduce_max3A_129 [0] : vector<2500x128xf32> to vector<128xf32>
    %broadcast_in_dim3A_131 = vector.shape_cast %reduce_max3A_130 : vector<128xf32> to vector<1x128xf32>
    %eq3A_132 = arith.constant 10 : i32
    %eq3A_133 = vector.broadcast %eq3A_132 : i32 to vector<2500x1xi32>
    %eq3A_134 = arith.cmpi eq, %get3A_23, %eq3A_133 : vector<2500x1xi32>
    %jit3A_135 = arith.constant 0xFF800000 : f32
    %broadcast_in_dim3A_136 = vector.shape_cast %eq3A_134 : vector<2500x1xi1> to vector<2500x1xi1>
    %broadcast_in_dim3A_137 = vector.broadcast %broadcast_in_dim3A_136 : vector<2500x1xi1> to vector<2500x128xi1>
    %broadcast_in_dim3A_138 = vector.broadcast %jit3A_135 : f32 to vector<2500x128xf32>
    %select_n3A_139 = arith.select %broadcast_in_dim3A_137, %select_n3A, %broadcast_in_dim3A_138 : vector<2500x128xi1>, vector<2500x128xf32>
    %reduce_max3A_140 = arith.constant dense<0xFF800000> : vector<128xf32>
    %reduce_max3A_141 = vector.multi_reduction <maximumf>, %select_n3A_139, %reduce_max3A_140 [0] : vector<2500x128xf32> to vector<128xf32>
    %broadcast_in_dim3A_142 = vector.shape_cast %reduce_max3A_141 : vector<128xf32> to vector<1x128xf32>
    %eq3A_143 = arith.constant 11 : i32
    %eq3A_144 = vector.broadcast %eq3A_143 : i32 to vector<2500x1xi32>
    %eq3A_145 = arith.cmpi eq, %get3A_23, %eq3A_144 : vector<2500x1xi32>
    %jit3A_146 = arith.constant 0xFF800000 : f32
    %broadcast_in_dim3A_147 = vector.shape_cast %eq3A_145 : vector<2500x1xi1> to vector<2500x1xi1>
    %broadcast_in_dim3A_148 = vector.broadcast %broadcast_in_dim3A_147 : vector<2500x1xi1> to vector<2500x128xi1>
    %broadcast_in_dim3A_149 = vector.broadcast %jit3A_146 : f32 to vector<2500x128xf32>
    %select_n3A_150 = arith.select %broadcast_in_dim3A_148, %select_n3A, %broadcast_in_dim3A_149 : vector<2500x128xi1>, vector<2500x128xf32>
    %reduce_max3A_151 = arith.constant dense<0xFF800000> : vector<128xf32>
    %reduce_max3A_152 = vector.multi_reduction <maximumf>, %select_n3A_150, %reduce_max3A_151 [0] : vector<2500x128xf32> to vector<128xf32>
    %broadcast_in_dim3A_153 = vector.shape_cast %reduce_max3A_152 : vector<128xf32> to vector<1x128xf32>
    %eq3A_154 = arith.constant 12 : i32
    %eq3A_155 = vector.broadcast %eq3A_154 : i32 to vector<2500x1xi32>
    %eq3A_156 = arith.cmpi eq, %get3A_23, %eq3A_155 : vector<2500x1xi32>
    %jit3A_157 = arith.constant 0xFF800000 : f32
    %broadcast_in_dim3A_158 = vector.shape_cast %eq3A_156 : vector<2500x1xi1> to vector<2500x1xi1>
    %broadcast_in_dim3A_159 = vector.broadcast %broadcast_in_dim3A_158 : vector<2500x1xi1> to vector<2500x128xi1>
    %broadcast_in_dim3A_160 = vector.broadcast %jit3A_157 : f32 to vector<2500x128xf32>
    %select_n3A_161 = arith.select %broadcast_in_dim3A_159, %select_n3A, %broadcast_in_dim3A_160 : vector<2500x128xi1>, vector<2500x128xf32>
    %reduce_max3A_162 = arith.constant dense<0xFF800000> : vector<128xf32>
    %reduce_max3A_163 = vector.multi_reduction <maximumf>, %select_n3A_161, %reduce_max3A_162 [0] : vector<2500x128xf32> to vector<128xf32>
    %broadcast_in_dim3A_164 = vector.shape_cast %reduce_max3A_163 : vector<128xf32> to vector<1x128xf32>
    %eq3A_165 = arith.constant 13 : i32
    %eq3A_166 = vector.broadcast %eq3A_165 : i32 to vector<2500x1xi32>
    %eq3A_167 = arith.cmpi eq, %get3A_23, %eq3A_166 : vector<2500x1xi32>
    %jit3A_168 = arith.constant 0xFF800000 : f32
    %broadcast_in_dim3A_169 = vector.shape_cast %eq3A_167 : vector<2500x1xi1> to vector<2500x1xi1>
    %broadcast_in_dim3A_170 = vector.broadcast %broadcast_in_dim3A_169 : vector<2500x1xi1> to vector<2500x128xi1>
    %broadcast_in_dim3A_171 = vector.broadcast %jit3A_168 : f32 to vector<2500x128xf32>
    %select_n3A_172 = arith.select %broadcast_in_dim3A_170, %select_n3A, %broadcast_in_dim3A_171 : vector<2500x128xi1>, vector<2500x128xf32>
    %reduce_max3A_173 = arith.constant dense<0xFF800000> : vector<128xf32>
    %reduce_max3A_174 = vector.multi_reduction <maximumf>, %select_n3A_172, %reduce_max3A_173 [0] : vector<2500x128xf32> to vector<128xf32>
    %broadcast_in_dim3A_175 = vector.shape_cast %reduce_max3A_174 : vector<128xf32> to vector<1x128xf32>
    %eq3A_176 = arith.constant 14 : i32
    %eq3A_177 = vector.broadcast %eq3A_176 : i32 to vector<2500x1xi32>
    %eq3A_178 = arith.cmpi eq, %get3A_23, %eq3A_177 : vector<2500x1xi32>
    %jit3A_179 = arith.constant 0xFF800000 : f32
    %broadcast_in_dim3A_180 = vector.shape_cast %eq3A_178 : vector<2500x1xi1> to vector<2500x1xi1>
    %broadcast_in_dim3A_181 = vector.broadcast %broadcast_in_dim3A_180 : vector<2500x1xi1> to vector<2500x128xi1>
    %broadcast_in_dim3A_182 = vector.broadcast %jit3A_179 : f32 to vector<2500x128xf32>
    %select_n3A_183 = arith.select %broadcast_in_dim3A_181, %select_n3A, %broadcast_in_dim3A_182 : vector<2500x128xi1>, vector<2500x128xf32>
    %reduce_max3A_184 = arith.constant dense<0xFF800000> : vector<128xf32>
    %reduce_max3A_185 = vector.multi_reduction <maximumf>, %select_n3A_183, %reduce_max3A_184 [0] : vector<2500x128xf32> to vector<128xf32>
    %broadcast_in_dim3A_186 = vector.shape_cast %reduce_max3A_185 : vector<128xf32> to vector<1x128xf32>
    %eq3A_187 = arith.constant 15 : i32
    %eq3A_188 = vector.broadcast %eq3A_187 : i32 to vector<2500x1xi32>
    %eq3A_189 = arith.cmpi eq, %get3A_23, %eq3A_188 : vector<2500x1xi32>
    %jit3A_190 = arith.constant 0xFF800000 : f32
    %broadcast_in_dim3A_191 = vector.shape_cast %eq3A_189 : vector<2500x1xi1> to vector<2500x1xi1>
    %broadcast_in_dim3A_192 = vector.broadcast %broadcast_in_dim3A_191 : vector<2500x1xi1> to vector<2500x128xi1>
    %broadcast_in_dim3A_193 = vector.broadcast %jit3A_190 : f32 to vector<2500x128xf32>
    %select_n3A_194 = arith.select %broadcast_in_dim3A_192, %select_n3A, %broadcast_in_dim3A_193 : vector<2500x128xi1>, vector<2500x128xf32>
    %reduce_max3A_195 = arith.constant dense<0xFF800000> : vector<128xf32>
    %reduce_max3A_196 = vector.multi_reduction <maximumf>, %select_n3A_194, %reduce_max3A_195 [0] : vector<2500x128xf32> to vector<128xf32>
    %broadcast_in_dim3A_197 = vector.shape_cast %reduce_max3A_196 : vector<128xf32> to vector<1x128xf32>
    %concatenate3A = tpu.concatenate %broadcast_in_dim3A_32, %broadcast_in_dim3A_43, %broadcast_in_dim3A_54, %broadcast_in_dim3A_65, %broadcast_in_dim3A_76, %broadcast_in_dim3A_87, %broadcast_in_dim3A_98, %broadcast_in_dim3A_109, %broadcast_in_dim3A_120, %broadcast_in_dim3A_131, %broadcast_in_dim3A_142, %broadcast_in_dim3A_153, %broadcast_in_dim3A_164, %broadcast_in_dim3A_175, %broadcast_in_dim3A_186, %broadcast_in_dim3A_197 in 0 : vector<1x128xf32>, vector<1x128xf32>, vector<1x128xf32>, vector<1x128xf32>, vector<1x128xf32>, vector<1x128xf32>, vector<1x128xf32>, vector<1x128xf32>, vector<1x128xf32>, vector<1x128xf32>, vector<1x128xf32>, vector<1x128xf32>, vector<1x128xf32>, vector<1x128xf32>, vector<1x128xf32>, vector<1x128xf32> -> vector<16x128xf32>
    %get3A_198 = arith.constant 0 : index
    %get3A_199 = arith.constant 0 : index
    %get3A_200 = vector.load %arg5[%get3A_198, %get3A_199] : memref<16x21xf32, #tpu.memory_space<vmem>>, vector<16x21xf32>
    %get3A_201 = arith.constant 0 : index
    %get3A_202 = arith.constant 0 : index
    %get3A_203 = vector.load %arg6[%get3A_201, %get3A_202] : memref<8x21xf32, #tpu.memory_space<vmem>>, vector<8x21xf32>
    %dot_general3A = arith.constant dense<0.000000e+00> : vector<16x8xf32>
    %dot_general3A_204 = tpu.matmul %get3A_200, %get3A_203, %dot_general3A {dimension_numbers = #tpu.dot_dimension_numbers<[1], [1], [0], [0], [0, 0, 1, 0], [], []>, transpose_lhs_hint = false} : vector<16x21xf32>, vector<8x21xf32>, vector<16x8xf32> -> vector<16x8xf32>
    %get3A_205 = arith.constant 0 : index
    %get3A_206 = arith.constant 0 : index
    %get3A_207 = vector.load %arg7[%get3A_205, %get3A_206] : memref<1x8xf32, #tpu.memory_space<vmem>>, vector<1x8xf32>
    %add3A_208 = vector.broadcast %get3A_207 : vector<1x8xf32> to vector<16x8xf32>
    %add3A_209 = arith.addf %dot_general3A_204, %add3A_208 : vector<16x8xf32>
    %get3A_210 = arith.constant 0 : index
    %get3A_211 = arith.constant 0 : index
    %get3A_212 = vector.load %arg8[%get3A_210, %get3A_211] : memref<1x8xf32, #tpu.memory_space<vmem>>, vector<1x8xf32>
    %get3A_213 = arith.constant 0 : index
    %get3A_214 = arith.constant 0 : index
    %get3A_215 = vector.load %arg9[%get3A_213, %get3A_214] : memref<1x8xf32, #tpu.memory_space<vmem>>, vector<1x8xf32>
    %reduce_sum3A_216 = arith.constant dense<0.000000e+00> : vector<8xf32>
    %reduce_sum3A_217 = vector.multi_reduction <add>, %add3A_209, %reduce_sum3A_216 [0] : vector<16x8xf32> to vector<8xf32>
    %div3A = arith.constant 1.600000e+01 : f32
    %div3A_218 = vector.broadcast %div3A : f32 to vector<8xf32>
    %div3A_219 = arith.divf %reduce_sum3A_217, %div3A_218 : vector<8xf32>
    %jit3A_220 = arith.constant 0 : i32
    %reduce_sum3A_221 = arith.constant dense<0.000000e+00> : vector<8xf32>
    %reduce_sum3A_222 = vector.multi_reduction <add>, %add3A_209, %reduce_sum3A_221 [0] : vector<16x8xf32> to vector<8xf32>
    %broadcast_in_dim3A_223 = vector.shape_cast %reduce_sum3A_222 : vector<8xf32> to vector<1x8xf32>
    %div3A_224 = arith.constant 1.600000e+01 : f32
    %div3A_225 = vector.broadcast %div3A_224 : f32 to vector<1x8xf32>
    %div3A_226 = arith.divf %broadcast_in_dim3A_223, %div3A_225 : vector<1x8xf32>
    %sub3A = vector.broadcast %div3A_226 : vector<1x8xf32> to vector<16x8xf32>
    %sub3A_227 = arith.subf %add3A_209, %sub3A : vector<16x8xf32>
    %square3A = arith.mulf %sub3A_227, %sub3A_227 : vector<16x8xf32>
    %convert_element_type3A = arith.sitofp %jit3A_220 : i32 to f32
    %sub3A_228 = arith.constant 1.600000e+01 : f32
    %sub3A_229 = arith.subf %sub3A_228, %convert_element_type3A : f32
    %reduce_sum3A_230 = arith.constant dense<0.000000e+00> : vector<8xf32>
    %reduce_sum3A_231 = vector.multi_reduction <add>, %square3A, %reduce_sum3A_230 [0] : vector<16x8xf32> to vector<8xf32>
    %div3A_232 = vector.broadcast %sub3A_229 : f32 to vector<8xf32>
    %div3A_233 = arith.divf %reduce_sum3A_231, %div3A_232 : vector<8xf32>
    %gt3A = arith.constant 0.000000e+00 : f32
    %gt3A_234 = arith.cmpf ogt, %sub3A_229, %gt3A : f32
    %jit3A_235 = arith.constant 0x7FC00000 : f32
    %broadcast_in_dim3A_236 = vector.broadcast %jit3A_235 : f32 to vector<8xf32>
    %select_n3A_237 = arith.select %gt3A_234, %div3A_233, %broadcast_in_dim3A_236 : vector<8xf32>
    %broadcast_in_dim3A_238 = vector.shape_cast %div3A_219 : vector<8xf32> to vector<1x8xf32>
    %sub3A_239 = vector.broadcast %broadcast_in_dim3A_238 : vector<1x8xf32> to vector<16x8xf32>
    %sub3A_240 = arith.subf %add3A_209, %sub3A_239 : vector<16x8xf32>
    %add3A_241 = arith.constant 9.99999974E-6 : f32
    %add3A_242 = vector.broadcast %add3A_241 : f32 to vector<8xf32>
    %add3A_243 = arith.addf %select_n3A_237, %add3A_242 : vector<8xf32>
    %rsqrt3A_244 = math.rsqrt %add3A_243 : vector<8xf32>
    %broadcast_in_dim3A_245 = vector.shape_cast %rsqrt3A_244 : vector<8xf32> to vector<1x8xf32>
    %mul3A_246 = vector.broadcast %broadcast_in_dim3A_245 : vector<1x8xf32> to vector<16x8xf32>
    %mul3A_247 = arith.mulf %sub3A_240, %mul3A_246 : vector<16x8xf32>
    %mul3A_248 = vector.broadcast %get3A_212 : vector<1x8xf32> to vector<16x8xf32>
    %mul3A_249 = arith.mulf %mul3A_247, %mul3A_248 : vector<16x8xf32>
    %add3A_250 = vector.broadcast %get3A_215 : vector<1x8xf32> to vector<16x8xf32>
    %add3A_251 = arith.addf %mul3A_249, %add3A_250 : vector<16x8xf32>
    %jit3A_252 = arith.constant 0.00999999977 : f32
    %ge3A_253 = arith.constant 0.000000e+00 : f32
    %ge3A_254 = vector.broadcast %ge3A_253 : f32 to vector<16x8xf32>
    %ge3A_255 = arith.cmpf oge, %add3A_251, %ge3A_254 : vector<16x8xf32>
    %mul3A_256 = vector.broadcast %jit3A_252 : f32 to vector<16x8xf32>
    %mul3A_257 = arith.mulf %mul3A_256, %add3A_251 : vector<16x8xf32>
    %select_n3A_258 = arith.select %ge3A_255, %add3A_251, %mul3A_257 : vector<16x8xi1>, vector<16x8xf32>
    %get3A_259 = arith.constant 0 : index
    %get3A_260 = arith.constant 0 : index
    %get3A_261 = vector.load %arg10[%get3A_259, %get3A_260] : memref<128x136xf32, #tpu.memory_space<vmem>>, vector<128x136xf32>
    %slice3A = vector.extract_strided_slice %get3A_261 {offsets = [0, 0], sizes = [128, 128], strides = [1, 1]} : vector<128x136xf32> to vector<128x128xf32>
    %dot_general3A_262 = arith.constant dense<0.000000e+00> : vector<16x128xf32>
    %dot_general3A_263 = tpu.matmul %concatenate3A, %slice3A, %dot_general3A_262 {dimension_numbers = #tpu.dot_dimension_numbers<[1], [1], [0], [0], [0, 0, 1, 0], [], []>, transpose_lhs_hint = false} : vector<16x128xf32>, vector<128x128xf32>, vector<16x128xf32> -> vector<16x128xf32>
    %slice3A_264 = vector.extract_strided_slice %get3A_261 {offsets = [0, 128], sizes = [128, 8], strides = [1, 1]} : vector<128x136xf32> to vector<128x8xf32>
    %dot_general3A_265 = arith.constant dense<0.000000e+00> : vector<16x128xf32>
    %dot_general3A_266 = tpu.matmul %select_n3A_258, %slice3A_264, %dot_general3A_265 {dimension_numbers = #tpu.dot_dimension_numbers<[1], [1], [0], [0], [0, 0, 1, 0], [], []>, transpose_lhs_hint = false} : vector<16x8xf32>, vector<128x8xf32>, vector<16x128xf32> -> vector<16x128xf32>
    %add3A_267 = arith.addf %dot_general3A_263, %dot_general3A_266 : vector<16x128xf32>
    %get3A_268 = arith.constant 0 : index
    %get3A_269 = arith.constant 0 : index
    %get3A_270 = vector.load %arg11[%get3A_268, %get3A_269] : memref<1x128xf32, #tpu.memory_space<vmem>>, vector<1x128xf32>
    %add3A_271 = vector.broadcast %get3A_270 : vector<1x128xf32> to vector<16x128xf32>
    %add3A_272 = arith.addf %add3A_267, %add3A_271 : vector<16x128xf32>
    %get3A_273 = arith.constant 0 : index
    %get3A_274 = arith.constant 0 : index
    %get3A_275 = vector.load %arg12[%get3A_273, %get3A_274] : memref<1x128xf32, #tpu.memory_space<vmem>>, vector<1x128xf32>
    %get3A_276 = arith.constant 0 : index
    %get3A_277 = arith.constant 0 : index
    %get3A_278 = vector.load %arg13[%get3A_276, %get3A_277] : memref<1x128xf32, #tpu.memory_space<vmem>>, vector<1x128xf32>
    %reduce_sum3A_279 = arith.constant dense<0.000000e+00> : vector<128xf32>
    %reduce_sum3A_280 = vector.multi_reduction <add>, %add3A_272, %reduce_sum3A_279 [0] : vector<16x128xf32> to vector<128xf32>
    %div3A_281 = arith.constant 1.600000e+01 : f32
    %div3A_282 = vector.broadcast %div3A_281 : f32 to vector<128xf32>
    %div3A_283 = arith.divf %reduce_sum3A_280, %div3A_282 : vector<128xf32>
    %jit3A_284 = arith.constant 0 : i32
    %reduce_sum3A_285 = arith.constant dense<0.000000e+00> : vector<128xf32>
    %reduce_sum3A_286 = vector.multi_reduction <add>, %add3A_272, %reduce_sum3A_285 [0] : vector<16x128xf32> to vector<128xf32>
    %broadcast_in_dim3A_287 = vector.shape_cast %reduce_sum3A_286 : vector<128xf32> to vector<1x128xf32>
    %div3A_288 = arith.constant 1.600000e+01 : f32
    %div3A_289 = vector.broadcast %div3A_288 : f32 to vector<1x128xf32>
    %div3A_290 = arith.divf %broadcast_in_dim3A_287, %div3A_289 : vector<1x128xf32>
    %sub3A_291 = vector.broadcast %div3A_290 : vector<1x128xf32> to vector<16x128xf32>
    %sub3A_292 = arith.subf %add3A_272, %sub3A_291 : vector<16x128xf32>
    %square3A_293 = arith.mulf %sub3A_292, %sub3A_292 : vector<16x128xf32>
    %convert_element_type3A_294 = arith.sitofp %jit3A_284 : i32 to f32
    %sub3A_295 = arith.constant 1.600000e+01 : f32
    %sub3A_296 = arith.subf %sub3A_295, %convert_element_type3A_294 : f32
    %reduce_sum3A_297 = arith.constant dense<0.000000e+00> : vector<128xf32>
    %reduce_sum3A_298 = vector.multi_reduction <add>, %square3A_293, %reduce_sum3A_297 [0] : vector<16x128xf32> to vector<128xf32>
    %div3A_299 = vector.broadcast %sub3A_296 : f32 to vector<128xf32>
    %div3A_300 = arith.divf %reduce_sum3A_298, %div3A_299 : vector<128xf32>
    %gt3A_301 = arith.constant 0.000000e+00 : f32
    %gt3A_302 = arith.cmpf ogt, %sub3A_296, %gt3A_301 : f32
    %jit3A_303 = arith.constant 0x7FC00000 : f32
    %broadcast_in_dim3A_304 = vector.broadcast %jit3A_303 : f32 to vector<128xf32>
    %select_n3A_305 = arith.select %gt3A_302, %div3A_300, %broadcast_in_dim3A_304 : vector<128xf32>
    %broadcast_in_dim3A_306 = vector.shape_cast %div3A_283 : vector<128xf32> to vector<1x128xf32>
    %sub3A_307 = vector.broadcast %broadcast_in_dim3A_306 : vector<1x128xf32> to vector<16x128xf32>
    %sub3A_308 = arith.subf %add3A_272, %sub3A_307 : vector<16x128xf32>
    %add3A_309 = arith.constant 9.99999974E-6 : f32
    %add3A_310 = vector.broadcast %add3A_309 : f32 to vector<128xf32>
    %add3A_311 = arith.addf %select_n3A_305, %add3A_310 : vector<128xf32>
    %rsqrt3A_312 = math.rsqrt %add3A_311 : vector<128xf32>
    %broadcast_in_dim3A_313 = vector.shape_cast %rsqrt3A_312 : vector<128xf32> to vector<1x128xf32>
    %mul3A_314 = vector.broadcast %broadcast_in_dim3A_313 : vector<1x128xf32> to vector<16x128xf32>
    %mul3A_315 = arith.mulf %sub3A_308, %mul3A_314 : vector<16x128xf32>
    %mul3A_316 = vector.broadcast %get3A_275 : vector<1x128xf32> to vector<16x128xf32>
    %mul3A_317 = arith.mulf %mul3A_315, %mul3A_316 : vector<16x128xf32>
    %add3A_318 = vector.broadcast %get3A_278 : vector<1x128xf32> to vector<16x128xf32>
    %add3A_319 = arith.addf %mul3A_317, %add3A_318 : vector<16x128xf32>
    %jit3A_320 = arith.constant 0.00999999977 : f32
    %ge3A_321 = arith.constant 0.000000e+00 : f32
    %ge3A_322 = vector.broadcast %ge3A_321 : f32 to vector<16x128xf32>
    %ge3A_323 = arith.cmpf oge, %add3A_319, %ge3A_322 : vector<16x128xf32>
    %mul3A_324 = vector.broadcast %jit3A_320 : f32 to vector<16x128xf32>
    %mul3A_325 = arith.mulf %mul3A_324, %add3A_319 : vector<16x128xf32>
    %select_n3A_326 = arith.select %ge3A_323, %add3A_319, %mul3A_325 : vector<16x128xi1>, vector<16x128xf32>
    %get3A_327 = arith.constant 0 : index
    %get3A_328 = arith.constant 0 : index
    %get3A_329 = vector.load %arg14[%get3A_327, %get3A_328] : memref<1x128xf32, #tpu.memory_space<vmem>>, vector<1x128xf32>
    %dot_general3A_330 = arith.constant dense<0.000000e+00> : vector<1x16xf32>
    %dot_general3A_331 = tpu.matmul %get3A_329, %select_n3A_326, %dot_general3A_330 {dimension_numbers = #tpu.dot_dimension_numbers<[1], [1], [0], [0], [0, 0, 1, 0], [], []>, transpose_lhs_hint = false} : vector<1x128xf32>, vector<16x128xf32>, vector<1x16xf32> -> vector<1x16xf32>
    %get3A_332 = arith.constant 0 : index
    %get3A_333 = arith.constant 0 : index
    %get3A_334 = vector.load %arg15[%get3A_332, %get3A_333] : memref<1x16xf32, #tpu.memory_space<vmem>>, vector<1x16xf32>
    %add3A_335 = arith.addf %dot_general3A_331, %get3A_334 : vector<1x16xf32>
    %swap3A = arith.constant 0 : index
    %swap3A_336 = arith.constant 0 : index
    %swap3A_337 = vector.load %arg16[%swap3A, %swap3A_336] : memref<1x16xf32, #tpu.memory_space<vmem>>, vector<1x16xf32>
    tpu.vector_store %arg16[%swap3A, %swap3A_336], %add3A_335 {strides = array<i32>} : memref<1x16xf32, #tpu.memory_space<vmem>>, vector<1x16xf32>,
    return
  }
}

</mosaic_0001>

<sc_bundles>
// kernel: kernel.10.cloned.1.call-start
scs
__scs_entry_jumppad:
0x0: {  	(pc) =	sbr.rel $0x88, $3  }
0x1: {  	(tag) =	ssettag $0x0;
	lr =	simm.s32 $0x1  }
0x2: {  	[smem:$0x3F86] =	sst lr;
	_ =	strace $0xD0000000  }
0x3: {  	_ = 	snop  }
0x4: {  	_ = 	snop  }
0x5: {  	_ = 	snop  }
0x6: {  	_ = 	snop  }
0x7: {  	_ = 	snop  }
__scs_overlays_trampoline_lowered:
0x8: {  	[smem:$0x3F95] =	sst s0  }
0x9: {  	[smem:$0x3F96] =	sst s1  }
0xa: {  	[smem:$0x3F97] =	sst s2  }
0xb: {  	[smem:$0x3F98] =	sst s3  }
0xc: {  	[smem:$0x3F99] =	sst s4  }
0xd: {  	[smem:$0x3F9A] =	sst s5  }
0xe: {  	[smem:$0x3F9B] =	sst s6  }
0xf: {  	[smem:$0x3F9C] =	sst s7  }
0x10: {  	[smem:$0x3F9D] =	sst s8  }
0x11: {  	[smem:$0x3F9E] =	sst s9;
	s0 =	simm.s32 @!p0 $0x0  }
0x12: {  	s1 =	sld [smem:$0x3F84];
	s0 =	simm.s32 @p0 $0x1  }
0x13: {  	[smem:$0x3F9F] =	sst s0;
	s0 =	simm.s32 @!p1 $0x0  }
0x14: {  	s2 =	sld [smem:$0x3F83];
	s0 =	simm.s32 @p1 $0x1  }
0x15: {  	[smem:$0x3FA0] =	sst s0;
	s0 =	simm.s32 @!p2 $0x0  }
0x16: {  	s3 =	sld [smem:$0x3FDB];
	s0 =	simm.s32 @p2 $0x1  }
0x17: {  	s4 =	simm.s32 $0x1BF5;
	[smem:$0x3FA2] =	sst s0  }
0x18: {  	s0 =	sld [smem:$0x3F85];
	_ =	swait.ge [sflag:s4], $0x0  }
0x19: {  	s7 =	sld [smem:$0x3F86]  }
0x1a: {  	s8 =	sadd.s32 $0xFFFFE003, lr  }
0x1b: {  	s9 =	sadd.s32 $0xFFFFFEF7, lr;
	s5 =	simm.s32 $0xFFFFFFFF;
	p2 =	slt.u32 s8, $0xFFFFF086  }
0x1c: {  	p1 =	slt.u32 s9, $0xF7A;
	s5 =	simm.s32 @!p2 $0x0  }
0x1d: {  	s5 =	simm.s32 @p1 $0x1;
	p0 =	seq.s32 s7, s2  }
0x1e: {  	s7 =	smul.u32 @!p0 $0xF7A, s2;
	p2 =	seq.s32 @!p0 s5, $0x0  }
0x1f: {  	s9 =	smul.u32 $0xF7A, s1;
	s8 =	simm.s32 @!p0 $0x1BF5;
	p2 =	por !p2, p0  }
0x20: {  	[sflag:s8] =	ssyncset.s32 @!p0 $0xFFFFF086;
	s6 =	sadd.s32 @!p0 s3, s7;
	s7 =	simm.s32 @!p0 $0x108  }
0x21: {  	s3 =	sadd.s32 s3, s9;
	s6 =	sadd.s32 @!p0 $0x88, s6;
	s7 =	simm.s32 @p2 $0x1082  }
0x22: {  	[simem:s7], [sflag:s8] =	dma.local @!p0 [hbm:s6], $0xF7A  }
0x23: {  	s9 =	sor.u32 $0xD0000000, s2;
	s6 =	simm.s32 $0x108;
	_ =	swait.ge @!p0 [sflag:s8], $0x0  }
0x24: {  	s3 =	sadd.s32 $0x88, s3;
	s6 =	simm.s32 @!p1 $0x1082;
	[sflag:s4] =	ssyncset.s32 $0xFFFFF086  }
0x25: {  	[simem:s6], [sflag:s4] =	dma.local [hbm:s3], $0xF7A  }
0x26: {  	[smem:$0x3F86] =	sst s1;
	(tag) =	ssettag s2;
	_ =	strace s9  }
0x27: {  	s1 =	sld [smem:$0x3F96]  }
0x28: {  	s2 =	sld [smem:$0x3F97]  }
0x29: {  	s4 =	sld [smem:$0x3F99]  }
0x2a: {  	p0 =	seq.s32 s5, $0x0;
	s5 =	sld [smem:$0x3F9A]  }
0x2b: {  	s6 =	sld [smem:$0x3F9B]  }
0x2c: {  	s7 =	sld [smem:$0x3F9C]  }
0x2d: {  	s3 =	simm.s32 $0x108;
	s8 =	sld [smem:$0x3F9D]  }
0x2e: {  	s3 =	simm.s32 @!p0 $0x1082;
	s9 =	sld [smem:$0x3F9E]  }
0x2f: {  	lr =	sadd.s32 s0, s3;
	s0 =	sld [smem:$0x3F95]  }
0x30: {  	s3 =	sld [smem:$0x3F98]  }
0x31: {  	[smem:$0x3FA1] =	sst s10  }
0x32: {  	s10 =	sld [smem:$0x3F9F];
	_ =	sdelay $0x3  }
0x33: {  	p0 =	seq.s32 s10, $0x1;
	s10 =	sld [smem:$0x3FA1];
	_ =	sdelay $0x3  }
0x34: {  	[smem:$0x3FA1] =	sst s10  }
0x35: {  	s10 =	sld [smem:$0x3FA0];
	_ =	sdelay $0x3  }
0x36: {  	p1 =	seq.s32 s10, $0x1;
	s10 =	sld [smem:$0x3FA1];
	_ =	sdelay $0x3  }
0x37: {  	[smem:$0x3FA1] =	sst s10  }
0x38: {  	s10 =	sld [smem:$0x3FA2]  }
0x39: {  	_ = 	snop;
	(pc) =	sbr.ind lr, $3  }
0x3a: {  	_ = 	snop  }
0x3b: {  	_ = 	snop  }
0x3c: {  	p2 =	seq.s32 s10, $0x1;
	s10 =	sld [smem:$0x3FA1]  }
0x3d: {  	_ =	shalt  }
0x3e: {  	_ =	shalt  }
0x3f: {  	_ =	shalt  }
0x40: {  	_ =	shalt  }
0x41: {  	_ =	shalt  }
0x42: {  	_ =	shalt  }
0x43: {  	_ =	shalt  }
0x44: {  	_ =	shalt  }
0x45: {  	_ =	shalt  }
0x46: {  	_ =	shalt  }
0x47: {  	_ =	shalt  }
0x48: {  	_ =	shalt  }
0x49: {  	_ =	shalt  }
0x4a: {  	_ =	shalt  }
0x4b: {  	_ =	shalt  }
0x4c: {  	_ =	shalt  }
0x4d: {  	_ =	shalt  }
0x4e: {  	_ =	shalt  }
0x4f: {  	_ =	shalt  }
0x50: {  	_ =	shalt  }
0x51: {  	_ =	shalt  }
0x52: {  	_ =	shalt  }
0x53: {  	_ =	shalt  }
0x54: {  	_ =	shalt  }
0x55: {  	_ =	shalt  }
0x56: {  	_ =	shalt  }
0x57: {  	_ =	shalt  }
0x58: {  	_ =	shalt  }
0x59: {  	_ =	shalt  }
0x5a: {  	_ =	shalt  }
0x5b: {  	_ =	shalt  }
0x5c: {  	_ =	shalt  }
0x5d: {  	_ =	shalt  }
0x5e: {  	_ =	shalt  }
0x5f: {  	_ =	shalt  }
0x60: {  	_ =	shalt  }
0x61: {  	_ =	shalt  }
0x62: {  	_ =	shalt  }
0x63: {  	_ =	shalt  }
0x64: {  	_ =	shalt  }
0x65: {  	_ =	shalt  }
0x66: {  	_ =	shalt  }
0x67: {  	_ =	shalt  }
0x68: {  	_ =	shalt  }
0x69: {  	_ =	shalt  }
0x6a: {  	_ =	shalt  }
0x6b: {  	_ =	shalt  }
0x6c: {  	_ =	shalt  }
0x6d: {  	_ =	shalt  }
0x6e: {  	_ =	shalt  }
0x6f: {  	_ =	shalt  }
0x70: {  	_ =	shalt  }
0x71: {  	_ =	shalt  }
0x72: {  	_ =	shalt  }
0x73: {  	_ =	shalt  }
0x74: {  	_ =	shalt  }
0x75: {  	_ =	shalt  }
0x76: {  	_ =	shalt  }
0x77: {  	_ =	shalt  }
0x78: {  	_ =	shalt  }
0x79: {  	_ =	shalt  }
0x7a: {  	_ =	shalt  }
0x7b: {  	_ =	shalt  }
0x7c: {  	_ =	shalt  }
0x7d: {  	_ =	shalt  }
0x7e: {  	_ =	shalt  }
0x7f: {  	_ =	shalt  }
0x80: {  	_ =	shalt  }
0x81: {  	_ =	shalt  }
0x82: {  	_ =	shalt  }
0x83: {  	_ =	shalt  }
0x84: {  	_ =	shalt  }
0x85: {  	_ =	shalt  }
0x86: {  	_ =	shalt  }
0x87: {  	_ =	shalt  }
.Lfunc_end0:
.L_simem_size_0:
called_computation_lowered:
.L_overlay_start_0:
0x88: {  	s2 =	sld [smem:$0x3FD9]  }
0x89: {  	s3 =	sld [smem:$0x3FFE];
	_ =	sdelay $0x1  }
0x8a: {  	s1 =	srdreg.scid  }
0x8b: {  	s0 =	sand.u32 $0x1, s1  }
0x8c: {  	s16 =	sshll.u32 s0, $0xA;
	s2 =	sadd.s32 s3, s2  }
0x8d: {  	s2 =	sadd.s32 s2, s16  }
0x8e: {  	[smem:$0x3FAD] =	sst s2  }
0x8f: {  	_ = 	snop  }
0x90: {  	(tm) =	ssettm $0x1  }
0x91: {  	s17 =	sld [smem:$0x3FFB];
	_ =	sdelay $0x3  }
0x92: {  	_ =	strace s17  }
0x93: {  	s2 =	sld [smem:$0x3FFC];
	_ =	sdelay $0x3  }
0x94: {  	_ =	strace s2  }
0x95: {  	s2 =	sld [smem:$0x3FFD];
	_ =	sdelay $0x3  }
0x96: {  	_ =	strace s2  }
0x97: {  	_ =	strace $0x8FFFFFFF  }
0x98: {  	s18 =	sld [smem:$0x3FDB];
	_ =	sdelay $0x1  }
0x99: {  	s19 =	simm.s32 $_scs_section_size  }
0x9a: {  	s4 =	simm.s32 $_size__tile_overlayer_lowered;
	s5 =	simm.s32 $_tile_overlayer_lowered  }
0x9b: {  	s22 =	simm.s32 $0x1BFF;
	s21 =	sshll.u32 s5, $0x1;
	s2 =	sadd.s32 s19, s18  }
0x9c: {  	s6 =	simm.s32 $0x0;
	s20 =	sshll.u32 s4, $0x1;
	s4 =	sadd.s32 s21, s2  }
0x9d: {  	[timem:s6], [sflag:s22] =	dma.local [hbm:s4], s20  }
0x9e: {  	_ =	swait.ge [sflag:s22], s20  }
0x9f: {  	s3 =	ssub.s32 $0x0, s20;
	[sflag:s22] =	ssyncset.done $0x0  }
0xa0: {  	[sflag:s22] =	ssyncadd.s32 s3;
	_ =	sdelay $0x1  }
0xa1: {  	s23 =	simm.s32 $0x1B8B  }
0xa2: {  	_ =	swait.ge [sflag:s23], $0x1  }
0xa3: {  	[sflag:s23] =	ssyncset.done $0x0  }
0xa4: {  	s25 =	simm.s32 $0x1B8E;
	s24 =	sld [smem:$0x3FFE];
	[sflag:s23] =	ssyncadd.s32 $0xFFFFFFFF  }
0xa5: {  	s26 =	simm.s32 $execute0_lowered;
	[smem:$0x3FD2] =	sst s25  }
0xa6: {  	s4 =	sshll.u32 s26, $0x1;
	_ =	strace $0x80000046;
	[dreg:$0x1] =	wrdreg $0xFFFFFFFF  }
0xa7: {  	s28 =	simm.s32 $_size_execute0_lowered;
	s2 =	sadd.s32 s2, s4;
	[dreg:$0x0] =	wrdreg $0x0  }
0xa8: {  	s4 =	sshll.u32 s28, $0x1;
	[dreg:$0x2] =	wrdreg s2  }
0xa9: {  	[dreg:$0x3] =	wrdreg s4  }
0xaa: {  	[dreg:$0x4] =	wrdreg $0xC0  }
0xab: {  	_ =	task [dreg:s6], $0x5FFFF  }
0xac: {  	[dreg:$0x1] =	wrdreg $0xFFFFFFFF  }
0xad: {  	[dreg:$0x0] =	wrdreg $0x60  }
0xae: {  	[dreg:$0x2] =	wrdreg s24  }
0xaf: {  	[dreg:$0x3] =	wrdreg $0x68000  }
0xb0: {  	[dreg:$0x4] =	wrdreg $0x9  }
0xb1: {  	_ =	task.clear_ibuf [dreg:s6], $0x5FFFF;
	_ =	strace $0x90000046  }
0xb2: {  	s29 =	simm.s32 $0x9;
	_ =	strace $0x80000048  }
0xb3: {  	_ =	swait.ge [sflag:s29], $0x1  }
0xb4: {  	[sflag:s29] =	ssyncadd.s32 $0xFFFFFFFF  }
0xb5: {  	_ =	strace $0x90000048  }
0xb6: {  	_ =	sfence  }
0xb7: {  	s30 =	sld [smem:$0x0];
	_ =	sdelay $0x2  }
0xb8: {  	s31 =	sshll.u32 s1, $0xD;
	s1 =	sshrl.u32 s1, $0x2  }
0xb9: {  	s3 =	sand.u32 $0x4000, s31;
	s1 =	sadd.s32 s1, s30  }
0xba: {  	s0 =	sor.u32 s3, s0;
	s1 =	sshll.u32 s1, $0x11  }
0xbb: {  	s0 =	sor.u32 s1, s0  }
0xbc: {  	s0 =	sadd.s32 $0x8F2B, s0  }
0xbd: {  	[sflag:s0] =	ssyncadd.remote.s32 $0x1  }
0xbe: {  	_ =	sfence.sel $0xFFFF  }
0xbf: {  	[dreg:$0x0] =	wrdreg $0xFFFFFFFF;
	(pc) =	sbr.abs _section_cstart, $3  }
0xc0: {  	[dreg:$0x1] =	wrdreg $0xFFFFFFFF  }
0xc1: {  	_ =	task.clear_ibuf [dreg:s6], $0x2FFFF;
	_ =	strace $0x9FFFFFFF  }
0xc2: {  	(tm) =	ssettm $0x7FFFFFFF  }
0xc3: {  	_ =	shalt  }
tec
execute0_lowered:
.L_overlay_start_1:
0x0: {  	(tag) =	ssettag $0x1  }
0x1: {  	s1 =	srdreg.scid  }
0x2: {  	s0 =	stileid.u32;
	s4 =	rddreg [dreg:$0x0]  }
0x3: {  	s3 =	simm.s32 $0x0;
	s29 =	simm.s32 $0x2800;
	s30 =	simm.s32 $0x2  }
0x4: {  	s31 =	simm.s32 $0x80;
	s1 =	sand.u32 $0x1, s1;
	s7 =	smul.u32 $0x1F400, s0  }
0x5: {  	s2 =	sshll.u32 s0, $0x1;
	[smem:$0x7FF] =	sst s3;
	s8 =	smul.u32 $0x139000, s0  }
0x6: {  	p0 =	sgt.u32 s0, $0x9;
	s2 =	sor.u32 s1, s2;
	s6 =	smul.u32 $0x138800, s1  }
0x7: {  	p1 =	sgt.u32 s0, $0x3;
	s1 =	ssub.s32 $0x2, s1;
	s5 =	smul.u32 $0x500, s2  }
0x8: {  	s2 =	rddreg [dreg:$0x1];
	_ =	strace $0x80000047;
	s24 =	sshrl.u32 s1, $0x1  }
0x9: {  	s23 =	sshrl.u32 s8, $0x2;
	s6 =	sadd.s32 s7, s6;
	s1 =	ssub.s32 s1, s24  }
0xa: {  	s5 =	sadd.s32 s5, s4;
	s6 =	sshrl.u32 s6, $0x3;
	s24 =	smax.u32 s1, $0x1  }
0xb: {  	s1 =	simm.s32 $0x1;
	s6 =	sadd.s32 s6, s4;
	s4 =	sadd.s32 s23, s2  }
0xc: {  	s23 =	smul.u32 $0x7D000, s0;
	s22 =	sadd.s32 $0x4800, s5;
	s7 =	sadd.s32 $0x4000, s4  }
0xd: {  	s25 =	sadd.s32 $0x8000, s4;
	s8 =	sadd.s32 $0x10000, s4;
	s9 =	sadd.s32 $0x14000, s4  }
0xe: {  	s10 =	sadd.s32 $0x18000, s4;
	s11 =	sadd.s32 $0x1C000, s4;
	s12 =	sadd.s32 $0x20000, s4  }
0xf: {  	s13 =	sadd.s32 $0x24000, s4;
	s14 =	sadd.s32 $0x28000, s4;
	s15 =	sadd.s32 $0x2C000, s4  }
0x10: {  	s16 =	sadd.s32 $0x30000, s4;
	s17 =	sadd.s32 $0x34000, s4;
	s18 =	sadd.s32 $0x38000, s4  }
0x11: {  	s19 =	sadd.s32 $0x3C000, s4;
	s20 =	sadd.s32 $0x40000, s4;
	s21 =	sadd.s32 $0x44000, s4  }
0x12: {  	s28 =	sadd.s32 $0x4C000, s4;
	[dreg:$0x3] =	wrdreg s7;
	s26 =	sshrl.u32 s23, $0x2  }
0x13: {  	[dreg:$0x4] =	wrdreg s25;
	s7 =	sadd.s32 $0xC000, s4;
	s5 =	sadd.s32 s26, s2  }
0x14: {  	v0 =	vimm.f32 $0.0e+00;
	v1 =	vimm.f32 $1.000000000e+00;
	s23 =	sadd.s32 $0x22800, s6;
	s26 =	sadd.s32 $0x48000, s4;
	s25 =	sshrl.u32 @!p0 s5, $0x3  }
.LBB2_1:
0x15: {  	s5 =	simm.s32 $0x200;
	s6 =	simm.s32 $0x0  }
.LBB2_2:
0x16: {  	p2 =	sne.s32 s5, $0xFE00;
	[tilespmem:s6+$0x2800] =	vst v0;
	s6 =	smov.u32 s5;
	s5 =	sadd.s32 $0x200, s5  }
.Ltmp0:
0x17: {  	(pc) =	sbr.rel @p2 .LBB2_2-.Ltmp0, $2  }
0x18: {  	_ =	sdelay $0x2  }
0x19: {  	s6 =	sshra.s32 s6, $0x2  }
.Ltmp1:
0x1a: {  	(pc) =	sbr.rel @p1 .LBB2_5-.Ltmp1, $2  }
0x1b: {  	_ =	sdelay $0x2  }
0x1c: {  	[tilespmem:s6+$0x2800] =	vst v0  }
0x1d: {  	[spmem:s4] =	stream.linear.scatter [tilespmem:s29], [sflag:$0x2], $0x4000, $0x38;
	[tilespmem:$0x8F20] =	vst v63  }
0x1e: {  	_ =	swait.ge [sflag:s30], $0x4000  }
0x1f: {  	[sflag:s30] =	ssyncset.done $0x0  }
0x20: {  	s5 =	rddreg [dreg:$0x3];
	[sflag:s30] =	ssyncadd.s32 $0xFFFFC000  }
0x21: {  	[spmem:s5] =	stream.linear.scatter [tilespmem:s29], [sflag:$0x2], $0x4000, $0x38;
	[tilespmem:$0x8F20] =	vst v63  }
0x22: {  	_ =	swait.ge [sflag:s30], $0x4000  }
0x23: {  	[sflag:s30] =	ssyncset.done $0x0  }
0x24: {  	s6 =	rddreg [dreg:$0x4];
	[sflag:s30] =	ssyncadd.s32 $0xFFFFC000  }
0x25: {  	[spmem:s6] =	stream.linear.scatter [tilespmem:s29], [sflag:$0x2], $0x4000, $0x38;
	[tilespmem:$0x8F20] =	vst v63  }
0x26: {  	_ =	swait.ge [sflag:s30], $0x4000  }
0x27: {  	[sflag:s30] =	ssyncset.done $0x0  }
0x28: {  	[sflag:s30] =	ssyncadd.s32 $0xFFFFC000  }
0x29: {  	[spmem:s7] =	stream.linear.scatter [tilespmem:s29], [sflag:$0x2], $0x4000, $0x38;
	[tilespmem:$0x8F20] =	vst v63  }
0x2a: {  	_ =	swait.ge [sflag:s30], $0x4000  }
0x2b: {  	[sflag:s30] =	ssyncset.done $0x0  }
0x2c: {  	[sflag:s30] =	ssyncadd.s32 $0xFFFFC000  }
0x2d: {  	[spmem:s8] =	stream.linear.scatter [tilespmem:s29], [sflag:$0x2], $0x4000, $0x38;
	[tilespmem:$0x8F20] =	vst v63  }
0x2e: {  	_ =	swait.ge [sflag:s30], $0x4000  }
0x2f: {  	[sflag:s30] =	ssyncset.done $0x0  }
0x30: {  	[sflag:s30] =	ssyncadd.s32 $0xFFFFC000  }
0x31: {  	[spmem:s9] =	stream.linear.scatter [tilespmem:s29], [sflag:$0x2], $0x4000, $0x38;
	[tilespmem:$0x8F20] =	vst v63  }
0x32: {  	_ =	swait.ge [sflag:s30], $0x4000  }
0x33: {  	[sflag:s30] =	ssyncset.done $0x0  }
0x34: {  	[sflag:s30] =	ssyncadd.s32 $0xFFFFC000  }
0x35: {  	[spmem:s10] =	stream.linear.scatter [tilespmem:s29], [sflag:$0x2], $0x4000, $0x38;
	[tilespmem:$0x8F20] =	vst v63  }
0x36: {  	_ =	swait.ge [sflag:s30], $0x4000  }
0x37: {  	[sflag:s30] =	ssyncset.done $0x0  }
0x38: {  	[sflag:s30] =	ssyncadd.s32 $0xFFFFC000  }
0x39: {  	[spmem:s11] =	stream.linear.scatter [tilespmem:s29], [sflag:$0x2], $0x4000, $0x38;
	[tilespmem:$0x8F20] =	vst v63  }
0x3a: {  	_ =	swait.ge [sflag:s30], $0x4000  }
0x3b: {  	[sflag:s30] =	ssyncset.done $0x0  }
0x3c: {  	[sflag:s30] =	ssyncadd.s32 $0xFFFFC000  }
0x3d: {  	[spmem:s12] =	stream.linear.scatter [tilespmem:s29], [sflag:$0x2], $0x4000, $0x38;
	[tilespmem:$0x8F20] =	vst v63  }
0x3e: {  	_ =	swait.ge [sflag:s30], $0x4000  }
0x3f: {  	[sflag:s30] =	ssyncset.done $0x0  }
0x40: {  	[sflag:s30] =	ssyncadd.s32 $0xFFFFC000  }
0x41: {  	[spmem:s13] =	stream.linear.scatter [tilespmem:s29], [sflag:$0x2], $0x4000, $0x38;
	[tilespmem:$0x8F20] =	vst v63  }
0x42: {  	_ =	swait.ge [sflag:s30], $0x4000  }
0x43: {  	[sflag:s30] =	ssyncset.done $0x0  }
0x44: {  	[sflag:s30] =	ssyncadd.s32 $0xFFFFC000  }
0x45: {  	[spmem:s14] =	stream.linear.scatter [tilespmem:s29], [sflag:$0x2], $0x4000, $0x38;
	[tilespmem:$0x8F20] =	vst v63  }
0x46: {  	_ =	swait.ge [sflag:s30], $0x4000  }
0x47: {  	[sflag:s30] =	ssyncset.done $0x0  }
0x48: {  	[sflag:s30] =	ssyncadd.s32 $0xFFFFC000  }
0x49: {  	[spmem:s15] =	stream.linear.scatter [tilespmem:s29], [sflag:$0x2], $0x4000, $0x38;
	[tilespmem:$0x8F20] =	vst v63  }
0x4a: {  	_ =	swait.ge [sflag:s30], $0x4000  }
0x4b: {  	[sflag:s30] =	ssyncset.done $0x0  }
0x4c: {  	[sflag:s30] =	ssyncadd.s32 $0xFFFFC000  }
0x4d: {  	[spmem:s16] =	stream.linear.scatter [tilespmem:s29], [sflag:$0x2], $0x4000, $0x38;
	[tilespmem:$0x8F20] =	vst v63  }
0x4e: {  	_ =	swait.ge [sflag:s30], $0x4000  }
0x4f: {  	[sflag:s30] =	ssyncset.done $0x0  }
0x50: {  	[sflag:s30] =	ssyncadd.s32 $0xFFFFC000  }
0x51: {  	[spmem:s17] =	stream.linear.scatter [tilespmem:s29], [sflag:$0x2], $0x4000, $0x38;
	[tilespmem:$0x8F20] =	vst v63  }
0x52: {  	_ =	swait.ge [sflag:s30], $0x4000  }
0x53: {  	[sflag:s30] =	ssyncset.done $0x0  }
0x54: {  	[sflag:s30] =	ssyncadd.s32 $0xFFFFC000  }
0x55: {  	[spmem:s18] =	stream.linear.scatter [tilespmem:s29], [sflag:$0x2], $0x4000, $0x38;
	[tilespmem:$0x8F20] =	vst v63  }
0x56: {  	_ =	swait.ge [sflag:s30], $0x4000  }
0x57: {  	[sflag:s30] =	ssyncset.done $0x0  }
0x58: {  	[sflag:s30] =	ssyncadd.s32 $0xFFFFC000  }
0x59: {  	[spmem:s19] =	stream.linear.scatter [tilespmem:s29], [sflag:$0x2], $0x4000, $0x38;
	[tilespmem:$0x8F20] =	vst v63  }
0x5a: {  	_ =	swait.ge [sflag:s30], $0x4000  }
0x5b: {  	[sflag:s30] =	ssyncset.done $0x0  }
0x5c: {  	[sflag:s30] =	ssyncadd.s32 $0xFFFFC000  }
0x5d: {  	[spmem:s20] =	stream.linear.scatter [tilespmem:s29], [sflag:$0x2], $0x4000, $0x38;
	[tilespmem:$0x8F20] =	vst v63  }
0x5e: {  	_ =	swait.ge [sflag:s30], $0x4000  }
0x5f: {  	[sflag:s30] =	ssyncset.done $0x0  }
0x60: {  	[sflag:s30] =	ssyncadd.s32 $0xFFFFC000  }
0x61: {  	[spmem:s21] =	stream.linear.scatter [tilespmem:s29], [sflag:$0x2], $0x4000, $0x38;
	[tilespmem:$0x8F20] =	vst v63  }
0x62: {  	_ =	swait.ge [sflag:s30], $0x4000  }
0x63: {  	[sflag:s30] =	ssyncset.done $0x0  }
0x64: {  	[sflag:s30] =	ssyncadd.s32 $0xFFFFC000  }
0x65: {  	[spmem:s26] =	stream.linear.scatter [tilespmem:s29], [sflag:$0x2], $0x4000, $0x38;
	[tilespmem:$0x8F20] =	vst v63  }
0x66: {  	_ =	swait.ge [sflag:s30], $0x4000  }
0x67: {  	[sflag:s30] =	ssyncset.done $0x0  }
0x68: {  	[sflag:s30] =	ssyncadd.s32 $0xFFFFC000  }
0x69: {  	[spmem:s28] =	stream.linear.scatter [tilespmem:s29], [sflag:$0x2], $0x2400, $0x38;
	[tilespmem:$0x8F20] =	vst v63  }
0x6a: {  	_ =	swait.ge [sflag:s30], $0x2400  }
0x6b: {  	[sflag:s30] =	ssyncset.done $0x0  }
0x6c: {  	[sflag:s30] =	ssyncadd.s32 $0xFFFFDC00  }
.LBB2_5:
0x6d: {  	s5 =	simm.s32 $0x200;
	s6 =	simm.s32 $0x0  }
.LBB2_6:
0x6e: {  	p2 =	sne.s32 s5, $0xFE00;
	[tilespmem:s6+$0x2800] =	vst v1;
	s6 =	smov.u32 s5;
	s5 =	sadd.s32 $0x200, s5  }
.Ltmp2:
0x6f: {  	(pc) =	sbr.rel @p2 .LBB2_6-.Ltmp2, $2  }
0x70: {  	_ =	sdelay $0x2  }
0x71: {  	s6 =	sshra.s32 s6, $0x2  }
0x72: {  	[tilespmem:s6+$0x2800] =	vst v1;
	s5 =	simm.s32 $0x0  }
0x73: {  	[tilespmem:s5], [sflag:$0x2] =	stream.linear.gather [hbm4b:s22+s5], $0x2800, $0x38;
	[tilespmem:$0x8F20] =	vst v63  }
0x74: {  	_ =	swait.ge [sflag:s30], $0x2800  }
0x75: {  	[sflag:s30] =	ssyncset.done $0x0  }
0x76: {  	[sflag:s30] =	ssyncadd.s32 $0xFFFFD800  }
0x77: {  	[bflag:$0x0] =	sbarrier.arrive $0xFFFF  }
.LBB2_8:
0x78: {  	p2 =	sne.s32 s5, $0x9E00  }
.Ltmp3:
0x79: {  	_ = 	snop;
	(pc) =	sbr.rel @p2 .LBB2_8-.Ltmp3, $3  }
0x7a: {  	_ =	sdelay $0x1  }
0x7b: {  	s6 =	sshra.s32 s5, $0x2;
	s5 =	sadd.s32 $0x200, s5  }
0x7c: {  	[spmem:s2] =	stream.indirect.scatter.add.f32 [tilespmem:s29], [sflag:$0x1], $0x10, s6, s31, $0xb8;
	[tilespmem:$0x8F20] =	vst v63  }
0x7d: {  	_ =	swait.ge [sflag:s1], $0x800  }
0x7e: {  	s5 =	simm.s32 $0x4F;
	[sflag:s1] =	ssyncset.done $0x0  }
.LBB2_10:
0x7f: {  	p2 =	sne.s32 s5, $0x1;
	s5 =	sadd.s32 $0xFFFFFFFF, s5;
	[sflag:s1] =	ssyncadd.s32 $0xFFFFF800  }
.Ltmp4:
0x80: {  	(pc) =	sbr.rel @p2 .LBB2_10-.Ltmp4, $3  }
0x81: {  	_ =	sdelay $0x1  }
0x82: {  	_ =	swait.ge [sflag:s1], $0x800  }
0x83: {  	[sflag:s1] =	ssyncset.done $0x0  }
0x84: {  	[sflag:s1] =	ssyncadd.s32 $0xFFFFF800;
	s5 =	sshll.u32 @!p0 s0, $0x6;
	s3 =	sadd.s32 $0x1, s3  }
0x85: {  	[bflag:$0x0] =	sbarrier.arrive $0xFFFF;
	s5 =	sor.u32 @!p0 $0x1C02, s5;
	p2 =	sne.s32 s3, s24  }
0x86: {  	[hbm:s23], [sflag:s5] =	dma.local @!p0 [spmem:s25], $0x3E80  }
.Ltmp5:
0x87: {  	_ = 	snop;
	(pc) =	sbr.rel @p2 .LBB2_1-.Ltmp5, $4  }
0x88: {  	s5 =	simm.s32 @!p0 $0x2  }
0x89: {  	_ =	swait.ge @!p0 [sflag:s5], $0x3E80  }
0x8a: {  	[sflag:s5] =	ssyncset.done @!p0 $0x0  }
0x8b: {  	[sflag:s5] =	ssyncadd.s32 @!p0 $0xFFFFC180  }
0x8c: {  	_ =	sfence.sel $0x180000  }
0x8d: {  	[bflag:$0x0] =	sbarrier.arrive $0xFFFF  }
0x8e: {  	_ =	strace $0x90000047  }
0x8f: {  	[bflag:$0x2] =	sbarrier.arrive $0xFFFF  }
0x90: {  	p0 =	sne.s32 s0, $0x0;
	s0 =	rddreg [dreg:$0x2]  }
0x91: {  	s0 =	sadd.s32 @!p0 $0x100000, s0  }
0x92: {  	[sflag:s0] =	ssyncadd.tile.s32 @!p0 $0x1;
	_ =	shalt  }
.Lfunc_end2:
_tile_overlayer_lowered:
.L_overlay_start_2:
0x93: {  	(tag) =	ssettag $0x2  }
0x94: {  	s0 =	rddreg [dreg:$0x0];
	s2 =	stileid.u32  }
0x95: {  	s1 =	rddreg [dreg:$0x1];
	p0 =	sne.s32 s2, $0x0  }
0x96: {  	s3 =	rddreg [dreg:$0x2];
	[bflag:$0x3] =	sbarrier.arrive $0xFFFF;
	s2 =	simm.s32 @!p0 $0x1C02  }
0x97: {  	[timem:s3], [sflag:s2] =	dma.local @!p0 [hbm:s0], s1  }
0x98: {  	s0 =	simm.s32 @!p0 $0x2  }
0x99: {  	_ =	swait.ge @!p0 [sflag:s0], s1  }
0x9a: {  	s1 =	ssub.s32 @!p0 $0x0, s1;
	[sflag:s0] =	ssyncset.done @!p0 $0x0  }
0x9b: {  	[sflag:s0] =	ssyncadd.s32 @!p0 s1  }
0x9c: {  	[bflag:$0x3] =	sbarrier.arrive $0xFFFF  }
0x9d: {  	_ =	shalt  }

// kernel: kernel.13.cloned.1.call-start
scs
__scs_entry_jumppad:
0x0: {  	(pc) =	sbr.rel $0x88, $3  }
0x1: {  	(tag) =	ssettag $0x0;
	lr =	simm.s32 $0x1  }
0x2: {  	[smem:$0x3F86] =	sst lr;
	_ =	strace $0xD0000000  }
0x3: {  	_ = 	snop  }
0x4: {  	_ = 	snop  }
0x5: {  	_ = 	snop  }
0x6: {  	_ = 	snop  }
0x7: {  	_ = 	snop  }
__scs_overlays_trampoline_lowered:
0x8: {  	[smem:$0x3F95] =	sst s0  }
0x9: {  	[smem:$0x3F96] =	sst s1  }
0xa: {  	[smem:$0x3F97] =	sst s2  }
0xb: {  	[smem:$0x3F98] =	sst s3  }
0xc: {  	[smem:$0x3F99] =	sst s4  }
0xd: {  	[smem:$0x3F9A] =	sst s5  }
0xe: {  	[smem:$0x3F9B] =	sst s6  }
0xf: {  	[smem:$0x3F9C] =	sst s7  }
0x10: {  	[smem:$0x3F9D] =	sst s8  }
0x11: {  	[smem:$0x3F9E] =	sst s9;
	s0 =	simm.s32 @!p0 $0x0  }
0x12: {  	s1 =	sld [smem:$0x3F84];
	s0 =	simm.s32 @p0 $0x1  }
0x13: {  	[smem:$0x3F9F] =	sst s0;
	s0 =	simm.s32 @!p1 $0x0  }
0x14: {  	s2 =	sld [smem:$0x3F83];
	s0 =	simm.s32 @p1 $0x1  }
0x15: {  	[smem:$0x3FA0] =	sst s0;
	s0 =	simm.s32 @!p2 $0x0  }
0x16: {  	s3 =	sld [smem:$0x3FDB];
	s0 =	simm.s32 @p2 $0x1  }
0x17: {  	s4 =	simm.s32 $0x1BF5;
	[smem:$0x3FA2] =	sst s0  }
0x18: {  	s0 =	sld [smem:$0x3F85];
	_ =	swait.ge [sflag:s4], $0x0  }
0x19: {  	s7 =	sld [smem:$0x3F86]  }
0x1a: {  	s8 =	sadd.s32 $0xFFFFE003, lr  }
0x1b: {  	s9 =	sadd.s32 $0xFFFFFEF7, lr;
	s5 =	simm.s32 $0xFFFFFFFF;
	p2 =	slt.u32 s8, $0xFFFFF086  }
0x1c: {  	p1 =	slt.u32 s9, $0xF7A;
	s5 =	simm.s32 @!p2 $0x0  }
0x1d: {  	s5 =	simm.s32 @p1 $0x1;
	p0 =	seq.s32 s7, s2  }
0x1e: {  	s7 =	smul.u32 @!p0 $0xF7A, s2;
	p2 =	seq.s32 @!p0 s5, $0x0  }
0x1f: {  	s9 =	smul.u32 $0xF7A, s1;
	s8 =	simm.s32 @!p0 $0x1BF5;
	p2 =	por !p2, p0  }
0x20: {  	[sflag:s8] =	ssyncset.s32 @!p0 $0xFFFFF086;
	s6 =	sadd.s32 @!p0 s3, s7;
	s7 =	simm.s32 @!p0 $0x108  }
0x21: {  	s3 =	sadd.s32 s3, s9;
	s6 =	sadd.s32 @!p0 $0x88, s6;
	s7 =	simm.s32 @p2 $0x1082  }
0x22: {  	[simem:s7], [sflag:s8] =	dma.local @!p0 [hbm:s6], $0xF7A  }
0x23: {  	s9 =	sor.u32 $0xD0000000, s2;
	s6 =	simm.s32 $0x108;
	_ =	swait.ge @!p0 [sflag:s8], $0x0  }
0x24: {  	s3 =	sadd.s32 $0x88, s3;
	s6 =	simm.s32 @!p1 $0x1082;
	[sflag:s4] =	ssyncset.s32 $0xFFFFF086  }
0x25: {  	[simem:s6], [sflag:s4] =	dma.local [hbm:s3], $0xF7A  }
0x26: {  	[smem:$0x3F86] =	sst s1;
	(tag) =	ssettag s2;
	_ =	strace s9  }
0x27: {  	s1 =	sld [smem:$0x3F96]  }
0x28: {  	s2 =	sld [smem:$0x3F97]  }
0x29: {  	s4 =	sld [smem:$0x3F99]  }
0x2a: {  	p0 =	seq.s32 s5, $0x0;
	s5 =	sld [smem:$0x3F9A]  }
0x2b: {  	s6 =	sld [smem:$0x3F9B]  }
0x2c: {  	s7 =	sld [smem:$0x3F9C]  }
0x2d: {  	s3 =	simm.s32 $0x108;
	s8 =	sld [smem:$0x3F9D]  }
0x2e: {  	s3 =	simm.s32 @!p0 $0x1082;
	s9 =	sld [smem:$0x3F9E]  }
0x2f: {  	lr =	sadd.s32 s0, s3;
	s0 =	sld [smem:$0x3F95]  }
0x30: {  	s3 =	sld [smem:$0x3F98]  }
0x31: {  	[smem:$0x3FA1] =	sst s10  }
0x32: {  	s10 =	sld [smem:$0x3F9F];
	_ =	sdelay $0x3  }
0x33: {  	p0 =	seq.s32 s10, $0x1;
	s10 =	sld [smem:$0x3FA1];
	_ =	sdelay $0x3  }
0x34: {  	[smem:$0x3FA1] =	sst s10  }
0x35: {  	s10 =	sld [smem:$0x3FA0];
	_ =	sdelay $0x3  }
0x36: {  	p1 =	seq.s32 s10, $0x1;
	s10 =	sld [smem:$0x3FA1];
	_ =	sdelay $0x3  }
0x37: {  	[smem:$0x3FA1] =	sst s10  }
0x38: {  	s10 =	sld [smem:$0x3FA2]  }
0x39: {  	_ = 	snop;
	(pc) =	sbr.ind lr, $3  }
0x3a: {  	_ = 	snop  }
0x3b: {  	_ = 	snop  }
0x3c: {  	p2 =	seq.s32 s10, $0x1;
	s10 =	sld [smem:$0x3FA1]  }
0x3d: {  	_ =	shalt  }
0x3e: {  	_ =	shalt  }
0x3f: {  	_ =	shalt  }
0x40: {  	_ =	shalt  }
0x41: {  	_ =	shalt  }
0x42: {  	_ =	shalt  }
0x43: {  	_ =	shalt  }
0x44: {  	_ =	shalt  }
0x45: {  	_ =	shalt  }
0x46: {  	_ =	shalt  }
0x47: {  	_ =	shalt  }
0x48: {  	_ =	shalt  }
0x49: {  	_ =	shalt  }
0x4a: {  	_ =	shalt  }
0x4b: {  	_ =	shalt  }
0x4c: {  	_ =	shalt  }
0x4d: {  	_ =	shalt  }
0x4e: {  	_ =	shalt  }
0x4f: {  	_ =	shalt  }
0x50: {  	_ =	shalt  }
0x51: {  	_ =	shalt  }
0x52: {  	_ =	shalt  }
0x53: {  	_ =	shalt  }
0x54: {  	_ =	shalt  }
0x55: {  	_ =	shalt  }
0x56: {  	_ =	shalt  }
0x57: {  	_ =	shalt  }
0x58: {  	_ =	shalt  }
0x59: {  	_ =	shalt  }
0x5a: {  	_ =	shalt  }
0x5b: {  	_ =	shalt  }
0x5c: {  	_ =	shalt  }
0x5d: {  	_ =	shalt  }
0x5e: {  	_ =	shalt  }
0x5f: {  	_ =	shalt  }
0x60: {  	_ =	shalt  }
0x61: {  	_ =	shalt  }
0x62: {  	_ =	shalt  }
0x63: {  	_ =	shalt  }
0x64: {  	_ =	shalt  }
0x65: {  	_ =	shalt  }
0x66: {  	_ =	shalt  }
0x67: {  	_ =	shalt  }
0x68: {  	_ =	shalt  }
0x69: {  	_ =	shalt  }
0x6a: {  	_ =	shalt  }
0x6b: {  	_ =	shalt  }
0x6c: {  	_ =	shalt  }
0x6d: {  	_ =	shalt  }
0x6e: {  	_ =	shalt  }
0x6f: {  	_ =	shalt  }
0x70: {  	_ =	shalt  }
0x71: {  	_ =	shalt  }
0x72: {  	_ =	shalt  }
0x73: {  	_ =	shalt  }
0x74: {  	_ =	shalt  }
0x75: {  	_ =	shalt  }
0x76: {  	_ =	shalt  }
0x77: {  	_ =	shalt  }
0x78: {  	_ =	shalt  }
0x79: {  	_ =	shalt  }
0x7a: {  	_ =	shalt  }
0x7b: {  	_ =	shalt  }
0x7c: {  	_ =	shalt  }
0x7d: {  	_ =	shalt  }
0x7e: {  	_ =	shalt  }
0x7f: {  	_ =	shalt  }
0x80: {  	_ =	shalt  }
0x81: {  	_ =	shalt  }
0x82: {  	_ =	shalt  }
0x83: {  	_ =	shalt  }
0x84: {  	_ =	shalt  }
0x85: {  	_ =	shalt  }
0x86: {  	_ =	shalt  }
0x87: {  	_ =	shalt  }
.Lfunc_end0:
.L_simem_size_0:
called_computation.1_lowered:
.L_overlay_start_0:
0x88: {  	s2 =	sld [smem:$0x3FD9]  }
0x89: {  	s3 =	sld [smem:$0x3FFE];
	_ =	sdelay $0x1  }
0x8a: {  	s1 =	srdreg.scid  }
0x8b: {  	s0 =	sand.u32 $0x1, s1  }
0x8c: {  	s16 =	sshll.u32 s0, $0xA;
	s2 =	sadd.s32 s3, s2  }
0x8d: {  	s2 =	sadd.s32 s2, s16  }
0x8e: {  	[smem:$0x3FAD] =	sst s2  }
0x8f: {  	_ = 	snop  }
0x90: {  	(tm) =	ssettm $0x1  }
0x91: {  	s17 =	sld [smem:$0x3FFB];
	_ =	sdelay $0x3  }
0x92: {  	_ =	strace s17  }
0x93: {  	s2 =	sld [smem:$0x3FFC];
	_ =	sdelay $0x3  }
0x94: {  	_ =	strace s2  }
0x95: {  	s2 =	sld [smem:$0x3FFD];
	_ =	sdelay $0x3  }
0x96: {  	_ =	strace s2  }
0x97: {  	_ =	strace $0x8FFFFFFF  }
0x98: {  	s18 =	sld [smem:$0x3FDB];
	_ =	sdelay $0x1  }
0x99: {  	s19 =	simm.s32 $_scs_section_size  }
0x9a: {  	s4 =	simm.s32 $_size__tile_overlayer_lowered;
	s5 =	simm.s32 $_tile_overlayer_lowered  }
0x9b: {  	s22 =	simm.s32 $0x1BFF;
	s21 =	sshll.u32 s5, $0x1;
	s2 =	sadd.s32 s19, s18  }
0x9c: {  	s6 =	simm.s32 $0x0;
	s20 =	sshll.u32 s4, $0x1;
	s4 =	sadd.s32 s21, s2  }
0x9d: {  	[timem:s6], [sflag:s22] =	dma.local [hbm:s4], s20  }
0x9e: {  	_ =	swait.ge [sflag:s22], s20  }
0x9f: {  	s3 =	ssub.s32 $0x0, s20;
	[sflag:s22] =	ssyncset.done $0x0  }
0xa0: {  	[sflag:s22] =	ssyncadd.s32 s3;
	_ =	sdelay $0x1  }
0xa1: {  	s23 =	simm.s32 $0x1B8B  }
0xa2: {  	_ =	swait.ge [sflag:s23], $0x1  }
0xa3: {  	[sflag:s23] =	ssyncset.done $0x0  }
0xa4: {  	s25 =	simm.s32 $0x1B8E;
	s24 =	sld [smem:$0x3FFE];
	[sflag:s23] =	ssyncadd.s32 $0xFFFFFFFF  }
0xa5: {  	s26 =	simm.s32 $execute0_lowered;
	[smem:$0x3FD2] =	sst s25  }
0xa6: {  	s4 =	sshll.u32 s26, $0x1;
	_ =	strace $0x80000049;
	[dreg:$0x1] =	wrdreg $0xFFFFFFFF  }
0xa7: {  	s28 =	simm.s32 $_size_execute0_lowered;
	s2 =	sadd.s32 s2, s4;
	[dreg:$0x0] =	wrdreg $0x0  }
0xa8: {  	s4 =	sshll.u32 s28, $0x1;
	[dreg:$0x2] =	wrdreg s2  }
0xa9: {  	[dreg:$0x3] =	wrdreg s4  }
0xaa: {  	[dreg:$0x4] =	wrdreg $0xC0  }
0xab: {  	_ =	task [dreg:s6], $0x5FFFF  }
0xac: {  	[dreg:$0x1] =	wrdreg $0xFFFFFFFF  }
0xad: {  	[dreg:$0x0] =	wrdreg $0x60  }
0xae: {  	[dreg:$0x2] =	wrdreg s24  }
0xaf: {  	[dreg:$0x3] =	wrdreg $0xB9000  }
0xb0: {  	[dreg:$0x4] =	wrdreg $0x9  }
0xb1: {  	_ =	task.clear_ibuf [dreg:s6], $0x5FFFF;
	_ =	strace $0x90000049  }
0xb2: {  	s29 =	simm.s32 $0x9;
	_ =	strace $0x8000004B  }
0xb3: {  	_ =	swait.ge [sflag:s29], $0x1  }
0xb4: {  	[sflag:s29] =	ssyncadd.s32 $0xFFFFFFFF  }
0xb5: {  	_ =	strace $0x9000004B  }
0xb6: {  	_ =	sfence  }
0xb7: {  	s30 =	sld [smem:$0x0];
	_ =	sdelay $0x2  }
0xb8: {  	s31 =	sshll.u32 s1, $0xD;
	s1 =	sshrl.u32 s1, $0x2  }
0xb9: {  	s3 =	sand.u32 $0x4000, s31;
	s1 =	sadd.s32 s1, s30  }
0xba: {  	s0 =	sor.u32 s3, s0;
	s1 =	sshll.u32 s1, $0x11  }
0xbb: {  	s0 =	sor.u32 s1, s0  }
0xbc: {  	s0 =	sadd.s32 $0x8F2B, s0  }
0xbd: {  	[sflag:s0] =	ssyncadd.remote.s32 $0x1  }
0xbe: {  	_ =	sfence.sel $0xFFFF  }
0xbf: {  	[dreg:$0x0] =	wrdreg $0xFFFFFFFF;
	(pc) =	sbr.abs _section_cstart, $3  }
0xc0: {  	[dreg:$0x1] =	wrdreg $0xFFFFFFFF  }
0xc1: {  	_ =	task.clear_ibuf [dreg:s6], $0x2FFFF;
	_ =	strace $0x9FFFFFFF  }
0xc2: {  	(tm) =	ssettm $0x7FFFFFFF  }
0xc3: {  	_ =	shalt  }
tec
execute0_lowered:
.L_overlay_start_1:
0x0: {  	(tag) =	ssettag $0x1  }
0x1: {  	s0 =	rddreg [dreg:$0x0]  }
0x2: {  	s2 =	rddreg [dreg:$0x1]  }
0x3: {  	s3 =	srdreg.scid;
	s1 =	stileid.u32;
	s29 =	simm.s32 $0x5000  }
0x4: {  	s30 =	simm.s32 $0x7900;
	s5 =	sand.u32 $0x1, s3;
	s7 =	smul.u32 $0x1F400, s1  }
0x5: {  	s31 =	simm.s32 $0x40;
	s4 =	sshll.u32 s1, $0x1;
	s6 =	smul.u32 $0x138800, s5  }
0x6: {  	s11 =	simm.s32 $0x2;
	s13 =	smul.u32 $0x7D000, s1;
	s4 =	sor.u32 s5, s4  }
0x7: {  	s3 =	simm.s32 $0x0;
	s8 =	smul.u32 $0x500, s4;
	s6 =	sadd.s32 s7, s6  }
0x8: {  	s4 =	sadd.s32 $0x7AA00, s0;
	s7 =	sshrl.u32 s13, $0x2;
	s6 =	sshrl.u32 s6, $0x3  }
0x9: {  	s8 =	sadd.s32 s8, s0;
	s0 =	sadd.s32 s6, s0;
	s6 =	sadd.s32 s7, s2  }
0xa: {  	s28 =	simm.s32 $0x7880;
	[smem:$0x7FF] =	sst s3;
	s10 =	sadd.s32 $0x2000, s6  }
0xb: {  	_ =	strace $0x8000004A;
	s15 =	sadd.s32 $0x4000, s6;
	[dreg:$0x3] =	wrdreg s10  }
0xc: {  	s12 =	simm.s32 $0x3;
	s16 =	sadd.s32 $0x6000, s6;
	[dreg:$0x4] =	wrdreg s15  }
0xd: {  	p0 =	sgt.u32 s1, $0x9;
	s17 =	sadd.s32 $0x8000, s6;
	[dreg:$0x5] =	wrdreg s16  }
0xe: {  	s5 =	ssub.s32 $0x2, s5;
	s18 =	sadd.s32 $0xA000, s6;
	[dreg:$0x6] =	wrdreg s17  }
0xf: {  	s14 =	sshrl.u32 s5, $0x1;
	s19 =	sadd.s32 $0xC000, s6;
	[dreg:$0x7] =	wrdreg s18  }
0x10: {  	s9 =	ssub.s32 s5, s14;
	s20 =	sadd.s32 $0xE000, s6;
	[dreg:$0x8] =	wrdreg s19  }
0x11: {  	s13 =	simm.s32 $0x4;
	s21 =	sadd.s32 $0x10000, s6;
	[dreg:$0x9] =	wrdreg s20  }
0x12: {  	s14 =	simm.s32 $0x0;
	s22 =	sadd.s32 $0x12000, s6;
	[dreg:$0xa] =	wrdreg s21  }
0x13: {  	s5 =	sadd.s32 $0xE800, s8;
	s23 =	sadd.s32 $0x14000, s6;
	[dreg:$0xb] =	wrdreg s22  }
0x14: {  	s7 =	sadd.s32 $0x18800, s8;
	s24 =	sadd.s32 $0x16000, s6;
	[dreg:$0xc] =	wrdreg s23  }
.Ltmp0:
0x15: {  	s25 =	sadd.s32 $0x18000, s6;
	[dreg:$0xd] =	wrdreg s24;
	(pc) =	sbr.rel .LBB2_1-.Ltmp0, $4  }
0x16: {  	s8 =	sadd.s32 $0x70A00, s8;
	s26 =	sadd.s32 $0x1A000, s6;
	[dreg:$0xe] =	wrdreg s25  }
0x17: {  	[dreg:$0xf] =	wrdreg s26;
	s22 =	sadd.s32 $0x1C000, s6;
	s23 =	sadd.s32 $0x1E000, s6  }
0x18: {  	s24 =	sadd.s32 $0xA1C00, s0;
	s25 =	smax.u32 s9, $0x1;
	s26 =	simm.s32 $0x5  }
0x19: {  	v0 =	vimm.f32 $0.0e+00;
	s0 =	simm.s32 $0x9900;
	s9 =	simm.s32 $0x1;
	s10 =	simm.s32 $0x7800  }
.LBB2_11:
0x1a: {  	_ =	swait.ge [sflag:s13], $0x2000  }
0x1b: {  	[sflag:s13] =	ssyncset.done $0x0  }
0x1c: {  	[sflag:s13] =	ssyncadd.s32 $0xFFFFE000  }
.LBB2_13:
0x1d: {  	s15 =	sshll.u32 @!p0 s1, $0x6;
	[bflag:$0x0] =	sbarrier.arrive $0xFFFF;
	s14 =	sadd.s32 $0x1, s14  }
0x1e: {  	s16 =	sshrl.u32 @!p0 s6, $0x3;
	s15 =	sor.u32 @!p0 $0x1C05, s15;
	p1 =	sne.s32 s14, s25  }
0x1f: {  	[hbm:s24], [sflag:s15] =	dma.local @!p0 [spmem:s16], $0x3E80  }
.Ltmp1:
0x20: {  	_ = 	snop;
	(pc) =	sbr.rel @!p1 .LBB2_14-.Ltmp1, $4  }
0x21: {  	s15 =	simm.s32 @!p0 $0x5  }
0x22: {  	_ =	swait.ge @!p0 [sflag:s15], $0x3E80  }
0x23: {  	[sflag:s15] =	ssyncset.done @!p0 $0x0  }
0x24: {  	[sflag:s15] =	ssyncadd.s32 @!p0 $0xFFFFC180  }
.LBB2_1:
0x25: {  	[tilespmem:s3], [sflag:$0x5] =	stream.linear.gather [hbm4b:s5+s3], $0x2800, $0x38;
	[tilespmem:$0x1F180] =	vst v63  }
0x26: {  	_ =	swait.ge [sflag:s26], $0x2800  }
0x27: {  	[sflag:s26] =	ssyncset.done $0x0  }
0x28: {  	s15 =	simm.s32 $0x2800;
	[sflag:s26] =	ssyncadd.s32 $0xFFFFD800  }
0x29: {  	[tilespmem:s15], [sflag:$0x5] =	stream.linear.gather [hbm4b:s7+s3], $0x2800, $0x38;
	[tilespmem:$0x1F180] =	vst v63  }
0x2a: {  	_ =	swait.ge [sflag:s26], $0x2800  }
0x2b: {  	[sflag:s26] =	ssyncset.done $0x0  }
0x2c: {  	[sflag:s26] =	ssyncadd.s32 $0xFFFFD800  }
0x2d: {  	[tilespmem:s29], [sflag:$0x5] =	stream.linear.gather [hbm4b:s8+s3], $0x2800, $0x38;
	[tilespmem:$0x1F180] =	vst v63  }
0x2e: {  	_ =	swait.ge [sflag:s26], $0x2800  }
0x2f: {  	[sflag:s26] =	ssyncset.done $0x0  }
0x30: {  	s16 =	simm.s32 $0x200;
	s15 =	simm.s32 $0x0;
	[sflag:s26] =	ssyncadd.s32 $0xFFFFD800  }
.LBB2_2:
0x31: {  	p1 =	sne.s32 s16, $0x7E00;
	[tilespmem:s15+$0x7970] =	vst v0  }
0x32: {  	[tilespmem:s15+$0x7900] =	vst v0  }
0x33: {  	[tilespmem:s15+$0x7910] =	vst v0  }
.Ltmp2:
0x34: {  	[tilespmem:s15+$0x7920] =	vst v0;
	(pc) =	sbr.rel @p1 .LBB2_2-.Ltmp2, $4  }
0x35: {  	[tilespmem:s15+$0x7930] =	vst v0  }
0x36: {  	[tilespmem:s15+$0x7940] =	vst v0  }
0x37: {  	[tilespmem:s15+$0x7950] =	vst v0  }
0x38: {  	[tilespmem:s15+$0x7960] =	vst v0;
	s15 =	sshra.s32 s16, $0x2;
	s16 =	sadd.s32 $0x200, s16  }
0x39: {  	[tilespmem:s15+$0x7970] =	vst v0  }
0x3a: {  	[tilespmem:s15+$0x7900] =	vst v0  }
0x3b: {  	[tilespmem:s15+$0x7910] =	vst v0  }
.Ltmp3:
0x3c: {  	[tilespmem:s15+$0x7920] =	vst v0;
	(pc) =	sbr.rel @p0 .LBB2_5-.Ltmp3, $4  }
0x3d: {  	[tilespmem:s15+$0x7930] =	vst v0  }
0x3e: {  	[tilespmem:s15+$0x7940] =	vst v0  }
0x3f: {  	[tilespmem:s15+$0x7950] =	vst v0  }
0x40: {  	[tilespmem:s15+$0x7960] =	vst v0  }
0x41: {  	[spmem:s6] =	stream.linear.scatter [tilespmem:s30], [sflag:$0x5], $0x2000, $0x38;
	[tilespmem:$0x1F180] =	vst v63  }
0x42: {  	_ =	swait.ge [sflag:s26], $0x2000  }
0x43: {  	[sflag:s26] =	ssyncset.done $0x0  }
0x44: {  	s15 =	rddreg [dreg:$0x3];
	[sflag:s26] =	ssyncadd.s32 $0xFFFFE000  }
0x45: {  	[spmem:s15] =	stream.linear.scatter [tilespmem:s30], [sflag:$0x5], $0x2000, $0x38;
	[tilespmem:$0x1F180] =	vst v63  }
0x46: {  	_ =	swait.ge [sflag:s26], $0x2000  }
0x47: {  	[sflag:s26] =	ssyncset.done $0x0  }
0x48: {  	s16 =	rddreg [dreg:$0x4];
	[sflag:s26] =	ssyncadd.s32 $0xFFFFE000  }
0x49: {  	[spmem:s16] =	stream.linear.scatter [tilespmem:s30], [sflag:$0x5], $0x2000, $0x38;
	[tilespmem:$0x1F180] =	vst v63  }
0x4a: {  	_ =	swait.ge [sflag:s26], $0x2000  }
0x4b: {  	[sflag:s26] =	ssyncset.done $0x0  }
0x4c: {  	s17 =	rddreg [dreg:$0x5];
	[sflag:s26] =	ssyncadd.s32 $0xFFFFE000  }
0x4d: {  	[spmem:s17] =	stream.linear.scatter [tilespmem:s30], [sflag:$0x5], $0x2000, $0x38;
	[tilespmem:$0x1F180] =	vst v63  }
0x4e: {  	_ =	swait.ge [sflag:s26], $0x2000  }
0x4f: {  	[sflag:s26] =	ssyncset.done $0x0  }
0x50: {  	s18 =	rddreg [dreg:$0x6];
	[sflag:s26] =	ssyncadd.s32 $0xFFFFE000  }
0x51: {  	[spmem:s18] =	stream.linear.scatter [tilespmem:s30], [sflag:$0x5], $0x2000, $0x38;
	[tilespmem:$0x1F180] =	vst v63  }
0x52: {  	_ =	swait.ge [sflag:s26], $0x2000  }
0x53: {  	[sflag:s26] =	ssyncset.done $0x0  }
0x54: {  	s19 =	rddreg [dreg:$0x7];
	[sflag:s26] =	ssyncadd.s32 $0xFFFFE000  }
0x55: {  	[spmem:s19] =	stream.linear.scatter [tilespmem:s30], [sflag:$0x5], $0x2000, $0x38;
	[tilespmem:$0x1F180] =	vst v63  }
0x56: {  	_ =	swait.ge [sflag:s26], $0x2000  }
0x57: {  	[sflag:s26] =	ssyncset.done $0x0  }
0x58: {  	s20 =	rddreg [dreg:$0x8];
	[sflag:s26] =	ssyncadd.s32 $0xFFFFE000  }
0x59: {  	[spmem:s20] =	stream.linear.scatter [tilespmem:s30], [sflag:$0x5], $0x2000, $0x38;
	[tilespmem:$0x1F180] =	vst v63  }
0x5a: {  	_ =	swait.ge [sflag:s26], $0x2000  }
0x5b: {  	[sflag:s26] =	ssyncset.done $0x0  }
0x5c: {  	s21 =	rddreg [dreg:$0x9];
	[sflag:s26] =	ssyncadd.s32 $0xFFFFE000  }
0x5d: {  	[spmem:s21] =	stream.linear.scatter [tilespmem:s30], [sflag:$0x5], $0x2000, $0x38;
	[tilespmem:$0x1F180] =	vst v63  }
0x5e: {  	_ =	swait.ge [sflag:s26], $0x2000  }
0x5f: {  	[sflag:s26] =	ssyncset.done $0x0  }
0x60: {  	s16 =	rddreg [dreg:$0xa];
	[sflag:s26] =	ssyncadd.s32 $0xFFFFE000  }
0x61: {  	[spmem:s16] =	stream.linear.scatter [tilespmem:s30], [sflag:$0x5], $0x2000, $0x38;
	[tilespmem:$0x1F180] =	vst v63  }
0x62: {  	_ =	swait.ge [sflag:s26], $0x2000  }
0x63: {  	[sflag:s26] =	ssyncset.done $0x0  }
0x64: {  	s17 =	rddreg [dreg:$0xb];
	[sflag:s26] =	ssyncadd.s32 $0xFFFFE000  }
0x65: {  	[spmem:s17] =	stream.linear.scatter [tilespmem:s30], [sflag:$0x5], $0x2000, $0x38;
	[tilespmem:$0x1F180] =	vst v63  }
0x66: {  	_ =	swait.ge [sflag:s26], $0x2000  }
0x67: {  	[sflag:s26] =	ssyncset.done $0x0  }
0x68: {  	s18 =	rddreg [dreg:$0xc];
	[sflag:s26] =	ssyncadd.s32 $0xFFFFE000  }
0x69: {  	[spmem:s18] =	stream.linear.scatter [tilespmem:s30], [sflag:$0x5], $0x2000, $0x38;
	[tilespmem:$0x1F180] =	vst v63  }
0x6a: {  	_ =	swait.ge [sflag:s26], $0x2000  }
0x6b: {  	[sflag:s26] =	ssyncset.done $0x0  }
0x6c: {  	s19 =	rddreg [dreg:$0xd];
	[sflag:s26] =	ssyncadd.s32 $0xFFFFE000  }
0x6d: {  	[spmem:s19] =	stream.linear.scatter [tilespmem:s30], [sflag:$0x5], $0x2000, $0x38;
	[tilespmem:$0x1F180] =	vst v63  }
0x6e: {  	_ =	swait.ge [sflag:s26], $0x2000  }
0x6f: {  	[sflag:s26] =	ssyncset.done $0x0  }
0x70: {  	s20 =	rddreg [dreg:$0xe];
	[sflag:s26] =	ssyncadd.s32 $0xFFFFE000  }
0x71: {  	[spmem:s20] =	stream.linear.scatter [tilespmem:s30], [sflag:$0x5], $0x2000, $0x38;
	[tilespmem:$0x1F180] =	vst v63  }
0x72: {  	_ =	swait.ge [sflag:s26], $0x2000  }
0x73: {  	[sflag:s26] =	ssyncset.done $0x0  }
0x74: {  	s21 =	rddreg [dreg:$0xf];
	[sflag:s26] =	ssyncadd.s32 $0xFFFFE000  }
0x75: {  	[spmem:s21] =	stream.linear.scatter [tilespmem:s30], [sflag:$0x5], $0x2000, $0x38;
	[tilespmem:$0x1F180] =	vst v63  }
0x76: {  	_ =	swait.ge [sflag:s26], $0x2000  }
0x77: {  	[sflag:s26] =	ssyncset.done $0x0  }
0x78: {  	[sflag:s26] =	ssyncadd.s32 $0xFFFFE000  }
0x79: {  	[spmem:s22] =	stream.linear.scatter [tilespmem:s30], [sflag:$0x5], $0x2000, $0x38;
	[tilespmem:$0x1F180] =	vst v63  }
0x7a: {  	_ =	swait.ge [sflag:s26], $0x2000  }
0x7b: {  	[sflag:s26] =	ssyncset.done $0x0  }
0x7c: {  	[sflag:s26] =	ssyncadd.s32 $0xFFFFE000  }
0x7d: {  	[spmem:s23] =	stream.linear.scatter [tilespmem:s30], [sflag:$0x5], $0x1400, $0x38;
	[tilespmem:$0x1F180] =	vst v63  }
0x7e: {  	_ =	swait.ge [sflag:s26], $0x1400  }
0x7f: {  	[sflag:s26] =	ssyncset.done $0x0  }
0x80: {  	[sflag:s26] =	ssyncadd.s32 $0xFFFFEC00  }
.LBB2_5:
0x81: {  	[bflag:$0x0] =	sbarrier.arrive $0xFFFF;
	s15 =	simm.s32 $0x0  }
0x82: {  	[tilespmem:s30], [sflag:$0x1] =	stream.indirect.gather [hbm4b:s4+s31], $0x80, s15, s31, $0xb8;
	[tilespmem:$0x1F180] =	vst v63  }
0x83: {  	s16 =	simm.s32 $0x0  }
0x84: {  	[tilespmem:s0], [sflag:$0x2] =	stream.indirect.gather [hbm4b:s4+s31], $0x80, s31, s31, $0xb8;
	[tilespmem:$0x1F180] =	vst v63  }
.LBB2_6:
0x85: {  	v1 =	vmov s16;
	v2 =	vmov s15  }
0x86: {  	_ =	swait.ge [sflag:s9], $0x2000;
	v1 =	vshll.u32 v1, $0x7;
	v2 =	vand.u32 $0x7E, v2  }
0x87: {  	[sflag:s9] =	ssyncset.done $0x0;
	v2 =	vor.u32 v1, v2  }
0x88: {  	s17 =	simm.s32 $0x7980;
	[sflag:s9] =	ssyncadd.s32 $0xFFFFE000;
	v2 =	vbroadcast v2, $0x0  }
0x89: {  	v7 =	vld [tilespmem:s17+$0x70]  }
0x8a: {  	v4 =	vld [tilespmem:s17+$0xFFFFFFD0]  }
0x8b: {  	s18 =	simm.s32 $0x1;
	v5 =	vld [tilespmem:s17+$0xFFFFFFF0]  }
0x8c: {  	v3 =	vmov s18;
	v6 =	vld [tilespmem:s17+$0xFFFFFFB0]  }
0x8d: {  	v3 =	vand.u32 $0x7F, v3;
	v9 =	vld [tilespmem:s17+$0xFFFFFFA0]  }
0x8e: {  	v8 =	vld.idx.msk [tilespmem:v2+s29+$0x0], $0xffff;
	v2 =	vor.u32 v1, v3  }
0x8f: {  	v3 =	vld [tilespmem:s17+$0xFFFFFF80];
	v2 =	vbroadcast v2, $0x0  }
0x90: {  	v10 =	vld [tilespmem:s17+$0xFFFFFF90]  }
0x91: {  	v11 =	vld [tilespmem:s17+$0xFFFFFFC0]  }
0x92: {  	v12 =	vld [tilespmem:s17+$0xFFFFFFE0]  }
0x93: {  	v13 =	vld [tilespmem:s17+$0x50]  }
0x94: {  	v63 =	vld [tilespmem:s17+$0x20];
	v14 =	vmul.f32 v3, v8  }
0x95: {  	v4 =	vmul.f32 v4, v8;
	v3 =	vld.idx.msk [tilespmem:v2+s29+$0x0], $0xffff  }
0x96: {  	v6 =	vmul.f32 v6, v8;
	v2 =	vmul.f32 v9, v8;
	v9 =	vld [tilespmem:s17+$0x0];
	[tilespmem:s17+$0xFFFFFF80] =	vst v14  }
0x97: {  	v15 =	vmul.f32 v5, v8;
	v5 =	vld [tilespmem:s17+$0x10];
	[tilespmem:s17+$0xFFFFFFD0] =	vst v4  }
0x98: {  	v11 =	vmul.f32 v11, v8;
	[tilespmem:s17+$0xFFFFFFB0] =	vst v6;
	v6 =	vld [tilespmem:s17+$0x60]  }
0x99: {  	v4 =	vmul.f32 v10, v8;
	v10 =	vmul.f32 v12, v8;
	[tilespmem:s17+$0xFFFFFFF0] =	vst v15;
	v8 =	vld [tilespmem:s17+$0x40]  }
0x9a: {  	[tilespmem:s17+$0xFFFFFFA0] =	vst v2;
	v2 =	vld [tilespmem:s17+$0x30]  }
0x9b: {  	[tilespmem:s17+$0xFFFFFFC0] =	vst v11;
	v9 =	vmul.f32 v9, v3;
	v11 =	vmul.f32 v7, v3  }
0x9c: {  	s19 =	simm.s32 $0x7980;
	s18 =	simm.s32 $0x2;
	[tilespmem:s17+$0xFFFFFFE0] =	vst v10;
	v7 =	vmul.f32 v63, v3;
	v10 =	vmul.f32 v13, v3  }
.LBB2_7:
0x9d: {  	p1 =	sne.s32 s18, $0x3E  }
0x9e: {  	v12 =	vmov s18;
	[tilespmem:s17+$0xFFFFFF90] =	vst v4;
	v4 =	vmul.f32 v5, v3;
	v5 =	vmul.f32 v6, v3;
	s19 =	sadd.s32 $0x100, s19;
	s20 =	smov.u32 s18;
	s18 =	sadd.s32 $0x2, s18  }
0x9f: {  	v2 =	vmul.f32 v2, v3;
	v6 =	vand.u32 $0x7E, v12;
	v3 =	vmul.f32 v8, v3;
	[tilespmem:s17+$0x70] =	vst v11  }
0xa0: {  	v6 =	vor.u32 v1, v6;
	[tilespmem:s17+$0x0] =	vst v9  }
0xa1: {  	v6 =	vbroadcast v6, $0x0;
	v11 =	vld [tilespmem:s19+$0x70];
	[tilespmem:s17+$0x50] =	vst v10  }
0xa2: {  	v8 =	vld [tilespmem:s19+$0xFFFFFFD0];
	[tilespmem:s17+$0x20] =	vst v7  }
0xa3: {  	v7 =	vld [tilespmem:s19+$0xFFFFFFF0];
	[tilespmem:s17+$0x30] =	vst v2  }
0xa4: {  	s20 =	sadd.s32 $0x1, s20;
	v2 =	vld [tilespmem:s19+$0x30];
	[tilespmem:s17+$0x40] =	vst v3  }
0xa5: {  	v3 =	vmov s20;
	v9 =	vld [tilespmem:s19+$0xFFFFFFB0];
	[tilespmem:s17+$0x60] =	vst v5  }
0xa6: {  	v3 =	vand.u32 $0x7F, v3;
	v5 =	vld [tilespmem:s19+$0xFFFFFF90];
	[tilespmem:s17+$0x10] =	vst v4;
	s17 =	smov.u32 s19  }
0xa7: {  	v3 =	vor.u32 v1, v3;
	v6 =	vld.idx.msk [tilespmem:v6+s29+$0x0], $0xffff  }
0xa8: {  	v3 =	vbroadcast v3, $0x0;
	v4 =	vld [tilespmem:s19+$0xFFFFFF80]  }
0xa9: {  	v10 =	vld [tilespmem:s19+$0xFFFFFFA0]  }
0xaa: {  	v12 =	vld [tilespmem:s19+$0xFFFFFFC0]  }
0xab: {  	v13 =	vld [tilespmem:s19+$0xFFFFFFE0]  }
0xac: {  	v14 =	vld [tilespmem:s19+$0x50]  }
0xad: {  	v15 =	vmul.f32 v4, v6;
	v4 =	vmul.f32 v5, v6;
	v16 =	vld [tilespmem:s19+$0x0]  }
0xae: {  	v9 =	vmul.f32 v9, v6;
	v3 =	vld.idx.msk [tilespmem:v3+s29+$0x0], $0xffff;
	v5 =	vmul.f32 v10, v6  }
0xaf: {  	v8 =	vmul.f32 v8, v6;
	[tilespmem:s19+$0xFFFFFF80] =	vst v15;
	v10 =	vmul.f32 v12, v6;
	v12 =	vld [tilespmem:s19+$0x20]  }
0xb0: {  	v7 =	vmul.f32 v7, v6;
	[tilespmem:s19+$0xFFFFFFA0] =	vst v5;
	v13 =	vmul.f32 v13, v6;
	v6 =	vld [tilespmem:s19+$0x60]  }
.Ltmp4:
0xb1: {  	[tilespmem:s19+$0xFFFFFFD0] =	vst v8;
	v5 =	vld [tilespmem:s19+$0x10];
	(pc) =	sbr.rel @p1 .LBB2_7-.Ltmp4, $4  }
0xb2: {  	[tilespmem:s19+$0xFFFFFFB0] =	vst v9;
	v8 =	vld [tilespmem:s19+$0x40]  }
0xb3: {  	[tilespmem:s19+$0xFFFFFFF0] =	vst v7  }
0xb4: {  	v9 =	vmul.f32 v16, v3;
	v11 =	vmul.f32 v11, v3;
	[tilespmem:s19+$0xFFFFFFC0] =	vst v10  }
0xb5: {  	v7 =	vmul.f32 v12, v3;
	v10 =	vmul.f32 v14, v3;
	[tilespmem:s19+$0xFFFFFFE0] =	vst v13  }
0xb6: {  	[tilespmem:s17+$0xFFFFFF90] =	vst v4  }
0xb7: {  	[tilespmem:s17+$0x70] =	vst v11  }
0xb8: {  	[tilespmem:s17+$0x0] =	vst v9  }
0xb9: {  	v2 =	vmul.f32 v2, v3;
	[tilespmem:s17+$0x50] =	vst v10  }
0xba: {  	v6 =	vmul.f32 v6, v3;
	[tilespmem:s17+$0x20] =	vst v7  }
0xbb: {  	v4 =	vmul.f32 v8, v3;
	[tilespmem:s17+$0x30] =	vst v2  }
0xbc: {  	v2 =	vmul.f32 v5, v3;
	[tilespmem:s17+$0x60] =	vst v6  }
0xbd: {  	s18 =	sshll.u32 s16, $0x7;
	[tilespmem:s17+$0x40] =	vst v4  }
0xbe: {  	[tilespmem:s17+$0x10] =	vst v2;
	s17 =	sand.u32 $0x3FFFFF80, s18  }
0xbf: {  	v2 =	vld [tilespmem:s17+$0x2800];
	_ =	sdelay $0x4  }
0xc0: {  	[tilespmem:$0x7800] =	vst v2  }
0xc1: {  	v2 =	vld [tilespmem:s17+$0x2810];
	_ =	sdelay $0x4  }
0xc2: {  	[tilespmem:$0x7810] =	vst v2  }
0xc3: {  	v2 =	vld [tilespmem:s17+$0x2820];
	_ =	sdelay $0x4  }
0xc4: {  	[tilespmem:$0x7820] =	vst v2  }
0xc5: {  	v2 =	vld [tilespmem:s17+$0x2830];
	_ =	sdelay $0x4  }
0xc6: {  	s21 =	simm.s32 $0x41;
	[tilespmem:$0x7830] =	vst v2  }
0xc7: {  	v2 =	vmov s21;
	[spmem:s2] =	stream.indirect.scatter.add.f32 [tilespmem:s30], [sflag:$0x3], $0x80, s10, s31, $0xb8;
	[tilespmem:$0x1F180] =	vst v63  }
0xc8: {  	v2 =	vand.u32 $0x7F, v2;
	_ =	swait.ge [sflag:s11], $0x2000  }
0xc9: {  	v2 =	vor.u32 v1, v2;
	[sflag:s11] =	ssyncset.done $0x0  }
0xca: {  	s18 =	simm.s32 $0x9980;
	v2 =	vbroadcast v2, $0x0;
	[sflag:s11] =	ssyncadd.s32 $0xFFFFE000  }
0xcb: {  	v6 =	vld [tilespmem:s18+$0xFFFFFFF0]  }
0xcc: {  	v5 =	vld [tilespmem:s18+$0x50]  }
0xcd: {  	s19 =	simm.s32 $0x40;
	v7 =	vld [tilespmem:s18+$0x70]  }
0xce: {  	v3 =	vmov s19;
	v8 =	vld [tilespmem:s18+$0x30]  }
0xcf: {  	v3 =	vand.u32 $0x7E, v3;
	v4 =	vld [tilespmem:s18+$0x10]  }
0xd0: {  	v3 =	vor.u32 v1, v3;
	v9 =	vld.idx.msk [tilespmem:v2+s29+$0x0], $0xffff  }
0xd1: {  	v2 =	vbroadcast v3, $0x0;
	v3 =	vld [tilespmem:s18+$0x0]  }
0xd2: {  	v10 =	vld [tilespmem:s18+$0x20]  }
0xd3: {  	v11 =	vld [tilespmem:s18+$0x40]  }
0xd4: {  	v12 =	vld [tilespmem:s18+$0x60]  }
0xd5: {  	v13 =	vld [tilespmem:s18+$0xFFFFFFD0]  }
0xd6: {  	v15 =	vld [tilespmem:s18+$0xFFFFFF80];
	v14 =	vmul.f32 v3, v9  }
0xd7: {  	v63 =	vld [tilespmem:s18+$0xFFFFFFA0];
	v10 =	vmul.f32 v10, v9  }
0xd8: {  	v5 =	vmul.f32 v5, v9;
	v3 =	vld.idx.msk [tilespmem:v2+s29+$0x0], $0xffff;
	[tilespmem:s18+$0x0] =	vst v14  }
0xd9: {  	v8 =	vmul.f32 v8, v9;
	v2 =	vmul.f32 v4, v9;
	v4 =	vld [tilespmem:s18+$0xFFFFFFE0];
	[tilespmem:s18+$0x20] =	vst v10  }
0xda: {  	[tilespmem:s18+$0x50] =	vst v5;
	v5 =	vld [tilespmem:s18+$0xFFFFFF90]  }
0xdb: {  	v12 =	vmul.f32 v12, v9;
	[tilespmem:s18+$0x30] =	vst v8;
	v8 =	vld [tilespmem:s18+$0xFFFFFFC0]  }
0xdc: {  	v16 =	vmul.f32 v11, v9;
	v7 =	vmul.f32 v7, v9;
	[tilespmem:s18+$0x10] =	vst v2;
	v2 =	vld [tilespmem:s18+$0xFFFFFFB0]  }
0xdd: {  	[tilespmem:s18+$0x60] =	vst v12;
	v9 =	vmul.f32 v15, v3;
	v11 =	vmul.f32 v6, v3  }
0xde: {  	s20 =	simm.s32 $0x9980;
	s19 =	simm.s32 $0x43;
	[tilespmem:s18+$0x40] =	vst v16;
	v6 =	vmul.f32 v63, v3;
	v10 =	vmul.f32 v13, v3  }
.LBB2_9:
0xdf: {  	p1 =	sne.s32 s19, $0x7F  }
0xe0: {  	v12 =	vmov s19;
	v5 =	vmul.f32 v5, v3;
	v4 =	vmul.f32 v4, v3;
	[tilespmem:s18+$0x70] =	vst v7;
	s20 =	sadd.s32 $0x100, s20;
	s21 =	smov.u32 s19;
	s19 =	sadd.s32 $0x2, s19  }
0xe1: {  	v2 =	vmul.f32 v2, v3;
	v7 =	vand.u32 $0x7F, v12;
	v3 =	vmul.f32 v8, v3;
	[tilespmem:s18+$0xFFFFFFF0] =	vst v11  }
0xe2: {  	v7 =	vor.u32 v1, v7;
	[tilespmem:s18+$0xFFFFFF80] =	vst v9  }
0xe3: {  	v7 =	vbroadcast v7, $0x0;
	v11 =	vld [tilespmem:s20+$0xFFFFFFF0];
	[tilespmem:s18+$0xFFFFFFD0] =	vst v10  }
0xe4: {  	v8 =	vld [tilespmem:s20+$0x50];
	[tilespmem:s18+$0xFFFFFFA0] =	vst v6  }
0xe5: {  	v6 =	vld [tilespmem:s20+$0x70];
	[tilespmem:s18+$0xFFFFFFB0] =	vst v2  }
0xe6: {  	s21 =	sadd.s32 $0xFFFFFFFF, s21;
	v2 =	vld [tilespmem:s20+$0xFFFFFFB0];
	[tilespmem:s18+$0xFFFFFFC0] =	vst v3  }
0xe7: {  	v3 =	vmov s21;
	v9 =	vld [tilespmem:s20+$0x30];
	[tilespmem:s18+$0xFFFFFFE0] =	vst v4  }
0xe8: {  	v3 =	vand.u32 $0x7E, v3;
	v4 =	vld [tilespmem:s20+$0x10];
	[tilespmem:s18+$0xFFFFFF90] =	vst v5;
	s18 =	smov.u32 s20  }
0xe9: {  	v3 =	vor.u32 v1, v3;
	v5 =	vld.idx.msk [tilespmem:v7+s29+$0x0], $0xffff  }
0xea: {  	v3 =	vbroadcast v3, $0x0;
	v7 =	vld [tilespmem:s20+$0x0]  }
0xeb: {  	v10 =	vld [tilespmem:s20+$0x20]  }
0xec: {  	v12 =	vld [tilespmem:s20+$0x40]  }
0xed: {  	v13 =	vld [tilespmem:s20+$0x60]  }
0xee: {  	v14 =	vld [tilespmem:s20+$0xFFFFFFD0]  }
0xef: {  	v16 =	vmul.f32 v4, v5;
	v15 =	vld [tilespmem:s20+$0xFFFFFF80];
	v7 =	vmul.f32 v7, v5  }
0xf0: {  	v17 =	vmul.f32 v9, v5;
	v3 =	vld.idx.msk [tilespmem:v3+s29+$0x0], $0xffff;
	v10 =	vmul.f32 v10, v5  }
0xf1: {  	v9 =	vmul.f32 v8, v5;
	v18 =	vld [tilespmem:s20+$0xFFFFFFA0];
	[tilespmem:s20+$0x0] =	vst v7;
	v12 =	vmul.f32 v12, v5  }
0xf2: {  	v7 =	vmul.f32 v6, v5;
	v4 =	vld [tilespmem:s20+$0xFFFFFFE0];
	[tilespmem:s20+$0x10] =	vst v16;
	v13 =	vmul.f32 v13, v5  }
.Ltmp5:
0xf3: {  	v5 =	vld [tilespmem:s20+$0xFFFFFF90];
	[tilespmem:s20+$0x20] =	vst v10;
	(pc) =	sbr.rel @p1 .LBB2_9-.Ltmp5, $4  }
0xf4: {  	v8 =	vld [tilespmem:s20+$0xFFFFFFC0];
	[tilespmem:s20+$0x50] =	vst v9  }
0xf5: {  	[tilespmem:s20+$0x60] =	vst v13  }
0xf6: {  	v9 =	vmul.f32 v15, v3;
	v11 =	vmul.f32 v11, v3;
	[tilespmem:s20+$0x30] =	vst v17  }
0xf7: {  	v10 =	vmul.f32 v14, v3;
	v6 =	vmul.f32 v18, v3;
	[tilespmem:s20+$0x40] =	vst v12  }
0xf8: {  	[tilespmem:s18+$0x70] =	vst v7  }
0xf9: {  	[tilespmem:s18+$0xFFFFFFF0] =	vst v11  }
0xfa: {  	[tilespmem:s18+$0xFFFFFF80] =	vst v9  }
0xfb: {  	v1 =	vmul.f32 v2, v3;
	[tilespmem:s18+$0xFFFFFFD0] =	vst v10  }
0xfc: {  	v4 =	vmul.f32 v4, v3;
	[tilespmem:s18+$0xFFFFFFA0] =	vst v6  }
0xfd: {  	v2 =	vmul.f32 v8, v3;
	[tilespmem:s18+$0xFFFFFFB0] =	vst v1  }
0xfe: {  	v1 =	vmul.f32 v5, v3;
	[tilespmem:s18+$0xFFFFFFE0] =	vst v4  }
0xff: {  	[tilespmem:s18+$0xFFFFFFC0] =	vst v2  }
0x100: {  	[tilespmem:s18+$0xFFFFFF90] =	vst v1  }
0x101: {  	v1 =	vld [tilespmem:s17+$0x2840];
	_ =	sdelay $0x4  }
0x102: {  	[tilespmem:$0x7880] =	vst v1  }
0x103: {  	v1 =	vld [tilespmem:s17+$0x2850];
	_ =	sdelay $0x4  }
0x104: {  	[tilespmem:$0x7890] =	vst v1  }
0x105: {  	v1 =	vld [tilespmem:s17+$0x2860];
	_ =	sdelay $0x4  }
0x106: {  	[tilespmem:$0x78A0] =	vst v1  }
0x107: {  	v1 =	vld [tilespmem:s17+$0x2870];
	_ =	sdelay $0x3  }
0x108: {  	p1 =	sne.s32 s16, $0x4F  }
.Ltmp6:
0x109: {  	[tilespmem:$0x78B0] =	vst v1;
	(pc) =	sbr.rel @!p1 .LBB2_11-.Ltmp6, $4  }
0x10a: {  	[spmem:s2] =	stream.indirect.scatter.add.f32 [tilespmem:s0], [sflag:$0x4], $0x80, s28, s31, $0xb8;
	[tilespmem:$0x1F180] =	vst v63  }
0x10b: {  	_ =	swait.ge [sflag:s12], $0x2000  }
0x10c: {  	[sflag:s12] =	ssyncset.done $0x0  }
0x10d: {  	[sflag:s12] =	ssyncadd.s32 $0xFFFFE000  }
0x10e: {  	s16 =	sadd.s32 $0x1, s16  }
0x10f: {  	s17 =	sshll.u32 s16, $0x7  }
0x110: {  	p1 =	sne.s32 s16, $0x50;
	s17 =	sand.u32 $0x3FFFFF80, s17  }
0x111: {  	[tilespmem:s30], [sflag:$0x1] =	stream.indirect.gather [hbm4b:s4+s31], $0x80, s17, s31, $0xb8;
	[tilespmem:$0x1F180] =	vst v63  }
.Ltmp7:
0x112: {  	_ = 	snop;
	(pc) =	sbr.rel @p1 .LBB2_6-.Ltmp7, $4  }
.Ltmp8:
0x113: {  	_ =	swait.ge [sflag:s13], $0x2000;
	(pc) =	sbr.rel @!p1 .LBB2_13-.Ltmp8, $4  }
0x114: {  	[sflag:s13] =	ssyncset.done $0x0  }
0x115: {  	s17 =	sor.u32 $0x40, s17;
	[sflag:s13] =	ssyncadd.s32 $0xFFFFE000  }
0x116: {  	[tilespmem:s0], [sflag:$0x2] =	stream.indirect.gather [hbm4b:s4+s31], $0x80, s17, s31, $0xb8;
	[tilespmem:$0x1F180] =	vst v63  }
0x117: {  	_ = 	snop  }
.LBB2_14:
0x118: {  	_ =	sfence.sel $0x180000  }
0x119: {  	[bflag:$0x0] =	sbarrier.arrive $0xFFFF  }
0x11a: {  	_ =	strace $0x9000004A  }
0x11b: {  	[bflag:$0x2] =	sbarrier.arrive $0xFFFF  }
0x11c: {  	p0 =	sne.s32 s1, $0x0;
	s0 =	rddreg [dreg:$0x2]  }
0x11d: {  	s0 =	sadd.s32 @!p0 $0x100000, s0  }
0x11e: {  	[sflag:s0] =	ssyncadd.tile.s32 @!p0 $0x1;
	_ =	shalt  }
.Lfunc_end2:
_tile_overlayer_lowered:
.L_overlay_start_2:
0x11f: {  	(tag) =	ssettag $0x2  }
0x120: {  	s0 =	rddreg [dreg:$0x0];
	s2 =	stileid.u32  }
0x121: {  	s1 =	rddreg [dreg:$0x1];
	p0 =	sne.s32 s2, $0x0  }
0x122: {  	s3 =	rddreg [dreg:$0x2];
	[bflag:$0x3] =	sbarrier.arrive $0xFFFF;
	s2 =	simm.s32 @!p0 $0x1C05  }
0x123: {  	[timem:s3], [sflag:s2] =	dma.local @!p0 [hbm:s0], s1  }
0x124: {  	s0 =	simm.s32 @!p0 $0x5  }
0x125: {  	_ =	swait.ge @!p0 [sflag:s0], s1  }
0x126: {  	s1 =	ssub.s32 @!p0 $0x0, s1;
	[sflag:s0] =	ssyncset.done @!p0 $0x0  }
0x127: {  	[sflag:s0] =	ssyncadd.s32 @!p0 s1  }
0x128: {  	[bflag:$0x3] =	sbarrier.arrive $0xFFFF  }
0x129: {  	_ =	shalt  }

// kernel: kernel.16.cloned.1.call-start
scs
__scs_entry_jumppad:
0x0: {  	(pc) =	sbr.rel $0x88, $3  }
0x1: {  	(tag) =	ssettag $0x0;
	lr =	simm.s32 $0x1  }
0x2: {  	[smem:$0x3F86] =	sst lr;
	_ =	strace $0xD0000000  }
0x3: {  	_ = 	snop  }
0x4: {  	_ = 	snop  }
0x5: {  	_ = 	snop  }
0x6: {  	_ = 	snop  }
0x7: {  	_ = 	snop  }
__scs_overlays_trampoline_lowered:
0x8: {  	[smem:$0x3F95] =	sst s0  }
0x9: {  	[smem:$0x3F96] =	sst s1  }
0xa: {  	[smem:$0x3F97] =	sst s2  }
0xb: {  	[smem:$0x3F98] =	sst s3  }
0xc: {  	[smem:$0x3F99] =	sst s4  }
0xd: {  	[smem:$0x3F9A] =	sst s5  }
0xe: {  	[smem:$0x3F9B] =	sst s6  }
0xf: {  	[smem:$0x3F9C] =	sst s7  }
0x10: {  	[smem:$0x3F9D] =	sst s8  }
0x11: {  	[smem:$0x3F9E] =	sst s9;
	s0 =	simm.s32 @!p0 $0x0  }
0x12: {  	s1 =	sld [smem:$0x3F84];
	s0 =	simm.s32 @p0 $0x1  }
0x13: {  	[smem:$0x3F9F] =	sst s0;
	s0 =	simm.s32 @!p1 $0x0  }
0x14: {  	s2 =	sld [smem:$0x3F83];
	s0 =	simm.s32 @p1 $0x1  }
0x15: {  	[smem:$0x3FA0] =	sst s0;
	s0 =	simm.s32 @!p2 $0x0  }
0x16: {  	s3 =	sld [smem:$0x3FDB];
	s0 =	simm.s32 @p2 $0x1  }
0x17: {  	s4 =	simm.s32 $0x1BF5;
	[smem:$0x3FA2] =	sst s0  }
0x18: {  	s0 =	sld [smem:$0x3F85];
	_ =	swait.ge [sflag:s4], $0x0  }
0x19: {  	s7 =	sld [smem:$0x3F86]  }
0x1a: {  	s8 =	sadd.s32 $0xFFFFE003, lr  }
0x1b: {  	s9 =	sadd.s32 $0xFFFFFEF7, lr;
	s5 =	simm.s32 $0xFFFFFFFF;
	p2 =	slt.u32 s8, $0xFFFFF086  }
0x1c: {  	p1 =	slt.u32 s9, $0xF7A;
	s5 =	simm.s32 @!p2 $0x0  }
0x1d: {  	s5 =	simm.s32 @p1 $0x1;
	p0 =	seq.s32 s7, s2  }
0x1e: {  	s7 =	smul.u32 @!p0 $0xF7A, s2;
	p2 =	seq.s32 @!p0 s5, $0x0  }
0x1f: {  	s9 =	smul.u32 $0xF7A, s1;
	s8 =	simm.s32 @!p0 $0x1BF5;
	p2 =	por !p2, p0  }
0x20: {  	[sflag:s8] =	ssyncset.s32 @!p0 $0xFFFFF086;
	s6 =	sadd.s32 @!p0 s3, s7;
	s7 =	simm.s32 @!p0 $0x108  }
0x21: {  	s3 =	sadd.s32 s3, s9;
	s6 =	sadd.s32 @!p0 $0x88, s6;
	s7 =	simm.s32 @p2 $0x1082  }
0x22: {  	[simem:s7], [sflag:s8] =	dma.local @!p0 [hbm:s6], $0xF7A  }
0x23: {  	s9 =	sor.u32 $0xD0000000, s2;
	s6 =	simm.s32 $0x108;
	_ =	swait.ge @!p0 [sflag:s8], $0x0  }
0x24: {  	s3 =	sadd.s32 $0x88, s3;
	s6 =	simm.s32 @!p1 $0x1082;
	[sflag:s4] =	ssyncset.s32 $0xFFFFF086  }
0x25: {  	[simem:s6], [sflag:s4] =	dma.local [hbm:s3], $0xF7A  }
0x26: {  	[smem:$0x3F86] =	sst s1;
	(tag) =	ssettag s2;
	_ =	strace s9  }
0x27: {  	s1 =	sld [smem:$0x3F96]  }
0x28: {  	s2 =	sld [smem:$0x3F97]  }
0x29: {  	s4 =	sld [smem:$0x3F99]  }
0x2a: {  	p0 =	seq.s32 s5, $0x0;
	s5 =	sld [smem:$0x3F9A]  }
0x2b: {  	s6 =	sld [smem:$0x3F9B]  }
0x2c: {  	s7 =	sld [smem:$0x3F9C]  }
0x2d: {  	s3 =	simm.s32 $0x108;
	s8 =	sld [smem:$0x3F9D]  }
0x2e: {  	s3 =	simm.s32 @!p0 $0x1082;
	s9 =	sld [smem:$0x3F9E]  }
0x2f: {  	lr =	sadd.s32 s0, s3;
	s0 =	sld [smem:$0x3F95]  }
0x30: {  	s3 =	sld [smem:$0x3F98]  }
0x31: {  	[smem:$0x3FA1] =	sst s10  }
0x32: {  	s10 =	sld [smem:$0x3F9F];
	_ =	sdelay $0x3  }
0x33: {  	p0 =	seq.s32 s10, $0x1;
	s10 =	sld [smem:$0x3FA1];
	_ =	sdelay $0x3  }
0x34: {  	[smem:$0x3FA1] =	sst s10  }
0x35: {  	s10 =	sld [smem:$0x3FA0];
	_ =	sdelay $0x3  }
0x36: {  	p1 =	seq.s32 s10, $0x1;
	s10 =	sld [smem:$0x3FA1];
	_ =	sdelay $0x3  }
0x37: {  	[smem:$0x3FA1] =	sst s10  }
0x38: {  	s10 =	sld [smem:$0x3FA2]  }
0x39: {  	_ = 	snop;
	(pc) =	sbr.ind lr, $3  }
0x3a: {  	_ = 	snop  }
0x3b: {  	_ = 	snop  }
0x3c: {  	p2 =	seq.s32 s10, $0x1;
	s10 =	sld [smem:$0x3FA1]  }
0x3d: {  	_ =	shalt  }
0x3e: {  	_ =	shalt  }
0x3f: {  	_ =	shalt  }
0x40: {  	_ =	shalt  }
0x41: {  	_ =	shalt  }
0x42: {  	_ =	shalt  }
0x43: {  	_ =	shalt  }
0x44: {  	_ =	shalt  }
0x45: {  	_ =	shalt  }
0x46: {  	_ =	shalt  }
0x47: {  	_ =	shalt  }
0x48: {  	_ =	shalt  }
0x49: {  	_ =	shalt  }
0x4a: {  	_ =	shalt  }
0x4b: {  	_ =	shalt  }
0x4c: {  	_ =	shalt  }
0x4d: {  	_ =	shalt  }
0x4e: {  	_ =	shalt  }
0x4f: {  	_ =	shalt  }
0x50: {  	_ =	shalt  }
0x51: {  	_ =	shalt  }
0x52: {  	_ =	shalt  }
0x53: {  	_ =	shalt  }
0x54: {  	_ =	shalt  }
0x55: {  	_ =	shalt  }
0x56: {  	_ =	shalt  }
0x57: {  	_ =	shalt  }
0x58: {  	_ =	shalt  }
0x59: {  	_ =	shalt  }
0x5a: {  	_ =	shalt  }
0x5b: {  	_ =	shalt  }
0x5c: {  	_ =	shalt  }
0x5d: {  	_ =	shalt  }
0x5e: {  	_ =	shalt  }
0x5f: {  	_ =	shalt  }
0x60: {  	_ =	shalt  }
0x61: {  	_ =	shalt  }
0x62: {  	_ =	shalt  }
0x63: {  	_ =	shalt  }
0x64: {  	_ =	shalt  }
0x65: {  	_ =	shalt  }
0x66: {  	_ =	shalt  }
0x67: {  	_ =	shalt  }
0x68: {  	_ =	shalt  }
0x69: {  	_ =	shalt  }
0x6a: {  	_ =	shalt  }
0x6b: {  	_ =	shalt  }
0x6c: {  	_ =	shalt  }
0x6d: {  	_ =	shalt  }
0x6e: {  	_ =	shalt  }
0x6f: {  	_ =	shalt  }
0x70: {  	_ =	shalt  }
0x71: {  	_ =	shalt  }
0x72: {  	_ =	shalt  }
0x73: {  	_ =	shalt  }
0x74: {  	_ =	shalt  }
0x75: {  	_ =	shalt  }
0x76: {  	_ =	shalt  }
0x77: {  	_ =	shalt  }
0x78: {  	_ =	shalt  }
0x79: {  	_ =	shalt  }
0x7a: {  	_ =	shalt  }
0x7b: {  	_ =	shalt  }
0x7c: {  	_ =	shalt  }
0x7d: {  	_ =	shalt  }
0x7e: {  	_ =	shalt  }
0x7f: {  	_ =	shalt  }
0x80: {  	_ =	shalt  }
0x81: {  	_ =	shalt  }
0x82: {  	_ =	shalt  }
0x83: {  	_ =	shalt  }
0x84: {  	_ =	shalt  }
0x85: {  	_ =	shalt  }
0x86: {  	_ =	shalt  }
0x87: {  	_ =	shalt  }
.Lfunc_end0:
.L_simem_size_0:
called_computation.2_lowered:
.L_overlay_start_0:
0x88: {  	s2 =	sld [smem:$0x3FD9]  }
0x89: {  	s3 =	sld [smem:$0x3FFE];
	_ =	sdelay $0x1  }
0x8a: {  	s1 =	srdreg.scid  }
0x8b: {  	s0 =	sand.u32 $0x1, s1  }
0x8c: {  	s16 =	sshll.u32 s0, $0xA;
	s2 =	sadd.s32 s3, s2  }
0x8d: {  	s2 =	sadd.s32 s2, s16  }
0x8e: {  	[smem:$0x3FAD] =	sst s2  }
0x8f: {  	_ = 	snop  }
0x90: {  	(tm) =	ssettm $0x1  }
0x91: {  	s17 =	sld [smem:$0x3FFB];
	_ =	sdelay $0x3  }
0x92: {  	_ =	strace s17  }
0x93: {  	s2 =	sld [smem:$0x3FFC];
	_ =	sdelay $0x3  }
0x94: {  	_ =	strace s2  }
0x95: {  	s2 =	sld [smem:$0x3FFD];
	_ =	sdelay $0x3  }
0x96: {  	_ =	strace s2  }
0x97: {  	_ =	strace $0x8FFFFFFF  }
0x98: {  	s18 =	sld [smem:$0x3FDB];
	_ =	sdelay $0x1  }
0x99: {  	s19 =	simm.s32 $_scs_section_size  }
0x9a: {  	s4 =	simm.s32 $_size__tile_overlayer_lowered;
	s5 =	simm.s32 $_tile_overlayer_lowered  }
0x9b: {  	s22 =	simm.s32 $0x1BFF;
	s21 =	sshll.u32 s5, $0x1;
	s2 =	sadd.s32 s19, s18  }
0x9c: {  	s6 =	simm.s32 $0x0;
	s20 =	sshll.u32 s4, $0x1;
	s4 =	sadd.s32 s21, s2  }
0x9d: {  	[timem:s6], [sflag:s22] =	dma.local [hbm:s4], s20  }
0x9e: {  	_ =	swait.ge [sflag:s22], s20  }
0x9f: {  	s3 =	ssub.s32 $0x0, s20;
	[sflag:s22] =	ssyncset.done $0x0  }
0xa0: {  	[sflag:s22] =	ssyncadd.s32 s3;
	_ =	sdelay $0x1  }
0xa1: {  	s23 =	simm.s32 $0x1B8B  }
0xa2: {  	_ =	swait.ge [sflag:s23], $0x1  }
0xa3: {  	[sflag:s23] =	ssyncset.done $0x0  }
0xa4: {  	s25 =	simm.s32 $0x1B8E;
	s24 =	sld [smem:$0x3FFE];
	[sflag:s23] =	ssyncadd.s32 $0xFFFFFFFF  }
0xa5: {  	s26 =	simm.s32 $execute0_lowered;
	[smem:$0x3FD2] =	sst s25  }
0xa6: {  	s4 =	sshll.u32 s26, $0x1;
	_ =	strace $0x8000004C;
	[dreg:$0x1] =	wrdreg $0xFFFFFFFF  }
0xa7: {  	s28 =	simm.s32 $_size_execute0_lowered;
	s2 =	sadd.s32 s2, s4;
	[dreg:$0x0] =	wrdreg $0x0  }
0xa8: {  	s4 =	sshll.u32 s28, $0x1;
	[dreg:$0x2] =	wrdreg s2  }
0xa9: {  	[dreg:$0x3] =	wrdreg s4  }
0xaa: {  	[dreg:$0x4] =	wrdreg $0xC0  }
0xab: {  	_ =	task [dreg:s6], $0x5FFFF  }
0xac: {  	[dreg:$0x1] =	wrdreg $0xFFFFFFFF  }
0xad: {  	[dreg:$0x0] =	wrdreg $0x60  }
0xae: {  	[dreg:$0x2] =	wrdreg s24  }
0xaf: {  	[dreg:$0x3] =	wrdreg $0xB9000  }
0xb0: {  	[dreg:$0x4] =	wrdreg $0x9  }
0xb1: {  	_ =	task.clear_ibuf [dreg:s6], $0x5FFFF;
	_ =	strace $0x9000004C  }
0xb2: {  	s29 =	simm.s32 $0x9;
	_ =	strace $0x8000004E  }
0xb3: {  	_ =	swait.ge [sflag:s29], $0x1  }
0xb4: {  	[sflag:s29] =	ssyncadd.s32 $0xFFFFFFFF  }
0xb5: {  	_ =	strace $0x9000004E  }
0xb6: {  	_ =	sfence  }
0xb7: {  	s30 =	sld [smem:$0x0];
	_ =	sdelay $0x2  }
0xb8: {  	s31 =	sshll.u32 s1, $0xD;
	s1 =	sshrl.u32 s1, $0x2  }
0xb9: {  	s3 =	sand.u32 $0x4000, s31;
	s1 =	sadd.s32 s1, s30  }
0xba: {  	s0 =	sor.u32 s3, s0;
	s1 =	sshll.u32 s1, $0x11  }
0xbb: {  	s0 =	sor.u32 s1, s0  }
0xbc: {  	s0 =	sadd.s32 $0x8F2B, s0  }
0xbd: {  	[sflag:s0] =	ssyncadd.remote.s32 $0x1  }
0xbe: {  	_ =	sfence.sel $0xFFFF  }
0xbf: {  	[dreg:$0x0] =	wrdreg $0xFFFFFFFF;
	(pc) =	sbr.abs _section_cstart, $3  }
0xc0: {  	[dreg:$0x1] =	wrdreg $0xFFFFFFFF  }
0xc1: {  	_ =	task.clear_ibuf [dreg:s6], $0x2FFFF;
	_ =	strace $0x9FFFFFFF  }
0xc2: {  	(tm) =	ssettm $0x7FFFFFFF  }
0xc3: {  	_ =	shalt  }
tec
execute0_lowered:
.L_overlay_start_1:
0x0: {  	(tag) =	ssettag $0x1  }
0x1: {  	s0 =	rddreg [dreg:$0x0]  }
0x2: {  	s2 =	rddreg [dreg:$0x1]  }
0x3: {  	s3 =	srdreg.scid;
	s1 =	stileid.u32;
	s13 =	simm.s32 $0x5  }
0x4: {  	s15 =	simm.s32 $0x5000;
	s16 =	simm.s32 $0x7900;
	s17 =	simm.s32 $0x40  }
0x5: {  	s18 =	simm.s32 $0x9900;
	s19 =	simm.s32 $0x1;
	s20 =	simm.s32 $0x7800  }
0x6: {  	s21 =	simm.s32 $0x2;
	s22 =	simm.s32 $0x7880;
	s23 =	simm.s32 $0x3  }
0x7: {  	s24 =	simm.s32 $0x4;
	s25 =	simm.s32 $0x0;
	s8 =	smul.u32 $0x5000, s1  }
0x8: {  	s5 =	sand.u32 $0x1, s3;
	s3 =	simm.s32 $0x0;
	s29 =	smul.u32 $0x14000, s1  }
0x9: {  	s4 =	sshll.u32 s1, $0x1;
	s6 =	smul.u32 $0x50000, s5;
	[smem:$0x7FF] =	sst s3  }
0xa: {  	s7 =	sor.u32 s5, s4;
	s4 =	sadd.s32 $0x4800, s0;
	s5 =	ssub.s32 $0x2, s5  }
0xb: {  	_ =	strace $0x8000004D;
	s7 =	smul.u32 $0x500, s7;
	s30 =	sshrl.u32 s5, $0x1  }
.Ltmp0:
0xc: {  	s31 =	sshrl.u32 s29, $0x2;
	s6 =	sadd.s32 s8, s6;
	(pc) =	sbr.rel .LBB2_1-.Ltmp0, $4  }
0xd: {  	s12 =	ssub.s32 s5, s30;
	s9 =	sadd.s32 s7, s0;
	s6 =	sshrl.u32 s6, $0x3  }
0xe: {  	s7 =	sadd.s32 s31, s2;
	s12 =	smax.u32 s12, $0x1;
	s0 =	sadd.s32 s6, s0  }
0xf: {  	s5 =	sadd.s32 $0xE800, s9;
	s6 =	sadd.s32 $0x18800, s9;
	s8 =	sadd.s32 $0x70A00, s9  }
0x10: {  	v0 =	vimm.f32 $0.0e+00;
	s9 =	sadd.s32 $0x2000, s7;
	s10 =	sadd.s32 $0x4000, s7;
	s11 =	sadd.s32 $0x22800, s0  }
.LBB2_11:
0x11: {  	_ =	swait.ge [sflag:s24], $0x2000  }
0x12: {  	[sflag:s24] =	ssyncset.done $0x0  }
0x13: {  	[sflag:s24] =	ssyncadd.s32 $0xFFFFE000  }
.LBB2_13:
0x14: {  	s25 =	sadd.s32 $0x1, s25  }
0x15: {  	s0 =	sshll.u32 s1, $0x6;
	[bflag:$0x0] =	sbarrier.arrive $0xFFFF;
	p0 =	sne.s32 s25, s12  }
.Ltmp1:
0x16: {  	s14 =	sshrl.u32 s7, $0x3;
	s0 =	sor.u32 $0x1C05, s0;
	(pc) =	sbr.rel @!p0 .LBB2_14-.Ltmp1, $4  }
0x17: {  	[hbm:s11], [sflag:s0] =	dma.local [spmem:s14], $0xA00  }
0x18: {  	_ =	swait.ge [sflag:s13], $0xA00  }
0x19: {  	[sflag:s13] =	ssyncset.done $0x0  }
0x1a: {  	[sflag:s13] =	ssyncadd.s32 $0xFFFFF600  }
.LBB2_1:
0x1b: {  	[tilespmem:s3], [sflag:$0x5] =	stream.linear.gather [hbm4b:s5+s3], $0x2800, $0x38;
	[tilespmem:$0x10900] =	vst v63  }
0x1c: {  	_ =	swait.ge [sflag:s13], $0x2800  }
0x1d: {  	[sflag:s13] =	ssyncset.done $0x0  }
0x1e: {  	s0 =	simm.s32 $0x2800;
	[sflag:s13] =	ssyncadd.s32 $0xFFFFD800  }
0x1f: {  	[tilespmem:s0], [sflag:$0x5] =	stream.linear.gather [hbm4b:s6+s3], $0x2800, $0x38;
	[tilespmem:$0x10900] =	vst v63  }
0x20: {  	_ =	swait.ge [sflag:s13], $0x2800  }
0x21: {  	[sflag:s13] =	ssyncset.done $0x0  }
0x22: {  	[sflag:s13] =	ssyncadd.s32 $0xFFFFD800  }
0x23: {  	[tilespmem:s15], [sflag:$0x5] =	stream.linear.gather [hbm4b:s8+s3], $0x2800, $0x38;
	[tilespmem:$0x10900] =	vst v63  }
0x24: {  	_ =	swait.ge [sflag:s13], $0x2800  }
0x25: {  	[sflag:s13] =	ssyncset.done $0x0  }
0x26: {  	s26 =	simm.s32 $0x0;
	[sflag:s13] =	ssyncadd.s32 $0xFFFFD800  }
0x27: {  	v1 =	vld [tilespmem:s26+$0x0]  }
0x28: {  	v2 =	vld [tilespmem:s26+$0x2800]  }
0x29: {  	v3 =	vld [tilespmem:s26+$0x10]  }
0x2a: {  	v4 =	vld [tilespmem:s26+$0x2810]  }
0x2b: {  	v5 =	vld [tilespmem:s26+$0x20]  }
0x2c: {  	v6 =	vld [tilespmem:s26+$0x2820];
	v1 =	vshrl.u32 v1, $0x2  }
0x2d: {  	v7 =	vld [tilespmem:s26+$0x30];
	[tilespmem:s26+$0x0] =	vst v1;
	v1 =	vshrl.u32 v2, $0x2  }
0x2e: {  	[tilespmem:s26+$0x2800] =	vst v1;
	v1 =	vshrl.u32 v3, $0x2;
	v3 =	vld [tilespmem:s26+$0x2830]  }
0x2f: {  	[tilespmem:s26+$0x10] =	vst v1;
	v1 =	vshrl.u32 v4, $0x2;
	v4 =	vld [tilespmem:s26+$0x40]  }
0x30: {  	[tilespmem:s26+$0x2810] =	vst v1;
	v1 =	vshrl.u32 v5, $0x2;
	v5 =	vld [tilespmem:s26+$0x2840]  }
0x31: {  	v2 =	vld [tilespmem:s26+$0x50];
	[tilespmem:s26+$0x20] =	vst v1;
	v1 =	vshrl.u32 v6, $0x2  }
0x32: {  	v6 =	vshrl.u32 v7, $0x2;
	[tilespmem:s26+$0x2820] =	vst v1;
	v1 =	vld [tilespmem:s26+$0x2850]  }
0x33: {  	[tilespmem:s26+$0x30] =	vst v6;
	v6 =	vshrl.u32 v3, $0x2;
	v3 =	vld [tilespmem:s26+$0x60]  }
0x34: {  	[tilespmem:s26+$0x2830] =	vst v6;
	v6 =	vshrl.u32 v4, $0x2;
	v4 =	vld [tilespmem:s26+$0x2860]  }
0x35: {  	s0 =	simm.s32 $0x200;
	[tilespmem:s26+$0x40] =	vst v6;
	v6 =	vshrl.u32 v5, $0x2;
	v5 =	vld [tilespmem:s26+$0x70]  }
.LBB2_2:
0x36: {  	s28 =	sshra.s32 s0, $0x2;
	p0 =	sne.s32 s0, $0x9E00;
	[tilespmem:s26+$0x2840] =	vst v6;
	v2 =	vshrl.u32 v2, $0x2;
	v6 =	vld [tilespmem:s26+$0x2870]  }
0x37: {  	v7 =	vld [tilespmem:s28+$0x0];
	[tilespmem:s26+$0x50] =	vst v2;
	v1 =	vshrl.u32 v1, $0x2  }
0x38: {  	v2 =	vld [tilespmem:s28+$0x2800];
	[tilespmem:s26+$0x2850] =	vst v1;
	v1 =	vshrl.u32 v3, $0x2  }
0x39: {  	v3 =	vld [tilespmem:s28+$0x10];
	[tilespmem:s26+$0x60] =	vst v1;
	v1 =	vshrl.u32 v4, $0x2  }
0x3a: {  	v4 =	vld [tilespmem:s28+$0x2810];
	[tilespmem:s26+$0x2860] =	vst v1;
	v1 =	vshrl.u32 v5, $0x2  }
0x3b: {  	v5 =	vld [tilespmem:s28+$0x20];
	[tilespmem:s26+$0x70] =	vst v1;
	v1 =	vshrl.u32 v6, $0x2  }
0x3c: {  	v6 =	vshrl.u32 v7, $0x2;
	v7 =	vld [tilespmem:s28+$0x2820];
	[tilespmem:s26+$0x2870] =	vst v1;
	s26 =	smov.u32 s28  }
0x3d: {  	[tilespmem:s26+$0x0] =	vst v6;
	v1 =	vshrl.u32 v2, $0x2;
	v6 =	vld [tilespmem:s26+$0x30]  }
0x3e: {  	[tilespmem:s26+$0x2800] =	vst v1;
	v1 =	vshrl.u32 v3, $0x2;
	v3 =	vld [tilespmem:s26+$0x2830]  }
0x3f: {  	[tilespmem:s26+$0x10] =	vst v1;
	v1 =	vshrl.u32 v4, $0x2;
	v4 =	vld [tilespmem:s26+$0x40]  }
0x40: {  	[tilespmem:s26+$0x2810] =	vst v1;
	v1 =	vshrl.u32 v5, $0x2;
	v5 =	vld [tilespmem:s26+$0x2840]  }
.Ltmp2:
0x41: {  	[tilespmem:s26+$0x20] =	vst v1;
	v1 =	vshrl.u32 v7, $0x2;
	v2 =	vld [tilespmem:s26+$0x50];
	(pc) =	sbr.rel @p0 .LBB2_2-.Ltmp2, $4  }
0x42: {  	[tilespmem:s26+$0x2820] =	vst v1;
	v6 =	vshrl.u32 v6, $0x2;
	v1 =	vld [tilespmem:s26+$0x2850]  }
0x43: {  	[tilespmem:s26+$0x30] =	vst v6;
	v6 =	vshrl.u32 v3, $0x2;
	v3 =	vld [tilespmem:s26+$0x60]  }
0x44: {  	[tilespmem:s26+$0x2830] =	vst v6;
	v6 =	vshrl.u32 v4, $0x2;
	v4 =	vld [tilespmem:s26+$0x2860]  }
0x45: {  	s0 =	sadd.s32 $0x200, s0;
	[tilespmem:s26+$0x40] =	vst v6;
	v6 =	vshrl.u32 v5, $0x2;
	v5 =	vld [tilespmem:s26+$0x70]  }
0x46: {  	[tilespmem:s26+$0x2840] =	vst v6;
	v2 =	vshrl.u32 v2, $0x2;
	v63 =	vld [tilespmem:s26+$0x2870]  }
0x47: {  	[tilespmem:s26+$0x50] =	vst v2;
	v1 =	vshrl.u32 v1, $0x2  }
0x48: {  	[tilespmem:s26+$0x2850] =	vst v1;
	v1 =	vshrl.u32 v3, $0x2  }
0x49: {  	[tilespmem:s26+$0x60] =	vst v1;
	v1 =	vshrl.u32 v4, $0x2  }
0x4a: {  	[tilespmem:s26+$0x2860] =	vst v1;
	v1 =	vshrl.u32 v5, $0x2  }
0x4b: {  	[tilespmem:s26+$0x70] =	vst v1;
	v1 =	vshrl.u32 v63, $0x2  }
0x4c: {  	s0 =	simm.s32 $0x0;
	[tilespmem:s26+$0x2870] =	vst v1;
	s26 =	simm.s32 $0x200  }
.LBB2_4:
0x4d: {  	p0 =	sne.s32 s26, $0x7E00;
	[tilespmem:s0+$0x7970] =	vst v0  }
0x4e: {  	[tilespmem:s0+$0x7900] =	vst v0  }
0x4f: {  	[tilespmem:s0+$0x7910] =	vst v0  }
.Ltmp3:
0x50: {  	[tilespmem:s0+$0x7920] =	vst v0;
	(pc) =	sbr.rel @p0 .LBB2_4-.Ltmp3, $4  }
0x51: {  	[tilespmem:s0+$0x7930] =	vst v0  }
0x52: {  	[tilespmem:s0+$0x7940] =	vst v0  }
0x53: {  	[tilespmem:s0+$0x7950] =	vst v0  }
0x54: {  	[tilespmem:s0+$0x7960] =	vst v0;
	s0 =	sshra.s32 s26, $0x2;
	s26 =	sadd.s32 $0x200, s26  }
0x55: {  	[tilespmem:s0+$0x7970] =	vst v0  }
0x56: {  	[tilespmem:s0+$0x7900] =	vst v0  }
0x57: {  	[tilespmem:s0+$0x7910] =	vst v0  }
0x58: {  	[tilespmem:s0+$0x7920] =	vst v0  }
0x59: {  	[tilespmem:s0+$0x7930] =	vst v0  }
0x5a: {  	[tilespmem:s0+$0x7940] =	vst v0  }
0x5b: {  	[tilespmem:s0+$0x7950] =	vst v0  }
0x5c: {  	[tilespmem:s0+$0x7960] =	vst v0  }
0x5d: {  	[spmem:s7] =	stream.linear.scatter [tilespmem:s16], [sflag:$0x5], $0x2000, $0x38;
	[tilespmem:$0x10900] =	vst v63  }
0x5e: {  	_ =	swait.ge [sflag:s13], $0x2000  }
0x5f: {  	[sflag:s13] =	ssyncset.done $0x0  }
0x60: {  	[sflag:s13] =	ssyncadd.s32 $0xFFFFE000  }
0x61: {  	[spmem:s9] =	stream.linear.scatter [tilespmem:s16], [sflag:$0x5], $0x2000, $0x38;
	[tilespmem:$0x10900] =	vst v63  }
0x62: {  	_ =	swait.ge [sflag:s13], $0x2000  }
0x63: {  	[sflag:s13] =	ssyncset.done $0x0  }
0x64: {  	[sflag:s13] =	ssyncadd.s32 $0xFFFFE000  }
0x65: {  	[spmem:s10] =	stream.linear.scatter [tilespmem:s16], [sflag:$0x5], $0x1000, $0x38;
	[tilespmem:$0x10900] =	vst v63  }
0x66: {  	_ =	swait.ge [sflag:s13], $0x1000  }
0x67: {  	[sflag:s13] =	ssyncset.done $0x0  }
0x68: {  	[sflag:s13] =	ssyncadd.s32 $0xFFFFF000  }
0x69: {  	s26 =	simm.s32 $0x0;
	[bflag:$0x0] =	sbarrier.arrive $0xFFFF  }
0x6a: {  	[tilespmem:s16], [sflag:$0x1] =	stream.indirect.gather [hbm4b:s4+s17], $0x80, s26, s17, $0xb8;
	[tilespmem:$0x10900] =	vst v63  }
0x6b: {  	s28 =	simm.s32 $0x0  }
0x6c: {  	[tilespmem:s18], [sflag:$0x2] =	stream.indirect.gather [hbm4b:s4+s17], $0x80, s17, s17, $0xb8;
	[tilespmem:$0x10900] =	vst v63  }
.LBB2_6:
0x6d: {  	v1 =	vmov s28;
	v2 =	vmov s26  }
0x6e: {  	_ =	swait.ge [sflag:s19], $0x2000;
	v1 =	vshll.u32 v1, $0x7;
	v2 =	vand.u32 $0x7E, v2  }
0x6f: {  	[sflag:s19] =	ssyncset.done $0x0;
	v2 =	vor.u32 v1, v2  }
0x70: {  	s29 =	simm.s32 $0x7980;
	[sflag:s19] =	ssyncadd.s32 $0xFFFFE000;
	v2 =	vbroadcast v2, $0x0  }
0x71: {  	v7 =	vld [tilespmem:s29+$0x70]  }
0x72: {  	v4 =	vld [tilespmem:s29+$0xFFFFFFD0]  }
0x73: {  	s0 =	simm.s32 $0x1;
	v5 =	vld [tilespmem:s29+$0xFFFFFFF0]  }
0x74: {  	v3 =	vmov s0;
	v6 =	vld [tilespmem:s29+$0xFFFFFFB0]  }
0x75: {  	v3 =	vand.u32 $0x7F, v3;
	v9 =	vld [tilespmem:s29+$0xFFFFFFA0]  }
0x76: {  	v8 =	vld.idx.msk [tilespmem:v2+s15+$0x0], $0xffff;
	v2 =	vor.u32 v1, v3  }
0x77: {  	v3 =	vld [tilespmem:s29+$0xFFFFFF80];
	v2 =	vbroadcast v2, $0x0  }
0x78: {  	v10 =	vld [tilespmem:s29+$0xFFFFFF90]  }
0x79: {  	v11 =	vld [tilespmem:s29+$0xFFFFFFC0]  }
0x7a: {  	v12 =	vld [tilespmem:s29+$0xFFFFFFE0]  }
0x7b: {  	v13 =	vld [tilespmem:s29+$0x50]  }
0x7c: {  	v63 =	vld [tilespmem:s29+$0x20];
	v14 =	vmul.f32 v3, v8  }
0x7d: {  	v4 =	vmul.f32 v4, v8;
	v3 =	vld.idx.msk [tilespmem:v2+s15+$0x0], $0xffff  }
0x7e: {  	v6 =	vmul.f32 v6, v8;
	v2 =	vmul.f32 v9, v8;
	v9 =	vld [tilespmem:s29+$0x0];
	[tilespmem:s29+$0xFFFFFF80] =	vst v14  }
0x7f: {  	v15 =	vmul.f32 v5, v8;
	v5 =	vld [tilespmem:s29+$0x10];
	[tilespmem:s29+$0xFFFFFFD0] =	vst v4  }
0x80: {  	v11 =	vmul.f32 v11, v8;
	[tilespmem:s29+$0xFFFFFFB0] =	vst v6;
	v6 =	vld [tilespmem:s29+$0x60]  }
0x81: {  	v4 =	vmul.f32 v10, v8;
	v10 =	vmul.f32 v12, v8;
	[tilespmem:s29+$0xFFFFFFF0] =	vst v15;
	v8 =	vld [tilespmem:s29+$0x40]  }
0x82: {  	[tilespmem:s29+$0xFFFFFFA0] =	vst v2;
	v2 =	vld [tilespmem:s29+$0x30]  }
0x83: {  	[tilespmem:s29+$0xFFFFFFC0] =	vst v11;
	v9 =	vmul.f32 v9, v3;
	v11 =	vmul.f32 v7, v3  }
0x84: {  	s30 =	simm.s32 $0x2;
	s31 =	simm.s32 $0x7980;
	[tilespmem:s29+$0xFFFFFFE0] =	vst v10;
	v7 =	vmul.f32 v63, v3;
	v10 =	vmul.f32 v13, v3  }
.LBB2_7:
0x85: {  	p0 =	sne.s32 s30, $0x3E  }
0x86: {  	v12 =	vmov s30;
	[tilespmem:s29+$0xFFFFFF90] =	vst v4;
	v4 =	vmul.f32 v5, v3;
	v5 =	vmul.f32 v6, v3;
	s31 =	sadd.s32 $0x100, s31;
	s0 =	smov.u32 s30;
	s30 =	sadd.s32 $0x2, s30  }
0x87: {  	v2 =	vmul.f32 v2, v3;
	v6 =	vand.u32 $0x7E, v12;
	v3 =	vmul.f32 v8, v3;
	[tilespmem:s29+$0x70] =	vst v11  }
0x88: {  	v6 =	vor.u32 v1, v6;
	[tilespmem:s29+$0x0] =	vst v9  }
0x89: {  	v6 =	vbroadcast v6, $0x0;
	v11 =	vld [tilespmem:s31+$0x70];
	[tilespmem:s29+$0x50] =	vst v10  }
0x8a: {  	v8 =	vld [tilespmem:s31+$0xFFFFFFD0];
	[tilespmem:s29+$0x20] =	vst v7  }
0x8b: {  	v7 =	vld [tilespmem:s31+$0xFFFFFFF0];
	[tilespmem:s29+$0x30] =	vst v2  }
0x8c: {  	s0 =	sadd.s32 $0x1, s0;
	v2 =	vld [tilespmem:s31+$0x30];
	[tilespmem:s29+$0x40] =	vst v3  }
0x8d: {  	v3 =	vmov s0;
	v9 =	vld [tilespmem:s31+$0xFFFFFFB0];
	[tilespmem:s29+$0x60] =	vst v5  }
0x8e: {  	v3 =	vand.u32 $0x7F, v3;
	v5 =	vld [tilespmem:s31+$0xFFFFFF90];
	[tilespmem:s29+$0x10] =	vst v4;
	s29 =	smov.u32 s31  }
0x8f: {  	v3 =	vor.u32 v1, v3;
	v6 =	vld.idx.msk [tilespmem:v6+s15+$0x0], $0xffff  }
0x90: {  	v3 =	vbroadcast v3, $0x0;
	v4 =	vld [tilespmem:s31+$0xFFFFFF80]  }
0x91: {  	v10 =	vld [tilespmem:s31+$0xFFFFFFA0]  }
0x92: {  	v12 =	vld [tilespmem:s31+$0xFFFFFFC0]  }
0x93: {  	v13 =	vld [tilespmem:s31+$0xFFFFFFE0]  }
0x94: {  	v14 =	vld [tilespmem:s31+$0x50]  }
0x95: {  	v15 =	vmul.f32 v4, v6;
	v4 =	vmul.f32 v5, v6;
	v16 =	vld [tilespmem:s31+$0x0]  }
0x96: {  	v9 =	vmul.f32 v9, v6;
	v3 =	vld.idx.msk [tilespmem:v3+s15+$0x0], $0xffff;
	v5 =	vmul.f32 v10, v6  }
0x97: {  	v8 =	vmul.f32 v8, v6;
	[tilespmem:s31+$0xFFFFFF80] =	vst v15;
	v10 =	vmul.f32 v12, v6;
	v12 =	vld [tilespmem:s31+$0x20]  }
0x98: {  	v7 =	vmul.f32 v7, v6;
	[tilespmem:s31+$0xFFFFFFA0] =	vst v5;
	v13 =	vmul.f32 v13, v6;
	v6 =	vld [tilespmem:s31+$0x60]  }
.Ltmp4:
0x99: {  	[tilespmem:s31+$0xFFFFFFD0] =	vst v8;
	v5 =	vld [tilespmem:s31+$0x10];
	(pc) =	sbr.rel @p0 .LBB2_7-.Ltmp4, $4  }
0x9a: {  	[tilespmem:s31+$0xFFFFFFB0] =	vst v9;
	v8 =	vld [tilespmem:s31+$0x40]  }
0x9b: {  	[tilespmem:s31+$0xFFFFFFF0] =	vst v7  }
0x9c: {  	v9 =	vmul.f32 v16, v3;
	v11 =	vmul.f32 v11, v3;
	[tilespmem:s31+$0xFFFFFFC0] =	vst v10  }
0x9d: {  	v7 =	vmul.f32 v12, v3;
	v10 =	vmul.f32 v14, v3;
	[tilespmem:s31+$0xFFFFFFE0] =	vst v13  }
0x9e: {  	[tilespmem:s29+$0xFFFFFF90] =	vst v4  }
0x9f: {  	[tilespmem:s29+$0x70] =	vst v11  }
0xa0: {  	[tilespmem:s29+$0x0] =	vst v9  }
0xa1: {  	v2 =	vmul.f32 v2, v3;
	[tilespmem:s29+$0x50] =	vst v10  }
0xa2: {  	v6 =	vmul.f32 v6, v3;
	[tilespmem:s29+$0x20] =	vst v7  }
0xa3: {  	v4 =	vmul.f32 v8, v3;
	[tilespmem:s29+$0x30] =	vst v2  }
0xa4: {  	v2 =	vmul.f32 v5, v3;
	[tilespmem:s29+$0x60] =	vst v6  }
0xa5: {  	s0 =	sshll.u32 s28, $0x7;
	[tilespmem:s29+$0x40] =	vst v4  }
0xa6: {  	[tilespmem:s29+$0x10] =	vst v2;
	s29 =	sand.u32 $0x3FFFFF80, s0  }
0xa7: {  	v2 =	vld [tilespmem:s29+$0x2800];
	_ =	sdelay $0x4  }
0xa8: {  	[tilespmem:$0x7800] =	vst v2  }
0xa9: {  	v2 =	vld [tilespmem:s29+$0x2810];
	_ =	sdelay $0x4  }
0xaa: {  	[tilespmem:$0x7810] =	vst v2  }
0xab: {  	v2 =	vld [tilespmem:s29+$0x2820];
	_ =	sdelay $0x4  }
0xac: {  	[tilespmem:$0x7820] =	vst v2  }
0xad: {  	v2 =	vld [tilespmem:s29+$0x2830];
	_ =	sdelay $0x4  }
0xae: {  	s14 =	simm.s32 $0x41;
	[tilespmem:$0x7830] =	vst v2  }
0xaf: {  	v2 =	vmov s14;
	[spmem:s2] =	stream.indirect.scatter.add.f32 [tilespmem:s16], [sflag:$0x3], $0x80, s20, s17, $0xb8;
	[tilespmem:$0x10900] =	vst v63  }
0xb0: {  	v2 =	vand.u32 $0x7F, v2;
	_ =	swait.ge [sflag:s21], $0x2000  }
0xb1: {  	v2 =	vor.u32 v1, v2;
	[sflag:s21] =	ssyncset.done $0x0  }
0xb2: {  	s30 =	simm.s32 $0x9980;
	v2 =	vbroadcast v2, $0x0;
	[sflag:s21] =	ssyncadd.s32 $0xFFFFE000  }
0xb3: {  	v6 =	vld [tilespmem:s30+$0xFFFFFFF0]  }
0xb4: {  	v5 =	vld [tilespmem:s30+$0x50]  }
0xb5: {  	s14 =	simm.s32 $0x40;
	v7 =	vld [tilespmem:s30+$0x70]  }
0xb6: {  	v3 =	vmov s14;
	v8 =	vld [tilespmem:s30+$0x30]  }
0xb7: {  	v3 =	vand.u32 $0x7E, v3;
	v4 =	vld [tilespmem:s30+$0x10]  }
0xb8: {  	v3 =	vor.u32 v1, v3;
	v9 =	vld.idx.msk [tilespmem:v2+s15+$0x0], $0xffff  }
0xb9: {  	v2 =	vbroadcast v3, $0x0;
	v3 =	vld [tilespmem:s30+$0x0]  }
0xba: {  	v10 =	vld [tilespmem:s30+$0x20]  }
0xbb: {  	v11 =	vld [tilespmem:s30+$0x40]  }
0xbc: {  	v12 =	vld [tilespmem:s30+$0x60]  }
0xbd: {  	v13 =	vld [tilespmem:s30+$0xFFFFFFD0]  }
0xbe: {  	v15 =	vld [tilespmem:s30+$0xFFFFFF80];
	v14 =	vmul.f32 v3, v9  }
0xbf: {  	v63 =	vld [tilespmem:s30+$0xFFFFFFA0];
	v10 =	vmul.f32 v10, v9  }
0xc0: {  	v5 =	vmul.f32 v5, v9;
	v3 =	vld.idx.msk [tilespmem:v2+s15+$0x0], $0xffff;
	[tilespmem:s30+$0x0] =	vst v14  }
0xc1: {  	v8 =	vmul.f32 v8, v9;
	v2 =	vmul.f32 v4, v9;
	v4 =	vld [tilespmem:s30+$0xFFFFFFE0];
	[tilespmem:s30+$0x20] =	vst v10  }
0xc2: {  	[tilespmem:s30+$0x50] =	vst v5;
	v5 =	vld [tilespmem:s30+$0xFFFFFF90]  }
0xc3: {  	v12 =	vmul.f32 v12, v9;
	[tilespmem:s30+$0x30] =	vst v8;
	v8 =	vld [tilespmem:s30+$0xFFFFFFC0]  }
0xc4: {  	v16 =	vmul.f32 v11, v9;
	v7 =	vmul.f32 v7, v9;
	[tilespmem:s30+$0x10] =	vst v2;
	v2 =	vld [tilespmem:s30+$0xFFFFFFB0]  }
0xc5: {  	[tilespmem:s30+$0x60] =	vst v12;
	v9 =	vmul.f32 v15, v3;
	v11 =	vmul.f32 v6, v3  }
0xc6: {  	s31 =	simm.s32 $0x43;
	s0 =	simm.s32 $0x9980;
	[tilespmem:s30+$0x40] =	vst v16;
	v6 =	vmul.f32 v63, v3;
	v10 =	vmul.f32 v13, v3  }
.LBB2_9:
0xc7: {  	p0 =	sne.s32 s31, $0x7F  }
0xc8: {  	v12 =	vmov s31;
	v5 =	vmul.f32 v5, v3;
	v4 =	vmul.f32 v4, v3;
	[tilespmem:s30+$0x70] =	vst v7;
	s0 =	sadd.s32 $0x100, s0;
	s14 =	smov.u32 s31;
	s31 =	sadd.s32 $0x2, s31  }
0xc9: {  	v2 =	vmul.f32 v2, v3;
	v7 =	vand.u32 $0x7F, v12;
	v3 =	vmul.f32 v8, v3;
	[tilespmem:s30+$0xFFFFFFF0] =	vst v11  }
0xca: {  	v7 =	vor.u32 v1, v7;
	[tilespmem:s30+$0xFFFFFF80] =	vst v9  }
0xcb: {  	v7 =	vbroadcast v7, $0x0;
	v11 =	vld [tilespmem:s0+$0xFFFFFFF0];
	[tilespmem:s30+$0xFFFFFFD0] =	vst v10  }
0xcc: {  	v8 =	vld [tilespmem:s0+$0x50];
	[tilespmem:s30+$0xFFFFFFA0] =	vst v6  }
0xcd: {  	v6 =	vld [tilespmem:s0+$0x70];
	[tilespmem:s30+$0xFFFFFFB0] =	vst v2  }
0xce: {  	s14 =	sadd.s32 $0xFFFFFFFF, s14;
	v2 =	vld [tilespmem:s0+$0xFFFFFFB0];
	[tilespmem:s30+$0xFFFFFFC0] =	vst v3  }
0xcf: {  	v3 =	vmov s14;
	v9 =	vld [tilespmem:s0+$0x30];
	[tilespmem:s30+$0xFFFFFFE0] =	vst v4  }
0xd0: {  	v3 =	vand.u32 $0x7E, v3;
	v4 =	vld [tilespmem:s0+$0x10];
	[tilespmem:s30+$0xFFFFFF90] =	vst v5;
	s30 =	smov.u32 s0  }
0xd1: {  	v3 =	vor.u32 v1, v3;
	v5 =	vld.idx.msk [tilespmem:v7+s15+$0x0], $0xffff  }
0xd2: {  	v3 =	vbroadcast v3, $0x0;
	v7 =	vld [tilespmem:s0+$0x0]  }
0xd3: {  	v10 =	vld [tilespmem:s0+$0x20]  }
0xd4: {  	v12 =	vld [tilespmem:s0+$0x40]  }
0xd5: {  	v13 =	vld [tilespmem:s0+$0x60]  }
0xd6: {  	v14 =	vld [tilespmem:s0+$0xFFFFFFD0]  }
0xd7: {  	v16 =	vmul.f32 v4, v5;
	v15 =	vld [tilespmem:s0+$0xFFFFFF80];
	v7 =	vmul.f32 v7, v5  }
0xd8: {  	v17 =	vmul.f32 v9, v5;
	v3 =	vld.idx.msk [tilespmem:v3+s15+$0x0], $0xffff;
	v10 =	vmul.f32 v10, v5  }
0xd9: {  	v9 =	vmul.f32 v8, v5;
	v18 =	vld [tilespmem:s0+$0xFFFFFFA0];
	[tilespmem:s0+$0x0] =	vst v7;
	v12 =	vmul.f32 v12, v5  }
0xda: {  	v7 =	vmul.f32 v6, v5;
	v4 =	vld [tilespmem:s0+$0xFFFFFFE0];
	[tilespmem:s0+$0x10] =	vst v16;
	v13 =	vmul.f32 v13, v5  }
.Ltmp5:
0xdb: {  	v5 =	vld [tilespmem:s0+$0xFFFFFF90];
	[tilespmem:s0+$0x20] =	vst v10;
	(pc) =	sbr.rel @p0 .LBB2_9-.Ltmp5, $4  }
0xdc: {  	v8 =	vld [tilespmem:s0+$0xFFFFFFC0];
	[tilespmem:s0+$0x50] =	vst v9  }
0xdd: {  	[tilespmem:s0+$0x60] =	vst v13  }
0xde: {  	v9 =	vmul.f32 v15, v3;
	v11 =	vmul.f32 v11, v3;
	[tilespmem:s0+$0x30] =	vst v17  }
0xdf: {  	v10 =	vmul.f32 v14, v3;
	v6 =	vmul.f32 v18, v3;
	[tilespmem:s0+$0x40] =	vst v12  }
0xe0: {  	[tilespmem:s30+$0x70] =	vst v7  }
0xe1: {  	[tilespmem:s30+$0xFFFFFFF0] =	vst v11  }
0xe2: {  	[tilespmem:s30+$0xFFFFFF80] =	vst v9  }
0xe3: {  	v1 =	vmul.f32 v2, v3;
	[tilespmem:s30+$0xFFFFFFD0] =	vst v10  }
0xe4: {  	v4 =	vmul.f32 v4, v3;
	[tilespmem:s30+$0xFFFFFFA0] =	vst v6  }
0xe5: {  	v2 =	vmul.f32 v8, v3;
	[tilespmem:s30+$0xFFFFFFB0] =	vst v1  }
0xe6: {  	v1 =	vmul.f32 v5, v3;
	[tilespmem:s30+$0xFFFFFFE0] =	vst v4  }
0xe7: {  	[tilespmem:s30+$0xFFFFFFC0] =	vst v2  }
0xe8: {  	[tilespmem:s30+$0xFFFFFF90] =	vst v1  }
0xe9: {  	v1 =	vld [tilespmem:s29+$0x2840];
	_ =	sdelay $0x4  }
0xea: {  	[tilespmem:$0x7880] =	vst v1  }
0xeb: {  	v1 =	vld [tilespmem:s29+$0x2850];
	_ =	sdelay $0x4  }
0xec: {  	[tilespmem:$0x7890] =	vst v1  }
0xed: {  	v1 =	vld [tilespmem:s29+$0x2860];
	_ =	sdelay $0x4  }
0xee: {  	[tilespmem:$0x78A0] =	vst v1  }
0xef: {  	v1 =	vld [tilespmem:s29+$0x2870];
	_ =	sdelay $0x3  }
0xf0: {  	p0 =	sne.s32 s28, $0x4F  }
.Ltmp6:
0xf1: {  	[tilespmem:$0x78B0] =	vst v1;
	(pc) =	sbr.rel @!p0 .LBB2_11-.Ltmp6, $4  }
0xf2: {  	[spmem:s2] =	stream.indirect.scatter.add.f32 [tilespmem:s18], [sflag:$0x4], $0x80, s22, s17, $0xb8;
	[tilespmem:$0x10900] =	vst v63  }
0xf3: {  	_ =	swait.ge [sflag:s23], $0x2000  }
0xf4: {  	[sflag:s23] =	ssyncset.done $0x0  }
0xf5: {  	[sflag:s23] =	ssyncadd.s32 $0xFFFFE000  }
0xf6: {  	s28 =	sadd.s32 $0x1, s28  }
0xf7: {  	s0 =	sshll.u32 s28, $0x7  }
0xf8: {  	p0 =	sne.s32 s28, $0x50;
	s0 =	sand.u32 $0x3FFFFF80, s0  }
0xf9: {  	[tilespmem:s16], [sflag:$0x1] =	stream.indirect.gather [hbm4b:s4+s17], $0x80, s0, s17, $0xb8;
	[tilespmem:$0x10900] =	vst v63  }
.Ltmp7:
0xfa: {  	_ = 	snop;
	(pc) =	sbr.rel @p0 .LBB2_6-.Ltmp7, $4  }
.Ltmp8:
0xfb: {  	_ =	swait.ge [sflag:s24], $0x2000;
	(pc) =	sbr.rel @!p0 .LBB2_13-.Ltmp8, $4  }
0xfc: {  	[sflag:s24] =	ssyncset.done $0x0  }
0xfd: {  	s0 =	sor.u32 $0x40, s0;
	[sflag:s24] =	ssyncadd.s32 $0xFFFFE000  }
0xfe: {  	[tilespmem:s18], [sflag:$0x2] =	stream.indirect.gather [hbm4b:s4+s17], $0x80, s0, s17, $0xb8;
	[tilespmem:$0x10900] =	vst v63  }
0xff: {  	_ = 	snop  }
.LBB2_14:
0x100: {  	_ =	sfence.sel $0x180000  }
0x101: {  	[bflag:$0x0] =	sbarrier.arrive $0xFFFF  }
0x102: {  	_ =	strace $0x9000004D  }
0x103: {  	[bflag:$0x2] =	sbarrier.arrive $0xFFFF  }
0x104: {  	p0 =	sne.s32 s1, $0x0;
	s0 =	rddreg [dreg:$0x2]  }
0x105: {  	s0 =	sadd.s32 @!p0 $0x100000, s0  }
0x106: {  	[sflag:s0] =	ssyncadd.tile.s32 @!p0 $0x1;
	_ =	shalt  }
.Lfunc_end2:
_tile_overlayer_lowered:
.L_overlay_start_2:
0x107: {  	(tag) =	ssettag $0x2  }
0x108: {  	s0 =	rddreg [dreg:$0x0];
	s2 =	stileid.u32  }
0x109: {  	s1 =	rddreg [dreg:$0x1];
	p0 =	sne.s32 s2, $0x0  }
0x10a: {  	s3 =	rddreg [dreg:$0x2];
	[bflag:$0x3] =	sbarrier.arrive $0xFFFF;
	s2 =	simm.s32 @!p0 $0x1C05  }
0x10b: {  	[timem:s3], [sflag:s2] =	dma.local @!p0 [hbm:s0], s1  }
0x10c: {  	s0 =	simm.s32 @!p0 $0x5  }
0x10d: {  	_ =	swait.ge @!p0 [sflag:s0], s1  }
0x10e: {  	s1 =	ssub.s32 @!p0 $0x0, s1;
	[sflag:s0] =	ssyncset.done @!p0 $0x0  }
0x10f: {  	[sflag:s0] =	ssyncadd.s32 @!p0 s1  }
0x110: {  	[bflag:$0x3] =	sbarrier.arrive $0xFFFF  }
0x111: {  	_ =	shalt  }

</sc_bundles>
